<compile_context>
chip_gen: v7x
topology: tpu7x:2x2x1
jax: 0.10.2.dev20260603
libtpu: 0.0.44.dev20260713+nightly
codegen_flags: <defaults>
</compile_context>

<pallas_src>
import jax
import jax.numpy as jnp
import numpy as np
from jax import lax
from jax.experimental import pallas as pl
from jax.experimental.pallas import tpu as pltpu
from jax.experimental.pallas import tpu_sc as plsc

N = 10000
D = 512
E = 75000

NPAD = 10240
RB = 256
NBLK = NPAD // RB
CH = 128
SUBS = D // CH
NMAT = 3
NPART = 2 * NMAT * SUBS + 2

NTILE = 16
NCORE = 2
NQ = 4
QROWS = 2560
ACC_ROWS = 2816
TRASH = QROWS
ZQ_PT = ACC_ROWS // NTILE

EB = 128
EPT = 4688
NRW = EPT // 16
CAP = 4736
NB_E = CAP // EB
NFB = CAP // 16

_f32 = jnp.float32
_i32 = jnp.int32



def _prep_a_body(x_ref, w0_ref, w1_ref, w2_ref, b0_ref, b1_ref, out_ref):
    m = pl.program_id(1)

    def write(v):
        for sub in range(SUBS):
            out_ref[:, sub, :] = v[:, sub * CH:(sub + 1) * CH]

    @pl.when(m == 0)
    def _m0():
        write(x_ref[...])

    @pl.when(m == 1)
    def _m1():
        write(jnp.dot(x_ref[...], w0_ref[...],
                      preferred_element_type=_f32) + b0_ref[...])

    @pl.when(m == 2)
    def _m2():
        write(jnp.dot(x_ref[...], w1_ref[...],
                      preferred_element_type=_f32) + b1_ref[...])

    @pl.when(m == 3)
    def _m3():
        write(jnp.dot(x_ref[...], w2_ref[...], preferred_element_type=_f32))


def _tc_prep_a(x, w0, w1, w2, b0, b1):
    return pl.pallas_call(
        _prep_a_body,
        grid=(NBLK, 4),
        in_specs=[
            pl.BlockSpec((RB, D), lambda i, m: (i, 0)),
            pl.BlockSpec((D, D), lambda i, m: (0, 0)),
            pl.BlockSpec((D, D), lambda i, m: (0, 0)),
            pl.BlockSpec((D, D), lambda i, m: (0, 0)),
            pl.BlockSpec((1, D), lambda i, m: (0, 0)),
            pl.BlockSpec((1, D), lambda i, m: (0, 0)),
        ],
        out_specs=pl.BlockSpec((RB, SUBS, CH),
                               lambda i, m: (m * NBLK + i, 0, 0)),
        out_shape=jax.ShapeDtypeStruct((4 * NPAD, SUBS, CH), _f32),
    )(x, w0, w1, w2, b0, b1)


def _prep_r_body(x1_ref, x2_ref, w0_ref, w1_ref, w2_ref, b0_ref, b1_ref,
                 out_ref):
    m = pl.program_id(1)

    def write(v):
        for sub in range(SUBS):
            out_ref[:, sub, :] = v[:, sub * CH:(sub + 1) * CH]

    def mm(x3_ref, w_ref):
        acc = jnp.zeros((RB, D), _f32)
        for s in range(SUBS):
            acc = acc + jnp.dot(x3_ref[:, s, :], w_ref[s],
                                preferred_element_type=_f32)
        return acc

    @pl.when(m == 0)
    def _m0():
        for sub in range(SUBS):
            out_ref[:, sub, :] = x1_ref[:, sub, :]

    @pl.when(m == 1)
    def _m1():
        write(mm(x1_ref, w0_ref) + b0_ref[...])

    @pl.when(m == 2)
    def _m2():
        write(mm(x2_ref, w1_ref) + b1_ref[...])

    @pl.when(m == 3)
    def _m3():
        write(mm(x1_ref, w2_ref))


def _tc_prep_r(x1, x2, w0, w1, w2, b0, b1):
    return pl.pallas_call(
        _prep_r_body,
        grid=(NBLK, 4),
        in_specs=[
            pl.BlockSpec((RB, SUBS, CH), lambda i, m: (i, 0, 0)),
            pl.BlockSpec((RB, SUBS, CH), lambda i, m: (i, 0, 0)),
            pl.BlockSpec((SUBS, CH, D), lambda i, m: (0, 0, 0)),
            pl.BlockSpec((SUBS, CH, D), lambda i, m: (0, 0, 0)),
            pl.BlockSpec((SUBS, CH, D), lambda i, m: (0, 0, 0)),
            pl.BlockSpec((1, D), lambda i, m: (0, 0)),
            pl.BlockSpec((1, D), lambda i, m: (0, 0)),
        ],
        out_specs=pl.BlockSpec((RB, SUBS, CH),
                               lambda i, m: (m * NBLK + i, 0, 0)),
        out_shape=jax.ShapeDtypeStruct((4 * NPAD, SUBS, CH), _f32),
    )(x1, x2, w0, w1, w2, b0, b1)


_INV_SQRT_D = 1.0 / np.sqrt(float(D))


def _epi_common(p_ref, xaw_ref, att_ref):
    t = att_ref[0] - att_ref[1]
    att0 = jax.nn.sigmoid(jnp.full((RB, 1), t, _f32))
    att1 = 1.0 - att0
    deg0 = p_ref[2 * NMAT * SUBS, :, 0:1]
    deg1 = p_ref[2 * NMAT * SUBS + 1, :, 0:1]
    s0 = att0 / jnp.maximum(deg0, 1.0)
    s1 = att1 / jnp.maximum(deg1, 1.0)
    comb = [[s0 * p_ref[(0 * NMAT + mat) * SUBS + sub]
             + s1 * p_ref[(1 * NMAT + mat) * SUBS + sub]
             for sub in range(SUBS)] for mat in range(NMAT)]
    logits = jnp.zeros((RB, 1), _f32)
    for sub in range(SUBS):
        logits = logits + jnp.sum(comb[0][sub] * xaw_ref[0, :, sub, :],
                                  axis=1, keepdims=True)
    attw = jax.nn.sigmoid(logits * _INV_SQRT_D)
    return comb, attw


def _epi_a_body(p_ref, s2_ref, xaw_ref, att_ref, x1_ref, x2_ref):
    comb, attw = _epi_common(p_ref, xaw_ref, att_ref)
    for sub in range(SUBS):
        a1 = comb[1][sub]
        y1 = jnp.where(a1 >= 0, a1, 0.2 * a1)
        t2 = s2_ref[0, :, sub, :] - comb[2][sub]
        y2 = jnp.where(t2 >= 0, t2, 0.2 * t2)
        x1_ref[:, sub, :] = y1 + (1.0 - attw) * y2
        x2_ref[:, sub, :] = y2 + attw * y1


def _tc_epi_a(parts, catg4, att):
    return pl.pallas_call(
        _epi_a_body,
        grid=(NBLK,),
        in_specs=[
            pl.BlockSpec((NPART, RB, CH), lambda i: (0, i, 0)),
            pl.BlockSpec((1, RB, SUBS, CH), lambda i: (2, i, 0, 0)),
            pl.BlockSpec((1, RB, SUBS, CH), lambda i: (3, i, 0, 0)),
            pl.BlockSpec(memory_space=pltpu.SMEM),
        ],
        out_specs=[
            pl.BlockSpec((RB, SUBS, CH), lambda i: (i, 0, 0)),
            pl.BlockSpec((RB, SUBS, CH), lambda i: (i, 0, 0)),
        ],
        out_shape=[
            jax.ShapeDtypeStruct((NPAD, SUBS, CH), _f32),
            jax.ShapeDtypeStruct((NPAD, SUBS, CH), _f32),
        ],
    )(parts, catg4, catg4, att)


def _epi_r_body(p_ref, s2_ref, xaw_ref, att_ref, out_ref):
    comb, attw = _epi_common(p_ref, xaw_ref, att_ref)
    o = []
    ss = jnp.zeros((RB, 1), _f32)
    for sub in range(SUBS):
        o_sub = comb[1][sub] + (1.0 - attw) * (s2_ref[0, :, sub, :]
                                               - comb[2][sub])
        o.append(o_sub)
        ss = ss + jnp.sum(o_sub * o_sub, axis=1, keepdims=True)
    inv = 1.0 / jnp.maximum(jnp.sqrt(ss), 1e-12)
    for sub in range(SUBS):
        out_ref[:, sub * CH:(sub + 1) * CH] = o[sub] * inv


def _tc_epi_r(parts, catg4, att):
    return pl.pallas_call(
        _epi_r_body,
        grid=(NBLK,),
        in_specs=[
            pl.BlockSpec((NPART, RB, CH), lambda i: (0, i, 0)),
            pl.BlockSpec((1, RB, SUBS, CH), lambda i: (2, i, 0, 0)),
            pl.BlockSpec((1, RB, SUBS, CH), lambda i: (3, i, 0, 0)),
            pl.BlockSpec(memory_space=pltpu.SMEM),
        ],
        out_specs=pl.BlockSpec((RB, D), lambda i: (i, 0)),
        out_shape=jax.ShapeDtypeStruct((NPAD, D), _f32),
    )(parts, catg4, catg4, att)



def _sc_body(catv_hbm, src0_hbm, dst0_hbm, src1_hbm, dst1_hbm,
             p_hbm,
             sflat, dflat, c2ds, c2dd,
             zbuf_v, gidx_v, gbuf_v, obuf_v, gsem,
             acc_sh):
    cid = lax.axis_index("c")
    sid = lax.axis_index("s")

    start = jnp.minimum(sid * EPT, E - EPT)
    delta = sid * EPT - start
    ramp16 = lax.iota(_i32, 16)
    zero16f = jnp.zeros((16,), _f32)
    zero16i = jnp.zeros((16,), _i32)
    trash16 = jnp.full((16,), TRASH, _i32)
    ones16 = jnp.full((16,), 1.0, _f32)

    @pl.when(cid == 0)
    def _l0():
        pltpu.sync_copy(src0_hbm.at[pl.ds(start, EPT)], sflat)
        pltpu.sync_copy(dst0_hbm.at[pl.ds(start, EPT)], dflat)

    @pl.when(cid == 1)
    def _l1():
        pltpu.sync_copy(src1_hbm.at[pl.ds(start, EPT)], sflat)
        pltpu.sync_copy(dst1_hbm.at[pl.ds(start, EPT)], dflat)

    @pl.loop(0, ZQ_PT)
    def _zb(r):
        for c in range(CH // 16):
            zbuf_v[r, pl.ds(c * 16, 16)] = zero16f


    def zero_acc():
        pltpu.sync_copy(zbuf_v, acc_sh.at[pl.ds(sid * ZQ_PT, ZQ_PT)])

    def drain(prow, rows_pt):
        nd = rows_pt // 2
        for g in range(2):
            r = sid * rows_pt + g * nd
            pltpu.sync_copy(acc_sh.at[pl.ds(r, nd)], obuf_v.at[pl.ds(0, nd)])
            pltpu.sync_copy(obuf_v.at[pl.ds(0, nd)],
                            p_hbm.at[pl.ds(prow + r, nd)])

    @pl.loop(0, NRW)
    def _s2d(b):
        r = b // 8
        c = (b - r * 8) * 16
        c2ds[r, pl.ds(c, 16)] = sflat[pl.ds(b * 16, 16)]
    for k in range(NRW, NFB):
        r = k // 8
        c = (k - r * 8) * 16
        c2ds[r, pl.ds(c, 16)] = zero16i
        c2dd[r, pl.ds(c, 16)] = trash16

    @pl.loop(0, NQ)
    def _quarter(h):
        lo = h * QROWS

        @pl.loop(0, NRW)
        def _d2d(b, _lo=lo):
            dv = dflat[pl.ds(b * 16, 16)]
            pos = ramp16 + b * 16
            m = (pos >= delta) & (dv >= _lo) & (dv < _lo + QROWS)
            r = b // 8
            c = (b - r * 8) * 16
            c2dd[r, pl.ds(c, 16)] = jnp.where(m, dv - _lo, TRASH)

        nb = NB_E

        def edge_pass(gather_base, _nb=nb):
            def issue(j):
                p = j % 2
                for i in range(EB // 16):
                    sl = pl.ds(i * 16, 16)
                    gidx_v[p, sl] = c2ds[j, sl] * SUBS + gather_base
                pltpu.async_copy(catv_hbm.at[gidx_v.at[p]], gbuf_v.at[p],
                                 gsem)

            issue(0)

            @pl.loop(0, _nb)
            def _edges(j):
                @pl.when(j + 1 < _nb)
                def _nxt():
                    issue(j + 1)
                p = j % 2
                pltpu.make_async_copy(catv_hbm.at[gidx_v.at[p]],
                                      gbuf_v.at[p], gsem).wait()
                pltpu.sync_copy(gbuf_v.at[p], acc_sh.at[c2dd.at[j]],
                                add=True)

        rows_pt = QROWS // NTILE

        @pl.loop(0, NMAT * SUBS)
        def _chunk(fc, _lo=lo, _ep=edge_pass, _rp=rows_pt):
            mat = fc // SUBS
            sub = fc - mat * SUBS
            zero_acc()
            plsc.subcore_barrier()
            _ep(mat * (NPAD * SUBS) + sub)
            plsc.subcore_barrier()
            drain(((cid * NMAT + mat) * SUBS + sub) * NPAD + _lo, _rp)

        zero_acc()
        plsc.subcore_barrier()

        @pl.loop(0, EB)
        def _of(r):
            for c in range(CH // 16):
                gbuf_v[0, r, pl.ds(c * 16, 16)] = ones16

        @pl.loop(0, nb)
        def _deg(j):
            pltpu.sync_copy(gbuf_v.at[0], acc_sh.at[c2dd.at[j]], add=True)

        plsc.subcore_barrier()
        drain((2 * NMAT * SUBS + cid) * NPAD + lo, rows_pt)


def _sc_spmm(catv, src0, dst0, src1, dst1):
    mesh = plsc.VectorSubcoreMesh(core_axis_name="c", subcore_axis_name="s",
                                  num_cores=NCORE, num_subcores=NTILE)
    f = pl.kernel(
        _sc_body,
        out_type=jax.ShapeDtypeStruct((NPART * NPAD, CH), _f32),
        mesh=mesh,
        scratch_types=[
            pltpu.VMEM((EPT,), _i32),
            pltpu.VMEM((EPT,), _i32),
            pltpu.VMEM((NB_E, EB), _i32),
            pltpu.VMEM((NB_E, EB), _i32),
            pltpu.VMEM((ZQ_PT, CH), _f32),
            pltpu.VMEM((2, EB), _i32),
            pltpu.VMEM((2, EB, CH), _f32),
            pltpu.VMEM((80, CH), _f32),
            pltpu.SemaphoreType.DMA,
            pltpu.VMEM_SHARED((ACC_ROWS, CH), _f32),
        ],
    )
    return f(catv, src0, dst0, src1, dst1)



def kernel(x, edges0, edges1, Wc10, bc10, Wc1l, bc1l, Wc20, bc20, Wc2l, bc2l,
           AW0, AW1, a_att, r_att):
    e0c0 = edges0[:, 0]
    e0c1 = edges0[:, 1]
    e1c0 = edges1[:, 0]
    e1c1 = edges1[:, 1]

    catg_a = _tc_prep_a(x, Wc10, Wc20, AW0,
                        bc10.reshape(1, D), bc20.reshape(1, D))
    parts_a = _sc_spmm(catg_a.reshape(4 * NPAD * SUBS, CH),
                       e0c1, e0c0, e1c1, e1c0)
    x1, x2 = _tc_epi_a(parts_a.reshape(NPART, NPAD, CH),
                       catg_a.reshape(4, NPAD, SUBS, CH), a_att)

    catg_r = _tc_prep_r(x1, x2,
                        Wc1l.reshape(SUBS, CH, D), Wc2l.reshape(SUBS, CH, D),
                        AW1.reshape(SUBS, CH, D),
                        bc1l.reshape(1, D), bc2l.reshape(1, D))
    parts_r = _sc_spmm(catg_r.reshape(4 * NPAD * SUBS, CH),
                       e0c0, e0c1, e1c0, e1c1)
    out = _tc_epi_r(parts_r.reshape(NPART, NPAD, CH),
                    catg_r.reshape(4, NPAD, SUBS, CH), r_att)
    return out[:N]

# --- scband reference (transcript-rebuilt; emitter-appended) ---
"""Pipeline reference for scband-co-la-dgp-2886218023536 (READ-ONLY COPY).

The authoritative reference and input builder live on the scoring server;
editing this copy changes nothing except your own understanding.
"""

import jax, jax.numpy as jnp
import numpy as np

N = 10000
D_FEAT = 512
E = 75000
LAM = 1.0


def setup_inputs(seed: int = 0) -> dict:
    key = jax.random.key(seed)
    ks = jax.random.split(key, 12)
    x = jax.random.normal(ks[0], (N, D_FEAT), dtype=jnp.float32)
    edges0 = jax.random.randint(ks[1], (E, 2), 0, N, dtype=jnp.int32)
    edges1 = jax.random.randint(ks[2], (E, 2), 0, N, dtype=jnp.int32)

    def w(k, std):
        return jax.random.normal(k, (D_FEAT, D_FEAT), dtype=jnp.float32) * std

    return {
        "x": x, "edges0": edges0, "edges1": edges1,
        "Wc10": w(ks[3], 0.02), "bc10": jnp.zeros((D_FEAT,), jnp.float32),
        "Wc1l": w(ks[4], 0.02), "bc1l": jnp.zeros((D_FEAT,), jnp.float32),
        "Wc20": w(ks[5], 0.02), "bc20": jnp.zeros((D_FEAT,), jnp.float32),
        "Wc2l": w(ks[6], 0.02), "bc2l": jnp.zeros((D_FEAT,), jnp.float32),
        "AW0": w(ks[7], 0.01), "AW1": w(ks[8], 0.01),
        "a_att": jnp.ones((2,), jnp.float32),
        "r_att": jnp.ones((2,), jnp.float32),
    }


def _norm_w(rows, n):
    deg = jax.ops.segment_sum(jnp.ones(rows.shape[0], jnp.float32), rows, num_segments=n)
    return (1.0 / jnp.maximum(deg, 1.0))[rows]


def _spmm(rows, cols, w, X, n):
    return jax.ops.segment_sum(w[:, None] * X[cols], rows, num_segments=n)


def _graph_conv(X, adjs, att, W, b, n, residual=True, relu=True):
    support = X @ W + b
    out = None
    for i, (rows, cols, w) in enumerate(adjs):
        m = _spmm(rows, cols, w, support, n)
        y = (m if residual else (support - m)) * att[i]
        out = y if out is None else out + y
    if relu:
        out = jnp.where(out >= 0, out, 0.2 * out)
    return out


def _forward(x, Wc10, bc10, Wc1l, bc1l, Wc20, bc20, Wc2l, bc2l, AW0, AW1, a_att, r_att, edges0, edges1):
    n = x.shape[0]
    a_adjs, r_adjs = [], []
    for e in (edges0, edges1):
        rows, cols = e[:, 0], e[:, 1]
        a_adjs.append((rows, cols, _norm_w(rows, n)))
        r_adjs.append((cols, rows, _norm_w(cols, n)))

    att_a = jax.nn.softmax(a_att)
    att_a_det = jax.lax.stop_gradient(att_a)
    x1 = x
    x2 = x
    adj0x = None
    for i, (rows, cols, w) in enumerate(a_adjs):
        m = _spmm(rows, cols, w, x1, n) * att_a_det[i]
        adj0x = m if adj0x is None else adj0x + m
    attW = jax.nn.sigmoid(jnp.sum((adj0x @ AW0.T) * x1 / np.sqrt(float(D_FEAT)), axis=1, keepdims=True))
    y1 = _graph_conv(x1, a_adjs, att_a, Wc10, bc10, n, residual=True, relu=True)
    y2 = _graph_conv(x2, a_adjs, att_a, Wc20, bc20, n, residual=False, relu=True)
    x1 = y1 + LAM * (1.0 - attW) * y2
    x2 = y2 + attW * y1

    att_r = jax.nn.softmax(r_att)
    att_r_det = jax.lax.stop_gradient(att_r)
    adj0x = None
    for i, (rows, cols, w) in enumerate(r_adjs):
        m = _spmm(rows, cols, w, x1, n) * att_r_det[i]
        adj0x = m if adj0x is None else adj0x + m
    attW = jax.nn.sigmoid(jnp.sum((adj0x @ AW1.T) * x1 / np.sqrt(float(D_FEAT)), axis=1, keepdims=True))
    y1 = _graph_conv(x1, r_adjs, att_r, Wc1l, bc1l, n, residual=True, relu=False)
    y2 = _graph_conv(x2, r_adjs, att_r, Wc2l, bc2l, n, residual=False, relu=False)
    x1 = y1 + LAM * (1.0 - attW) * y2

    nrm = jnp.maximum(jnp.linalg.norm(x1, axis=1, keepdims=True), 1e-12)
    return x1 / nrm


def reference(x, edges0, edges1, Wc10, bc10, Wc1l, bc1l, Wc20, bc20, Wc2l, bc2l, AW0, AW1, a_att, r_att):
    return _forward(x, Wc10, bc10, Wc1l, bc1l, Wc20, bc20, Wc2l, bc2l, AW0, AW1, a_att, r_att, edges0, edges1)

if __name__ == "__main__":
    import jax
    _d = setup_inputs()
    print(jax.jit(kernel)(*tuple(_d.values())))

</pallas_src>

<mosaic_0001>
#map = affine_map<(d0, d1) -> (0, 0)>
#map1 = affine_map<(d0, d1) -> (0)>
module attributes {stable_mosaic.version = 14 : i64} {
  func.func @_sc_body(%arg0: i32, %arg1: i32, %arg2: memref<163840x128xf32, #tpu.memory_space<hbm>>, %arg3: memref<75000xi32, #tpu.memory_space<hbm>>, %arg4: memref<75000xi32, #tpu.memory_space<hbm>>, %arg5: memref<75000xi32, #tpu.memory_space<hbm>>, %arg6: memref<75000xi32, #tpu.memory_space<hbm>>, %arg7: memref<266240x128xf32, #tpu.memory_space<hbm>>, %arg8: memref<4688xi32, #tpu.memory_space<vmem>>, %arg9: memref<4688xi32, #tpu.memory_space<vmem>>, %arg10: memref<37x128xi32, #tpu.memory_space<vmem>>, %arg11: memref<37x128xi32, #tpu.memory_space<vmem>>, %arg12: memref<176x128xf32, #tpu.memory_space<vmem>>, %arg13: memref<2x128xi32, #tpu.memory_space<vmem>>, %arg14: memref<2x128x128xf32, #tpu.memory_space<vmem>>, %arg15: memref<80x128xf32, #tpu.memory_space<vmem>>, %arg16: memref<!tpu.dma_semaphore, #tpu.memory_space<semaphore_mem>>, %arg17: memref<2816x128xf32, #tpu.memory_space<vmem_shared>>) attributes {dimension_semantics = [#tpu.dimension_semantics<core_parallel>, #tpu.dimension_semantics<subcore_parallel>], iteration_bounds = array<i64: 2, 16>, scalar_prefetch = 0 : i64, scratch_operands = 10 : i64, tpu.core_type = #tpu.core_type<sc_vector_subcore>, window_params = [{transform_indices = #map}, {transform_indices = #map1}, {transform_indices = #map1}, {transform_indices = #map1}, {transform_indices = #map1}, {transform_indices = #map}]} {
    %mul3A = arith.constant 4688 : i32
    %mul3A_0 = arith.muli %arg1, %mul3A : i32
    %min3A = arith.constant 70312 : i32
    %min3A_1 = arith.minsi %mul3A_0, %min3A : i32
    %mul3A_2 = arith.constant 4688 : i32
    %mul3A_3 = arith.muli %arg1, %mul3A_2 : i32
    %sub3A = arith.subi %mul3A_3, %min3A_1 : i32
    %iota3A = tpu.iota {dimensions = array<i32: 0>} : vector<16xi32>
    %broadcast_in_dim3A = arith.constant 0.000000e+00 : f32
    %broadcast_in_dim3A_4 = vector.broadcast %broadcast_in_dim3A : f32 to vector<16xf32>
    %broadcast_in_dim3A_5 = arith.constant 0 : i32
    %broadcast_in_dim3A_6 = vector.broadcast %broadcast_in_dim3A_5 : i32 to vector<16xi32>
    %broadcast_in_dim3A_7 = arith.constant 2560 : i32
    %broadcast_in_dim3A_8 = vector.broadcast %broadcast_in_dim3A_7 : i32 to vector<16xi32>
    %broadcast_in_dim3A_9 = arith.constant 1.000000e+00 : f32
    %broadcast_in_dim3A_10 = vector.broadcast %broadcast_in_dim3A_9 : f32 to vector<16xf32>
    %eq3A = arith.constant 0 : i32
    %eq3A_11 = arith.cmpi eq, %arg0, %eq3A : i32
    %convert_element_type3A = arith.extui %eq3A_11 : i1 to i32
    %cond3A = arith.constant 0 : i32
    %cond3A_12 = arith.cmpi ne, %convert_element_type3A, %cond3A : i32
    scf.if %cond3A_12 {
      "tpu.region"() ({
        %run_scoped3A = tpu.sem_alloc : memref<!tpu.dma_semaphore, #tpu.memory_space<semaphore_mem>>
        %dma_start3A = tpu.memref_slice %arg3[%min3A_1] : memref<75000xi32, #tpu.memory_space<hbm>> -> memref<4688xi32, #tpu.memory_space<hbm>>
        %dma_start3A_67 = tpu.memref_slice %arg3[%min3A_1] : memref<75000xi32, #tpu.memory_space<hbm>> -> memref<4688xi32, #tpu.memory_space<hbm>>
        tpu.enqueue_dma source(%dma_start3A_67 : memref<4688xi32, #tpu.memory_space<hbm>>) target(%arg8 : memref<4688xi32, #tpu.memory_space<vmem>>) target_semaphore(%run_scoped3A : memref<!tpu.dma_semaphore, #tpu.memory_space<semaphore_mem>>)
        %dma_wait3A = tpu.memref_slice %arg3[%min3A_1] : memref<75000xi32, #tpu.memory_space<hbm>> -> memref<4688xi32, #tpu.memory_space<hbm>>
        %dma_wait3A_68 = tpu.memref_slice %arg3[%min3A_1] : memref<75000xi32, #tpu.memory_space<hbm>> -> memref<4688xi32, #tpu.memory_space<hbm>>
        tpu.wait_dma2 semaphore(%run_scoped3A : memref<!tpu.dma_semaphore, #tpu.memory_space<semaphore_mem>>) src(%dma_wait3A_68 : memref<4688xi32, #tpu.memory_space<hbm>>) dst(%arg8 : memref<4688xi32, #tpu.memory_space<vmem>>)
        tpu.yield
      }) : () -> ()
      "tpu.region"() ({
        %run_scoped3A = tpu.sem_alloc : memref<!tpu.dma_semaphore, #tpu.memory_space<semaphore_mem>>
        %dma_start3A = tpu.memref_slice %arg4[%min3A_1] : memref<75000xi32, #tpu.memory_space<hbm>> -> memref<4688xi32, #tpu.memory_space<hbm>>
        %dma_start3A_67 = tpu.memref_slice %arg4[%min3A_1] : memref<75000xi32, #tpu.memory_space<hbm>> -> memref<4688xi32, #tpu.memory_space<hbm>>
        tpu.enqueue_dma source(%dma_start3A_67 : memref<4688xi32, #tpu.memory_space<hbm>>) target(%arg9 : memref<4688xi32, #tpu.memory_space<vmem>>) target_semaphore(%run_scoped3A : memref<!tpu.dma_semaphore, #tpu.memory_space<semaphore_mem>>)
        %dma_wait3A = tpu.memref_slice %arg4[%min3A_1] : memref<75000xi32, #tpu.memory_space<hbm>> -> memref<4688xi32, #tpu.memory_space<hbm>>
        %dma_wait3A_68 = tpu.memref_slice %arg4[%min3A_1] : memref<75000xi32, #tpu.memory_space<hbm>> -> memref<4688xi32, #tpu.memory_space<hbm>>
        tpu.wait_dma2 semaphore(%run_scoped3A : memref<!tpu.dma_semaphore, #tpu.memory_space<semaphore_mem>>) src(%dma_wait3A_68 : memref<4688xi32, #tpu.memory_space<hbm>>) dst(%arg9 : memref<4688xi32, #tpu.memory_space<vmem>>)
        tpu.yield
      }) : () -> ()
    } else {
    }
    %eq3A_13 = arith.constant 1 : i32
    %eq3A_14 = arith.cmpi eq, %arg0, %eq3A_13 : i32
    %convert_element_type3A_15 = arith.extui %eq3A_14 : i1 to i32
    %cond3A_16 = arith.constant 0 : i32
    %cond3A_17 = arith.cmpi ne, %convert_element_type3A_15, %cond3A_16 : i32
    scf.if %cond3A_17 {
      "tpu.region"() ({
        %run_scoped3A = tpu.sem_alloc : memref<!tpu.dma_semaphore, #tpu.memory_space<semaphore_mem>>
        %dma_start3A = tpu.memref_slice %arg5[%min3A_1] : memref<75000xi32, #tpu.memory_space<hbm>> -> memref<4688xi32, #tpu.memory_space<hbm>>
        %dma_start3A_67 = tpu.memref_slice %arg5[%min3A_1] : memref<75000xi32, #tpu.memory_space<hbm>> -> memref<4688xi32, #tpu.memory_space<hbm>>
        tpu.enqueue_dma source(%dma_start3A_67 : memref<4688xi32, #tpu.memory_space<hbm>>) target(%arg8 : memref<4688xi32, #tpu.memory_space<vmem>>) target_semaphore(%run_scoped3A : memref<!tpu.dma_semaphore, #tpu.memory_space<semaphore_mem>>)
        %dma_wait3A = tpu.memref_slice %arg5[%min3A_1] : memref<75000xi32, #tpu.memory_space<hbm>> -> memref<4688xi32, #tpu.memory_space<hbm>>
        %dma_wait3A_68 = tpu.memref_slice %arg5[%min3A_1] : memref<75000xi32, #tpu.memory_space<hbm>> -> memref<4688xi32, #tpu.memory_space<hbm>>
        tpu.wait_dma2 semaphore(%run_scoped3A : memref<!tpu.dma_semaphore, #tpu.memory_space<semaphore_mem>>) src(%dma_wait3A_68 : memref<4688xi32, #tpu.memory_space<hbm>>) dst(%arg8 : memref<4688xi32, #tpu.memory_space<vmem>>)
        tpu.yield
      }) : () -> ()
      "tpu.region"() ({
        %run_scoped3A = tpu.sem_alloc : memref<!tpu.dma_semaphore, #tpu.memory_space<semaphore_mem>>
        %dma_start3A = tpu.memref_slice %arg6[%min3A_1] : memref<75000xi32, #tpu.memory_space<hbm>> -> memref<4688xi32, #tpu.memory_space<hbm>>
        %dma_start3A_67 = tpu.memref_slice %arg6[%min3A_1] : memref<75000xi32, #tpu.memory_space<hbm>> -> memref<4688xi32, #tpu.memory_space<hbm>>
        tpu.enqueue_dma source(%dma_start3A_67 : memref<4688xi32, #tpu.memory_space<hbm>>) target(%arg9 : memref<4688xi32, #tpu.memory_space<vmem>>) target_semaphore(%run_scoped3A : memref<!tpu.dma_semaphore, #tpu.memory_space<semaphore_mem>>)
        %dma_wait3A = tpu.memref_slice %arg6[%min3A_1] : memref<75000xi32, #tpu.memory_space<hbm>> -> memref<4688xi32, #tpu.memory_space<hbm>>
        %dma_wait3A_68 = tpu.memref_slice %arg6[%min3A_1] : memref<75000xi32, #tpu.memory_space<hbm>> -> memref<4688xi32, #tpu.memory_space<hbm>>
        tpu.wait_dma2 semaphore(%run_scoped3A : memref<!tpu.dma_semaphore, #tpu.memory_space<semaphore_mem>>) src(%dma_wait3A_68 : memref<4688xi32, #tpu.memory_space<hbm>>) dst(%arg9 : memref<4688xi32, #tpu.memory_space<vmem>>)
        tpu.yield
      }) : () -> ()
    } else {
    }
    %scan3A = arith.constant 0 : i32
    %scan3A_18 = arith.constant 176 : i32
    %scan3A_19 = arith.addi %scan3A, %scan3A_18 : i32
    %scan3A_20 = arith.constant 1 : i32
    scf.for %scan3A_67 = %scan3A to %scan3A_19 step %scan3A_20  : i32 {
      %mul3A_68 = arith.constant 1 : i32
      %mul3A_69 = arith.muli %scan3A_67, %mul3A_68 : i32
      %add3A = arith.constant 0 : i32
      %add3A_70 = arith.addi %add3A, %mul3A_69 : i32
      %swap3A_71 = arith.index_cast %add3A_70 : i32 to index
      %swap3A_72 = arith.constant 0 : index
      %swap3A_73 = tpu.vector_load %arg12[%swap3A_71, %swap3A_72] {strides = array<i32>} : memref<176x128xf32, #tpu.memory_space<vmem>>, vector<1x16xf32>,
      %swap3A_74 = vector.shape_cast %swap3A_73 : vector<1x16xf32> to vector<16xf32>
      %swap3A_75 = vector.shape_cast %broadcast_in_dim3A_4 : vector<16xf32> to vector<1x16xf32>
      tpu.vector_store %arg12[%swap3A_71, %swap3A_72], %swap3A_75 {strides = array<i32>} : memref<176x128xf32, #tpu.memory_space<vmem>>, vector<1x16xf32>,
      %swap3A_76 = arith.index_cast %add3A_70 : i32 to index
      %swap3A_77 = arith.constant 16 : index
      %swap3A_78 = tpu.vector_load %arg12[%swap3A_76, %swap3A_77] {strides = array<i32>} : memref<176x128xf32, #tpu.memory_space<vmem>>, vector<1x16xf32>,
      %swap3A_79 = vector.shape_cast %swap3A_78 : vector<1x16xf32> to vector<16xf32>
      %swap3A_80 = vector.shape_cast %broadcast_in_dim3A_4 : vector<16xf32> to vector<1x16xf32>
      tpu.vector_store %arg12[%swap3A_76, %swap3A_77], %swap3A_80 {strides = array<i32>} : memref<176x128xf32, #tpu.memory_space<vmem>>, vector<1x16xf32>,
      %swap3A_81 = arith.index_cast %add3A_70 : i32 to index
      %swap3A_82 = arith.constant 32 : index
      %swap3A_83 = tpu.vector_load %arg12[%swap3A_81, %swap3A_82] {strides = array<i32>} : memref<176x128xf32, #tpu.memory_space<vmem>>, vector<1x16xf32>,
      %swap3A_84 = vector.shape_cast %swap3A_83 : vector<1x16xf32> to vector<16xf32>
      %swap3A_85 = vector.shape_cast %broadcast_in_dim3A_4 : vector<16xf32> to vector<1x16xf32>
      tpu.vector_store %arg12[%swap3A_81, %swap3A_82], %swap3A_85 {strides = array<i32>} : memref<176x128xf32, #tpu.memory_space<vmem>>, vector<1x16xf32>,
      %swap3A_86 = arith.index_cast %add3A_70 : i32 to index
      %swap3A_87 = arith.constant 48 : index
      %swap3A_88 = tpu.vector_load %arg12[%swap3A_86, %swap3A_87] {strides = array<i32>} : memref<176x128xf32, #tpu.memory_space<vmem>>, vector<1x16xf32>,
      %swap3A_89 = vector.shape_cast %swap3A_88 : vector<1x16xf32> to vector<16xf32>
      %swap3A_90 = vector.shape_cast %broadcast_in_dim3A_4 : vector<16xf32> to vector<1x16xf32>
      tpu.vector_store %arg12[%swap3A_86, %swap3A_87], %swap3A_90 {strides = array<i32>} : memref<176x128xf32, #tpu.memory_space<vmem>>, vector<1x16xf32>,
      %swap3A_91 = arith.index_cast %add3A_70 : i32 to index
      %swap3A_92 = arith.constant 64 : index
      %swap3A_93 = tpu.vector_load %arg12[%swap3A_91, %swap3A_92] {strides = array<i32>} : memref<176x128xf32, #tpu.memory_space<vmem>>, vector<1x16xf32>,
      %swap3A_94 = vector.shape_cast %swap3A_93 : vector<1x16xf32> to vector<16xf32>
      %swap3A_95 = vector.shape_cast %broadcast_in_dim3A_4 : vector<16xf32> to vector<1x16xf32>
      tpu.vector_store %arg12[%swap3A_91, %swap3A_92], %swap3A_95 {strides = array<i32>} : memref<176x128xf32, #tpu.memory_space<vmem>>, vector<1x16xf32>,
      %swap3A_96 = arith.index_cast %add3A_70 : i32 to index
      %swap3A_97 = arith.constant 80 : index
      %swap3A_98 = tpu.vector_load %arg12[%swap3A_96, %swap3A_97] {strides = array<i32>} : memref<176x128xf32, #tpu.memory_space<vmem>>, vector<1x16xf32>,
      %swap3A_99 = vector.shape_cast %swap3A_98 : vector<1x16xf32> to vector<16xf32>
      %swap3A_100 = vector.shape_cast %broadcast_in_dim3A_4 : vector<16xf32> to vector<1x16xf32>
      tpu.vector_store %arg12[%swap3A_96, %swap3A_97], %swap3A_100 {strides = array<i32>} : memref<176x128xf32, #tpu.memory_space<vmem>>, vector<1x16xf32>,
      %swap3A_101 = arith.index_cast %add3A_70 : i32 to index
      %swap3A_102 = arith.constant 96 : index
      %swap3A_103 = tpu.vector_load %arg12[%swap3A_101, %swap3A_102] {strides = array<i32>} : memref<176x128xf32, #tpu.memory_space<vmem>>, vector<1x16xf32>,
      %swap3A_104 = vector.shape_cast %swap3A_103 : vector<1x16xf32> to vector<16xf32>
      %swap3A_105 = vector.shape_cast %broadcast_in_dim3A_4 : vector<16xf32> to vector<1x16xf32>
      tpu.vector_store %arg12[%swap3A_101, %swap3A_102], %swap3A_105 {strides = array<i32>} : memref<176x128xf32, #tpu.memory_space<vmem>>, vector<1x16xf32>,
      %swap3A_106 = arith.index_cast %add3A_70 : i32 to index
      %swap3A_107 = arith.constant 112 : index
      %swap3A_108 = tpu.vector_load %arg12[%swap3A_106, %swap3A_107] {strides = array<i32>} : memref<176x128xf32, #tpu.memory_space<vmem>>, vector<1x16xf32>,
      %swap3A_109 = vector.shape_cast %swap3A_108 : vector<1x16xf32> to vector<16xf32>
      %swap3A_110 = vector.shape_cast %broadcast_in_dim3A_4 : vector<16xf32> to vector<1x16xf32>
      tpu.vector_store %arg12[%swap3A_106, %swap3A_107], %swap3A_110 {strides = array<i32>} : memref<176x128xf32, #tpu.memory_space<vmem>>, vector<1x16xf32>,
    }
    %scan3A_21 = arith.constant 176 : i32
    %scan3A_22 = arith.constant 0 : i32
    %scan3A_23 = arith.constant 293 : i32
    %scan3A_24 = arith.addi %scan3A_22, %scan3A_23 : i32
    %scan3A_25 = arith.constant 1 : i32
    scf.for %scan3A_67 = %scan3A_22 to %scan3A_24 step %scan3A_25  : i32 {
      %mul3A_68 = arith.constant 1 : i32
      %mul3A_69 = arith.muli %scan3A_67, %mul3A_68 : i32
      %add3A = arith.constant 0 : i32
      %add3A_70 = arith.addi %add3A, %mul3A_69 : i32
      %jit3A = arith.constant 8 : i32
      %div3A = arith.divsi %add3A_70, %jit3A : i32
      %sign3A = arith.constant 0 : i32
      %sign3A_71 = arith.cmpi sgt, %add3A_70, %sign3A : i32
      %sign3A_72 = arith.extui %sign3A_71 : i1 to i32
      %sign3A_73 = arith.constant 0 : i32
      %sign3A_74 = arith.cmpi slt, %add3A_70, %sign3A_73 : i32
      %sign3A_75 = arith.extui %sign3A_74 : i1 to i32
      %sign3A_76 = arith.subi %sign3A_72, %sign3A_75 : i32
      %sign3A_77 = arith.constant 0 : i32
      %sign3A_78 = arith.cmpi sgt, %jit3A, %sign3A_77 : i32
      %sign3A_79 = arith.extui %sign3A_78 : i1 to i32
      %sign3A_80 = arith.constant 0 : i32
      %sign3A_81 = arith.cmpi slt, %jit3A, %sign3A_80 : i32
      %sign3A_82 = arith.extui %sign3A_81 : i1 to i32
      %sign3A_83 = arith.subi %sign3A_79, %sign3A_82 : i32
      %ne3A = arith.cmpi ne, %sign3A_76, %sign3A_83 : i32
      %rem3A = arith.remsi %add3A_70, %jit3A : i32
      %ne3A_84 = arith.constant 0 : i32
      %ne3A_85 = arith.cmpi ne, %rem3A, %ne3A_84 : i32
      %and3A = arith.andi %ne3A, %ne3A_85 : i1
      %sub3A_86 = arith.constant 1 : i32
      %sub3A_87 = arith.subi %div3A, %sub3A_86 : i32
      %select_n3A = arith.select %and3A, %sub3A_87, %div3A : i32
      %mul3A_88 = arith.constant 8 : i32
      %mul3A_89 = arith.muli %select_n3A, %mul3A_88 : i32
      %sub3A_90 = arith.subi %add3A_70, %mul3A_89 : i32
      %mul3A_91 = arith.constant 16 : i32
      %mul3A_92 = arith.muli %sub3A_90, %mul3A_91 : i32
      %mul3A_93 = arith.constant 16 : i32
      %mul3A_94 = arith.muli %add3A_70, %mul3A_93 : i32
      %get3A = arith.index_cast %mul3A_94 : i32 to index
      %get3A_95 = tpu.vector_load %arg8[%get3A] {strides = array<i32>} : memref<4688xi32, #tpu.memory_space<vmem>>, vector<16xi32>,
      %get3A_96 = vector.shape_cast %get3A_95 : vector<16xi32> to vector<16xi32>
      %swap3A_97 = arith.index_cast %select_n3A : i32 to index
      %swap3A_98 = arith.index_cast %mul3A_92 : i32 to index
      %swap3A_99 = tpu.vector_load %arg10[%swap3A_97, %swap3A_98] {strides = array<i32>} : memref<37x128xi32, #tpu.memory_space<vmem>>, vector<1x16xi32>,
      %swap3A_100 = vector.shape_cast %swap3A_99 : vector<1x16xi32> to vector<16xi32>
      %swap3A_101 = vector.shape_cast %get3A_96 : vector<16xi32> to vector<1x16xi32>
      tpu.vector_store %arg10[%swap3A_97, %swap3A_98], %swap3A_101 {strides = array<i32>} : memref<37x128xi32, #tpu.memory_space<vmem>>, vector<1x16xi32>,
    }
    %scan3A_26 = arith.constant 293 : i32
    %swap3A = arith.constant 36 : i32
    %swap3A_27 = arith.index_cast %swap3A : i32 to index
    %swap3A_28 = arith.constant 80 : index
    %swap3A_29 = tpu.vector_load %arg10[%swap3A_27, %swap3A_28] {strides = array<i32>} : memref<37x128xi32, #tpu.memory_space<vmem>>, vector<1x16xi32>,
    %swap3A_30 = vector.shape_cast %swap3A_29 : vector<1x16xi32> to vector<16xi32>
    %swap3A_31 = vector.shape_cast %broadcast_in_dim3A_6 : vector<16xi32> to vector<1x16xi32>
    tpu.vector_store %arg10[%swap3A_27, %swap3A_28], %swap3A_31 {strides = array<i32>} : memref<37x128xi32, #tpu.memory_space<vmem>>, vector<1x16xi32>,
    %swap3A_32 = arith.constant 36 : i32
    %swap3A_33 = arith.index_cast %swap3A_32 : i32 to index
    %swap3A_34 = arith.constant 80 : index
    %swap3A_35 = tpu.vector_load %arg11[%swap3A_33, %swap3A_34] {strides = array<i32>} : memref<37x128xi32, #tpu.memory_space<vmem>>, vector<1x16xi32>,
    %swap3A_36 = vector.shape_cast %swap3A_35 : vector<1x16xi32> to vector<16xi32>
    %swap3A_37 = vector.shape_cast %broadcast_in_dim3A_8 : vector<16xi32> to vector<1x16xi32>
    tpu.vector_store %arg11[%swap3A_33, %swap3A_34], %swap3A_37 {strides = array<i32>} : memref<37x128xi32, #tpu.memory_space<vmem>>, vector<1x16xi32>,
    %swap3A_38 = arith.constant 36 : i32
    %swap3A_39 = arith.index_cast %swap3A_38 : i32 to index
    %swap3A_40 = arith.constant 96 : index
    %swap3A_41 = tpu.vector_load %arg10[%swap3A_39, %swap3A_40] {strides = array<i32>} : memref<37x128xi32, #tpu.memory_space<vmem>>, vector<1x16xi32>,
    %swap3A_42 = vector.shape_cast %swap3A_41 : vector<1x16xi32> to vector<16xi32>
    %swap3A_43 = vector.shape_cast %broadcast_in_dim3A_6 : vector<16xi32> to vector<1x16xi32>
    tpu.vector_store %arg10[%swap3A_39, %swap3A_40], %swap3A_43 {strides = array<i32>} : memref<37x128xi32, #tpu.memory_space<vmem>>, vector<1x16xi32>,
    %swap3A_44 = arith.constant 36 : i32
    %swap3A_45 = arith.index_cast %swap3A_44 : i32 to index
    %swap3A_46 = arith.constant 96 : index
    %swap3A_47 = tpu.vector_load %arg11[%swap3A_45, %swap3A_46] {strides = array<i32>} : memref<37x128xi32, #tpu.memory_space<vmem>>, vector<1x16xi32>,
    %swap3A_48 = vector.shape_cast %swap3A_47 : vector<1x16xi32> to vector<16xi32>
    %swap3A_49 = vector.shape_cast %broadcast_in_dim3A_8 : vector<16xi32> to vector<1x16xi32>
    tpu.vector_store %arg11[%swap3A_45, %swap3A_46], %swap3A_49 {strides = array<i32>} : memref<37x128xi32, #tpu.memory_space<vmem>>, vector<1x16xi32>,
    %swap3A_50 = arith.constant 36 : i32
    %swap3A_51 = arith.index_cast %swap3A_50 : i32 to index
    %swap3A_52 = arith.constant 112 : index
    %swap3A_53 = tpu.vector_load %arg10[%swap3A_51, %swap3A_52] {strides = array<i32>} : memref<37x128xi32, #tpu.memory_space<vmem>>, vector<1x16xi32>,
    %swap3A_54 = vector.shape_cast %swap3A_53 : vector<1x16xi32> to vector<16xi32>
    %swap3A_55 = vector.shape_cast %broadcast_in_dim3A_6 : vector<16xi32> to vector<1x16xi32>
    tpu.vector_store %arg10[%swap3A_51, %swap3A_52], %swap3A_55 {strides = array<i32>} : memref<37x128xi32, #tpu.memory_space<vmem>>, vector<1x16xi32>,
    %swap3A_56 = arith.constant 36 : i32
    %swap3A_57 = arith.index_cast %swap3A_56 : i32 to index
    %swap3A_58 = arith.constant 112 : index
    %swap3A_59 = tpu.vector_load %arg11[%swap3A_57, %swap3A_58] {strides = array<i32>} : memref<37x128xi32, #tpu.memory_space<vmem>>, vector<1x16xi32>,
    %swap3A_60 = vector.shape_cast %swap3A_59 : vector<1x16xi32> to vector<16xi32>
    %swap3A_61 = vector.shape_cast %broadcast_in_dim3A_8 : vector<16xi32> to vector<1x16xi32>
    tpu.vector_store %arg11[%swap3A_57, %swap3A_58], %swap3A_61 {strides = array<i32>} : memref<37x128xi32, #tpu.memory_space<vmem>>, vector<1x16xi32>,
    %scan3A_62 = arith.constant 0 : i32
    %scan3A_63 = arith.constant 4 : i32
    %scan3A_64 = arith.addi %scan3A_62, %scan3A_63 : i32
    %scan3A_65 = arith.constant 1 : i32
    scf.for %scan3A_67 = %scan3A_62 to %scan3A_64 step %scan3A_65  : i32 {
      %mul3A_68 = arith.constant 1 : i32
      %mul3A_69 = arith.muli %scan3A_67, %mul3A_68 : i32
      %add3A = arith.constant 0 : i32
      %add3A_70 = arith.addi %add3A, %mul3A_69 : i32
      %mul3A_71 = arith.constant 2560 : i32
      %mul3A_72 = arith.muli %add3A_70, %mul3A_71 : i32
      %scan3A_73 = arith.constant 0 : i32
      %scan3A_74 = arith.constant 293 : i32
      %scan3A_75 = arith.addi %scan3A_73, %scan3A_74 : i32
      %scan3A_76 = arith.constant 1 : i32
      scf.for %scan3A_111 = %scan3A_73 to %scan3A_75 step %scan3A_76  : i32 {
        %mul3A_112 = arith.constant 1 : i32
        %mul3A_113 = arith.muli %scan3A_111, %mul3A_112 : i32
        %add3A_114 = arith.constant 0 : i32
        %add3A_115 = arith.addi %add3A_114, %mul3A_113 : i32
        %mul3A_116 = arith.constant 16 : i32
        %mul3A_117 = arith.muli %add3A_115, %mul3A_116 : i32
        %get3A = arith.index_cast %mul3A_117 : i32 to index
        %get3A_118 = tpu.vector_load %arg9[%get3A] {strides = array<i32>} : memref<4688xi32, #tpu.memory_space<vmem>>, vector<16xi32>,
        %get3A_119 = vector.shape_cast %get3A_118 : vector<16xi32> to vector<16xi32>
        %mul3A_120 = arith.constant 16 : i32
        %mul3A_121 = arith.muli %add3A_115, %mul3A_120 : i32
        %add3A_122 = vector.broadcast %mul3A_121 : i32 to vector<16xi32>
        %add3A_123 = arith.addi %iota3A, %add3A_122 : vector<16xi32>
        %ge3A = vector.broadcast %sub3A : i32 to vector<16xi32>
        %ge3A_124 = arith.cmpi sge, %add3A_123, %ge3A : vector<16xi32>
        %ge3A_125 = vector.broadcast %mul3A_72 : i32 to vector<16xi32>
        %ge3A_126 = arith.cmpi sge, %get3A_119, %ge3A_125 : vector<16xi32>
        %and3A = arith.andi %ge3A_124, %ge3A_126 : vector<16xi1>
        %add3A_127 = arith.constant 2560 : i32
        %add3A_128 = arith.addi %mul3A_72, %add3A_127 : i32
        %lt3A = vector.broadcast %add3A_128 : i32 to vector<16xi32>
        %lt3A_129 = arith.cmpi slt, %get3A_119, %lt3A : vector<16xi32>
        %and3A_130 = arith.andi %and3A, %lt3A_129 : vector<16xi1>
        %jit3A = arith.constant 8 : i32
        %div3A = arith.divsi %add3A_115, %jit3A : i32
        %sign3A = arith.constant 0 : i32
        %sign3A_131 = arith.cmpi sgt, %add3A_115, %sign3A : i32
        %sign3A_132 = arith.extui %sign3A_131 : i1 to i32
        %sign3A_133 = arith.constant 0 : i32
        %sign3A_134 = arith.cmpi slt, %add3A_115, %sign3A_133 : i32
        %sign3A_135 = arith.extui %sign3A_134 : i1 to i32
        %sign3A_136 = arith.subi %sign3A_132, %sign3A_135 : i32
        %sign3A_137 = arith.constant 0 : i32
        %sign3A_138 = arith.cmpi sgt, %jit3A, %sign3A_137 : i32
        %sign3A_139 = arith.extui %sign3A_138 : i1 to i32
        %sign3A_140 = arith.constant 0 : i32
        %sign3A_141 = arith.cmpi slt, %jit3A, %sign3A_140 : i32
        %sign3A_142 = arith.extui %sign3A_141 : i1 to i32
        %sign3A_143 = arith.subi %sign3A_139, %sign3A_142 : i32
        %ne3A = arith.cmpi ne, %sign3A_136, %sign3A_143 : i32
        %rem3A = arith.remsi %add3A_115, %jit3A : i32
        %ne3A_144 = arith.constant 0 : i32
        %ne3A_145 = arith.cmpi ne, %rem3A, %ne3A_144 : i32
        %and3A_146 = arith.andi %ne3A, %ne3A_145 : i1
        %sub3A_147 = arith.constant 1 : i32
        %sub3A_148 = arith.subi %div3A, %sub3A_147 : i32
        %select_n3A = arith.select %and3A_146, %sub3A_148, %div3A : i32
        %mul3A_149 = arith.constant 8 : i32
        %mul3A_150 = arith.muli %select_n3A, %mul3A_149 : i32
        %sub3A_151 = arith.subi %add3A_115, %mul3A_150 : i32
        %mul3A_152 = arith.constant 16 : i32
        %mul3A_153 = arith.muli %sub3A_151, %mul3A_152 : i32
        %sub3A_154 = vector.broadcast %mul3A_72 : i32 to vector<16xi32>
        %sub3A_155 = arith.subi %get3A_119, %sub3A_154 : vector<16xi32>
        %jit3A_156 = arith.constant 2560 : i32
        %broadcast_in_dim3A_157 = vector.broadcast %jit3A_156 : i32 to vector<16xi32>
        %select_n3A_158 = arith.select %and3A_130, %sub3A_155, %broadcast_in_dim3A_157 : vector<16xi1>, vector<16xi32>
        %swap3A_159 = arith.index_cast %select_n3A : i32 to index
        %swap3A_160 = arith.index_cast %mul3A_153 : i32 to index
        %swap3A_161 = tpu.vector_load %arg11[%swap3A_159, %swap3A_160] {strides = array<i32>} : memref<37x128xi32, #tpu.memory_space<vmem>>, vector<1x16xi32>,
        %swap3A_162 = vector.shape_cast %swap3A_161 : vector<1x16xi32> to vector<16xi32>
        %swap3A_163 = vector.shape_cast %select_n3A_158 : vector<16xi32> to vector<1x16xi32>
        tpu.vector_store %arg11[%swap3A_159, %swap3A_160], %swap3A_163 {strides = array<i32>} : memref<37x128xi32, #tpu.memory_space<vmem>>, vector<1x16xi32>,
      }
      %scan3A_77 = arith.constant 293 : i32
      %scan3A_78 = arith.constant 0 : i32
      %scan3A_79 = arith.constant 12 : i32
      %scan3A_80 = arith.addi %scan3A_78, %scan3A_79 : i32
      %scan3A_81 = arith.constant 1 : i32
      scf.for %scan3A_111 = %scan3A_78 to %scan3A_80 step %scan3A_81  : i32 {
        %mul3A_112 = arith.constant 1 : i32
        %mul3A_113 = arith.muli %scan3A_111, %mul3A_112 : i32
        %add3A_114 = arith.constant 0 : i32
        %add3A_115 = arith.addi %add3A_114, %mul3A_113 : i32
        %jit3A = arith.constant 4 : i32
        %div3A = arith.divsi %add3A_115, %jit3A : i32
        %sign3A = arith.constant 0 : i32
        %sign3A_116 = arith.cmpi sgt, %add3A_115, %sign3A : i32
        %sign3A_117 = arith.extui %sign3A_116 : i1 to i32
        %sign3A_118 = arith.constant 0 : i32
        %sign3A_119 = arith.cmpi slt, %add3A_115, %sign3A_118 : i32
        %sign3A_120 = arith.extui %sign3A_119 : i1 to i32
        %sign3A_121 = arith.subi %sign3A_117, %sign3A_120 : i32
        %sign3A_122 = arith.constant 0 : i32
        %sign3A_123 = arith.cmpi sgt, %jit3A, %sign3A_122 : i32
        %sign3A_124 = arith.extui %sign3A_123 : i1 to i32
        %sign3A_125 = arith.constant 0 : i32
        %sign3A_126 = arith.cmpi slt, %jit3A, %sign3A_125 : i32
        %sign3A_127 = arith.extui %sign3A_126 : i1 to i32
        %sign3A_128 = arith.subi %sign3A_124, %sign3A_127 : i32
        %ne3A = arith.cmpi ne, %sign3A_121, %sign3A_128 : i32
        %rem3A = arith.remsi %add3A_115, %jit3A : i32
        %ne3A_129 = arith.constant 0 : i32
        %ne3A_130 = arith.cmpi ne, %rem3A, %ne3A_129 : i32
        %and3A = arith.andi %ne3A, %ne3A_130 : i1
        %sub3A_131 = arith.constant 1 : i32
        %sub3A_132 = arith.subi %div3A, %sub3A_131 : i32
        %select_n3A = arith.select %and3A, %sub3A_132, %div3A : i32
        %mul3A_133 = arith.constant 4 : i32
        %mul3A_134 = arith.muli %select_n3A, %mul3A_133 : i32
        %sub3A_135 = arith.subi %add3A_115, %mul3A_134 : i32
        %mul3A_136 = arith.constant 176 : i32
        %mul3A_137 = arith.muli %arg1, %mul3A_136 : i32
        "tpu.region"() ({
          %run_scoped3A = tpu.sem_alloc : memref<!tpu.dma_semaphore, #tpu.memory_space<semaphore_mem>>
          %dma_start3A_305 = arith.constant 0 : i32
          %dma_start3A_306 = tpu.memref_slice %arg17[%mul3A_137, %dma_start3A_305] : memref<2816x128xf32, #tpu.memory_space<vmem_shared>> -> memref<176x128xf32, #tpu.memory_space<vmem_shared>>
          %dma_start3A_307 = arith.constant 0 : i32
          %dma_start3A_308 = tpu.memref_slice %arg17[%mul3A_137, %dma_start3A_307] : memref<2816x128xf32, #tpu.memory_space<vmem_shared>> -> memref<176x128xf32, #tpu.memory_space<vmem_shared>>
          tpu.enqueue_dma source(%arg12 : memref<176x128xf32, #tpu.memory_space<vmem>>) target(%dma_start3A_308 : memref<176x128xf32, #tpu.memory_space<vmem_shared>>) target_semaphore(%run_scoped3A : memref<!tpu.dma_semaphore, #tpu.memory_space<semaphore_mem>>)
          %dma_wait3A = arith.constant 0 : i32
          %dma_wait3A_309 = tpu.memref_slice %arg17[%mul3A_137, %dma_wait3A] : memref<2816x128xf32, #tpu.memory_space<vmem_shared>> -> memref<176x128xf32, #tpu.memory_space<vmem_shared>>
          %dma_wait3A_310 = arith.constant 0 : i32
          %dma_wait3A_311 = tpu.memref_slice %arg17[%mul3A_137, %dma_wait3A_310] : memref<2816x128xf32, #tpu.memory_space<vmem_shared>> -> memref<176x128xf32, #tpu.memory_space<vmem_shared>>
          tpu.wait_dma2 semaphore(%run_scoped3A : memref<!tpu.dma_semaphore, #tpu.memory_space<semaphore_mem>>) src(%arg12 : memref<176x128xf32, #tpu.memory_space<vmem>>) dst(%dma_wait3A_311 : memref<176x128xf32, #tpu.memory_space<vmem_shared>>)
          tpu.yield
        }) : () -> ()
        %barrier3A_138 = arith.constant 0 : index
        tpu.barrier barrier_id(%barrier3A_138)
        %mul3A_139 = arith.constant 40960 : i32
        %mul3A_140 = arith.muli %select_n3A, %mul3A_139 : i32
        %add3A_141 = arith.addi %mul3A_140, %sub3A_135 : i32
        %get3A = arith.constant 0 : i32
        %get3A_142 = arith.index_cast %get3A : i32 to index
        %get3A_143 = arith.constant 0 : index
        %get3A_144 = tpu.vector_load %arg10[%get3A_142, %get3A_143] {strides = array<i32>} : memref<37x128xi32, #tpu.memory_space<vmem>>, vector<1x16xi32>,
        %get3A_145 = vector.shape_cast %get3A_144 : vector<1x16xi32> to vector<16xi32>
        %mul3A_146 = arith.constant 4 : i32
        %mul3A_147 = vector.broadcast %mul3A_146 : i32 to vector<16xi32>
        %mul3A_148 = arith.muli %get3A_145, %mul3A_147 : vector<16xi32>
        %add3A_149 = vector.broadcast %add3A_141 : i32 to vector<16xi32>
        %add3A_150 = arith.addi %mul3A_148, %add3A_149 : vector<16xi32>
        %swap3A_151 = arith.constant 0 : i32
        %swap3A_152 = arith.index_cast %swap3A_151 : i32 to index
        %swap3A_153 = arith.constant 0 : index
        %swap3A_154 = tpu.vector_load %arg13[%swap3A_152, %swap3A_153] {strides = array<i32>} : memref<2x128xi32, #tpu.memory_space<vmem>>, vector<1x16xi32>,
        %swap3A_155 = vector.shape_cast %swap3A_154 : vector<1x16xi32> to vector<16xi32>
        %swap3A_156 = vector.shape_cast %add3A_150 : vector<16xi32> to vector<1x16xi32>
        tpu.vector_store %arg13[%swap3A_152, %swap3A_153], %swap3A_156 {strides = array<i32>} : memref<2x128xi32, #tpu.memory_space<vmem>>, vector<1x16xi32>,
        %get3A_157 = arith.constant 0 : i32
        %get3A_158 = arith.index_cast %get3A_157 : i32 to index
        %get3A_159 = arith.constant 16 : index
        %get3A_160 = tpu.vector_load %arg10[%get3A_158, %get3A_159] {strides = array<i32>} : memref<37x128xi32, #tpu.memory_space<vmem>>, vector<1x16xi32>,
        %get3A_161 = vector.shape_cast %get3A_160 : vector<1x16xi32> to vector<16xi32>
        %mul3A_162 = arith.constant 4 : i32
        %mul3A_163 = vector.broadcast %mul3A_162 : i32 to vector<16xi32>
        %mul3A_164 = arith.muli %get3A_161, %mul3A_163 : vector<16xi32>
        %add3A_165 = vector.broadcast %add3A_141 : i32 to vector<16xi32>
        %add3A_166 = arith.addi %mul3A_164, %add3A_165 : vector<16xi32>
        %swap3A_167 = arith.constant 0 : i32
        %swap3A_168 = arith.index_cast %swap3A_167 : i32 to index
        %swap3A_169 = arith.constant 16 : index
        %swap3A_170 = tpu.vector_load %arg13[%swap3A_168, %swap3A_169] {strides = array<i32>} : memref<2x128xi32, #tpu.memory_space<vmem>>, vector<1x16xi32>,
        %swap3A_171 = vector.shape_cast %swap3A_170 : vector<1x16xi32> to vector<16xi32>
        %swap3A_172 = vector.shape_cast %add3A_166 : vector<16xi32> to vector<1x16xi32>
        tpu.vector_store %arg13[%swap3A_168, %swap3A_169], %swap3A_172 {strides = array<i32>} : memref<2x128xi32, #tpu.memory_space<vmem>>, vector<1x16xi32>,
        %get3A_173 = arith.constant 0 : i32
        %get3A_174 = arith.index_cast %get3A_173 : i32 to index
        %get3A_175 = arith.constant 32 : index
        %get3A_176 = tpu.vector_load %arg10[%get3A_174, %get3A_175] {strides = array<i32>} : memref<37x128xi32, #tpu.memory_space<vmem>>, vector<1x16xi32>,
        %get3A_177 = vector.shape_cast %get3A_176 : vector<1x16xi32> to vector<16xi32>
        %mul3A_178 = arith.constant 4 : i32
        %mul3A_179 = vector.broadcast %mul3A_178 : i32 to vector<16xi32>
        %mul3A_180 = arith.muli %get3A_177, %mul3A_179 : vector<16xi32>
        %add3A_181 = vector.broadcast %add3A_141 : i32 to vector<16xi32>
        %add3A_182 = arith.addi %mul3A_180, %add3A_181 : vector<16xi32>
        %swap3A_183 = arith.constant 0 : i32
        %swap3A_184 = arith.index_cast %swap3A_183 : i32 to index
        %swap3A_185 = arith.constant 32 : index
        %swap3A_186 = tpu.vector_load %arg13[%swap3A_184, %swap3A_185] {strides = array<i32>} : memref<2x128xi32, #tpu.memory_space<vmem>>, vector<1x16xi32>,
        %swap3A_187 = vector.shape_cast %swap3A_186 : vector<1x16xi32> to vector<16xi32>
        %swap3A_188 = vector.shape_cast %add3A_182 : vector<16xi32> to vector<1x16xi32>
        tpu.vector_store %arg13[%swap3A_184, %swap3A_185], %swap3A_188 {strides = array<i32>} : memref<2x128xi32, #tpu.memory_space<vmem>>, vector<1x16xi32>,
        %get3A_189 = arith.constant 0 : i32
        %get3A_190 = arith.index_cast %get3A_189 : i32 to index
        %get3A_191 = arith.constant 48 : index
        %get3A_192 = tpu.vector_load %arg10[%get3A_190, %get3A_191] {strides = array<i32>} : memref<37x128xi32, #tpu.memory_space<vmem>>, vector<1x16xi32>,
        %get3A_193 = vector.shape_cast %get3A_192 : vector<1x16xi32> to vector<16xi32>
        %mul3A_194 = arith.constant 4 : i32
        %mul3A_195 = vector.broadcast %mul3A_194 : i32 to vector<16xi32>
        %mul3A_196 = arith.muli %get3A_193, %mul3A_195 : vector<16xi32>
        %add3A_197 = vector.broadcast %add3A_141 : i32 to vector<16xi32>
        %add3A_198 = arith.addi %mul3A_196, %add3A_197 : vector<16xi32>
        %swap3A_199 = arith.constant 0 : i32
        %swap3A_200 = arith.index_cast %swap3A_199 : i32 to index
        %swap3A_201 = arith.constant 48 : index
        %swap3A_202 = tpu.vector_load %arg13[%swap3A_200, %swap3A_201] {strides = array<i32>} : memref<2x128xi32, #tpu.memory_space<vmem>>, vector<1x16xi32>,
        %swap3A_203 = vector.shape_cast %swap3A_202 : vector<1x16xi32> to vector<16xi32>
        %swap3A_204 = vector.shape_cast %add3A_198 : vector<16xi32> to vector<1x16xi32>
        tpu.vector_store %arg13[%swap3A_200, %swap3A_201], %swap3A_204 {strides = array<i32>} : memref<2x128xi32, #tpu.memory_space<vmem>>, vector<1x16xi32>,
        %get3A_205 = arith.constant 0 : i32
        %get3A_206 = arith.index_cast %get3A_205 : i32 to index
        %get3A_207 = arith.constant 64 : index
        %get3A_208 = tpu.vector_load %arg10[%get3A_206, %get3A_207] {strides = array<i32>} : memref<37x128xi32, #tpu.memory_space<vmem>>, vector<1x16xi32>,
        %get3A_209 = vector.shape_cast %get3A_208 : vector<1x16xi32> to vector<16xi32>
        %mul3A_210 = arith.constant 4 : i32
        %mul3A_211 = vector.broadcast %mul3A_210 : i32 to vector<16xi32>
        %mul3A_212 = arith.muli %get3A_209, %mul3A_211 : vector<16xi32>
        %add3A_213 = vector.broadcast %add3A_141 : i32 to vector<16xi32>
        %add3A_214 = arith.addi %mul3A_212, %add3A_213 : vector<16xi32>
        %swap3A_215 = arith.constant 0 : i32
        %swap3A_216 = arith.index_cast %swap3A_215 : i32 to index
        %swap3A_217 = arith.constant 64 : index
        %swap3A_218 = tpu.vector_load %arg13[%swap3A_216, %swap3A_217] {strides = array<i32>} : memref<2x128xi32, #tpu.memory_space<vmem>>, vector<1x16xi32>,
        %swap3A_219 = vector.shape_cast %swap3A_218 : vector<1x16xi32> to vector<16xi32>
        %swap3A_220 = vector.shape_cast %add3A_214 : vector<16xi32> to vector<1x16xi32>
        tpu.vector_store %arg13[%swap3A_216, %swap3A_217], %swap3A_220 {strides = array<i32>} : memref<2x128xi32, #tpu.memory_space<vmem>>, vector<1x16xi32>,
        %get3A_221 = arith.constant 0 : i32
        %get3A_222 = arith.index_cast %get3A_221 : i32 to index
        %get3A_223 = arith.constant 80 : index
        %get3A_224 = tpu.vector_load %arg10[%get3A_222, %get3A_223] {strides = array<i32>} : memref<37x128xi32, #tpu.memory_space<vmem>>, vector<1x16xi32>,
        %get3A_225 = vector.shape_cast %get3A_224 : vector<1x16xi32> to vector<16xi32>
        %mul3A_226 = arith.constant 4 : i32
        %mul3A_227 = vector.broadcast %mul3A_226 : i32 to vector<16xi32>
        %mul3A_228 = arith.muli %get3A_225, %mul3A_227 : vector<16xi32>
        %add3A_229 = vector.broadcast %add3A_141 : i32 to vector<16xi32>
        %add3A_230 = arith.addi %mul3A_228, %add3A_229 : vector<16xi32>
        %swap3A_231 = arith.constant 0 : i32
        %swap3A_232 = arith.index_cast %swap3A_231 : i32 to index
        %swap3A_233 = arith.constant 80 : index
        %swap3A_234 = tpu.vector_load %arg13[%swap3A_232, %swap3A_233] {strides = array<i32>} : memref<2x128xi32, #tpu.memory_space<vmem>>, vector<1x16xi32>,
        %swap3A_235 = vector.shape_cast %swap3A_234 : vector<1x16xi32> to vector<16xi32>
        %swap3A_236 = vector.shape_cast %add3A_230 : vector<16xi32> to vector<1x16xi32>
        tpu.vector_store %arg13[%swap3A_232, %swap3A_233], %swap3A_236 {strides = array<i32>} : memref<2x128xi32, #tpu.memory_space<vmem>>, vector<1x16xi32>,
        %get3A_237 = arith.constant 0 : i32
        %get3A_238 = arith.index_cast %get3A_237 : i32 to index
        %get3A_239 = arith.constant 96 : index
        %get3A_240 = tpu.vector_load %arg10[%get3A_238, %get3A_239] {strides = array<i32>} : memref<37x128xi32, #tpu.memory_space<vmem>>, vector<1x16xi32>,
        %get3A_241 = vector.shape_cast %get3A_240 : vector<1x16xi32> to vector<16xi32>
        %mul3A_242 = arith.constant 4 : i32
        %mul3A_243 = vector.broadcast %mul3A_242 : i32 to vector<16xi32>
        %mul3A_244 = arith.muli %get3A_241, %mul3A_243 : vector<16xi32>
        %add3A_245 = vector.broadcast %add3A_141 : i32 to vector<16xi32>
        %add3A_246 = arith.addi %mul3A_244, %add3A_245 : vector<16xi32>
        %swap3A_247 = arith.constant 0 : i32
        %swap3A_248 = arith.index_cast %swap3A_247 : i32 to index
        %swap3A_249 = arith.constant 96 : index
        %swap3A_250 = tpu.vector_load %arg13[%swap3A_248, %swap3A_249] {strides = array<i32>} : memref<2x128xi32, #tpu.memory_space<vmem>>, vector<1x16xi32>,
        %swap3A_251 = vector.shape_cast %swap3A_250 : vector<1x16xi32> to vector<16xi32>
        %swap3A_252 = vector.shape_cast %add3A_246 : vector<16xi32> to vector<1x16xi32>
        tpu.vector_store %arg13[%swap3A_248, %swap3A_249], %swap3A_252 {strides = array<i32>} : memref<2x128xi32, #tpu.memory_space<vmem>>, vector<1x16xi32>,
        %get3A_253 = arith.constant 0 : i32
        %get3A_254 = arith.index_cast %get3A_253 : i32 to index
        %get3A_255 = arith.constant 112 : index
        %get3A_256 = tpu.vector_load %arg10[%get3A_254, %get3A_255] {strides = array<i32>} : memref<37x128xi32, #tpu.memory_space<vmem>>, vector<1x16xi32>,
        %get3A_257 = vector.shape_cast %get3A_256 : vector<1x16xi32> to vector<16xi32>
        %mul3A_258 = arith.constant 4 : i32
        %mul3A_259 = vector.broadcast %mul3A_258 : i32 to vector<16xi32>
        %mul3A_260 = arith.muli %get3A_257, %mul3A_259 : vector<16xi32>
        %add3A_261 = vector.broadcast %add3A_141 : i32 to vector<16xi32>
        %add3A_262 = arith.addi %mul3A_260, %add3A_261 : vector<16xi32>
        %swap3A_263 = arith.constant 0 : i32
        %swap3A_264 = arith.index_cast %swap3A_263 : i32 to index
        %swap3A_265 = arith.constant 112 : index
        %swap3A_266 = tpu.vector_load %arg13[%swap3A_264, %swap3A_265] {strides = array<i32>} : memref<2x128xi32, #tpu.memory_space<vmem>>, vector<1x16xi32>,
        %swap3A_267 = vector.shape_cast %swap3A_266 : vector<1x16xi32> to vector<16xi32>
        %swap3A_268 = vector.shape_cast %add3A_262 : vector<16xi32> to vector<1x16xi32>
        tpu.vector_store %arg13[%swap3A_264, %swap3A_265], %swap3A_268 {strides = array<i32>} : memref<2x128xi32, #tpu.memory_space<vmem>>, vector<1x16xi32>,
        %dma_start3A = arith.constant 0 : i32
        %dma_start3A_269 = arith.constant 0 : i32
        %dma_start3A_270 = arith.constant 0 : i32
        %dma_start3A_271 = arith.constant 0 : i32
        %dma_start3A_272 = tpu.memref_slice %arg14[%dma_start3A_269, %dma_start3A_270, %dma_start3A_271] : memref<2x128x128xf32, #tpu.memory_space<vmem>> -> memref<1x128x128xf32, #tpu.memory_space<vmem>>
        %dma_start3A_273 = tpu.memref_squeeze %dma_start3A_272 : memref<1x128x128xf32, #tpu.memory_space<vmem>> -> memref<128x128xf32, #tpu.memory_space<vmem>>
        %dma_start3A_274 = arith.constant 0 : i32
        %dma_start3A_275 = tpu.memref_slice %arg13[%dma_start3A, %dma_start3A_274] : memref<2x128xi32, #tpu.memory_space<vmem>> -> memref<1x128xi32, #tpu.memory_space<vmem>>
        %dma_start3A_276 = tpu.memref_squeeze %dma_start3A_275 : memref<1x128xi32, #tpu.memory_space<vmem>> -> memref<128xi32, #tpu.memory_space<vmem>>
        %dma_start3A_277 = arith.constant 0 : i32
        %dma_start3A_278 = arith.constant 0 : i32
        %dma_start3A_279 = tpu.memref_slice %arg2[%dma_start3A_277, %dma_start3A_278] : memref<163840x128xf32, #tpu.memory_space<hbm>> -> memref<163840x128xf32, #tpu.memory_space<hbm>>
        tpu.enqueue_indirect_dma source(%dma_start3A_279 : memref<163840x128xf32, #tpu.memory_space<hbm>>) target(%dma_start3A_273 : memref<128x128xf32, #tpu.memory_space<vmem>>) offsets(%dma_start3A_276 : memref<128xi32, #tpu.memory_space<vmem>>) semaphore(%arg16 : memref<!tpu.dma_semaphore, #tpu.memory_space<semaphore_mem>>)
        %scan3A_280 = arith.constant 0 : i32
        %scan3A_281 = arith.constant 37 : i32
        %scan3A_282 = arith.addi %scan3A_280, %scan3A_281 : i32
        %scan3A_283 = arith.constant 1 : i32
        scf.for %scan3A_305 = %scan3A_280 to %scan3A_282 step %scan3A_283  : i32 {
          %mul3A_306 = arith.constant 1 : i32
          %mul3A_307 = arith.muli %scan3A_305, %mul3A_306 : i32
          %add3A_308 = arith.constant 0 : i32
          %add3A_309 = arith.addi %add3A_308, %mul3A_307 : i32
          %add3A_310 = arith.constant 1 : i32
          %add3A_311 = arith.addi %add3A_309, %add3A_310 : i32
          %lt3A = arith.constant 37 : i32
          %lt3A_312 = arith.cmpi slt, %add3A_311, %lt3A : i32
          %convert_element_type3A_313 = arith.extui %lt3A_312 : i1 to i32
          %cond3A_314 = arith.constant 0 : i32
          %cond3A_315 = arith.cmpi ne, %convert_element_type3A_313, %cond3A_314 : i32
          scf.if %cond3A_315 {
            %add3A_341 = arith.constant 1 : i32
            %add3A_342 = arith.addi %add3A_309, %add3A_341 : i32
            %jit3A_343 = arith.constant 2 : i32
            %eq3A_344 = arith.constant 0 : i32
            %eq3A_345 = arith.cmpi eq, %jit3A_343, %eq3A_344 : i32
            %jit3A_346 = arith.constant 1 : i32
            %select_n3A_347 = arith.select %eq3A_345, %jit3A_346, %jit3A_343 : i32
            %rem3A_348 = arith.remsi %add3A_342, %select_n3A_347 : i32
            %ne3A_349 = arith.constant 0 : i32
            %ne3A_350 = arith.cmpi ne, %rem3A_348, %ne3A_349 : i32
            %lt3A_351 = arith.constant 0 : i32
            %lt3A_352 = arith.cmpi slt, %rem3A_348, %lt3A_351 : i32
            %lt3A_353 = arith.constant 0 : i32
            %lt3A_354 = arith.cmpi slt, %select_n3A_347, %lt3A_353 : i32
            %ne3A_355 = arith.xori %lt3A_352, %lt3A_354 : i1
            %and3A_356 = arith.andi %ne3A_355, %ne3A_350 : i1
            %add3A_357 = arith.addi %rem3A_348, %select_n3A_347 : i32
            %select_n3A_358 = arith.select %and3A_356, %add3A_357, %rem3A_348 : i32
            %get3A_359 = arith.index_cast %add3A_342 : i32 to index
            %get3A_360 = arith.constant 0 : index
            %get3A_361 = tpu.vector_load %arg10[%get3A_359, %get3A_360] {strides = array<i32>} : memref<37x128xi32, #tpu.memory_space<vmem>>, vector<1x16xi32>,
            %get3A_362 = vector.shape_cast %get3A_361 : vector<1x16xi32> to vector<16xi32>
            %mul3A_363 = arith.constant 4 : i32
            %mul3A_364 = vector.broadcast %mul3A_363 : i32 to vector<16xi32>
            %mul3A_365 = arith.muli %get3A_362, %mul3A_364 : vector<16xi32>
            %add3A_366 = vector.broadcast %add3A_141 : i32 to vector<16xi32>
            %add3A_367 = arith.addi %mul3A_365, %add3A_366 : vector<16xi32>
            %swap3A_368 = arith.index_cast %select_n3A_358 : i32 to index
            %swap3A_369 = arith.constant 0 : index
            %swap3A_370 = tpu.vector_load %arg13[%swap3A_368, %swap3A_369] {strides = array<i32>} : memref<2x128xi32, #tpu.memory_space<vmem>>, vector<1x16xi32>,
            %swap3A_371 = vector.shape_cast %swap3A_370 : vector<1x16xi32> to vector<16xi32>
            %swap3A_372 = vector.shape_cast %add3A_367 : vector<16xi32> to vector<1x16xi32>
            tpu.vector_store %arg13[%swap3A_368, %swap3A_369], %swap3A_372 {strides = array<i32>} : memref<2x128xi32, #tpu.memory_space<vmem>>, vector<1x16xi32>,
            %get3A_373 = arith.index_cast %add3A_342 : i32 to index
            %get3A_374 = arith.constant 16 : index
            %get3A_375 = tpu.vector_load %arg10[%get3A_373, %get3A_374] {strides = array<i32>} : memref<37x128xi32, #tpu.memory_space<vmem>>, vector<1x16xi32>,
            %get3A_376 = vector.shape_cast %get3A_375 : vector<1x16xi32> to vector<16xi32>
            %mul3A_377 = arith.constant 4 : i32
            %mul3A_378 = vector.broadcast %mul3A_377 : i32 to vector<16xi32>
            %mul3A_379 = arith.muli %get3A_376, %mul3A_378 : vector<16xi32>
            %add3A_380 = vector.broadcast %add3A_141 : i32 to vector<16xi32>
            %add3A_381 = arith.addi %mul3A_379, %add3A_380 : vector<16xi32>
            %swap3A_382 = arith.index_cast %select_n3A_358 : i32 to index
            %swap3A_383 = arith.constant 16 : index
            %swap3A_384 = tpu.vector_load %arg13[%swap3A_382, %swap3A_383] {strides = array<i32>} : memref<2x128xi32, #tpu.memory_space<vmem>>, vector<1x16xi32>,
            %swap3A_385 = vector.shape_cast %swap3A_384 : vector<1x16xi32> to vector<16xi32>
            %swap3A_386 = vector.shape_cast %add3A_381 : vector<16xi32> to vector<1x16xi32>
            tpu.vector_store %arg13[%swap3A_382, %swap3A_383], %swap3A_386 {strides = array<i32>} : memref<2x128xi32, #tpu.memory_space<vmem>>, vector<1x16xi32>,
            %get3A_387 = arith.index_cast %add3A_342 : i32 to index
            %get3A_388 = arith.constant 32 : index
            %get3A_389 = tpu.vector_load %arg10[%get3A_387, %get3A_388] {strides = array<i32>} : memref<37x128xi32, #tpu.memory_space<vmem>>, vector<1x16xi32>,
            %get3A_390 = vector.shape_cast %get3A_389 : vector<1x16xi32> to vector<16xi32>
            %mul3A_391 = arith.constant 4 : i32
            %mul3A_392 = vector.broadcast %mul3A_391 : i32 to vector<16xi32>
            %mul3A_393 = arith.muli %get3A_390, %mul3A_392 : vector<16xi32>
            %add3A_394 = vector.broadcast %add3A_141 : i32 to vector<16xi32>
            %add3A_395 = arith.addi %mul3A_393, %add3A_394 : vector<16xi32>
            %swap3A_396 = arith.index_cast %select_n3A_358 : i32 to index
            %swap3A_397 = arith.constant 32 : index
            %swap3A_398 = tpu.vector_load %arg13[%swap3A_396, %swap3A_397] {strides = array<i32>} : memref<2x128xi32, #tpu.memory_space<vmem>>, vector<1x16xi32>,
            %swap3A_399 = vector.shape_cast %swap3A_398 : vector<1x16xi32> to vector<16xi32>
            %swap3A_400 = vector.shape_cast %add3A_395 : vector<16xi32> to vector<1x16xi32>
            tpu.vector_store %arg13[%swap3A_396, %swap3A_397], %swap3A_400 {strides = array<i32>} : memref<2x128xi32, #tpu.memory_space<vmem>>, vector<1x16xi32>,
            %get3A_401 = arith.index_cast %add3A_342 : i32 to index
            %get3A_402 = arith.constant 48 : index
            %get3A_403 = tpu.vector_load %arg10[%get3A_401, %get3A_402] {strides = array<i32>} : memref<37x128xi32, #tpu.memory_space<vmem>>, vector<1x16xi32>,
            %get3A_404 = vector.shape_cast %get3A_403 : vector<1x16xi32> to vector<16xi32>
            %mul3A_405 = arith.constant 4 : i32
            %mul3A_406 = vector.broadcast %mul3A_405 : i32 to vector<16xi32>
            %mul3A_407 = arith.muli %get3A_404, %mul3A_406 : vector<16xi32>
            %add3A_408 = vector.broadcast %add3A_141 : i32 to vector<16xi32>
            %add3A_409 = arith.addi %mul3A_407, %add3A_408 : vector<16xi32>
            %swap3A_410 = arith.index_cast %select_n3A_358 : i32 to index
            %swap3A_411 = arith.constant 48 : index
            %swap3A_412 = tpu.vector_load %arg13[%swap3A_410, %swap3A_411] {strides = array<i32>} : memref<2x128xi32, #tpu.memory_space<vmem>>, vector<1x16xi32>,
            %swap3A_413 = vector.shape_cast %swap3A_412 : vector<1x16xi32> to vector<16xi32>
            %swap3A_414 = vector.shape_cast %add3A_409 : vector<16xi32> to vector<1x16xi32>
            tpu.vector_store %arg13[%swap3A_410, %swap3A_411], %swap3A_414 {strides = array<i32>} : memref<2x128xi32, #tpu.memory_space<vmem>>, vector<1x16xi32>,
            %get3A_415 = arith.index_cast %add3A_342 : i32 to index
            %get3A_416 = arith.constant 64 : index
            %get3A_417 = tpu.vector_load %arg10[%get3A_415, %get3A_416] {strides = array<i32>} : memref<37x128xi32, #tpu.memory_space<vmem>>, vector<1x16xi32>,
            %get3A_418 = vector.shape_cast %get3A_417 : vector<1x16xi32> to vector<16xi32>
            %mul3A_419 = arith.constant 4 : i32
            %mul3A_420 = vector.broadcast %mul3A_419 : i32 to vector<16xi32>
            %mul3A_421 = arith.muli %get3A_418, %mul3A_420 : vector<16xi32>
            %add3A_422 = vector.broadcast %add3A_141 : i32 to vector<16xi32>
            %add3A_423 = arith.addi %mul3A_421, %add3A_422 : vector<16xi32>
            %swap3A_424 = arith.index_cast %select_n3A_358 : i32 to index
            %swap3A_425 = arith.constant 64 : index
            %swap3A_426 = tpu.vector_load %arg13[%swap3A_424, %swap3A_425] {strides = array<i32>} : memref<2x128xi32, #tpu.memory_space<vmem>>, vector<1x16xi32>,
            %swap3A_427 = vector.shape_cast %swap3A_426 : vector<1x16xi32> to vector<16xi32>
            %swap3A_428 = vector.shape_cast %add3A_423 : vector<16xi32> to vector<1x16xi32>
            tpu.vector_store %arg13[%swap3A_424, %swap3A_425], %swap3A_428 {strides = array<i32>} : memref<2x128xi32, #tpu.memory_space<vmem>>, vector<1x16xi32>,
            %get3A_429 = arith.index_cast %add3A_342 : i32 to index
            %get3A_430 = arith.constant 80 : index
            %get3A_431 = tpu.vector_load %arg10[%get3A_429, %get3A_430] {strides = array<i32>} : memref<37x128xi32, #tpu.memory_space<vmem>>, vector<1x16xi32>,
            %get3A_432 = vector.shape_cast %get3A_431 : vector<1x16xi32> to vector<16xi32>
            %mul3A_433 = arith.constant 4 : i32
            %mul3A_434 = vector.broadcast %mul3A_433 : i32 to vector<16xi32>
            %mul3A_435 = arith.muli %get3A_432, %mul3A_434 : vector<16xi32>
            %add3A_436 = vector.broadcast %add3A_141 : i32 to vector<16xi32>
            %add3A_437 = arith.addi %mul3A_435, %add3A_436 : vector<16xi32>
            %swap3A_438 = arith.index_cast %select_n3A_358 : i32 to index
            %swap3A_439 = arith.constant 80 : index
            %swap3A_440 = tpu.vector_load %arg13[%swap3A_438, %swap3A_439] {strides = array<i32>} : memref<2x128xi32, #tpu.memory_space<vmem>>, vector<1x16xi32>,
            %swap3A_441 = vector.shape_cast %swap3A_440 : vector<1x16xi32> to vector<16xi32>
            %swap3A_442 = vector.shape_cast %add3A_437 : vector<16xi32> to vector<1x16xi32>
            tpu.vector_store %arg13[%swap3A_438, %swap3A_439], %swap3A_442 {strides = array<i32>} : memref<2x128xi32, #tpu.memory_space<vmem>>, vector<1x16xi32>,
            %get3A_443 = arith.index_cast %add3A_342 : i32 to index
            %get3A_444 = arith.constant 96 : index
            %get3A_445 = tpu.vector_load %arg10[%get3A_443, %get3A_444] {strides = array<i32>} : memref<37x128xi32, #tpu.memory_space<vmem>>, vector<1x16xi32>,
            %get3A_446 = vector.shape_cast %get3A_445 : vector<1x16xi32> to vector<16xi32>
            %mul3A_447 = arith.constant 4 : i32
            %mul3A_448 = vector.broadcast %mul3A_447 : i32 to vector<16xi32>
            %mul3A_449 = arith.muli %get3A_446, %mul3A_448 : vector<16xi32>
            %add3A_450 = vector.broadcast %add3A_141 : i32 to vector<16xi32>
            %add3A_451 = arith.addi %mul3A_449, %add3A_450 : vector<16xi32>
            %swap3A_452 = arith.index_cast %select_n3A_358 : i32 to index
            %swap3A_453 = arith.constant 96 : index
            %swap3A_454 = tpu.vector_load %arg13[%swap3A_452, %swap3A_453] {strides = array<i32>} : memref<2x128xi32, #tpu.memory_space<vmem>>, vector<1x16xi32>,
            %swap3A_455 = vector.shape_cast %swap3A_454 : vector<1x16xi32> to vector<16xi32>
            %swap3A_456 = vector.shape_cast %add3A_451 : vector<16xi32> to vector<1x16xi32>
            tpu.vector_store %arg13[%swap3A_452, %swap3A_453], %swap3A_456 {strides = array<i32>} : memref<2x128xi32, #tpu.memory_space<vmem>>, vector<1x16xi32>,
            %get3A_457 = arith.index_cast %add3A_342 : i32 to index
            %get3A_458 = arith.constant 112 : index
            %get3A_459 = tpu.vector_load %arg10[%get3A_457, %get3A_458] {strides = array<i32>} : memref<37x128xi32, #tpu.memory_space<vmem>>, vector<1x16xi32>,
            %get3A_460 = vector.shape_cast %get3A_459 : vector<1x16xi32> to vector<16xi32>
            %mul3A_461 = arith.constant 4 : i32
            %mul3A_462 = vector.broadcast %mul3A_461 : i32 to vector<16xi32>
            %mul3A_463 = arith.muli %get3A_460, %mul3A_462 : vector<16xi32>
            %add3A_464 = vector.broadcast %add3A_141 : i32 to vector<16xi32>
            %add3A_465 = arith.addi %mul3A_463, %add3A_464 : vector<16xi32>
            %swap3A_466 = arith.index_cast %select_n3A_358 : i32 to index
            %swap3A_467 = arith.constant 112 : index
            %swap3A_468 = tpu.vector_load %arg13[%swap3A_466, %swap3A_467] {strides = array<i32>} : memref<2x128xi32, #tpu.memory_space<vmem>>, vector<1x16xi32>,
            %swap3A_469 = vector.shape_cast %swap3A_468 : vector<1x16xi32> to vector<16xi32>
            %swap3A_470 = vector.shape_cast %add3A_465 : vector<16xi32> to vector<1x16xi32>
            tpu.vector_store %arg13[%swap3A_466, %swap3A_467], %swap3A_470 {strides = array<i32>} : memref<2x128xi32, #tpu.memory_space<vmem>>, vector<1x16xi32>,
            %dma_start3A_471 = arith.constant 0 : i32
            %dma_start3A_472 = arith.constant 0 : i32
            %dma_start3A_473 = tpu.memref_slice %arg14[%select_n3A_358, %dma_start3A_471, %dma_start3A_472] : memref<2x128x128xf32, #tpu.memory_space<vmem>> -> memref<1x128x128xf32, #tpu.memory_space<vmem>>
            %dma_start3A_474 = tpu.memref_squeeze %dma_start3A_473 : memref<1x128x128xf32, #tpu.memory_space<vmem>> -> memref<128x128xf32, #tpu.memory_space<vmem>>
            %dma_start3A_475 = arith.constant 0 : i32
            %dma_start3A_476 = tpu.memref_slice %arg13[%select_n3A_358, %dma_start3A_475] : memref<2x128xi32, #tpu.memory_space<vmem>> -> memref<1x128xi32, #tpu.memory_space<vmem>>
            %dma_start3A_477 = tpu.memref_squeeze %dma_start3A_476 : memref<1x128xi32, #tpu.memory_space<vmem>> -> memref<128xi32, #tpu.memory_space<vmem>>
            %dma_start3A_478 = arith.constant 0 : i32
            %dma_start3A_479 = arith.constant 0 : i32
            %dma_start3A_480 = tpu.memref_slice %arg2[%dma_start3A_478, %dma_start3A_479] : memref<163840x128xf32, #tpu.memory_space<hbm>> -> memref<163840x128xf32, #tpu.memory_space<hbm>>
            tpu.enqueue_indirect_dma source(%dma_start3A_480 : memref<163840x128xf32, #tpu.memory_space<hbm>>) target(%dma_start3A_474 : memref<128x128xf32, #tpu.memory_space<vmem>>) offsets(%dma_start3A_477 : memref<128xi32, #tpu.memory_space<vmem>>) semaphore(%arg16 : memref<!tpu.dma_semaphore, #tpu.memory_space<semaphore_mem>>)
          } else {
          }
          %jit3A_316 = arith.constant 2 : i32
          %eq3A_317 = arith.constant 0 : i32
          %eq3A_318 = arith.cmpi eq, %jit3A_316, %eq3A_317 : i32
          %jit3A_319 = arith.constant 1 : i32
          %select_n3A_320 = arith.select %eq3A_318, %jit3A_319, %jit3A_316 : i32
          %rem3A_321 = arith.remsi %add3A_309, %select_n3A_320 : i32
          %ne3A_322 = arith.constant 0 : i32
          %ne3A_323 = arith.cmpi ne, %rem3A_321, %ne3A_322 : i32
          %lt3A_324 = arith.constant 0 : i32
          %lt3A_325 = arith.cmpi slt, %rem3A_321, %lt3A_324 : i32
          %lt3A_326 = arith.constant 0 : i32
          %lt3A_327 = arith.cmpi slt, %select_n3A_320, %lt3A_326 : i32
          %ne3A_328 = arith.xori %lt3A_325, %lt3A_327 : i1
          %and3A_329 = arith.andi %ne3A_328, %ne3A_323 : i1
          %add3A_330 = arith.addi %rem3A_321, %select_n3A_320 : i32
          %select_n3A_331 = arith.select %and3A_329, %add3A_330, %rem3A_321 : i32
          %dma_wait3A = arith.constant 0 : i32
          %dma_wait3A_332 = arith.constant 0 : i32
          %dma_wait3A_333 = tpu.memref_slice %arg14[%select_n3A_331, %dma_wait3A, %dma_wait3A_332] : memref<2x128x128xf32, #tpu.memory_space<vmem>> -> memref<1x128x128xf32, #tpu.memory_space<vmem>>
          %dma_wait3A_334 = tpu.memref_squeeze %dma_wait3A_333 : memref<1x128x128xf32, #tpu.memory_space<vmem>> -> memref<128x128xf32, #tpu.memory_space<vmem>>
          %dma_wait3A_335 = arith.constant 0 : i32
          %dma_wait3A_336 = tpu.memref_slice %arg13[%select_n3A_331, %dma_wait3A_335] : memref<2x128xi32, #tpu.memory_space<vmem>> -> memref<1x128xi32, #tpu.memory_space<vmem>>
          %dma_wait3A_337 = tpu.memref_squeeze %dma_wait3A_336 : memref<1x128xi32, #tpu.memory_space<vmem>> -> memref<128xi32, #tpu.memory_space<vmem>>
          %dma_wait3A_338 = arith.constant 0 : i32
          %dma_wait3A_339 = arith.constant 0 : i32
          %dma_wait3A_340 = tpu.memref_slice %arg2[%dma_wait3A_338, %dma_wait3A_339] : memref<163840x128xf32, #tpu.memory_space<hbm>> -> memref<163840x128xf32, #tpu.memory_space<hbm>>
          tpu.wait_indirect_dma semaphore(%arg16 : memref<!tpu.dma_semaphore, #tpu.memory_space<semaphore_mem>>) src(%dma_wait3A_340 : memref<163840x128xf32, #tpu.memory_space<hbm>>) dst(%dma_wait3A_334 : memref<128x128xf32, #tpu.memory_space<vmem>>)
          "tpu.region"() ({
            %run_scoped3A = tpu.sem_alloc : memref<!tpu.dma_semaphore, #tpu.memory_space<semaphore_mem>>
            %dma_start3A_341 = arith.constant 0 : i32
            %dma_start3A_342 = arith.constant 0 : i32
            %dma_start3A_343 = tpu.memref_slice %arg14[%select_n3A_331, %dma_start3A_341, %dma_start3A_342] : memref<2x128x128xf32, #tpu.memory_space<vmem>> -> memref<1x128x128xf32, #tpu.memory_space<vmem>>
            %dma_start3A_344 = tpu.memref_squeeze %dma_start3A_343 : memref<1x128x128xf32, #tpu.memory_space<vmem>> -> memref<128x128xf32, #tpu.memory_space<vmem>>
            %dma_start3A_345 = arith.constant 0 : i32
            %dma_start3A_346 = tpu.memref_slice %arg11[%add3A_309, %dma_start3A_345] : memref<37x128xi32, #tpu.memory_space<vmem>> -> memref<1x128xi32, #tpu.memory_space<vmem>>
            %dma_start3A_347 = tpu.memref_squeeze %dma_start3A_346 : memref<1x128xi32, #tpu.memory_space<vmem>> -> memref<128xi32, #tpu.memory_space<vmem>>
            %dma_start3A_348 = arith.constant 0 : i32
            %dma_start3A_349 = arith.constant 0 : i32
            %dma_start3A_350 = tpu.memref_slice %arg17[%dma_start3A_348, %dma_start3A_349] : memref<2816x128xf32, #tpu.memory_space<vmem_shared>> -> memref<2816x128xf32, #tpu.memory_space<vmem_shared>>
            tpu.enqueue_indirect_dma source(%dma_start3A_344 : memref<128x128xf32, #tpu.memory_space<vmem>>) target(%dma_start3A_350 : memref<2816x128xf32, #tpu.memory_space<vmem_shared>>) offsets(%dma_start3A_347 : memref<128xi32, #tpu.memory_space<vmem>>) semaphore(%run_scoped3A : memref<!tpu.dma_semaphore, #tpu.memory_space<semaphore_mem>>) {add = true}
            %dma_wait3A_351 = arith.constant 0 : i32
            %dma_wait3A_352 = arith.constant 0 : i32
            %dma_wait3A_353 = tpu.memref_slice %arg14[%select_n3A_331, %dma_wait3A_351, %dma_wait3A_352] : memref<2x128x128xf32, #tpu.memory_space<vmem>> -> memref<1x128x128xf32, #tpu.memory_space<vmem>>
            %dma_wait3A_354 = tpu.memref_squeeze %dma_wait3A_353 : memref<1x128x128xf32, #tpu.memory_space<vmem>> -> memref<128x128xf32, #tpu.memory_space<vmem>>
            %dma_wait3A_355 = arith.constant 0 : i32
            %dma_wait3A_356 = tpu.memref_slice %arg11[%add3A_309, %dma_wait3A_355] : memref<37x128xi32, #tpu.memory_space<vmem>> -> memref<1x128xi32, #tpu.memory_space<vmem>>
            %dma_wait3A_357 = tpu.memref_squeeze %dma_wait3A_356 : memref<1x128xi32, #tpu.memory_space<vmem>> -> memref<128xi32, #tpu.memory_space<vmem>>
            %dma_wait3A_358 = arith.constant 0 : i32
            %dma_wait3A_359 = arith.constant 0 : i32
            %dma_wait3A_360 = tpu.memref_slice %arg17[%dma_wait3A_358, %dma_wait3A_359] : memref<2816x128xf32, #tpu.memory_space<vmem_shared>> -> memref<2816x128xf32, #tpu.memory_space<vmem_shared>>
            tpu.wait_indirect_dma semaphore(%run_scoped3A : memref<!tpu.dma_semaphore, #tpu.memory_space<semaphore_mem>>) src(%dma_wait3A_354 : memref<128x128xf32, #tpu.memory_space<vmem>>) dst(%dma_wait3A_360 : memref<2816x128xf32, #tpu.memory_space<vmem_shared>>)
            tpu.yield
          }) : () -> ()
        }
        %scan3A_284 = arith.constant 37 : i32
        %barrier3A_285 = arith.constant 0 : index
        tpu.barrier barrier_id(%barrier3A_285)
        %mul3A_286 = arith.constant 3 : i32
        %mul3A_287 = arith.muli %arg0, %mul3A_286 : i32
        %add3A_288 = arith.addi %mul3A_287, %select_n3A : i32
        %mul3A_289 = arith.constant 4 : i32
        %mul3A_290 = arith.muli %add3A_288, %mul3A_289 : i32
        %add3A_291 = arith.addi %mul3A_290, %sub3A_135 : i32
        %mul3A_292 = arith.constant 10240 : i32
        %mul3A_293 = arith.muli %add3A_291, %mul3A_292 : i32
        %add3A_294 = arith.addi %mul3A_293, %mul3A_72 : i32
        %mul3A_295 = arith.constant 160 : i32
        %mul3A_296 = arith.muli %arg1, %mul3A_295 : i32
        %add3A_297 = arith.constant 0 : i32
        %add3A_298 = arith.addi %mul3A_296, %add3A_297 : i32
        "tpu.region"() ({
          %run_scoped3A = tpu.sem_alloc : memref<!tpu.dma_semaphore, #tpu.memory_space<semaphore_mem>>
          %dma_start3A_305 = arith.constant 0 : i32
          %dma_start3A_306 = arith.constant 0 : i32
          %dma_start3A_307 = tpu.memref_slice %arg15[%dma_start3A_305, %dma_start3A_306] : memref<80x128xf32, #tpu.memory_space<vmem>> -> memref<80x128xf32, #tpu.memory_space<vmem>>
          %dma_start3A_308 = arith.constant 0 : i32
          %dma_start3A_309 = tpu.memref_slice %arg17[%add3A_298, %dma_start3A_308] : memref<2816x128xf32, #tpu.memory_space<vmem_shared>> -> memref<80x128xf32, #tpu.memory_space<vmem_shared>>
          %dma_start3A_310 = arith.constant 0 : i32
          %dma_start3A_311 = arith.constant 0 : i32
          %dma_start3A_312 = tpu.memref_slice %arg15[%dma_start3A_310, %dma_start3A_311] : memref<80x128xf32, #tpu.memory_space<vmem>> -> memref<80x128xf32, #tpu.memory_space<vmem>>
          %dma_start3A_313 = arith.constant 0 : i32
          %dma_start3A_314 = tpu.memref_slice %arg17[%add3A_298, %dma_start3A_313] : memref<2816x128xf32, #tpu.memory_space<vmem_shared>> -> memref<80x128xf32, #tpu.memory_space<vmem_shared>>
          tpu.enqueue_dma source(%dma_start3A_314 : memref<80x128xf32, #tpu.memory_space<vmem_shared>>) target(%dma_start3A_312 : memref<80x128xf32, #tpu.memory_space<vmem>>) target_semaphore(%run_scoped3A : memref<!tpu.dma_semaphore, #tpu.memory_space<semaphore_mem>>)
          %dma_wait3A = arith.constant 0 : i32
          %dma_wait3A_315 = arith.constant 0 : i32
          %dma_wait3A_316 = tpu.memref_slice %arg15[%dma_wait3A, %dma_wait3A_315] : memref<80x128xf32, #tpu.memory_space<vmem>> -> memref<80x128xf32, #tpu.memory_space<vmem>>
          %dma_wait3A_317 = arith.constant 0 : i32
          %dma_wait3A_318 = tpu.memref_slice %arg17[%add3A_298, %dma_wait3A_317] : memref<2816x128xf32, #tpu.memory_space<vmem_shared>> -> memref<80x128xf32, #tpu.memory_space<vmem_shared>>
          %dma_wait3A_319 = arith.constant 0 : i32
          %dma_wait3A_320 = arith.constant 0 : i32
          %dma_wait3A_321 = tpu.memref_slice %arg15[%dma_wait3A_319, %dma_wait3A_320] : memref<80x128xf32, #tpu.memory_space<vmem>> -> memref<80x128xf32, #tpu.memory_space<vmem>>
          %dma_wait3A_322 = arith.constant 0 : i32
          %dma_wait3A_323 = tpu.memref_slice %arg17[%add3A_298, %dma_wait3A_322] : memref<2816x128xf32, #tpu.memory_space<vmem_shared>> -> memref<80x128xf32, #tpu.memory_space<vmem_shared>>
          tpu.wait_dma2 semaphore(%run_scoped3A : memref<!tpu.dma_semaphore, #tpu.memory_space<semaphore_mem>>) src(%dma_wait3A_323 : memref<80x128xf32, #tpu.memory_space<vmem_shared>>) dst(%dma_wait3A_321 : memref<80x128xf32, #tpu.memory_space<vmem>>)
          tpu.yield
        }) : () -> ()
        %add3A_299 = arith.addi %add3A_294, %add3A_298 : i32
        "tpu.region"() ({
          %run_scoped3A = tpu.sem_alloc : memref<!tpu.dma_semaphore, #tpu.memory_space<semaphore_mem>>
          %dma_start3A_305 = arith.constant 0 : i32
          %dma_start3A_306 = arith.constant 0 : i32
          %dma_start3A_307 = tpu.memref_slice %arg15[%dma_start3A_305, %dma_start3A_306] : memref<80x128xf32, #tpu.memory_space<vmem>> -> memref<80x128xf32, #tpu.memory_space<vmem>>
          %dma_start3A_308 = arith.constant 0 : i32
          %dma_start3A_309 = tpu.memref_slice %arg7[%add3A_299, %dma_start3A_308] : memref<266240x128xf32, #tpu.memory_space<hbm>> -> memref<80x128xf32, #tpu.memory_space<hbm>>
          %dma_start3A_310 = arith.constant 0 : i32
          %dma_start3A_311 = tpu.memref_slice %arg7[%add3A_299, %dma_start3A_310] : memref<266240x128xf32, #tpu.memory_space<hbm>> -> memref<80x128xf32, #tpu.memory_space<hbm>>
          %dma_start3A_312 = arith.constant 0 : i32
          %dma_start3A_313 = arith.constant 0 : i32
          %dma_start3A_314 = tpu.memref_slice %arg15[%dma_start3A_312, %dma_start3A_313] : memref<80x128xf32, #tpu.memory_space<vmem>> -> memref<80x128xf32, #tpu.memory_space<vmem>>
          tpu.enqueue_dma source(%dma_start3A_314 : memref<80x128xf32, #tpu.memory_space<vmem>>) target(%dma_start3A_311 : memref<80x128xf32, #tpu.memory_space<hbm>>) target_semaphore(%run_scoped3A : memref<!tpu.dma_semaphore, #tpu.memory_space<semaphore_mem>>)
          %dma_wait3A = arith.constant 0 : i32
          %dma_wait3A_315 = arith.constant 0 : i32
          %dma_wait3A_316 = tpu.memref_slice %arg15[%dma_wait3A, %dma_wait3A_315] : memref<80x128xf32, #tpu.memory_space<vmem>> -> memref<80x128xf32, #tpu.memory_space<vmem>>
          %dma_wait3A_317 = arith.constant 0 : i32
          %dma_wait3A_318 = tpu.memref_slice %arg7[%add3A_299, %dma_wait3A_317] : memref<266240x128xf32, #tpu.memory_space<hbm>> -> memref<80x128xf32, #tpu.memory_space<hbm>>
          %dma_wait3A_319 = arith.constant 0 : i32
          %dma_wait3A_320 = tpu.memref_slice %arg7[%add3A_299, %dma_wait3A_319] : memref<266240x128xf32, #tpu.memory_space<hbm>> -> memref<80x128xf32, #tpu.memory_space<hbm>>
          %dma_wait3A_321 = arith.constant 0 : i32
          %dma_wait3A_322 = arith.constant 0 : i32
          %dma_wait3A_323 = tpu.memref_slice %arg15[%dma_wait3A_321, %dma_wait3A_322] : memref<80x128xf32, #tpu.memory_space<vmem>> -> memref<80x128xf32, #tpu.memory_space<vmem>>
          tpu.wait_dma2 semaphore(%run_scoped3A : memref<!tpu.dma_semaphore, #tpu.memory_space<semaphore_mem>>) src(%dma_wait3A_323 : memref<80x128xf32, #tpu.memory_space<vmem>>) dst(%dma_wait3A_320 : memref<80x128xf32, #tpu.memory_space<hbm>>)
          tpu.yield
        }) : () -> ()
        %mul3A_300 = arith.constant 160 : i32
        %mul3A_301 = arith.muli %arg1, %mul3A_300 : i32
        %add3A_302 = arith.constant 80 : i32
        %add3A_303 = arith.addi %mul3A_301, %add3A_302 : i32
        "tpu.region"() ({
          %run_scoped3A = tpu.sem_alloc : memref<!tpu.dma_semaphore, #tpu.memory_space<semaphore_mem>>
          %dma_start3A_305 = arith.constant 0 : i32
          %dma_start3A_306 = arith.constant 0 : i32
          %dma_start3A_307 = tpu.memref_slice %arg15[%dma_start3A_305, %dma_start3A_306] : memref<80x128xf32, #tpu.memory_space<vmem>> -> memref<80x128xf32, #tpu.memory_space<vmem>>
          %dma_start3A_308 = arith.constant 0 : i32
          %dma_start3A_309 = tpu.memref_slice %arg17[%add3A_303, %dma_start3A_308] : memref<2816x128xf32, #tpu.memory_space<vmem_shared>> -> memref<80x128xf32, #tpu.memory_space<vmem_shared>>
          %dma_start3A_310 = arith.constant 0 : i32
          %dma_start3A_311 = arith.constant 0 : i32
          %dma_start3A_312 = tpu.memref_slice %arg15[%dma_start3A_310, %dma_start3A_311] : memref<80x128xf32, #tpu.memory_space<vmem>> -> memref<80x128xf32, #tpu.memory_space<vmem>>
          %dma_start3A_313 = arith.constant 0 : i32
          %dma_start3A_314 = tpu.memref_slice %arg17[%add3A_303, %dma_start3A_313] : memref<2816x128xf32, #tpu.memory_space<vmem_shared>> -> memref<80x128xf32, #tpu.memory_space<vmem_shared>>
          tpu.enqueue_dma source(%dma_start3A_314 : memref<80x128xf32, #tpu.memory_space<vmem_shared>>) target(%dma_start3A_312 : memref<80x128xf32, #tpu.memory_space<vmem>>) target_semaphore(%run_scoped3A : memref<!tpu.dma_semaphore, #tpu.memory_space<semaphore_mem>>)
          %dma_wait3A = arith.constant 0 : i32
          %dma_wait3A_315 = arith.constant 0 : i32
          %dma_wait3A_316 = tpu.memref_slice %arg15[%dma_wait3A, %dma_wait3A_315] : memref<80x128xf32, #tpu.memory_space<vmem>> -> memref<80x128xf32, #tpu.memory_space<vmem>>
          %dma_wait3A_317 = arith.constant 0 : i32
          %dma_wait3A_318 = tpu.memref_slice %arg17[%add3A_303, %dma_wait3A_317] : memref<2816x128xf32, #tpu.memory_space<vmem_shared>> -> memref<80x128xf32, #tpu.memory_space<vmem_shared>>
          %dma_wait3A_319 = arith.constant 0 : i32
          %dma_wait3A_320 = arith.constant 0 : i32
          %dma_wait3A_321 = tpu.memref_slice %arg15[%dma_wait3A_319, %dma_wait3A_320] : memref<80x128xf32, #tpu.memory_space<vmem>> -> memref<80x128xf32, #tpu.memory_space<vmem>>
          %dma_wait3A_322 = arith.constant 0 : i32
          %dma_wait3A_323 = tpu.memref_slice %arg17[%add3A_303, %dma_wait3A_322] : memref<2816x128xf32, #tpu.memory_space<vmem_shared>> -> memref<80x128xf32, #tpu.memory_space<vmem_shared>>
          tpu.wait_dma2 semaphore(%run_scoped3A : memref<!tpu.dma_semaphore, #tpu.memory_space<semaphore_mem>>) src(%dma_wait3A_323 : memref<80x128xf32, #tpu.memory_space<vmem_shared>>) dst(%dma_wait3A_321 : memref<80x128xf32, #tpu.memory_space<vmem>>)
          tpu.yield
        }) : () -> ()
        %add3A_304 = arith.addi %add3A_294, %add3A_303 : i32
        "tpu.region"() ({
          %run_scoped3A = tpu.sem_alloc : memref<!tpu.dma_semaphore, #tpu.memory_space<semaphore_mem>>
          %dma_start3A_305 = arith.constant 0 : i32
          %dma_start3A_306 = arith.constant 0 : i32
          %dma_start3A_307 = tpu.memref_slice %arg15[%dma_start3A_305, %dma_start3A_306] : memref<80x128xf32, #tpu.memory_space<vmem>> -> memref<80x128xf32, #tpu.memory_space<vmem>>
          %dma_start3A_308 = arith.constant 0 : i32
          %dma_start3A_309 = tpu.memref_slice %arg7[%add3A_304, %dma_start3A_308] : memref<266240x128xf32, #tpu.memory_space<hbm>> -> memref<80x128xf32, #tpu.memory_space<hbm>>
          %dma_start3A_310 = arith.constant 0 : i32
          %dma_start3A_311 = tpu.memref_slice %arg7[%add3A_304, %dma_start3A_310] : memref<266240x128xf32, #tpu.memory_space<hbm>> -> memref<80x128xf32, #tpu.memory_space<hbm>>
          %dma_start3A_312 = arith.constant 0 : i32
          %dma_start3A_313 = arith.constant 0 : i32
          %dma_start3A_314 = tpu.memref_slice %arg15[%dma_start3A_312, %dma_start3A_313] : memref<80x128xf32, #tpu.memory_space<vmem>> -> memref<80x128xf32, #tpu.memory_space<vmem>>
          tpu.enqueue_dma source(%dma_start3A_314 : memref<80x128xf32, #tpu.memory_space<vmem>>) target(%dma_start3A_311 : memref<80x128xf32, #tpu.memory_space<hbm>>) target_semaphore(%run_scoped3A : memref<!tpu.dma_semaphore, #tpu.memory_space<semaphore_mem>>)
          %dma_wait3A = arith.constant 0 : i32
          %dma_wait3A_315 = arith.constant 0 : i32
          %dma_wait3A_316 = tpu.memref_slice %arg15[%dma_wait3A, %dma_wait3A_315] : memref<80x128xf32, #tpu.memory_space<vmem>> -> memref<80x128xf32, #tpu.memory_space<vmem>>
          %dma_wait3A_317 = arith.constant 0 : i32
          %dma_wait3A_318 = tpu.memref_slice %arg7[%add3A_304, %dma_wait3A_317] : memref<266240x128xf32, #tpu.memory_space<hbm>> -> memref<80x128xf32, #tpu.memory_space<hbm>>
          %dma_wait3A_319 = arith.constant 0 : i32
          %dma_wait3A_320 = tpu.memref_slice %arg7[%add3A_304, %dma_wait3A_319] : memref<266240x128xf32, #tpu.memory_space<hbm>> -> memref<80x128xf32, #tpu.memory_space<hbm>>
          %dma_wait3A_321 = arith.constant 0 : i32
          %dma_wait3A_322 = arith.constant 0 : i32
          %dma_wait3A_323 = tpu.memref_slice %arg15[%dma_wait3A_321, %dma_wait3A_322] : memref<80x128xf32, #tpu.memory_space<vmem>> -> memref<80x128xf32, #tpu.memory_space<vmem>>
          tpu.wait_dma2 semaphore(%run_scoped3A : memref<!tpu.dma_semaphore, #tpu.memory_space<semaphore_mem>>) src(%dma_wait3A_323 : memref<80x128xf32, #tpu.memory_space<vmem>>) dst(%dma_wait3A_320 : memref<80x128xf32, #tpu.memory_space<hbm>>)
          tpu.yield
        }) : () -> ()
      }
      %scan3A_82 = arith.constant 12 : i32
      %mul3A_83 = arith.constant 176 : i32
      %mul3A_84 = arith.muli %arg1, %mul3A_83 : i32
      "tpu.region"() ({
        %run_scoped3A = tpu.sem_alloc : memref<!tpu.dma_semaphore, #tpu.memory_space<semaphore_mem>>
        %dma_start3A = arith.constant 0 : i32
        %dma_start3A_111 = tpu.memref_slice %arg17[%mul3A_84, %dma_start3A] : memref<2816x128xf32, #tpu.memory_space<vmem_shared>> -> memref<176x128xf32, #tpu.memory_space<vmem_shared>>
        %dma_start3A_112 = arith.constant 0 : i32
        %dma_start3A_113 = tpu.memref_slice %arg17[%mul3A_84, %dma_start3A_112] : memref<2816x128xf32, #tpu.memory_space<vmem_shared>> -> memref<176x128xf32, #tpu.memory_space<vmem_shared>>
        tpu.enqueue_dma source(%arg12 : memref<176x128xf32, #tpu.memory_space<vmem>>) target(%dma_start3A_113 : memref<176x128xf32, #tpu.memory_space<vmem_shared>>) target_semaphore(%run_scoped3A : memref<!tpu.dma_semaphore, #tpu.memory_space<semaphore_mem>>)
        %dma_wait3A = arith.constant 0 : i32
        %dma_wait3A_114 = tpu.memref_slice %arg17[%mul3A_84, %dma_wait3A] : memref<2816x128xf32, #tpu.memory_space<vmem_shared>> -> memref<176x128xf32, #tpu.memory_space<vmem_shared>>
        %dma_wait3A_115 = arith.constant 0 : i32
        %dma_wait3A_116 = tpu.memref_slice %arg17[%mul3A_84, %dma_wait3A_115] : memref<2816x128xf32, #tpu.memory_space<vmem_shared>> -> memref<176x128xf32, #tpu.memory_space<vmem_shared>>
        tpu.wait_dma2 semaphore(%run_scoped3A : memref<!tpu.dma_semaphore, #tpu.memory_space<semaphore_mem>>) src(%arg12 : memref<176x128xf32, #tpu.memory_space<vmem>>) dst(%dma_wait3A_116 : memref<176x128xf32, #tpu.memory_space<vmem_shared>>)
        tpu.yield
      }) : () -> ()
      %barrier3A = arith.constant 0 : index
      tpu.barrier barrier_id(%barrier3A)
      %scan3A_85 = arith.constant 0 : i32
      %scan3A_86 = arith.constant 128 : i32
      %scan3A_87 = arith.addi %scan3A_85, %scan3A_86 : i32
      %scan3A_88 = arith.constant 1 : i32
      scf.for %scan3A_111 = %scan3A_85 to %scan3A_87 step %scan3A_88  : i32 {
        %mul3A_112 = arith.constant 1 : i32
        %mul3A_113 = arith.muli %scan3A_111, %mul3A_112 : i32
        %add3A_114 = arith.constant 0 : i32
        %add3A_115 = arith.addi %add3A_114, %mul3A_113 : i32
        %swap3A_116 = arith.constant 0 : i32
        %swap3A_117 = arith.index_cast %swap3A_116 : i32 to index
        %swap3A_118 = arith.index_cast %add3A_115 : i32 to index
        %swap3A_119 = arith.constant 0 : index
        %swap3A_120 = tpu.vector_load %arg14[%swap3A_117, %swap3A_118, %swap3A_119] {strides = array<i32>} : memref<2x128x128xf32, #tpu.memory_space<vmem>>, vector<1x1x16xf32>,
        %swap3A_121 = vector.shape_cast %swap3A_120 : vector<1x1x16xf32> to vector<16xf32>
        %swap3A_122 = vector.shape_cast %broadcast_in_dim3A_10 : vector<16xf32> to vector<1x1x16xf32>
        tpu.vector_store %arg14[%swap3A_117, %swap3A_118, %swap3A_119], %swap3A_122 {strides = array<i32>} : memref<2x128x128xf32, #tpu.memory_space<vmem>>, vector<1x1x16xf32>,
        %swap3A_123 = arith.constant 0 : i32
        %swap3A_124 = arith.index_cast %swap3A_123 : i32 to index
        %swap3A_125 = arith.index_cast %add3A_115 : i32 to index
        %swap3A_126 = arith.constant 16 : index
        %swap3A_127 = tpu.vector_load %arg14[%swap3A_124, %swap3A_125, %swap3A_126] {strides = array<i32>} : memref<2x128x128xf32, #tpu.memory_space<vmem>>, vector<1x1x16xf32>,
        %swap3A_128 = vector.shape_cast %swap3A_127 : vector<1x1x16xf32> to vector<16xf32>
        %swap3A_129 = vector.shape_cast %broadcast_in_dim3A_10 : vector<16xf32> to vector<1x1x16xf32>
        tpu.vector_store %arg14[%swap3A_124, %swap3A_125, %swap3A_126], %swap3A_129 {strides = array<i32>} : memref<2x128x128xf32, #tpu.memory_space<vmem>>, vector<1x1x16xf32>,
        %swap3A_130 = arith.constant 0 : i32
        %swap3A_131 = arith.index_cast %swap3A_130 : i32 to index
        %swap3A_132 = arith.index_cast %add3A_115 : i32 to index
        %swap3A_133 = arith.constant 32 : index
        %swap3A_134 = tpu.vector_load %arg14[%swap3A_131, %swap3A_132, %swap3A_133] {strides = array<i32>} : memref<2x128x128xf32, #tpu.memory_space<vmem>>, vector<1x1x16xf32>,
        %swap3A_135 = vector.shape_cast %swap3A_134 : vector<1x1x16xf32> to vector<16xf32>
        %swap3A_136 = vector.shape_cast %broadcast_in_dim3A_10 : vector<16xf32> to vector<1x1x16xf32>
        tpu.vector_store %arg14[%swap3A_131, %swap3A_132, %swap3A_133], %swap3A_136 {strides = array<i32>} : memref<2x128x128xf32, #tpu.memory_space<vmem>>, vector<1x1x16xf32>,
        %swap3A_137 = arith.constant 0 : i32
        %swap3A_138 = arith.index_cast %swap3A_137 : i32 to index
        %swap3A_139 = arith.index_cast %add3A_115 : i32 to index
        %swap3A_140 = arith.constant 48 : index
        %swap3A_141 = tpu.vector_load %arg14[%swap3A_138, %swap3A_139, %swap3A_140] {strides = array<i32>} : memref<2x128x128xf32, #tpu.memory_space<vmem>>, vector<1x1x16xf32>,
        %swap3A_142 = vector.shape_cast %swap3A_141 : vector<1x1x16xf32> to vector<16xf32>
        %swap3A_143 = vector.shape_cast %broadcast_in_dim3A_10 : vector<16xf32> to vector<1x1x16xf32>
        tpu.vector_store %arg14[%swap3A_138, %swap3A_139, %swap3A_140], %swap3A_143 {strides = array<i32>} : memref<2x128x128xf32, #tpu.memory_space<vmem>>, vector<1x1x16xf32>,
        %swap3A_144 = arith.constant 0 : i32
        %swap3A_145 = arith.index_cast %swap3A_144 : i32 to index
        %swap3A_146 = arith.index_cast %add3A_115 : i32 to index
        %swap3A_147 = arith.constant 64 : index
        %swap3A_148 = tpu.vector_load %arg14[%swap3A_145, %swap3A_146, %swap3A_147] {strides = array<i32>} : memref<2x128x128xf32, #tpu.memory_space<vmem>>, vector<1x1x16xf32>,
        %swap3A_149 = vector.shape_cast %swap3A_148 : vector<1x1x16xf32> to vector<16xf32>
        %swap3A_150 = vector.shape_cast %broadcast_in_dim3A_10 : vector<16xf32> to vector<1x1x16xf32>
        tpu.vector_store %arg14[%swap3A_145, %swap3A_146, %swap3A_147], %swap3A_150 {strides = array<i32>} : memref<2x128x128xf32, #tpu.memory_space<vmem>>, vector<1x1x16xf32>,
        %swap3A_151 = arith.constant 0 : i32
        %swap3A_152 = arith.index_cast %swap3A_151 : i32 to index
        %swap3A_153 = arith.index_cast %add3A_115 : i32 to index
        %swap3A_154 = arith.constant 80 : index
        %swap3A_155 = tpu.vector_load %arg14[%swap3A_152, %swap3A_153, %swap3A_154] {strides = array<i32>} : memref<2x128x128xf32, #tpu.memory_space<vmem>>, vector<1x1x16xf32>,
        %swap3A_156 = vector.shape_cast %swap3A_155 : vector<1x1x16xf32> to vector<16xf32>
        %swap3A_157 = vector.shape_cast %broadcast_in_dim3A_10 : vector<16xf32> to vector<1x1x16xf32>
        tpu.vector_store %arg14[%swap3A_152, %swap3A_153, %swap3A_154], %swap3A_157 {strides = array<i32>} : memref<2x128x128xf32, #tpu.memory_space<vmem>>, vector<1x1x16xf32>,
        %swap3A_158 = arith.constant 0 : i32
        %swap3A_159 = arith.index_cast %swap3A_158 : i32 to index
        %swap3A_160 = arith.index_cast %add3A_115 : i32 to index
        %swap3A_161 = arith.constant 96 : index
        %swap3A_162 = tpu.vector_load %arg14[%swap3A_159, %swap3A_160, %swap3A_161] {strides = array<i32>} : memref<2x128x128xf32, #tpu.memory_space<vmem>>, vector<1x1x16xf32>,
        %swap3A_163 = vector.shape_cast %swap3A_162 : vector<1x1x16xf32> to vector<16xf32>
        %swap3A_164 = vector.shape_cast %broadcast_in_dim3A_10 : vector<16xf32> to vector<1x1x16xf32>
        tpu.vector_store %arg14[%swap3A_159, %swap3A_160, %swap3A_161], %swap3A_164 {strides = array<i32>} : memref<2x128x128xf32, #tpu.memory_space<vmem>>, vector<1x1x16xf32>,
        %swap3A_165 = arith.constant 0 : i32
        %swap3A_166 = arith.index_cast %swap3A_165 : i32 to index
        %swap3A_167 = arith.index_cast %add3A_115 : i32 to index
        %swap3A_168 = arith.constant 112 : index
        %swap3A_169 = tpu.vector_load %arg14[%swap3A_166, %swap3A_167, %swap3A_168] {strides = array<i32>} : memref<2x128x128xf32, #tpu.memory_space<vmem>>, vector<1x1x16xf32>,
        %swap3A_170 = vector.shape_cast %swap3A_169 : vector<1x1x16xf32> to vector<16xf32>
        %swap3A_171 = vector.shape_cast %broadcast_in_dim3A_10 : vector<16xf32> to vector<1x1x16xf32>
        tpu.vector_store %arg14[%swap3A_166, %swap3A_167, %swap3A_168], %swap3A_171 {strides = array<i32>} : memref<2x128x128xf32, #tpu.memory_space<vmem>>, vector<1x1x16xf32>,
      }
      %scan3A_89 = arith.constant 128 : i32
      %scan3A_90 = arith.constant 0 : i32
      %scan3A_91 = arith.constant 37 : i32
      %scan3A_92 = arith.addi %scan3A_90, %scan3A_91 : i32
      %scan3A_93 = arith.constant 1 : i32
      scf.for %scan3A_111 = %scan3A_90 to %scan3A_92 step %scan3A_93  : i32 {
        %mul3A_112 = arith.constant 1 : i32
        %mul3A_113 = arith.muli %scan3A_111, %mul3A_112 : i32
        %add3A_114 = arith.constant 0 : i32
        %add3A_115 = arith.addi %add3A_114, %mul3A_113 : i32
        %run_scoped3A = arith.constant 0 : i32
        "tpu.region"() ({
          %run_scoped3A_116 = tpu.sem_alloc : memref<!tpu.dma_semaphore, #tpu.memory_space<semaphore_mem>>
          %dma_start3A = arith.constant 0 : i32
          %dma_start3A_117 = arith.constant 0 : i32
          %dma_start3A_118 = tpu.memref_slice %arg14[%run_scoped3A, %dma_start3A, %dma_start3A_117] : memref<2x128x128xf32, #tpu.memory_space<vmem>> -> memref<1x128x128xf32, #tpu.memory_space<vmem>>
          %dma_start3A_119 = tpu.memref_squeeze %dma_start3A_118 : memref<1x128x128xf32, #tpu.memory_space<vmem>> -> memref<128x128xf32, #tpu.memory_space<vmem>>
          %dma_start3A_120 = arith.constant 0 : i32
          %dma_start3A_121 = tpu.memref_slice %arg11[%add3A_115, %dma_start3A_120] : memref<37x128xi32, #tpu.memory_space<vmem>> -> memref<1x128xi32, #tpu.memory_space<vmem>>
          %dma_start3A_122 = tpu.memref_squeeze %dma_start3A_121 : memref<1x128xi32, #tpu.memory_space<vmem>> -> memref<128xi32, #tpu.memory_space<vmem>>
          %dma_start3A_123 = arith.constant 0 : i32
          %dma_start3A_124 = arith.constant 0 : i32
          %dma_start3A_125 = tpu.memref_slice %arg17[%dma_start3A_123, %dma_start3A_124] : memref<2816x128xf32, #tpu.memory_space<vmem_shared>> -> memref<2816x128xf32, #tpu.memory_space<vmem_shared>>
          tpu.enqueue_indirect_dma source(%dma_start3A_119 : memref<128x128xf32, #tpu.memory_space<vmem>>) target(%dma_start3A_125 : memref<2816x128xf32, #tpu.memory_space<vmem_shared>>) offsets(%dma_start3A_122 : memref<128xi32, #tpu.memory_space<vmem>>) semaphore(%run_scoped3A_116 : memref<!tpu.dma_semaphore, #tpu.memory_space<semaphore_mem>>) {add = true}
          %dma_wait3A = arith.constant 0 : i32
          %dma_wait3A_126 = arith.constant 0 : i32
          %dma_wait3A_127 = tpu.memref_slice %arg14[%run_scoped3A, %dma_wait3A, %dma_wait3A_126] : memref<2x128x128xf32, #tpu.memory_space<vmem>> -> memref<1x128x128xf32, #tpu.memory_space<vmem>>
          %dma_wait3A_128 = tpu.memref_squeeze %dma_wait3A_127 : memref<1x128x128xf32, #tpu.memory_space<vmem>> -> memref<128x128xf32, #tpu.memory_space<vmem>>
          %dma_wait3A_129 = arith.constant 0 : i32
          %dma_wait3A_130 = tpu.memref_slice %arg11[%add3A_115, %dma_wait3A_129] : memref<37x128xi32, #tpu.memory_space<vmem>> -> memref<1x128xi32, #tpu.memory_space<vmem>>
          %dma_wait3A_131 = tpu.memref_squeeze %dma_wait3A_130 : memref<1x128xi32, #tpu.memory_space<vmem>> -> memref<128xi32, #tpu.memory_space<vmem>>
          %dma_wait3A_132 = arith.constant 0 : i32
          %dma_wait3A_133 = arith.constant 0 : i32
          %dma_wait3A_134 = tpu.memref_slice %arg17[%dma_wait3A_132, %dma_wait3A_133] : memref<2816x128xf32, #tpu.memory_space<vmem_shared>> -> memref<2816x128xf32, #tpu.memory_space<vmem_shared>>
          tpu.wait_indirect_dma semaphore(%run_scoped3A_116 : memref<!tpu.dma_semaphore, #tpu.memory_space<semaphore_mem>>) src(%dma_wait3A_128 : memref<128x128xf32, #tpu.memory_space<vmem>>) dst(%dma_wait3A_134 : memref<2816x128xf32, #tpu.memory_space<vmem_shared>>)
          tpu.yield
        }) : () -> ()
      }
      %scan3A_94 = arith.constant 37 : i32
      %barrier3A_95 = arith.constant 0 : index
      tpu.barrier barrier_id(%barrier3A_95)
      %add3A_96 = arith.constant 24 : i32
      %add3A_97 = arith.addi %add3A_96, %arg0 : i32
      %mul3A_98 = arith.constant 10240 : i32
      %mul3A_99 = arith.muli %add3A_97, %mul3A_98 : i32
      %add3A_100 = arith.addi %mul3A_99, %mul3A_72 : i32
      %mul3A_101 = arith.constant 160 : i32
      %mul3A_102 = arith.muli %arg1, %mul3A_101 : i32
      %add3A_103 = arith.constant 0 : i32
      %add3A_104 = arith.addi %mul3A_102, %add3A_103 : i32
      "tpu.region"() ({
        %run_scoped3A = tpu.sem_alloc : memref<!tpu.dma_semaphore, #tpu.memory_space<semaphore_mem>>
        %dma_start3A = arith.constant 0 : i32
        %dma_start3A_111 = arith.constant 0 : i32
        %dma_start3A_112 = tpu.memref_slice %arg15[%dma_start3A, %dma_start3A_111] : memref<80x128xf32, #tpu.memory_space<vmem>> -> memref<80x128xf32, #tpu.memory_space<vmem>>
        %dma_start3A_113 = arith.constant 0 : i32
        %dma_start3A_114 = tpu.memref_slice %arg17[%add3A_104, %dma_start3A_113] : memref<2816x128xf32, #tpu.memory_space<vmem_shared>> -> memref<80x128xf32, #tpu.memory_space<vmem_shared>>
        %dma_start3A_115 = arith.constant 0 : i32
        %dma_start3A_116 = arith.constant 0 : i32
        %dma_start3A_117 = tpu.memref_slice %arg15[%dma_start3A_115, %dma_start3A_116] : memref<80x128xf32, #tpu.memory_space<vmem>> -> memref<80x128xf32, #tpu.memory_space<vmem>>
        %dma_start3A_118 = arith.constant 0 : i32
        %dma_start3A_119 = tpu.memref_slice %arg17[%add3A_104, %dma_start3A_118] : memref<2816x128xf32, #tpu.memory_space<vmem_shared>> -> memref<80x128xf32, #tpu.memory_space<vmem_shared>>
        tpu.enqueue_dma source(%dma_start3A_119 : memref<80x128xf32, #tpu.memory_space<vmem_shared>>) target(%dma_start3A_117 : memref<80x128xf32, #tpu.memory_space<vmem>>) target_semaphore(%run_scoped3A : memref<!tpu.dma_semaphore, #tpu.memory_space<semaphore_mem>>)
        %dma_wait3A = arith.constant 0 : i32
        %dma_wait3A_120 = arith.constant 0 : i32
        %dma_wait3A_121 = tpu.memref_slice %arg15[%dma_wait3A, %dma_wait3A_120] : memref<80x128xf32, #tpu.memory_space<vmem>> -> memref<80x128xf32, #tpu.memory_space<vmem>>
        %dma_wait3A_122 = arith.constant 0 : i32
        %dma_wait3A_123 = tpu.memref_slice %arg17[%add3A_104, %dma_wait3A_122] : memref<2816x128xf32, #tpu.memory_space<vmem_shared>> -> memref<80x128xf32, #tpu.memory_space<vmem_shared>>
        %dma_wait3A_124 = arith.constant 0 : i32
        %dma_wait3A_125 = arith.constant 0 : i32
        %dma_wait3A_126 = tpu.memref_slice %arg15[%dma_wait3A_124, %dma_wait3A_125] : memref<80x128xf32, #tpu.memory_space<vmem>> -> memref<80x128xf32, #tpu.memory_space<vmem>>
        %dma_wait3A_127 = arith.constant 0 : i32
        %dma_wait3A_128 = tpu.memref_slice %arg17[%add3A_104, %dma_wait3A_127] : memref<2816x128xf32, #tpu.memory_space<vmem_shared>> -> memref<80x128xf32, #tpu.memory_space<vmem_shared>>
        tpu.wait_dma2 semaphore(%run_scoped3A : memref<!tpu.dma_semaphore, #tpu.memory_space<semaphore_mem>>) src(%dma_wait3A_128 : memref<80x128xf32, #tpu.memory_space<vmem_shared>>) dst(%dma_wait3A_126 : memref<80x128xf32, #tpu.memory_space<vmem>>)
        tpu.yield
      }) : () -> ()
      %add3A_105 = arith.addi %add3A_100, %add3A_104 : i32
      "tpu.region"() ({
        %run_scoped3A = tpu.sem_alloc : memref<!tpu.dma_semaphore, #tpu.memory_space<semaphore_mem>>
        %dma_start3A = arith.constant 0 : i32
        %dma_start3A_111 = arith.constant 0 : i32
        %dma_start3A_112 = tpu.memref_slice %arg15[%dma_start3A, %dma_start3A_111] : memref<80x128xf32, #tpu.memory_space<vmem>> -> memref<80x128xf32, #tpu.memory_space<vmem>>
        %dma_start3A_113 = arith.constant 0 : i32
        %dma_start3A_114 = tpu.memref_slice %arg7[%add3A_105, %dma_start3A_113] : memref<266240x128xf32, #tpu.memory_space<hbm>> -> memref<80x128xf32, #tpu.memory_space<hbm>>
        %dma_start3A_115 = arith.constant 0 : i32
        %dma_start3A_116 = tpu.memref_slice %arg7[%add3A_105, %dma_start3A_115] : memref<266240x128xf32, #tpu.memory_space<hbm>> -> memref<80x128xf32, #tpu.memory_space<hbm>>
        %dma_start3A_117 = arith.constant 0 : i32
        %dma_start3A_118 = arith.constant 0 : i32
        %dma_start3A_119 = tpu.memref_slice %arg15[%dma_start3A_117, %dma_start3A_118] : memref<80x128xf32, #tpu.memory_space<vmem>> -> memref<80x128xf32, #tpu.memory_space<vmem>>
        tpu.enqueue_dma source(%dma_start3A_119 : memref<80x128xf32, #tpu.memory_space<vmem>>) target(%dma_start3A_116 : memref<80x128xf32, #tpu.memory_space<hbm>>) target_semaphore(%run_scoped3A : memref<!tpu.dma_semaphore, #tpu.memory_space<semaphore_mem>>)
        %dma_wait3A = arith.constant 0 : i32
        %dma_wait3A_120 = arith.constant 0 : i32
        %dma_wait3A_121 = tpu.memref_slice %arg15[%dma_wait3A, %dma_wait3A_120] : memref<80x128xf32, #tpu.memory_space<vmem>> -> memref<80x128xf32, #tpu.memory_space<vmem>>
        %dma_wait3A_122 = arith.constant 0 : i32
        %dma_wait3A_123 = tpu.memref_slice %arg7[%add3A_105, %dma_wait3A_122] : memref<266240x128xf32, #tpu.memory_space<hbm>> -> memref<80x128xf32, #tpu.memory_space<hbm>>
        %dma_wait3A_124 = arith.constant 0 : i32
        %dma_wait3A_125 = tpu.memref_slice %arg7[%add3A_105, %dma_wait3A_124] : memref<266240x128xf32, #tpu.memory_space<hbm>> -> memref<80x128xf32, #tpu.memory_space<hbm>>
        %dma_wait3A_126 = arith.constant 0 : i32
        %dma_wait3A_127 = arith.constant 0 : i32
        %dma_wait3A_128 = tpu.memref_slice %arg15[%dma_wait3A_126, %dma_wait3A_127] : memref<80x128xf32, #tpu.memory_space<vmem>> -> memref<80x128xf32, #tpu.memory_space<vmem>>
        tpu.wait_dma2 semaphore(%run_scoped3A : memref<!tpu.dma_semaphore, #tpu.memory_space<semaphore_mem>>) src(%dma_wait3A_128 : memref<80x128xf32, #tpu.memory_space<vmem>>) dst(%dma_wait3A_125 : memref<80x128xf32, #tpu.memory_space<hbm>>)
        tpu.yield
      }) : () -> ()
      %mul3A_106 = arith.constant 160 : i32
      %mul3A_107 = arith.muli %arg1, %mul3A_106 : i32
      %add3A_108 = arith.constant 80 : i32
      %add3A_109 = arith.addi %mul3A_107, %add3A_108 : i32
      "tpu.region"() ({
        %run_scoped3A = tpu.sem_alloc : memref<!tpu.dma_semaphore, #tpu.memory_space<semaphore_mem>>
        %dma_start3A = arith.constant 0 : i32
        %dma_start3A_111 = arith.constant 0 : i32
        %dma_start3A_112 = tpu.memref_slice %arg15[%dma_start3A, %dma_start3A_111] : memref<80x128xf32, #tpu.memory_space<vmem>> -> memref<80x128xf32, #tpu.memory_space<vmem>>
        %dma_start3A_113 = arith.constant 0 : i32
        %dma_start3A_114 = tpu.memref_slice %arg17[%add3A_109, %dma_start3A_113] : memref<2816x128xf32, #tpu.memory_space<vmem_shared>> -> memref<80x128xf32, #tpu.memory_space<vmem_shared>>
        %dma_start3A_115 = arith.constant 0 : i32
        %dma_start3A_116 = arith.constant 0 : i32
        %dma_start3A_117 = tpu.memref_slice %arg15[%dma_start3A_115, %dma_start3A_116] : memref<80x128xf32, #tpu.memory_space<vmem>> -> memref<80x128xf32, #tpu.memory_space<vmem>>
        %dma_start3A_118 = arith.constant 0 : i32
        %dma_start3A_119 = tpu.memref_slice %arg17[%add3A_109, %dma_start3A_118] : memref<2816x128xf32, #tpu.memory_space<vmem_shared>> -> memref<80x128xf32, #tpu.memory_space<vmem_shared>>
        tpu.enqueue_dma source(%dma_start3A_119 : memref<80x128xf32, #tpu.memory_space<vmem_shared>>) target(%dma_start3A_117 : memref<80x128xf32, #tpu.memory_space<vmem>>) target_semaphore(%run_scoped3A : memref<!tpu.dma_semaphore, #tpu.memory_space<semaphore_mem>>)
        %dma_wait3A = arith.constant 0 : i32
        %dma_wait3A_120 = arith.constant 0 : i32
        %dma_wait3A_121 = tpu.memref_slice %arg15[%dma_wait3A, %dma_wait3A_120] : memref<80x128xf32, #tpu.memory_space<vmem>> -> memref<80x128xf32, #tpu.memory_space<vmem>>
        %dma_wait3A_122 = arith.constant 0 : i32
        %dma_wait3A_123 = tpu.memref_slice %arg17[%add3A_109, %dma_wait3A_122] : memref<2816x128xf32, #tpu.memory_space<vmem_shared>> -> memref<80x128xf32, #tpu.memory_space<vmem_shared>>
        %dma_wait3A_124 = arith.constant 0 : i32
        %dma_wait3A_125 = arith.constant 0 : i32
        %dma_wait3A_126 = tpu.memref_slice %arg15[%dma_wait3A_124, %dma_wait3A_125] : memref<80x128xf32, #tpu.memory_space<vmem>> -> memref<80x128xf32, #tpu.memory_space<vmem>>
        %dma_wait3A_127 = arith.constant 0 : i32
        %dma_wait3A_128 = tpu.memref_slice %arg17[%add3A_109, %dma_wait3A_127] : memref<2816x128xf32, #tpu.memory_space<vmem_shared>> -> memref<80x128xf32, #tpu.memory_space<vmem_shared>>
        tpu.wait_dma2 semaphore(%run_scoped3A : memref<!tpu.dma_semaphore, #tpu.memory_space<semaphore_mem>>) src(%dma_wait3A_128 : memref<80x128xf32, #tpu.memory_space<vmem_shared>>) dst(%dma_wait3A_126 : memref<80x128xf32, #tpu.memory_space<vmem>>)
        tpu.yield
      }) : () -> ()
      %add3A_110 = arith.addi %add3A_100, %add3A_109 : i32
      "tpu.region"() ({
        %run_scoped3A = tpu.sem_alloc : memref<!tpu.dma_semaphore, #tpu.memory_space<semaphore_mem>>
        %dma_start3A = arith.constant 0 : i32
        %dma_start3A_111 = arith.constant 0 : i32
        %dma_start3A_112 = tpu.memref_slice %arg15[%dma_start3A, %dma_start3A_111] : memref<80x128xf32, #tpu.memory_space<vmem>> -> memref<80x128xf32, #tpu.memory_space<vmem>>
        %dma_start3A_113 = arith.constant 0 : i32
        %dma_start3A_114 = tpu.memref_slice %arg7[%add3A_110, %dma_start3A_113] : memref<266240x128xf32, #tpu.memory_space<hbm>> -> memref<80x128xf32, #tpu.memory_space<hbm>>
        %dma_start3A_115 = arith.constant 0 : i32
        %dma_start3A_116 = tpu.memref_slice %arg7[%add3A_110, %dma_start3A_115] : memref<266240x128xf32, #tpu.memory_space<hbm>> -> memref<80x128xf32, #tpu.memory_space<hbm>>
        %dma_start3A_117 = arith.constant 0 : i32
        %dma_start3A_118 = arith.constant 0 : i32
        %dma_start3A_119 = tpu.memref_slice %arg15[%dma_start3A_117, %dma_start3A_118] : memref<80x128xf32, #tpu.memory_space<vmem>> -> memref<80x128xf32, #tpu.memory_space<vmem>>
        tpu.enqueue_dma source(%dma_start3A_119 : memref<80x128xf32, #tpu.memory_space<vmem>>) target(%dma_start3A_116 : memref<80x128xf32, #tpu.memory_space<hbm>>) target_semaphore(%run_scoped3A : memref<!tpu.dma_semaphore, #tpu.memory_space<semaphore_mem>>)
        %dma_wait3A = arith.constant 0 : i32
        %dma_wait3A_120 = arith.constant 0 : i32
        %dma_wait3A_121 = tpu.memref_slice %arg15[%dma_wait3A, %dma_wait3A_120] : memref<80x128xf32, #tpu.memory_space<vmem>> -> memref<80x128xf32, #tpu.memory_space<vmem>>
        %dma_wait3A_122 = arith.constant 0 : i32
        %dma_wait3A_123 = tpu.memref_slice %arg7[%add3A_110, %dma_wait3A_122] : memref<266240x128xf32, #tpu.memory_space<hbm>> -> memref<80x128xf32, #tpu.memory_space<hbm>>
        %dma_wait3A_124 = arith.constant 0 : i32
        %dma_wait3A_125 = tpu.memref_slice %arg7[%add3A_110, %dma_wait3A_124] : memref<266240x128xf32, #tpu.memory_space<hbm>> -> memref<80x128xf32, #tpu.memory_space<hbm>>
        %dma_wait3A_126 = arith.constant 0 : i32
        %dma_wait3A_127 = arith.constant 0 : i32
        %dma_wait3A_128 = tpu.memref_slice %arg15[%dma_wait3A_126, %dma_wait3A_127] : memref<80x128xf32, #tpu.memory_space<vmem>> -> memref<80x128xf32, #tpu.memory_space<vmem>>
        tpu.wait_dma2 semaphore(%run_scoped3A : memref<!tpu.dma_semaphore, #tpu.memory_space<semaphore_mem>>) src(%dma_wait3A_128 : memref<80x128xf32, #tpu.memory_space<vmem>>) dst(%dma_wait3A_125 : memref<80x128xf32, #tpu.memory_space<hbm>>)
        tpu.yield
      }) : () -> ()
    }
    %scan3A_66 = arith.constant 4 : i32
    return
  }
}

#map = affine_map<(d0, d1) -> (0, 0)>
#map1 = affine_map<(d0, d1) -> (0)>
module attributes {stable_mosaic.version = 14 : i64} {
  func.func @_sc_body(%arg0: i32, %arg1: i32, %arg2: memref<163840x128xf32, #tpu.memory_space<hbm>>, %arg3: memref<75000xi32, #tpu.memory_space<hbm>>, %arg4: memref<75000xi32, #tpu.memory_space<hbm>>, %arg5: memref<75000xi32, #tpu.memory_space<hbm>>, %arg6: memref<75000xi32, #tpu.memory_space<hbm>>, %arg7: memref<266240x128xf32, #tpu.memory_space<hbm>>, %arg8: memref<4688xi32, #tpu.memory_space<vmem>>, %arg9: memref<4688xi32, #tpu.memory_space<vmem>>, %arg10: memref<37x128xi32, #tpu.memory_space<vmem>>, %arg11: memref<37x128xi32, #tpu.memory_space<vmem>>, %arg12: memref<176x128xf32, #tpu.memory_space<vmem>>, %arg13: memref<2x128xi32, #tpu.memory_space<vmem>>, %arg14: memref<2x128x128xf32, #tpu.memory_space<vmem>>, %arg15: memref<80x128xf32, #tpu.memory_space<vmem>>, %arg16: memref<!tpu.dma_semaphore, #tpu.memory_space<semaphore_mem>>, %arg17: memref<2816x128xf32, #tpu.memory_space<vmem_shared>>) attributes {dimension_semantics = [#tpu.dimension_semantics<core_parallel>, #tpu.dimension_semantics<subcore_parallel>], iteration_bounds = array<i64: 2, 16>, scalar_prefetch = 0 : i64, scratch_operands = 10 : i64, tpu.core_type = #tpu.core_type<sc_vector_subcore>, window_params = [{transform_indices = #map}, {transform_indices = #map1}, {transform_indices = #map1}, {transform_indices = #map1}, {transform_indices = #map1}, {transform_indices = #map}]} {
    %mul3A = arith.constant 4688 : i32
    %mul3A_0 = arith.muli %arg1, %mul3A : i32
    %min3A = arith.constant 70312 : i32
    %min3A_1 = arith.minsi %mul3A_0, %min3A : i32
    %mul3A_2 = arith.constant 4688 : i32
    %mul3A_3 = arith.muli %arg1, %mul3A_2 : i32
    %sub3A = arith.subi %mul3A_3, %min3A_1 : i32
    %iota3A = tpu.iota {dimensions = array<i32: 0>} : vector<16xi32>
    %broadcast_in_dim3A = arith.constant 0.000000e+00 : f32
    %broadcast_in_dim3A_4 = vector.broadcast %broadcast_in_dim3A : f32 to vector<16xf32>
    %broadcast_in_dim3A_5 = arith.constant 0 : i32
    %broadcast_in_dim3A_6 = vector.broadcast %broadcast_in_dim3A_5 : i32 to vector<16xi32>
    %broadcast_in_dim3A_7 = arith.constant 2560 : i32
    %broadcast_in_dim3A_8 = vector.broadcast %broadcast_in_dim3A_7 : i32 to vector<16xi32>
    %broadcast_in_dim3A_9 = arith.constant 1.000000e+00 : f32
    %broadcast_in_dim3A_10 = vector.broadcast %broadcast_in_dim3A_9 : f32 to vector<16xf32>
    %eq3A = arith.constant 0 : i32
    %eq3A_11 = arith.cmpi eq, %arg0, %eq3A : i32
    %convert_element_type3A = arith.extui %eq3A_11 : i1 to i32
    %cond3A = arith.constant 0 : i32
    %cond3A_12 = arith.cmpi ne, %convert_element_type3A, %cond3A : i32
    scf.if %cond3A_12 {
      "tpu.region"() ({
        %run_scoped3A = tpu.sem_alloc : memref<!tpu.dma_semaphore, #tpu.memory_space<semaphore_mem>>
        %dma_start3A = tpu.memref_slice %arg3[%min3A_1] : memref<75000xi32, #tpu.memory_space<hbm>> -> memref<4688xi32, #tpu.memory_space<hbm>>
        %dma_start3A_67 = tpu.memref_slice %arg3[%min3A_1] : memref<75000xi32, #tpu.memory_space<hbm>> -> memref<4688xi32, #tpu.memory_space<hbm>>
        tpu.enqueue_dma source(%dma_start3A_67 : memref<4688xi32, #tpu.memory_space<hbm>>) target(%arg8 : memref<4688xi32, #tpu.memory_space<vmem>>) target_semaphore(%run_scoped3A : memref<!tpu.dma_semaphore, #tpu.memory_space<semaphore_mem>>)
        %dma_wait3A = tpu.memref_slice %arg3[%min3A_1] : memref<75000xi32, #tpu.memory_space<hbm>> -> memref<4688xi32, #tpu.memory_space<hbm>>
        %dma_wait3A_68 = tpu.memref_slice %arg3[%min3A_1] : memref<75000xi32, #tpu.memory_space<hbm>> -> memref<4688xi32, #tpu.memory_space<hbm>>
        tpu.wait_dma2 semaphore(%run_scoped3A : memref<!tpu.dma_semaphore, #tpu.memory_space<semaphore_mem>>) src(%dma_wait3A_68 : memref<4688xi32, #tpu.memory_space<hbm>>) dst(%arg8 : memref<4688xi32, #tpu.memory_space<vmem>>)
        tpu.yield
      }) : () -> ()
      "tpu.region"() ({
        %run_scoped3A = tpu.sem_alloc : memref<!tpu.dma_semaphore, #tpu.memory_space<semaphore_mem>>
        %dma_start3A = tpu.memref_slice %arg4[%min3A_1] : memref<75000xi32, #tpu.memory_space<hbm>> -> memref<4688xi32, #tpu.memory_space<hbm>>
        %dma_start3A_67 = tpu.memref_slice %arg4[%min3A_1] : memref<75000xi32, #tpu.memory_space<hbm>> -> memref<4688xi32, #tpu.memory_space<hbm>>
        tpu.enqueue_dma source(%dma_start3A_67 : memref<4688xi32, #tpu.memory_space<hbm>>) target(%arg9 : memref<4688xi32, #tpu.memory_space<vmem>>) target_semaphore(%run_scoped3A : memref<!tpu.dma_semaphore, #tpu.memory_space<semaphore_mem>>)
        %dma_wait3A = tpu.memref_slice %arg4[%min3A_1] : memref<75000xi32, #tpu.memory_space<hbm>> -> memref<4688xi32, #tpu.memory_space<hbm>>
        %dma_wait3A_68 = tpu.memref_slice %arg4[%min3A_1] : memref<75000xi32, #tpu.memory_space<hbm>> -> memref<4688xi32, #tpu.memory_space<hbm>>
        tpu.wait_dma2 semaphore(%run_scoped3A : memref<!tpu.dma_semaphore, #tpu.memory_space<semaphore_mem>>) src(%dma_wait3A_68 : memref<4688xi32, #tpu.memory_space<hbm>>) dst(%arg9 : memref<4688xi32, #tpu.memory_space<vmem>>)
        tpu.yield
      }) : () -> ()
    } else {
    }
    %eq3A_13 = arith.constant 1 : i32
    %eq3A_14 = arith.cmpi eq, %arg0, %eq3A_13 : i32
    %convert_element_type3A_15 = arith.extui %eq3A_14 : i1 to i32
    %cond3A_16 = arith.constant 0 : i32
    %cond3A_17 = arith.cmpi ne, %convert_element_type3A_15, %cond3A_16 : i32
    scf.if %cond3A_17 {
      "tpu.region"() ({
        %run_scoped3A = tpu.sem_alloc : memref<!tpu.dma_semaphore, #tpu.memory_space<semaphore_mem>>
        %dma_start3A = tpu.memref_slice %arg5[%min3A_1] : memref<75000xi32, #tpu.memory_space<hbm>> -> memref<4688xi32, #tpu.memory_space<hbm>>
        %dma_start3A_67 = tpu.memref_slice %arg5[%min3A_1] : memref<75000xi32, #tpu.memory_space<hbm>> -> memref<4688xi32, #tpu.memory_space<hbm>>
        tpu.enqueue_dma source(%dma_start3A_67 : memref<4688xi32, #tpu.memory_space<hbm>>) target(%arg8 : memref<4688xi32, #tpu.memory_space<vmem>>) target_semaphore(%run_scoped3A : memref<!tpu.dma_semaphore, #tpu.memory_space<semaphore_mem>>)
        %dma_wait3A = tpu.memref_slice %arg5[%min3A_1] : memref<75000xi32, #tpu.memory_space<hbm>> -> memref<4688xi32, #tpu.memory_space<hbm>>
        %dma_wait3A_68 = tpu.memref_slice %arg5[%min3A_1] : memref<75000xi32, #tpu.memory_space<hbm>> -> memref<4688xi32, #tpu.memory_space<hbm>>
        tpu.wait_dma2 semaphore(%run_scoped3A : memref<!tpu.dma_semaphore, #tpu.memory_space<semaphore_mem>>) src(%dma_wait3A_68 : memref<4688xi32, #tpu.memory_space<hbm>>) dst(%arg8 : memref<4688xi32, #tpu.memory_space<vmem>>)
        tpu.yield
      }) : () -> ()
      "tpu.region"() ({
        %run_scoped3A = tpu.sem_alloc : memref<!tpu.dma_semaphore, #tpu.memory_space<semaphore_mem>>
        %dma_start3A = tpu.memref_slice %arg6[%min3A_1] : memref<75000xi32, #tpu.memory_space<hbm>> -> memref<4688xi32, #tpu.memory_space<hbm>>
        %dma_start3A_67 = tpu.memref_slice %arg6[%min3A_1] : memref<75000xi32, #tpu.memory_space<hbm>> -> memref<4688xi32, #tpu.memory_space<hbm>>
        tpu.enqueue_dma source(%dma_start3A_67 : memref<4688xi32, #tpu.memory_space<hbm>>) target(%arg9 : memref<4688xi32, #tpu.memory_space<vmem>>) target_semaphore(%run_scoped3A : memref<!tpu.dma_semaphore, #tpu.memory_space<semaphore_mem>>)
        %dma_wait3A = tpu.memref_slice %arg6[%min3A_1] : memref<75000xi32, #tpu.memory_space<hbm>> -> memref<4688xi32, #tpu.memory_space<hbm>>
        %dma_wait3A_68 = tpu.memref_slice %arg6[%min3A_1] : memref<75000xi32, #tpu.memory_space<hbm>> -> memref<4688xi32, #tpu.memory_space<hbm>>
        tpu.wait_dma2 semaphore(%run_scoped3A : memref<!tpu.dma_semaphore, #tpu.memory_space<semaphore_mem>>) src(%dma_wait3A_68 : memref<4688xi32, #tpu.memory_space<hbm>>) dst(%arg9 : memref<4688xi32, #tpu.memory_space<vmem>>)
        tpu.yield
      }) : () -> ()
    } else {
    }
    %scan3A = arith.constant 0 : i32
    %scan3A_18 = arith.constant 176 : i32
    %scan3A_19 = arith.addi %scan3A, %scan3A_18 : i32
    %scan3A_20 = arith.constant 1 : i32
    scf.for %scan3A_67 = %scan3A to %scan3A_19 step %scan3A_20  : i32 {
      %mul3A_68 = arith.constant 1 : i32
      %mul3A_69 = arith.muli %scan3A_67, %mul3A_68 : i32
      %add3A = arith.constant 0 : i32
      %add3A_70 = arith.addi %add3A, %mul3A_69 : i32
      %swap3A_71 = arith.index_cast %add3A_70 : i32 to index
      %swap3A_72 = arith.constant 0 : index
      %swap3A_73 = tpu.vector_load %arg12[%swap3A_71, %swap3A_72] {strides = array<i32>} : memref<176x128xf32, #tpu.memory_space<vmem>>, vector<1x16xf32>,
      %swap3A_74 = vector.shape_cast %swap3A_73 : vector<1x16xf32> to vector<16xf32>
      %swap3A_75 = vector.shape_cast %broadcast_in_dim3A_4 : vector<16xf32> to vector<1x16xf32>
      tpu.vector_store %arg12[%swap3A_71, %swap3A_72], %swap3A_75 {strides = array<i32>} : memref<176x128xf32, #tpu.memory_space<vmem>>, vector<1x16xf32>,
      %swap3A_76 = arith.index_cast %add3A_70 : i32 to index
      %swap3A_77 = arith.constant 16 : index
      %swap3A_78 = tpu.vector_load %arg12[%swap3A_76, %swap3A_77] {strides = array<i32>} : memref<176x128xf32, #tpu.memory_space<vmem>>, vector<1x16xf32>,
      %swap3A_79 = vector.shape_cast %swap3A_78 : vector<1x16xf32> to vector<16xf32>
      %swap3A_80 = vector.shape_cast %broadcast_in_dim3A_4 : vector<16xf32> to vector<1x16xf32>
      tpu.vector_store %arg12[%swap3A_76, %swap3A_77], %swap3A_80 {strides = array<i32>} : memref<176x128xf32, #tpu.memory_space<vmem>>, vector<1x16xf32>,
      %swap3A_81 = arith.index_cast %add3A_70 : i32 to index
      %swap3A_82 = arith.constant 32 : index
      %swap3A_83 = tpu.vector_load %arg12[%swap3A_81, %swap3A_82] {strides = array<i32>} : memref<176x128xf32, #tpu.memory_space<vmem>>, vector<1x16xf32>,
      %swap3A_84 = vector.shape_cast %swap3A_83 : vector<1x16xf32> to vector<16xf32>
      %swap3A_85 = vector.shape_cast %broadcast_in_dim3A_4 : vector<16xf32> to vector<1x16xf32>
      tpu.vector_store %arg12[%swap3A_81, %swap3A_82], %swap3A_85 {strides = array<i32>} : memref<176x128xf32, #tpu.memory_space<vmem>>, vector<1x16xf32>,
      %swap3A_86 = arith.index_cast %add3A_70 : i32 to index
      %swap3A_87 = arith.constant 48 : index
      %swap3A_88 = tpu.vector_load %arg12[%swap3A_86, %swap3A_87] {strides = array<i32>} : memref<176x128xf32, #tpu.memory_space<vmem>>, vector<1x16xf32>,
      %swap3A_89 = vector.shape_cast %swap3A_88 : vector<1x16xf32> to vector<16xf32>
      %swap3A_90 = vector.shape_cast %broadcast_in_dim3A_4 : vector<16xf32> to vector<1x16xf32>
      tpu.vector_store %arg12[%swap3A_86, %swap3A_87], %swap3A_90 {strides = array<i32>} : memref<176x128xf32, #tpu.memory_space<vmem>>, vector<1x16xf32>,
      %swap3A_91 = arith.index_cast %add3A_70 : i32 to index
      %swap3A_92 = arith.constant 64 : index
      %swap3A_93 = tpu.vector_load %arg12[%swap3A_91, %swap3A_92] {strides = array<i32>} : memref<176x128xf32, #tpu.memory_space<vmem>>, vector<1x16xf32>,
      %swap3A_94 = vector.shape_cast %swap3A_93 : vector<1x16xf32> to vector<16xf32>
      %swap3A_95 = vector.shape_cast %broadcast_in_dim3A_4 : vector<16xf32> to vector<1x16xf32>
      tpu.vector_store %arg12[%swap3A_91, %swap3A_92], %swap3A_95 {strides = array<i32>} : memref<176x128xf32, #tpu.memory_space<vmem>>, vector<1x16xf32>,
      %swap3A_96 = arith.index_cast %add3A_70 : i32 to index
      %swap3A_97 = arith.constant 80 : index
      %swap3A_98 = tpu.vector_load %arg12[%swap3A_96, %swap3A_97] {strides = array<i32>} : memref<176x128xf32, #tpu.memory_space<vmem>>, vector<1x16xf32>,
      %swap3A_99 = vector.shape_cast %swap3A_98 : vector<1x16xf32> to vector<16xf32>
      %swap3A_100 = vector.shape_cast %broadcast_in_dim3A_4 : vector<16xf32> to vector<1x16xf32>
      tpu.vector_store %arg12[%swap3A_96, %swap3A_97], %swap3A_100 {strides = array<i32>} : memref<176x128xf32, #tpu.memory_space<vmem>>, vector<1x16xf32>,
      %swap3A_101 = arith.index_cast %add3A_70 : i32 to index
      %swap3A_102 = arith.constant 96 : index
      %swap3A_103 = tpu.vector_load %arg12[%swap3A_101, %swap3A_102] {strides = array<i32>} : memref<176x128xf32, #tpu.memory_space<vmem>>, vector<1x16xf32>,
      %swap3A_104 = vector.shape_cast %swap3A_103 : vector<1x16xf32> to vector<16xf32>
      %swap3A_105 = vector.shape_cast %broadcast_in_dim3A_4 : vector<16xf32> to vector<1x16xf32>
      tpu.vector_store %arg12[%swap3A_101, %swap3A_102], %swap3A_105 {strides = array<i32>} : memref<176x128xf32, #tpu.memory_space<vmem>>, vector<1x16xf32>,
      %swap3A_106 = arith.index_cast %add3A_70 : i32 to index
      %swap3A_107 = arith.constant 112 : index
      %swap3A_108 = tpu.vector_load %arg12[%swap3A_106, %swap3A_107] {strides = array<i32>} : memref<176x128xf32, #tpu.memory_space<vmem>>, vector<1x16xf32>,
      %swap3A_109 = vector.shape_cast %swap3A_108 : vector<1x16xf32> to vector<16xf32>
      %swap3A_110 = vector.shape_cast %broadcast_in_dim3A_4 : vector<16xf32> to vector<1x16xf32>
      tpu.vector_store %arg12[%swap3A_106, %swap3A_107], %swap3A_110 {strides = array<i32>} : memref<176x128xf32, #tpu.memory_space<vmem>>, vector<1x16xf32>,
    }
    %scan3A_21 = arith.constant 176 : i32
    %scan3A_22 = arith.constant 0 : i32
    %scan3A_23 = arith.constant 293 : i32
    %scan3A_24 = arith.addi %scan3A_22, %scan3A_23 : i32
    %scan3A_25 = arith.constant 1 : i32
    scf.for %scan3A_67 = %scan3A_22 to %scan3A_24 step %scan3A_25  : i32 {
      %mul3A_68 = arith.constant 1 : i32
      %mul3A_69 = arith.muli %scan3A_67, %mul3A_68 : i32
      %add3A = arith.constant 0 : i32
      %add3A_70 = arith.addi %add3A, %mul3A_69 : i32
      %jit3A = arith.constant 8 : i32
      %div3A = arith.divsi %add3A_70, %jit3A : i32
      %sign3A = arith.constant 0 : i32
      %sign3A_71 = arith.cmpi sgt, %add3A_70, %sign3A : i32
      %sign3A_72 = arith.extui %sign3A_71 : i1 to i32
      %sign3A_73 = arith.constant 0 : i32
      %sign3A_74 = arith.cmpi slt, %add3A_70, %sign3A_73 : i32
      %sign3A_75 = arith.extui %sign3A_74 : i1 to i32
      %sign3A_76 = arith.subi %sign3A_72, %sign3A_75 : i32
      %sign3A_77 = arith.constant 0 : i32
      %sign3A_78 = arith.cmpi sgt, %jit3A, %sign3A_77 : i32
      %sign3A_79 = arith.extui %sign3A_78 : i1 to i32
      %sign3A_80 = arith.constant 0 : i32
      %sign3A_81 = arith.cmpi slt, %jit3A, %sign3A_80 : i32
      %sign3A_82 = arith.extui %sign3A_81 : i1 to i32
      %sign3A_83 = arith.subi %sign3A_79, %sign3A_82 : i32
      %ne3A = arith.cmpi ne, %sign3A_76, %sign3A_83 : i32
      %rem3A = arith.remsi %add3A_70, %jit3A : i32
      %ne3A_84 = arith.constant 0 : i32
      %ne3A_85 = arith.cmpi ne, %rem3A, %ne3A_84 : i32
      %and3A = arith.andi %ne3A, %ne3A_85 : i1
      %sub3A_86 = arith.constant 1 : i32
      %sub3A_87 = arith.subi %div3A, %sub3A_86 : i32
      %select_n3A = arith.select %and3A, %sub3A_87, %div3A : i32
      %mul3A_88 = arith.constant 8 : i32
      %mul3A_89 = arith.muli %select_n3A, %mul3A_88 : i32
      %sub3A_90 = arith.subi %add3A_70, %mul3A_89 : i32
      %mul3A_91 = arith.constant 16 : i32
      %mul3A_92 = arith.muli %sub3A_90, %mul3A_91 : i32
      %mul3A_93 = arith.constant 16 : i32
      %mul3A_94 = arith.muli %add3A_70, %mul3A_93 : i32
      %get3A = arith.index_cast %mul3A_94 : i32 to index
      %get3A_95 = tpu.vector_load %arg8[%get3A] {strides = array<i32>} : memref<4688xi32, #tpu.memory_space<vmem>>, vector<16xi32>,
      %get3A_96 = vector.shape_cast %get3A_95 : vector<16xi32> to vector<16xi32>
      %swap3A_97 = arith.index_cast %select_n3A : i32 to index
      %swap3A_98 = arith.index_cast %mul3A_92 : i32 to index
      %swap3A_99 = tpu.vector_load %arg10[%swap3A_97, %swap3A_98] {strides = array<i32>} : memref<37x128xi32, #tpu.memory_space<vmem>>, vector<1x16xi32>,
      %swap3A_100 = vector.shape_cast %swap3A_99 : vector<1x16xi32> to vector<16xi32>
      %swap3A_101 = vector.shape_cast %get3A_96 : vector<16xi32> to vector<1x16xi32>
      tpu.vector_store %arg10[%swap3A_97, %swap3A_98], %swap3A_101 {strides = array<i32>} : memref<37x128xi32, #tpu.memory_space<vmem>>, vector<1x16xi32>,
    }
    %scan3A_26 = arith.constant 293 : i32
    %swap3A = arith.constant 36 : i32
    %swap3A_27 = arith.index_cast %swap3A : i32 to index
    %swap3A_28 = arith.constant 80 : index
    %swap3A_29 = tpu.vector_load %arg10[%swap3A_27, %swap3A_28] {strides = array<i32>} : memref<37x128xi32, #tpu.memory_space<vmem>>, vector<1x16xi32>,
    %swap3A_30 = vector.shape_cast %swap3A_29 : vector<1x16xi32> to vector<16xi32>
    %swap3A_31 = vector.shape_cast %broadcast_in_dim3A_6 : vector<16xi32> to vector<1x16xi32>
    tpu.vector_store %arg10[%swap3A_27, %swap3A_28], %swap3A_31 {strides = array<i32>} : memref<37x128xi32, #tpu.memory_space<vmem>>, vector<1x16xi32>,
    %swap3A_32 = arith.constant 36 : i32
    %swap3A_33 = arith.index_cast %swap3A_32 : i32 to index
    %swap3A_34 = arith.constant 80 : index
    %swap3A_35 = tpu.vector_load %arg11[%swap3A_33, %swap3A_34] {strides = array<i32>} : memref<37x128xi32, #tpu.memory_space<vmem>>, vector<1x16xi32>,
    %swap3A_36 = vector.shape_cast %swap3A_35 : vector<1x16xi32> to vector<16xi32>
    %swap3A_37 = vector.shape_cast %broadcast_in_dim3A_8 : vector<16xi32> to vector<1x16xi32>
    tpu.vector_store %arg11[%swap3A_33, %swap3A_34], %swap3A_37 {strides = array<i32>} : memref<37x128xi32, #tpu.memory_space<vmem>>, vector<1x16xi32>,
    %swap3A_38 = arith.constant 36 : i32
    %swap3A_39 = arith.index_cast %swap3A_38 : i32 to index
    %swap3A_40 = arith.constant 96 : index
    %swap3A_41 = tpu.vector_load %arg10[%swap3A_39, %swap3A_40] {strides = array<i32>} : memref<37x128xi32, #tpu.memory_space<vmem>>, vector<1x16xi32>,
    %swap3A_42 = vector.shape_cast %swap3A_41 : vector<1x16xi32> to vector<16xi32>
    %swap3A_43 = vector.shape_cast %broadcast_in_dim3A_6 : vector<16xi32> to vector<1x16xi32>
    tpu.vector_store %arg10[%swap3A_39, %swap3A_40], %swap3A_43 {strides = array<i32>} : memref<37x128xi32, #tpu.memory_space<vmem>>, vector<1x16xi32>,
    %swap3A_44 = arith.constant 36 : i32
    %swap3A_45 = arith.index_cast %swap3A_44 : i32 to index
    %swap3A_46 = arith.constant 96 : index
    %swap3A_47 = tpu.vector_load %arg11[%swap3A_45, %swap3A_46] {strides = array<i32>} : memref<37x128xi32, #tpu.memory_space<vmem>>, vector<1x16xi32>,
    %swap3A_48 = vector.shape_cast %swap3A_47 : vector<1x16xi32> to vector<16xi32>
    %swap3A_49 = vector.shape_cast %broadcast_in_dim3A_8 : vector<16xi32> to vector<1x16xi32>
    tpu.vector_store %arg11[%swap3A_45, %swap3A_46], %swap3A_49 {strides = array<i32>} : memref<37x128xi32, #tpu.memory_space<vmem>>, vector<1x16xi32>,
    %swap3A_50 = arith.constant 36 : i32
    %swap3A_51 = arith.index_cast %swap3A_50 : i32 to index
    %swap3A_52 = arith.constant 112 : index
    %swap3A_53 = tpu.vector_load %arg10[%swap3A_51, %swap3A_52] {strides = array<i32>} : memref<37x128xi32, #tpu.memory_space<vmem>>, vector<1x16xi32>,
    %swap3A_54 = vector.shape_cast %swap3A_53 : vector<1x16xi32> to vector<16xi32>
    %swap3A_55 = vector.shape_cast %broadcast_in_dim3A_6 : vector<16xi32> to vector<1x16xi32>
    tpu.vector_store %arg10[%swap3A_51, %swap3A_52], %swap3A_55 {strides = array<i32>} : memref<37x128xi32, #tpu.memory_space<vmem>>, vector<1x16xi32>,
    %swap3A_56 = arith.constant 36 : i32
    %swap3A_57 = arith.index_cast %swap3A_56 : i32 to index
    %swap3A_58 = arith.constant 112 : index
    %swap3A_59 = tpu.vector_load %arg11[%swap3A_57, %swap3A_58] {strides = array<i32>} : memref<37x128xi32, #tpu.memory_space<vmem>>, vector<1x16xi32>,
    %swap3A_60 = vector.shape_cast %swap3A_59 : vector<1x16xi32> to vector<16xi32>
    %swap3A_61 = vector.shape_cast %broadcast_in_dim3A_8 : vector<16xi32> to vector<1x16xi32>
    tpu.vector_store %arg11[%swap3A_57, %swap3A_58], %swap3A_61 {strides = array<i32>} : memref<37x128xi32, #tpu.memory_space<vmem>>, vector<1x16xi32>,
    %scan3A_62 = arith.constant 0 : i32
    %scan3A_63 = arith.constant 4 : i32
    %scan3A_64 = arith.addi %scan3A_62, %scan3A_63 : i32
    %scan3A_65 = arith.constant 1 : i32
    scf.for %scan3A_67 = %scan3A_62 to %scan3A_64 step %scan3A_65  : i32 {
      %mul3A_68 = arith.constant 1 : i32
      %mul3A_69 = arith.muli %scan3A_67, %mul3A_68 : i32
      %add3A = arith.constant 0 : i32
      %add3A_70 = arith.addi %add3A, %mul3A_69 : i32
      %mul3A_71 = arith.constant 2560 : i32
      %mul3A_72 = arith.muli %add3A_70, %mul3A_71 : i32
      %scan3A_73 = arith.constant 0 : i32
      %scan3A_74 = arith.constant 293 : i32
      %scan3A_75 = arith.addi %scan3A_73, %scan3A_74 : i32
      %scan3A_76 = arith.constant 1 : i32
      scf.for %scan3A_111 = %scan3A_73 to %scan3A_75 step %scan3A_76  : i32 {
        %mul3A_112 = arith.constant 1 : i32
        %mul3A_113 = arith.muli %scan3A_111, %mul3A_112 : i32
        %add3A_114 = arith.constant 0 : i32
        %add3A_115 = arith.addi %add3A_114, %mul3A_113 : i32
        %mul3A_116 = arith.constant 16 : i32
        %mul3A_117 = arith.muli %add3A_115, %mul3A_116 : i32
        %get3A = arith.index_cast %mul3A_117 : i32 to index
        %get3A_118 = tpu.vector_load %arg9[%get3A] {strides = array<i32>} : memref<4688xi32, #tpu.memory_space<vmem>>, vector<16xi32>,
        %get3A_119 = vector.shape_cast %get3A_118 : vector<16xi32> to vector<16xi32>
        %mul3A_120 = arith.constant 16 : i32
        %mul3A_121 = arith.muli %add3A_115, %mul3A_120 : i32
        %add3A_122 = vector.broadcast %mul3A_121 : i32 to vector<16xi32>
        %add3A_123 = arith.addi %iota3A, %add3A_122 : vector<16xi32>
        %ge3A = vector.broadcast %sub3A : i32 to vector<16xi32>
        %ge3A_124 = arith.cmpi sge, %add3A_123, %ge3A : vector<16xi32>
        %ge3A_125 = vector.broadcast %mul3A_72 : i32 to vector<16xi32>
        %ge3A_126 = arith.cmpi sge, %get3A_119, %ge3A_125 : vector<16xi32>
        %and3A = arith.andi %ge3A_124, %ge3A_126 : vector<16xi1>
        %add3A_127 = arith.constant 2560 : i32
        %add3A_128 = arith.addi %mul3A_72, %add3A_127 : i32
        %lt3A = vector.broadcast %add3A_128 : i32 to vector<16xi32>
        %lt3A_129 = arith.cmpi slt, %get3A_119, %lt3A : vector<16xi32>
        %and3A_130 = arith.andi %and3A, %lt3A_129 : vector<16xi1>
        %jit3A = arith.constant 8 : i32
        %div3A = arith.divsi %add3A_115, %jit3A : i32
        %sign3A = arith.constant 0 : i32
        %sign3A_131 = arith.cmpi sgt, %add3A_115, %sign3A : i32
        %sign3A_132 = arith.extui %sign3A_131 : i1 to i32
        %sign3A_133 = arith.constant 0 : i32
        %sign3A_134 = arith.cmpi slt, %add3A_115, %sign3A_133 : i32
        %sign3A_135 = arith.extui %sign3A_134 : i1 to i32
        %sign3A_136 = arith.subi %sign3A_132, %sign3A_135 : i32
        %sign3A_137 = arith.constant 0 : i32
        %sign3A_138 = arith.cmpi sgt, %jit3A, %sign3A_137 : i32
        %sign3A_139 = arith.extui %sign3A_138 : i1 to i32
        %sign3A_140 = arith.constant 0 : i32
        %sign3A_141 = arith.cmpi slt, %jit3A, %sign3A_140 : i32
        %sign3A_142 = arith.extui %sign3A_141 : i1 to i32
        %sign3A_143 = arith.subi %sign3A_139, %sign3A_142 : i32
        %ne3A = arith.cmpi ne, %sign3A_136, %sign3A_143 : i32
        %rem3A = arith.remsi %add3A_115, %jit3A : i32
        %ne3A_144 = arith.constant 0 : i32
        %ne3A_145 = arith.cmpi ne, %rem3A, %ne3A_144 : i32
        %and3A_146 = arith.andi %ne3A, %ne3A_145 : i1
        %sub3A_147 = arith.constant 1 : i32
        %sub3A_148 = arith.subi %div3A, %sub3A_147 : i32
        %select_n3A = arith.select %and3A_146, %sub3A_148, %div3A : i32
        %mul3A_149 = arith.constant 8 : i32
        %mul3A_150 = arith.muli %select_n3A, %mul3A_149 : i32
        %sub3A_151 = arith.subi %add3A_115, %mul3A_150 : i32
        %mul3A_152 = arith.constant 16 : i32
        %mul3A_153 = arith.muli %sub3A_151, %mul3A_152 : i32
        %sub3A_154 = vector.broadcast %mul3A_72 : i32 to vector<16xi32>
        %sub3A_155 = arith.subi %get3A_119, %sub3A_154 : vector<16xi32>
        %jit3A_156 = arith.constant 2560 : i32
        %broadcast_in_dim3A_157 = vector.broadcast %jit3A_156 : i32 to vector<16xi32>
        %select_n3A_158 = arith.select %and3A_130, %sub3A_155, %broadcast_in_dim3A_157 : vector<16xi1>, vector<16xi32>
        %swap3A_159 = arith.index_cast %select_n3A : i32 to index
        %swap3A_160 = arith.index_cast %mul3A_153 : i32 to index
        %swap3A_161 = tpu.vector_load %arg11[%swap3A_159, %swap3A_160] {strides = array<i32>} : memref<37x128xi32, #tpu.memory_space<vmem>>, vector<1x16xi32>,
        %swap3A_162 = vector.shape_cast %swap3A_161 : vector<1x16xi32> to vector<16xi32>
        %swap3A_163 = vector.shape_cast %select_n3A_158 : vector<16xi32> to vector<1x16xi32>
        tpu.vector_store %arg11[%swap3A_159, %swap3A_160], %swap3A_163 {strides = array<i32>} : memref<37x128xi32, #tpu.memory_space<vmem>>, vector<1x16xi32>,
      }
      %scan3A_77 = arith.constant 293 : i32
      %scan3A_78 = arith.constant 0 : i32
      %scan3A_79 = arith.constant 12 : i32
      %scan3A_80 = arith.addi %scan3A_78, %scan3A_79 : i32
      %scan3A_81 = arith.constant 1 : i32
      scf.for %scan3A_111 = %scan3A_78 to %scan3A_80 step %scan3A_81  : i32 {
        %mul3A_112 = arith.constant 1 : i32
        %mul3A_113 = arith.muli %scan3A_111, %mul3A_112 : i32
        %add3A_114 = arith.constant 0 : i32
        %add3A_115 = arith.addi %add3A_114, %mul3A_113 : i32
        %jit3A = arith.constant 4 : i32
        %div3A = arith.divsi %add3A_115, %jit3A : i32
        %sign3A = arith.constant 0 : i32
        %sign3A_116 = arith.cmpi sgt, %add3A_115, %sign3A : i32
        %sign3A_117 = arith.extui %sign3A_116 : i1 to i32
        %sign3A_118 = arith.constant 0 : i32
        %sign3A_119 = arith.cmpi slt, %add3A_115, %sign3A_118 : i32
        %sign3A_120 = arith.extui %sign3A_119 : i1 to i32
        %sign3A_121 = arith.subi %sign3A_117, %sign3A_120 : i32
        %sign3A_122 = arith.constant 0 : i32
        %sign3A_123 = arith.cmpi sgt, %jit3A, %sign3A_122 : i32
        %sign3A_124 = arith.extui %sign3A_123 : i1 to i32
        %sign3A_125 = arith.constant 0 : i32
        %sign3A_126 = arith.cmpi slt, %jit3A, %sign3A_125 : i32
        %sign3A_127 = arith.extui %sign3A_126 : i1 to i32
        %sign3A_128 = arith.subi %sign3A_124, %sign3A_127 : i32
        %ne3A = arith.cmpi ne, %sign3A_121, %sign3A_128 : i32
        %rem3A = arith.remsi %add3A_115, %jit3A : i32
        %ne3A_129 = arith.constant 0 : i32
        %ne3A_130 = arith.cmpi ne, %rem3A, %ne3A_129 : i32
        %and3A = arith.andi %ne3A, %ne3A_130 : i1
        %sub3A_131 = arith.constant 1 : i32
        %sub3A_132 = arith.subi %div3A, %sub3A_131 : i32
        %select_n3A = arith.select %and3A, %sub3A_132, %div3A : i32
        %mul3A_133 = arith.constant 4 : i32
        %mul3A_134 = arith.muli %select_n3A, %mul3A_133 : i32
        %sub3A_135 = arith.subi %add3A_115, %mul3A_134 : i32
        %mul3A_136 = arith.constant 176 : i32
        %mul3A_137 = arith.muli %arg1, %mul3A_136 : i32
        "tpu.region"() ({
          %run_scoped3A = tpu.sem_alloc : memref<!tpu.dma_semaphore, #tpu.memory_space<semaphore_mem>>
          %dma_start3A_305 = arith.constant 0 : i32
          %dma_start3A_306 = tpu.memref_slice %arg17[%mul3A_137, %dma_start3A_305] : memref<2816x128xf32, #tpu.memory_space<vmem_shared>> -> memref<176x128xf32, #tpu.memory_space<vmem_shared>>
          %dma_start3A_307 = arith.constant 0 : i32
          %dma_start3A_308 = tpu.memref_slice %arg17[%mul3A_137, %dma_start3A_307] : memref<2816x128xf32, #tpu.memory_space<vmem_shared>> -> memref<176x128xf32, #tpu.memory_space<vmem_shared>>
          tpu.enqueue_dma source(%arg12 : memref<176x128xf32, #tpu.memory_space<vmem>>) target(%dma_start3A_308 : memref<176x128xf32, #tpu.memory_space<vmem_shared>>) target_semaphore(%run_scoped3A : memref<!tpu.dma_semaphore, #tpu.memory_space<semaphore_mem>>)
          %dma_wait3A = arith.constant 0 : i32
          %dma_wait3A_309 = tpu.memref_slice %arg17[%mul3A_137, %dma_wait3A] : memref<2816x128xf32, #tpu.memory_space<vmem_shared>> -> memref<176x128xf32, #tpu.memory_space<vmem_shared>>
          %dma_wait3A_310 = arith.constant 0 : i32
          %dma_wait3A_311 = tpu.memref_slice %arg17[%mul3A_137, %dma_wait3A_310] : memref<2816x128xf32, #tpu.memory_space<vmem_shared>> -> memref<176x128xf32, #tpu.memory_space<vmem_shared>>
          tpu.wait_dma2 semaphore(%run_scoped3A : memref<!tpu.dma_semaphore, #tpu.memory_space<semaphore_mem>>) src(%arg12 : memref<176x128xf32, #tpu.memory_space<vmem>>) dst(%dma_wait3A_311 : memref<176x128xf32, #tpu.memory_space<vmem_shared>>)
          tpu.yield
        }) : () -> ()
        %barrier3A_138 = arith.constant 0 : index
        tpu.barrier barrier_id(%barrier3A_138)
        %mul3A_139 = arith.constant 40960 : i32
        %mul3A_140 = arith.muli %select_n3A, %mul3A_139 : i32
        %add3A_141 = arith.addi %mul3A_140, %sub3A_135 : i32
        %get3A = arith.constant 0 : i32
        %get3A_142 = arith.index_cast %get3A : i32 to index
        %get3A_143 = arith.constant 0 : index
        %get3A_144 = tpu.vector_load %arg10[%get3A_142, %get3A_143] {strides = array<i32>} : memref<37x128xi32, #tpu.memory_space<vmem>>, vector<1x16xi32>,
        %get3A_145 = vector.shape_cast %get3A_144 : vector<1x16xi32> to vector<16xi32>
        %mul3A_146 = arith.constant 4 : i32
        %mul3A_147 = vector.broadcast %mul3A_146 : i32 to vector<16xi32>
        %mul3A_148 = arith.muli %get3A_145, %mul3A_147 : vector<16xi32>
        %add3A_149 = vector.broadcast %add3A_141 : i32 to vector<16xi32>
        %add3A_150 = arith.addi %mul3A_148, %add3A_149 : vector<16xi32>
        %swap3A_151 = arith.constant 0 : i32
        %swap3A_152 = arith.index_cast %swap3A_151 : i32 to index
        %swap3A_153 = arith.constant 0 : index
        %swap3A_154 = tpu.vector_load %arg13[%swap3A_152, %swap3A_153] {strides = array<i32>} : memref<2x128xi32, #tpu.memory_space<vmem>>, vector<1x16xi32>,
        %swap3A_155 = vector.shape_cast %swap3A_154 : vector<1x16xi32> to vector<16xi32>
        %swap3A_156 = vector.shape_cast %add3A_150 : vector<16xi32> to vector<1x16xi32>
        tpu.vector_store %arg13[%swap3A_152, %swap3A_153], %swap3A_156 {strides = array<i32>} : memref<2x128xi32, #tpu.memory_space<vmem>>, vector<1x16xi32>,
        %get3A_157 = arith.constant 0 : i32
        %get3A_158 = arith.index_cast %get3A_157 : i32 to index
        %get3A_159 = arith.constant 16 : index
        %get3A_160 = tpu.vector_load %arg10[%get3A_158, %get3A_159] {strides = array<i32>} : memref<37x128xi32, #tpu.memory_space<vmem>>, vector<1x16xi32>,
        %get3A_161 = vector.shape_cast %get3A_160 : vector<1x16xi32> to vector<16xi32>
        %mul3A_162 = arith.constant 4 : i32
        %mul3A_163 = vector.broadcast %mul3A_162 : i32 to vector<16xi32>
        %mul3A_164 = arith.muli %get3A_161, %mul3A_163 : vector<16xi32>
        %add3A_165 = vector.broadcast %add3A_141 : i32 to vector<16xi32>
        %add3A_166 = arith.addi %mul3A_164, %add3A_165 : vector<16xi32>
        %swap3A_167 = arith.constant 0 : i32
        %swap3A_168 = arith.index_cast %swap3A_167 : i32 to index
        %swap3A_169 = arith.constant 16 : index
        %swap3A_170 = tpu.vector_load %arg13[%swap3A_168, %swap3A_169] {strides = array<i32>} : memref<2x128xi32, #tpu.memory_space<vmem>>, vector<1x16xi32>,
        %swap3A_171 = vector.shape_cast %swap3A_170 : vector<1x16xi32> to vector<16xi32>
        %swap3A_172 = vector.shape_cast %add3A_166 : vector<16xi32> to vector<1x16xi32>
        tpu.vector_store %arg13[%swap3A_168, %swap3A_169], %swap3A_172 {strides = array<i32>} : memref<2x128xi32, #tpu.memory_space<vmem>>, vector<1x16xi32>,
        %get3A_173 = arith.constant 0 : i32
        %get3A_174 = arith.index_cast %get3A_173 : i32 to index
        %get3A_175 = arith.constant 32 : index
        %get3A_176 = tpu.vector_load %arg10[%get3A_174, %get3A_175] {strides = array<i32>} : memref<37x128xi32, #tpu.memory_space<vmem>>, vector<1x16xi32>,
        %get3A_177 = vector.shape_cast %get3A_176 : vector<1x16xi32> to vector<16xi32>
        %mul3A_178 = arith.constant 4 : i32
        %mul3A_179 = vector.broadcast %mul3A_178 : i32 to vector<16xi32>
        %mul3A_180 = arith.muli %get3A_177, %mul3A_179 : vector<16xi32>
        %add3A_181 = vector.broadcast %add3A_141 : i32 to vector<16xi32>
        %add3A_182 = arith.addi %mul3A_180, %add3A_181 : vector<16xi32>
        %swap3A_183 = arith.constant 0 : i32
        %swap3A_184 = arith.index_cast %swap3A_183 : i32 to index
        %swap3A_185 = arith.constant 32 : index
        %swap3A_186 = tpu.vector_load %arg13[%swap3A_184, %swap3A_185] {strides = array<i32>} : memref<2x128xi32, #tpu.memory_space<vmem>>, vector<1x16xi32>,
        %swap3A_187 = vector.shape_cast %swap3A_186 : vector<1x16xi32> to vector<16xi32>
        %swap3A_188 = vector.shape_cast %add3A_182 : vector<16xi32> to vector<1x16xi32>
        tpu.vector_store %arg13[%swap3A_184, %swap3A_185], %swap3A_188 {strides = array<i32>} : memref<2x128xi32, #tpu.memory_space<vmem>>, vector<1x16xi32>,
        %get3A_189 = arith.constant 0 : i32
        %get3A_190 = arith.index_cast %get3A_189 : i32 to index
        %get3A_191 = arith.constant 48 : index
        %get3A_192 = tpu.vector_load %arg10[%get3A_190, %get3A_191] {strides = array<i32>} : memref<37x128xi32, #tpu.memory_space<vmem>>, vector<1x16xi32>,
        %get3A_193 = vector.shape_cast %get3A_192 : vector<1x16xi32> to vector<16xi32>
        %mul3A_194 = arith.constant 4 : i32
        %mul3A_195 = vector.broadcast %mul3A_194 : i32 to vector<16xi32>
        %mul3A_196 = arith.muli %get3A_193, %mul3A_195 : vector<16xi32>
        %add3A_197 = vector.broadcast %add3A_141 : i32 to vector<16xi32>
        %add3A_198 = arith.addi %mul3A_196, %add3A_197 : vector<16xi32>
        %swap3A_199 = arith.constant 0 : i32
        %swap3A_200 = arith.index_cast %swap3A_199 : i32 to index
        %swap3A_201 = arith.constant 48 : index
        %swap3A_202 = tpu.vector_load %arg13[%swap3A_200, %swap3A_201] {strides = array<i32>} : memref<2x128xi32, #tpu.memory_space<vmem>>, vector<1x16xi32>,
        %swap3A_203 = vector.shape_cast %swap3A_202 : vector<1x16xi32> to vector<16xi32>
        %swap3A_204 = vector.shape_cast %add3A_198 : vector<16xi32> to vector<1x16xi32>
        tpu.vector_store %arg13[%swap3A_200, %swap3A_201], %swap3A_204 {strides = array<i32>} : memref<2x128xi32, #tpu.memory_space<vmem>>, vector<1x16xi32>,
        %get3A_205 = arith.constant 0 : i32
        %get3A_206 = arith.index_cast %get3A_205 : i32 to index
        %get3A_207 = arith.constant 64 : index
        %get3A_208 = tpu.vector_load %arg10[%get3A_206, %get3A_207] {strides = array<i32>} : memref<37x128xi32, #tpu.memory_space<vmem>>, vector<1x16xi32>,
        %get3A_209 = vector.shape_cast %get3A_208 : vector<1x16xi32> to vector<16xi32>
        %mul3A_210 = arith.constant 4 : i32
        %mul3A_211 = vector.broadcast %mul3A_210 : i32 to vector<16xi32>
        %mul3A_212 = arith.muli %get3A_209, %mul3A_211 : vector<16xi32>
        %add3A_213 = vector.broadcast %add3A_141 : i32 to vector<16xi32>
        %add3A_214 = arith.addi %mul3A_212, %add3A_213 : vector<16xi32>
        %swap3A_215 = arith.constant 0 : i32
        %swap3A_216 = arith.index_cast %swap3A_215 : i32 to index
        %swap3A_217 = arith.constant 64 : index
        %swap3A_218 = tpu.vector_load %arg13[%swap3A_216, %swap3A_217] {strides = array<i32>} : memref<2x128xi32, #tpu.memory_space<vmem>>, vector<1x16xi32>,
        %swap3A_219 = vector.shape_cast %swap3A_218 : vector<1x16xi32> to vector<16xi32>
        %swap3A_220 = vector.shape_cast %add3A_214 : vector<16xi32> to vector<1x16xi32>
        tpu.vector_store %arg13[%swap3A_216, %swap3A_217], %swap3A_220 {strides = array<i32>} : memref<2x128xi32, #tpu.memory_space<vmem>>, vector<1x16xi32>,
        %get3A_221 = arith.constant 0 : i32
        %get3A_222 = arith.index_cast %get3A_221 : i32 to index
        %get3A_223 = arith.constant 80 : index
        %get3A_224 = tpu.vector_load %arg10[%get3A_222, %get3A_223] {strides = array<i32>} : memref<37x128xi32, #tpu.memory_space<vmem>>, vector<1x16xi32>,
        %get3A_225 = vector.shape_cast %get3A_224 : vector<1x16xi32> to vector<16xi32>
        %mul3A_226 = arith.constant 4 : i32
        %mul3A_227 = vector.broadcast %mul3A_226 : i32 to vector<16xi32>
        %mul3A_228 = arith.muli %get3A_225, %mul3A_227 : vector<16xi32>
        %add3A_229 = vector.broadcast %add3A_141 : i32 to vector<16xi32>
        %add3A_230 = arith.addi %mul3A_228, %add3A_229 : vector<16xi32>
        %swap3A_231 = arith.constant 0 : i32
        %swap3A_232 = arith.index_cast %swap3A_231 : i32 to index
        %swap3A_233 = arith.constant 80 : index
        %swap3A_234 = tpu.vector_load %arg13[%swap3A_232, %swap3A_233] {strides = array<i32>} : memref<2x128xi32, #tpu.memory_space<vmem>>, vector<1x16xi32>,
        %swap3A_235 = vector.shape_cast %swap3A_234 : vector<1x16xi32> to vector<16xi32>
        %swap3A_236 = vector.shape_cast %add3A_230 : vector<16xi32> to vector<1x16xi32>
        tpu.vector_store %arg13[%swap3A_232, %swap3A_233], %swap3A_236 {strides = array<i32>} : memref<2x128xi32, #tpu.memory_space<vmem>>, vector<1x16xi32>,
        %get3A_237 = arith.constant 0 : i32
        %get3A_238 = arith.index_cast %get3A_237 : i32 to index
        %get3A_239 = arith.constant 96 : index
        %get3A_240 = tpu.vector_load %arg10[%get3A_238, %get3A_239] {strides = array<i32>} : memref<37x128xi32, #tpu.memory_space<vmem>>, vector<1x16xi32>,
        %get3A_241 = vector.shape_cast %get3A_240 : vector<1x16xi32> to vector<16xi32>
        %mul3A_242 = arith.constant 4 : i32
        %mul3A_243 = vector.broadcast %mul3A_242 : i32 to vector<16xi32>
        %mul3A_244 = arith.muli %get3A_241, %mul3A_243 : vector<16xi32>
        %add3A_245 = vector.broadcast %add3A_141 : i32 to vector<16xi32>
        %add3A_246 = arith.addi %mul3A_244, %add3A_245 : vector<16xi32>
        %swap3A_247 = arith.constant 0 : i32
        %swap3A_248 = arith.index_cast %swap3A_247 : i32 to index
        %swap3A_249 = arith.constant 96 : index
        %swap3A_250 = tpu.vector_load %arg13[%swap3A_248, %swap3A_249] {strides = array<i32>} : memref<2x128xi32, #tpu.memory_space<vmem>>, vector<1x16xi32>,
        %swap3A_251 = vector.shape_cast %swap3A_250 : vector<1x16xi32> to vector<16xi32>
        %swap3A_252 = vector.shape_cast %add3A_246 : vector<16xi32> to vector<1x16xi32>
        tpu.vector_store %arg13[%swap3A_248, %swap3A_249], %swap3A_252 {strides = array<i32>} : memref<2x128xi32, #tpu.memory_space<vmem>>, vector<1x16xi32>,
        %get3A_253 = arith.constant 0 : i32
        %get3A_254 = arith.index_cast %get3A_253 : i32 to index
        %get3A_255 = arith.constant 112 : index
        %get3A_256 = tpu.vector_load %arg10[%get3A_254, %get3A_255] {strides = array<i32>} : memref<37x128xi32, #tpu.memory_space<vmem>>, vector<1x16xi32>,
        %get3A_257 = vector.shape_cast %get3A_256 : vector<1x16xi32> to vector<16xi32>
        %mul3A_258 = arith.constant 4 : i32
        %mul3A_259 = vector.broadcast %mul3A_258 : i32 to vector<16xi32>
        %mul3A_260 = arith.muli %get3A_257, %mul3A_259 : vector<16xi32>
        %add3A_261 = vector.broadcast %add3A_141 : i32 to vector<16xi32>
        %add3A_262 = arith.addi %mul3A_260, %add3A_261 : vector<16xi32>
        %swap3A_263 = arith.constant 0 : i32
        %swap3A_264 = arith.index_cast %swap3A_263 : i32 to index
        %swap3A_265 = arith.constant 112 : index
        %swap3A_266 = tpu.vector_load %arg13[%swap3A_264, %swap3A_265] {strides = array<i32>} : memref<2x128xi32, #tpu.memory_space<vmem>>, vector<1x16xi32>,
        %swap3A_267 = vector.shape_cast %swap3A_266 : vector<1x16xi32> to vector<16xi32>
        %swap3A_268 = vector.shape_cast %add3A_262 : vector<16xi32> to vector<1x16xi32>
        tpu.vector_store %arg13[%swap3A_264, %swap3A_265], %swap3A_268 {strides = array<i32>} : memref<2x128xi32, #tpu.memory_space<vmem>>, vector<1x16xi32>,
        %dma_start3A = arith.constant 0 : i32
        %dma_start3A_269 = arith.constant 0 : i32
        %dma_start3A_270 = arith.constant 0 : i32
        %dma_start3A_271 = arith.constant 0 : i32
        %dma_start3A_272 = tpu.memref_slice %arg14[%dma_start3A_269, %dma_start3A_270, %dma_start3A_271] : memref<2x128x128xf32, #tpu.memory_space<vmem>> -> memref<1x128x128xf32, #tpu.memory_space<vmem>>
        %dma_start3A_273 = tpu.memref_squeeze %dma_start3A_272 : memref<1x128x128xf32, #tpu.memory_space<vmem>> -> memref<128x128xf32, #tpu.memory_space<vmem>>
        %dma_start3A_274 = arith.constant 0 : i32
        %dma_start3A_275 = tpu.memref_slice %arg13[%dma_start3A, %dma_start3A_274] : memref<2x128xi32, #tpu.memory_space<vmem>> -> memref<1x128xi32, #tpu.memory_space<vmem>>
        %dma_start3A_276 = tpu.memref_squeeze %dma_start3A_275 : memref<1x128xi32, #tpu.memory_space<vmem>> -> memref<128xi32, #tpu.memory_space<vmem>>
        %dma_start3A_277 = arith.constant 0 : i32
        %dma_start3A_278 = arith.constant 0 : i32
        %dma_start3A_279 = tpu.memref_slice %arg2[%dma_start3A_277, %dma_start3A_278] : memref<163840x128xf32, #tpu.memory_space<hbm>> -> memref<163840x128xf32, #tpu.memory_space<hbm>>
        tpu.enqueue_indirect_dma source(%dma_start3A_279 : memref<163840x128xf32, #tpu.memory_space<hbm>>) target(%dma_start3A_273 : memref<128x128xf32, #tpu.memory_space<vmem>>) offsets(%dma_start3A_276 : memref<128xi32, #tpu.memory_space<vmem>>) semaphore(%arg16 : memref<!tpu.dma_semaphore, #tpu.memory_space<semaphore_mem>>)
        %scan3A_280 = arith.constant 0 : i32
        %scan3A_281 = arith.constant 37 : i32
        %scan3A_282 = arith.addi %scan3A_280, %scan3A_281 : i32
        %scan3A_283 = arith.constant 1 : i32
        scf.for %scan3A_305 = %scan3A_280 to %scan3A_282 step %scan3A_283  : i32 {
          %mul3A_306 = arith.constant 1 : i32
          %mul3A_307 = arith.muli %scan3A_305, %mul3A_306 : i32
          %add3A_308 = arith.constant 0 : i32
          %add3A_309 = arith.addi %add3A_308, %mul3A_307 : i32
          %add3A_310 = arith.constant 1 : i32
          %add3A_311 = arith.addi %add3A_309, %add3A_310 : i32
          %lt3A = arith.constant 37 : i32
          %lt3A_312 = arith.cmpi slt, %add3A_311, %lt3A : i32
          %convert_element_type3A_313 = arith.extui %lt3A_312 : i1 to i32
          %cond3A_314 = arith.constant 0 : i32
          %cond3A_315 = arith.cmpi ne, %convert_element_type3A_313, %cond3A_314 : i32
          scf.if %cond3A_315 {
            %add3A_341 = arith.constant 1 : i32
            %add3A_342 = arith.addi %add3A_309, %add3A_341 : i32
            %jit3A_343 = arith.constant 2 : i32
            %eq3A_344 = arith.constant 0 : i32
            %eq3A_345 = arith.cmpi eq, %jit3A_343, %eq3A_344 : i32
            %jit3A_346 = arith.constant 1 : i32
            %select_n3A_347 = arith.select %eq3A_345, %jit3A_346, %jit3A_343 : i32
            %rem3A_348 = arith.remsi %add3A_342, %select_n3A_347 : i32
            %ne3A_349 = arith.constant 0 : i32
            %ne3A_350 = arith.cmpi ne, %rem3A_348, %ne3A_349 : i32
            %lt3A_351 = arith.constant 0 : i32
            %lt3A_352 = arith.cmpi slt, %rem3A_348, %lt3A_351 : i32
            %lt3A_353 = arith.constant 0 : i32
            %lt3A_354 = arith.cmpi slt, %select_n3A_347, %lt3A_353 : i32
            %ne3A_355 = arith.xori %lt3A_352, %lt3A_354 : i1
            %and3A_356 = arith.andi %ne3A_355, %ne3A_350 : i1
            %add3A_357 = arith.addi %rem3A_348, %select_n3A_347 : i32
            %select_n3A_358 = arith.select %and3A_356, %add3A_357, %rem3A_348 : i32
            %get3A_359 = arith.index_cast %add3A_342 : i32 to index
            %get3A_360 = arith.constant 0 : index
            %get3A_361 = tpu.vector_load %arg10[%get3A_359, %get3A_360] {strides = array<i32>} : memref<37x128xi32, #tpu.memory_space<vmem>>, vector<1x16xi32>,
            %get3A_362 = vector.shape_cast %get3A_361 : vector<1x16xi32> to vector<16xi32>
            %mul3A_363 = arith.constant 4 : i32
            %mul3A_364 = vector.broadcast %mul3A_363 : i32 to vector<16xi32>
            %mul3A_365 = arith.muli %get3A_362, %mul3A_364 : vector<16xi32>
            %add3A_366 = vector.broadcast %add3A_141 : i32 to vector<16xi32>
            %add3A_367 = arith.addi %mul3A_365, %add3A_366 : vector<16xi32>
            %swap3A_368 = arith.index_cast %select_n3A_358 : i32 to index
            %swap3A_369 = arith.constant 0 : index
            %swap3A_370 = tpu.vector_load %arg13[%swap3A_368, %swap3A_369] {strides = array<i32>} : memref<2x128xi32, #tpu.memory_space<vmem>>, vector<1x16xi32>,
            %swap3A_371 = vector.shape_cast %swap3A_370 : vector<1x16xi32> to vector<16xi32>
            %swap3A_372 = vector.shape_cast %add3A_367 : vector<16xi32> to vector<1x16xi32>
            tpu.vector_store %arg13[%swap3A_368, %swap3A_369], %swap3A_372 {strides = array<i32>} : memref<2x128xi32, #tpu.memory_space<vmem>>, vector<1x16xi32>,
            %get3A_373 = arith.index_cast %add3A_342 : i32 to index
            %get3A_374 = arith.constant 16 : index
            %get3A_375 = tpu.vector_load %arg10[%get3A_373, %get3A_374] {strides = array<i32>} : memref<37x128xi32, #tpu.memory_space<vmem>>, vector<1x16xi32>,
            %get3A_376 = vector.shape_cast %get3A_375 : vector<1x16xi32> to vector<16xi32>
            %mul3A_377 = arith.constant 4 : i32
            %mul3A_378 = vector.broadcast %mul3A_377 : i32 to vector<16xi32>
            %mul3A_379 = arith.muli %get3A_376, %mul3A_378 : vector<16xi32>
            %add3A_380 = vector.broadcast %add3A_141 : i32 to vector<16xi32>
            %add3A_381 = arith.addi %mul3A_379, %add3A_380 : vector<16xi32>
            %swap3A_382 = arith.index_cast %select_n3A_358 : i32 to index
            %swap3A_383 = arith.constant 16 : index
            %swap3A_384 = tpu.vector_load %arg13[%swap3A_382, %swap3A_383] {strides = array<i32>} : memref<2x128xi32, #tpu.memory_space<vmem>>, vector<1x16xi32>,
            %swap3A_385 = vector.shape_cast %swap3A_384 : vector<1x16xi32> to vector<16xi32>
            %swap3A_386 = vector.shape_cast %add3A_381 : vector<16xi32> to vector<1x16xi32>
            tpu.vector_store %arg13[%swap3A_382, %swap3A_383], %swap3A_386 {strides = array<i32>} : memref<2x128xi32, #tpu.memory_space<vmem>>, vector<1x16xi32>,
            %get3A_387 = arith.index_cast %add3A_342 : i32 to index
            %get3A_388 = arith.constant 32 : index
            %get3A_389 = tpu.vector_load %arg10[%get3A_387, %get3A_388] {strides = array<i32>} : memref<37x128xi32, #tpu.memory_space<vmem>>, vector<1x16xi32>,
            %get3A_390 = vector.shape_cast %get3A_389 : vector<1x16xi32> to vector<16xi32>
            %mul3A_391 = arith.constant 4 : i32
            %mul3A_392 = vector.broadcast %mul3A_391 : i32 to vector<16xi32>
            %mul3A_393 = arith.muli %get3A_390, %mul3A_392 : vector<16xi32>
            %add3A_394 = vector.broadcast %add3A_141 : i32 to vector<16xi32>
            %add3A_395 = arith.addi %mul3A_393, %add3A_394 : vector<16xi32>
            %swap3A_396 = arith.index_cast %select_n3A_358 : i32 to index
            %swap3A_397 = arith.constant 32 : index
            %swap3A_398 = tpu.vector_load %arg13[%swap3A_396, %swap3A_397] {strides = array<i32>} : memref<2x128xi32, #tpu.memory_space<vmem>>, vector<1x16xi32>,
            %swap3A_399 = vector.shape_cast %swap3A_398 : vector<1x16xi32> to vector<16xi32>
            %swap3A_400 = vector.shape_cast %add3A_395 : vector<16xi32> to vector<1x16xi32>
            tpu.vector_store %arg13[%swap3A_396, %swap3A_397], %swap3A_400 {strides = array<i32>} : memref<2x128xi32, #tpu.memory_space<vmem>>, vector<1x16xi32>,
            %get3A_401 = arith.index_cast %add3A_342 : i32 to index
            %get3A_402 = arith.constant 48 : index
            %get3A_403 = tpu.vector_load %arg10[%get3A_401, %get3A_402] {strides = array<i32>} : memref<37x128xi32, #tpu.memory_space<vmem>>, vector<1x16xi32>,
            %get3A_404 = vector.shape_cast %get3A_403 : vector<1x16xi32> to vector<16xi32>
            %mul3A_405 = arith.constant 4 : i32
            %mul3A_406 = vector.broadcast %mul3A_405 : i32 to vector<16xi32>
            %mul3A_407 = arith.muli %get3A_404, %mul3A_406 : vector<16xi32>
            %add3A_408 = vector.broadcast %add3A_141 : i32 to vector<16xi32>
            %add3A_409 = arith.addi %mul3A_407, %add3A_408 : vector<16xi32>
            %swap3A_410 = arith.index_cast %select_n3A_358 : i32 to index
            %swap3A_411 = arith.constant 48 : index
            %swap3A_412 = tpu.vector_load %arg13[%swap3A_410, %swap3A_411] {strides = array<i32>} : memref<2x128xi32, #tpu.memory_space<vmem>>, vector<1x16xi32>,
            %swap3A_413 = vector.shape_cast %swap3A_412 : vector<1x16xi32> to vector<16xi32>
            %swap3A_414 = vector.shape_cast %add3A_409 : vector<16xi32> to vector<1x16xi32>
            tpu.vector_store %arg13[%swap3A_410, %swap3A_411], %swap3A_414 {strides = array<i32>} : memref<2x128xi32, #tpu.memory_space<vmem>>, vector<1x16xi32>,
            %get3A_415 = arith.index_cast %add3A_342 : i32 to index
            %get3A_416 = arith.constant 64 : index
            %get3A_417 = tpu.vector_load %arg10[%get3A_415, %get3A_416] {strides = array<i32>} : memref<37x128xi32, #tpu.memory_space<vmem>>, vector<1x16xi32>,
            %get3A_418 = vector.shape_cast %get3A_417 : vector<1x16xi32> to vector<16xi32>
            %mul3A_419 = arith.constant 4 : i32
            %mul3A_420 = vector.broadcast %mul3A_419 : i32 to vector<16xi32>
            %mul3A_421 = arith.muli %get3A_418, %mul3A_420 : vector<16xi32>
            %add3A_422 = vector.broadcast %add3A_141 : i32 to vector<16xi32>
            %add3A_423 = arith.addi %mul3A_421, %add3A_422 : vector<16xi32>
            %swap3A_424 = arith.index_cast %select_n3A_358 : i32 to index
            %swap3A_425 = arith.constant 64 : index
            %swap3A_426 = tpu.vector_load %arg13[%swap3A_424, %swap3A_425] {strides = array<i32>} : memref<2x128xi32, #tpu.memory_space<vmem>>, vector<1x16xi32>,
            %swap3A_427 = vector.shape_cast %swap3A_426 : vector<1x16xi32> to vector<16xi32>
            %swap3A_428 = vector.shape_cast %add3A_423 : vector<16xi32> to vector<1x16xi32>
            tpu.vector_store %arg13[%swap3A_424, %swap3A_425], %swap3A_428 {strides = array<i32>} : memref<2x128xi32, #tpu.memory_space<vmem>>, vector<1x16xi32>,
            %get3A_429 = arith.index_cast %add3A_342 : i32 to index
            %get3A_430 = arith.constant 80 : index
            %get3A_431 = tpu.vector_load %arg10[%get3A_429, %get3A_430] {strides = array<i32>} : memref<37x128xi32, #tpu.memory_space<vmem>>, vector<1x16xi32>,
            %get3A_432 = vector.shape_cast %get3A_431 : vector<1x16xi32> to vector<16xi32>
            %mul3A_433 = arith.constant 4 : i32
            %mul3A_434 = vector.broadcast %mul3A_433 : i32 to vector<16xi32>
            %mul3A_435 = arith.muli %get3A_432, %mul3A_434 : vector<16xi32>
            %add3A_436 = vector.broadcast %add3A_141 : i32 to vector<16xi32>
            %add3A_437 = arith.addi %mul3A_435, %add3A_436 : vector<16xi32>
            %swap3A_438 = arith.index_cast %select_n3A_358 : i32 to index
            %swap3A_439 = arith.constant 80 : index
            %swap3A_440 = tpu.vector_load %arg13[%swap3A_438, %swap3A_439] {strides = array<i32>} : memref<2x128xi32, #tpu.memory_space<vmem>>, vector<1x16xi32>,
            %swap3A_441 = vector.shape_cast %swap3A_440 : vector<1x16xi32> to vector<16xi32>
            %swap3A_442 = vector.shape_cast %add3A_437 : vector<16xi32> to vector<1x16xi32>
            tpu.vector_store %arg13[%swap3A_438, %swap3A_439], %swap3A_442 {strides = array<i32>} : memref<2x128xi32, #tpu.memory_space<vmem>>, vector<1x16xi32>,
            %get3A_443 = arith.index_cast %add3A_342 : i32 to index
            %get3A_444 = arith.constant 96 : index
            %get3A_445 = tpu.vector_load %arg10[%get3A_443, %get3A_444] {strides = array<i32>} : memref<37x128xi32, #tpu.memory_space<vmem>>, vector<1x16xi32>,
            %get3A_446 = vector.shape_cast %get3A_445 : vector<1x16xi32> to vector<16xi32>
            %mul3A_447 = arith.constant 4 : i32
            %mul3A_448 = vector.broadcast %mul3A_447 : i32 to vector<16xi32>
            %mul3A_449 = arith.muli %get3A_446, %mul3A_448 : vector<16xi32>
            %add3A_450 = vector.broadcast %add3A_141 : i32 to vector<16xi32>
            %add3A_451 = arith.addi %mul3A_449, %add3A_450 : vector<16xi32>
            %swap3A_452 = arith.index_cast %select_n3A_358 : i32 to index
            %swap3A_453 = arith.constant 96 : index
            %swap3A_454 = tpu.vector_load %arg13[%swap3A_452, %swap3A_453] {strides = array<i32>} : memref<2x128xi32, #tpu.memory_space<vmem>>, vector<1x16xi32>,
            %swap3A_455 = vector.shape_cast %swap3A_454 : vector<1x16xi32> to vector<16xi32>
            %swap3A_456 = vector.shape_cast %add3A_451 : vector<16xi32> to vector<1x16xi32>
            tpu.vector_store %arg13[%swap3A_452, %swap3A_453], %swap3A_456 {strides = array<i32>} : memref<2x128xi32, #tpu.memory_space<vmem>>, vector<1x16xi32>,
            %get3A_457 = arith.index_cast %add3A_342 : i32 to index
            %get3A_458 = arith.constant 112 : index
            %get3A_459 = tpu.vector_load %arg10[%get3A_457, %get3A_458] {strides = array<i32>} : memref<37x128xi32, #tpu.memory_space<vmem>>, vector<1x16xi32>,
            %get3A_460 = vector.shape_cast %get3A_459 : vector<1x16xi32> to vector<16xi32>
            %mul3A_461 = arith.constant 4 : i32
            %mul3A_462 = vector.broadcast %mul3A_461 : i32 to vector<16xi32>
            %mul3A_463 = arith.muli %get3A_460, %mul3A_462 : vector<16xi32>
            %add3A_464 = vector.broadcast %add3A_141 : i32 to vector<16xi32>
            %add3A_465 = arith.addi %mul3A_463, %add3A_464 : vector<16xi32>
            %swap3A_466 = arith.index_cast %select_n3A_358 : i32 to index
            %swap3A_467 = arith.constant 112 : index
            %swap3A_468 = tpu.vector_load %arg13[%swap3A_466, %swap3A_467] {strides = array<i32>} : memref<2x128xi32, #tpu.memory_space<vmem>>, vector<1x16xi32>,
            %swap3A_469 = vector.shape_cast %swap3A_468 : vector<1x16xi32> to vector<16xi32>
            %swap3A_470 = vector.shape_cast %add3A_465 : vector<16xi32> to vector<1x16xi32>
            tpu.vector_store %arg13[%swap3A_466, %swap3A_467], %swap3A_470 {strides = array<i32>} : memref<2x128xi32, #tpu.memory_space<vmem>>, vector<1x16xi32>,
            %dma_start3A_471 = arith.constant 0 : i32
            %dma_start3A_472 = arith.constant 0 : i32
            %dma_start3A_473 = tpu.memref_slice %arg14[%select_n3A_358, %dma_start3A_471, %dma_start3A_472] : memref<2x128x128xf32, #tpu.memory_space<vmem>> -> memref<1x128x128xf32, #tpu.memory_space<vmem>>
            %dma_start3A_474 = tpu.memref_squeeze %dma_start3A_473 : memref<1x128x128xf32, #tpu.memory_space<vmem>> -> memref<128x128xf32, #tpu.memory_space<vmem>>
            %dma_start3A_475 = arith.constant 0 : i32
            %dma_start3A_476 = tpu.memref_slice %arg13[%select_n3A_358, %dma_start3A_475] : memref<2x128xi32, #tpu.memory_space<vmem>> -> memref<1x128xi32, #tpu.memory_space<vmem>>
            %dma_start3A_477 = tpu.memref_squeeze %dma_start3A_476 : memref<1x128xi32, #tpu.memory_space<vmem>> -> memref<128xi32, #tpu.memory_space<vmem>>
            %dma_start3A_478 = arith.constant 0 : i32
            %dma_start3A_479 = arith.constant 0 : i32
            %dma_start3A_480 = tpu.memref_slice %arg2[%dma_start3A_478, %dma_start3A_479] : memref<163840x128xf32, #tpu.memory_space<hbm>> -> memref<163840x128xf32, #tpu.memory_space<hbm>>
            tpu.enqueue_indirect_dma source(%dma_start3A_480 : memref<163840x128xf32, #tpu.memory_space<hbm>>) target(%dma_start3A_474 : memref<128x128xf32, #tpu.memory_space<vmem>>) offsets(%dma_start3A_477 : memref<128xi32, #tpu.memory_space<vmem>>) semaphore(%arg16 : memref<!tpu.dma_semaphore, #tpu.memory_space<semaphore_mem>>)
          } else {
          }
          %jit3A_316 = arith.constant 2 : i32
          %eq3A_317 = arith.constant 0 : i32
          %eq3A_318 = arith.cmpi eq, %jit3A_316, %eq3A_317 : i32
          %jit3A_319 = arith.constant 1 : i32
          %select_n3A_320 = arith.select %eq3A_318, %jit3A_319, %jit3A_316 : i32
          %rem3A_321 = arith.remsi %add3A_309, %select_n3A_320 : i32
          %ne3A_322 = arith.constant 0 : i32
          %ne3A_323 = arith.cmpi ne, %rem3A_321, %ne3A_322 : i32
          %lt3A_324 = arith.constant 0 : i32
          %lt3A_325 = arith.cmpi slt, %rem3A_321, %lt3A_324 : i32
          %lt3A_326 = arith.constant 0 : i32
          %lt3A_327 = arith.cmpi slt, %select_n3A_320, %lt3A_326 : i32
          %ne3A_328 = arith.xori %lt3A_325, %lt3A_327 : i1
          %and3A_329 = arith.andi %ne3A_328, %ne3A_323 : i1
          %add3A_330 = arith.addi %rem3A_321, %select_n3A_320 : i32
          %select_n3A_331 = arith.select %and3A_329, %add3A_330, %rem3A_321 : i32
          %dma_wait3A = arith.constant 0 : i32
          %dma_wait3A_332 = arith.constant 0 : i32
          %dma_wait3A_333 = tpu.memref_slice %arg14[%select_n3A_331, %dma_wait3A, %dma_wait3A_332] : memref<2x128x128xf32, #tpu.memory_space<vmem>> -> memref<1x128x128xf32, #tpu.memory_space<vmem>>
          %dma_wait3A_334 = tpu.memref_squeeze %dma_wait3A_333 : memref<1x128x128xf32, #tpu.memory_space<vmem>> -> memref<128x128xf32, #tpu.memory_space<vmem>>
          %dma_wait3A_335 = arith.constant 0 : i32
          %dma_wait3A_336 = tpu.memref_slice %arg13[%select_n3A_331, %dma_wait3A_335] : memref<2x128xi32, #tpu.memory_space<vmem>> -> memref<1x128xi32, #tpu.memory_space<vmem>>
          %dma_wait3A_337 = tpu.memref_squeeze %dma_wait3A_336 : memref<1x128xi32, #tpu.memory_space<vmem>> -> memref<128xi32, #tpu.memory_space<vmem>>
          %dma_wait3A_338 = arith.constant 0 : i32
          %dma_wait3A_339 = arith.constant 0 : i32
          %dma_wait3A_340 = tpu.memref_slice %arg2[%dma_wait3A_338, %dma_wait3A_339] : memref<163840x128xf32, #tpu.memory_space<hbm>> -> memref<163840x128xf32, #tpu.memory_space<hbm>>
          tpu.wait_indirect_dma semaphore(%arg16 : memref<!tpu.dma_semaphore, #tpu.memory_space<semaphore_mem>>) src(%dma_wait3A_340 : memref<163840x128xf32, #tpu.memory_space<hbm>>) dst(%dma_wait3A_334 : memref<128x128xf32, #tpu.memory_space<vmem>>)
          "tpu.region"() ({
            %run_scoped3A = tpu.sem_alloc : memref<!tpu.dma_semaphore, #tpu.memory_space<semaphore_mem>>
            %dma_start3A_341 = arith.constant 0 : i32
            %dma_start3A_342 = arith.constant 0 : i32
            %dma_start3A_343 = tpu.memref_slice %arg14[%select_n3A_331, %dma_start3A_341, %dma_start3A_342] : memref<2x128x128xf32, #tpu.memory_space<vmem>> -> memref<1x128x128xf32, #tpu.memory_space<vmem>>
            %dma_start3A_344 = tpu.memref_squeeze %dma_start3A_343 : memref<1x128x128xf32, #tpu.memory_space<vmem>> -> memref<128x128xf32, #tpu.memory_space<vmem>>
            %dma_start3A_345 = arith.constant 0 : i32
            %dma_start3A_346 = tpu.memref_slice %arg11[%add3A_309, %dma_start3A_345] : memref<37x128xi32, #tpu.memory_space<vmem>> -> memref<1x128xi32, #tpu.memory_space<vmem>>
            %dma_start3A_347 = tpu.memref_squeeze %dma_start3A_346 : memref<1x128xi32, #tpu.memory_space<vmem>> -> memref<128xi32, #tpu.memory_space<vmem>>
            %dma_start3A_348 = arith.constant 0 : i32
            %dma_start3A_349 = arith.constant 0 : i32
            %dma_start3A_350 = tpu.memref_slice %arg17[%dma_start3A_348, %dma_start3A_349] : memref<2816x128xf32, #tpu.memory_space<vmem_shared>> -> memref<2816x128xf32, #tpu.memory_space<vmem_shared>>
            tpu.enqueue_indirect_dma source(%dma_start3A_344 : memref<128x128xf32, #tpu.memory_space<vmem>>) target(%dma_start3A_350 : memref<2816x128xf32, #tpu.memory_space<vmem_shared>>) offsets(%dma_start3A_347 : memref<128xi32, #tpu.memory_space<vmem>>) semaphore(%run_scoped3A : memref<!tpu.dma_semaphore, #tpu.memory_space<semaphore_mem>>) {add = true}
            %dma_wait3A_351 = arith.constant 0 : i32
            %dma_wait3A_352 = arith.constant 0 : i32
            %dma_wait3A_353 = tpu.memref_slice %arg14[%select_n3A_331, %dma_wait3A_351, %dma_wait3A_352] : memref<2x128x128xf32, #tpu.memory_space<vmem>> -> memref<1x128x128xf32, #tpu.memory_space<vmem>>
            %dma_wait3A_354 = tpu.memref_squeeze %dma_wait3A_353 : memref<1x128x128xf32, #tpu.memory_space<vmem>> -> memref<128x128xf32, #tpu.memory_space<vmem>>
            %dma_wait3A_355 = arith.constant 0 : i32
            %dma_wait3A_356 = tpu.memref_slice %arg11[%add3A_309, %dma_wait3A_355] : memref<37x128xi32, #tpu.memory_space<vmem>> -> memref<1x128xi32, #tpu.memory_space<vmem>>
            %dma_wait3A_357 = tpu.memref_squeeze %dma_wait3A_356 : memref<1x128xi32, #tpu.memory_space<vmem>> -> memref<128xi32, #tpu.memory_space<vmem>>
            %dma_wait3A_358 = arith.constant 0 : i32
            %dma_wait3A_359 = arith.constant 0 : i32
            %dma_wait3A_360 = tpu.memref_slice %arg17[%dma_wait3A_358, %dma_wait3A_359] : memref<2816x128xf32, #tpu.memory_space<vmem_shared>> -> memref<2816x128xf32, #tpu.memory_space<vmem_shared>>
            tpu.wait_indirect_dma semaphore(%run_scoped3A : memref<!tpu.dma_semaphore, #tpu.memory_space<semaphore_mem>>) src(%dma_wait3A_354 : memref<128x128xf32, #tpu.memory_space<vmem>>) dst(%dma_wait3A_360 : memref<2816x128xf32, #tpu.memory_space<vmem_shared>>)
            tpu.yield
          }) : () -> ()
        }
        %scan3A_284 = arith.constant 37 : i32
        %barrier3A_285 = arith.constant 0 : index
        tpu.barrier barrier_id(%barrier3A_285)
        %mul3A_286 = arith.constant 3 : i32
        %mul3A_287 = arith.muli %arg0, %mul3A_286 : i32
        %add3A_288 = arith.addi %mul3A_287, %select_n3A : i32
        %mul3A_289 = arith.constant 4 : i32
        %mul3A_290 = arith.muli %add3A_288, %mul3A_289 : i32
        %add3A_291 = arith.addi %mul3A_290, %sub3A_135 : i32
        %mul3A_292 = arith.constant 10240 : i32
        %mul3A_293 = arith.muli %add3A_291, %mul3A_292 : i32
        %add3A_294 = arith.addi %mul3A_293, %mul3A_72 : i32
        %mul3A_295 = arith.constant 160 : i32
        %mul3A_296 = arith.muli %arg1, %mul3A_295 : i32
        %add3A_297 = arith.constant 0 : i32
        %add3A_298 = arith.addi %mul3A_296, %add3A_297 : i32
        "tpu.region"() ({
          %run_scoped3A = tpu.sem_alloc : memref<!tpu.dma_semaphore, #tpu.memory_space<semaphore_mem>>
          %dma_start3A_305 = arith.constant 0 : i32
          %dma_start3A_306 = arith.constant 0 : i32
          %dma_start3A_307 = tpu.memref_slice %arg15[%dma_start3A_305, %dma_start3A_306] : memref<80x128xf32, #tpu.memory_space<vmem>> -> memref<80x128xf32, #tpu.memory_space<vmem>>
          %dma_start3A_308 = arith.constant 0 : i32
          %dma_start3A_309 = tpu.memref_slice %arg17[%add3A_298, %dma_start3A_308] : memref<2816x128xf32, #tpu.memory_space<vmem_shared>> -> memref<80x128xf32, #tpu.memory_space<vmem_shared>>
          %dma_start3A_310 = arith.constant 0 : i32
          %dma_start3A_311 = arith.constant 0 : i32
          %dma_start3A_312 = tpu.memref_slice %arg15[%dma_start3A_310, %dma_start3A_311] : memref<80x128xf32, #tpu.memory_space<vmem>> -> memref<80x128xf32, #tpu.memory_space<vmem>>
          %dma_start3A_313 = arith.constant 0 : i32
          %dma_start3A_314 = tpu.memref_slice %arg17[%add3A_298, %dma_start3A_313] : memref<2816x128xf32, #tpu.memory_space<vmem_shared>> -> memref<80x128xf32, #tpu.memory_space<vmem_shared>>
          tpu.enqueue_dma source(%dma_start3A_314 : memref<80x128xf32, #tpu.memory_space<vmem_shared>>) target(%dma_start3A_312 : memref<80x128xf32, #tpu.memory_space<vmem>>) target_semaphore(%run_scoped3A : memref<!tpu.dma_semaphore, #tpu.memory_space<semaphore_mem>>)
          %dma_wait3A = arith.constant 0 : i32
          %dma_wait3A_315 = arith.constant 0 : i32
          %dma_wait3A_316 = tpu.memref_slice %arg15[%dma_wait3A, %dma_wait3A_315] : memref<80x128xf32, #tpu.memory_space<vmem>> -> memref<80x128xf32, #tpu.memory_space<vmem>>
          %dma_wait3A_317 = arith.constant 0 : i32
          %dma_wait3A_318 = tpu.memref_slice %arg17[%add3A_298, %dma_wait3A_317] : memref<2816x128xf32, #tpu.memory_space<vmem_shared>> -> memref<80x128xf32, #tpu.memory_space<vmem_shared>>
          %dma_wait3A_319 = arith.constant 0 : i32
          %dma_wait3A_320 = arith.constant 0 : i32
          %dma_wait3A_321 = tpu.memref_slice %arg15[%dma_wait3A_319, %dma_wait3A_320] : memref<80x128xf32, #tpu.memory_space<vmem>> -> memref<80x128xf32, #tpu.memory_space<vmem>>
          %dma_wait3A_322 = arith.constant 0 : i32
          %dma_wait3A_323 = tpu.memref_slice %arg17[%add3A_298, %dma_wait3A_322] : memref<2816x128xf32, #tpu.memory_space<vmem_shared>> -> memref<80x128xf32, #tpu.memory_space<vmem_shared>>
          tpu.wait_dma2 semaphore(%run_scoped3A : memref<!tpu.dma_semaphore, #tpu.memory_space<semaphore_mem>>) src(%dma_wait3A_323 : memref<80x128xf32, #tpu.memory_space<vmem_shared>>) dst(%dma_wait3A_321 : memref<80x128xf32, #tpu.memory_space<vmem>>)
          tpu.yield
        }) : () -> ()
        %add3A_299 = arith.addi %add3A_294, %add3A_298 : i32
        "tpu.region"() ({
          %run_scoped3A = tpu.sem_alloc : memref<!tpu.dma_semaphore, #tpu.memory_space<semaphore_mem>>
          %dma_start3A_305 = arith.constant 0 : i32
          %dma_start3A_306 = arith.constant 0 : i32
          %dma_start3A_307 = tpu.memref_slice %arg15[%dma_start3A_305, %dma_start3A_306] : memref<80x128xf32, #tpu.memory_space<vmem>> -> memref<80x128xf32, #tpu.memory_space<vmem>>
          %dma_start3A_308 = arith.constant 0 : i32
          %dma_start3A_309 = tpu.memref_slice %arg7[%add3A_299, %dma_start3A_308] : memref<266240x128xf32, #tpu.memory_space<hbm>> -> memref<80x128xf32, #tpu.memory_space<hbm>>
          %dma_start3A_310 = arith.constant 0 : i32
          %dma_start3A_311 = tpu.memref_slice %arg7[%add3A_299, %dma_start3A_310] : memref<266240x128xf32, #tpu.memory_space<hbm>> -> memref<80x128xf32, #tpu.memory_space<hbm>>
          %dma_start3A_312 = arith.constant 0 : i32
          %dma_start3A_313 = arith.constant 0 : i32
          %dma_start3A_314 = tpu.memref_slice %arg15[%dma_start3A_312, %dma_start3A_313] : memref<80x128xf32, #tpu.memory_space<vmem>> -> memref<80x128xf32, #tpu.memory_space<vmem>>
          tpu.enqueue_dma source(%dma_start3A_314 : memref<80x128xf32, #tpu.memory_space<vmem>>) target(%dma_start3A_311 : memref<80x128xf32, #tpu.memory_space<hbm>>) target_semaphore(%run_scoped3A : memref<!tpu.dma_semaphore, #tpu.memory_space<semaphore_mem>>)
          %dma_wait3A = arith.constant 0 : i32
          %dma_wait3A_315 = arith.constant 0 : i32
          %dma_wait3A_316 = tpu.memref_slice %arg15[%dma_wait3A, %dma_wait3A_315] : memref<80x128xf32, #tpu.memory_space<vmem>> -> memref<80x128xf32, #tpu.memory_space<vmem>>
          %dma_wait3A_317 = arith.constant 0 : i32
          %dma_wait3A_318 = tpu.memref_slice %arg7[%add3A_299, %dma_wait3A_317] : memref<266240x128xf32, #tpu.memory_space<hbm>> -> memref<80x128xf32, #tpu.memory_space<hbm>>
          %dma_wait3A_319 = arith.constant 0 : i32
          %dma_wait3A_320 = tpu.memref_slice %arg7[%add3A_299, %dma_wait3A_319] : memref<266240x128xf32, #tpu.memory_space<hbm>> -> memref<80x128xf32, #tpu.memory_space<hbm>>
          %dma_wait3A_321 = arith.constant 0 : i32
          %dma_wait3A_322 = arith.constant 0 : i32
          %dma_wait3A_323 = tpu.memref_slice %arg15[%dma_wait3A_321, %dma_wait3A_322] : memref<80x128xf32, #tpu.memory_space<vmem>> -> memref<80x128xf32, #tpu.memory_space<vmem>>
          tpu.wait_dma2 semaphore(%run_scoped3A : memref<!tpu.dma_semaphore, #tpu.memory_space<semaphore_mem>>) src(%dma_wait3A_323 : memref<80x128xf32, #tpu.memory_space<vmem>>) dst(%dma_wait3A_320 : memref<80x128xf32, #tpu.memory_space<hbm>>)
          tpu.yield
        }) : () -> ()
        %mul3A_300 = arith.constant 160 : i32
        %mul3A_301 = arith.muli %arg1, %mul3A_300 : i32
        %add3A_302 = arith.constant 80 : i32
        %add3A_303 = arith.addi %mul3A_301, %add3A_302 : i32
        "tpu.region"() ({
          %run_scoped3A = tpu.sem_alloc : memref<!tpu.dma_semaphore, #tpu.memory_space<semaphore_mem>>
          %dma_start3A_305 = arith.constant 0 : i32
          %dma_start3A_306 = arith.constant 0 : i32
          %dma_start3A_307 = tpu.memref_slice %arg15[%dma_start3A_305, %dma_start3A_306] : memref<80x128xf32, #tpu.memory_space<vmem>> -> memref<80x128xf32, #tpu.memory_space<vmem>>
          %dma_start3A_308 = arith.constant 0 : i32
          %dma_start3A_309 = tpu.memref_slice %arg17[%add3A_303, %dma_start3A_308] : memref<2816x128xf32, #tpu.memory_space<vmem_shared>> -> memref<80x128xf32, #tpu.memory_space<vmem_shared>>
          %dma_start3A_310 = arith.constant 0 : i32
          %dma_start3A_311 = arith.constant 0 : i32
          %dma_start3A_312 = tpu.memref_slice %arg15[%dma_start3A_310, %dma_start3A_311] : memref<80x128xf32, #tpu.memory_space<vmem>> -> memref<80x128xf32, #tpu.memory_space<vmem>>
          %dma_start3A_313 = arith.constant 0 : i32
          %dma_start3A_314 = tpu.memref_slice %arg17[%add3A_303, %dma_start3A_313] : memref<2816x128xf32, #tpu.memory_space<vmem_shared>> -> memref<80x128xf32, #tpu.memory_space<vmem_shared>>
          tpu.enqueue_dma source(%dma_start3A_314 : memref<80x128xf32, #tpu.memory_space<vmem_shared>>) target(%dma_start3A_312 : memref<80x128xf32, #tpu.memory_space<vmem>>) target_semaphore(%run_scoped3A : memref<!tpu.dma_semaphore, #tpu.memory_space<semaphore_mem>>)
          %dma_wait3A = arith.constant 0 : i32
          %dma_wait3A_315 = arith.constant 0 : i32
          %dma_wait3A_316 = tpu.memref_slice %arg15[%dma_wait3A, %dma_wait3A_315] : memref<80x128xf32, #tpu.memory_space<vmem>> -> memref<80x128xf32, #tpu.memory_space<vmem>>
          %dma_wait3A_317 = arith.constant 0 : i32
          %dma_wait3A_318 = tpu.memref_slice %arg17[%add3A_303, %dma_wait3A_317] : memref<2816x128xf32, #tpu.memory_space<vmem_shared>> -> memref<80x128xf32, #tpu.memory_space<vmem_shared>>
          %dma_wait3A_319 = arith.constant 0 : i32
          %dma_wait3A_320 = arith.constant 0 : i32
          %dma_wait3A_321 = tpu.memref_slice %arg15[%dma_wait3A_319, %dma_wait3A_320] : memref<80x128xf32, #tpu.memory_space<vmem>> -> memref<80x128xf32, #tpu.memory_space<vmem>>
          %dma_wait3A_322 = arith.constant 0 : i32
          %dma_wait3A_323 = tpu.memref_slice %arg17[%add3A_303, %dma_wait3A_322] : memref<2816x128xf32, #tpu.memory_space<vmem_shared>> -> memref<80x128xf32, #tpu.memory_space<vmem_shared>>
          tpu.wait_dma2 semaphore(%run_scoped3A : memref<!tpu.dma_semaphore, #tpu.memory_space<semaphore_mem>>) src(%dma_wait3A_323 : memref<80x128xf32, #tpu.memory_space<vmem_shared>>) dst(%dma_wait3A_321 : memref<80x128xf32, #tpu.memory_space<vmem>>)
          tpu.yield
        }) : () -> ()
        %add3A_304 = arith.addi %add3A_294, %add3A_303 : i32
        "tpu.region"() ({
          %run_scoped3A = tpu.sem_alloc : memref<!tpu.dma_semaphore, #tpu.memory_space<semaphore_mem>>
          %dma_start3A_305 = arith.constant 0 : i32
          %dma_start3A_306 = arith.constant 0 : i32
          %dma_start3A_307 = tpu.memref_slice %arg15[%dma_start3A_305, %dma_start3A_306] : memref<80x128xf32, #tpu.memory_space<vmem>> -> memref<80x128xf32, #tpu.memory_space<vmem>>
          %dma_start3A_308 = arith.constant 0 : i32
          %dma_start3A_309 = tpu.memref_slice %arg7[%add3A_304, %dma_start3A_308] : memref<266240x128xf32, #tpu.memory_space<hbm>> -> memref<80x128xf32, #tpu.memory_space<hbm>>
          %dma_start3A_310 = arith.constant 0 : i32
          %dma_start3A_311 = tpu.memref_slice %arg7[%add3A_304, %dma_start3A_310] : memref<266240x128xf32, #tpu.memory_space<hbm>> -> memref<80x128xf32, #tpu.memory_space<hbm>>
          %dma_start3A_312 = arith.constant 0 : i32
          %dma_start3A_313 = arith.constant 0 : i32
          %dma_start3A_314 = tpu.memref_slice %arg15[%dma_start3A_312, %dma_start3A_313] : memref<80x128xf32, #tpu.memory_space<vmem>> -> memref<80x128xf32, #tpu.memory_space<vmem>>
          tpu.enqueue_dma source(%dma_start3A_314 : memref<80x128xf32, #tpu.memory_space<vmem>>) target(%dma_start3A_311 : memref<80x128xf32, #tpu.memory_space<hbm>>) target_semaphore(%run_scoped3A : memref<!tpu.dma_semaphore, #tpu.memory_space<semaphore_mem>>)
          %dma_wait3A = arith.constant 0 : i32
          %dma_wait3A_315 = arith.constant 0 : i32
          %dma_wait3A_316 = tpu.memref_slice %arg15[%dma_wait3A, %dma_wait3A_315] : memref<80x128xf32, #tpu.memory_space<vmem>> -> memref<80x128xf32, #tpu.memory_space<vmem>>
          %dma_wait3A_317 = arith.constant 0 : i32
          %dma_wait3A_318 = tpu.memref_slice %arg7[%add3A_304, %dma_wait3A_317] : memref<266240x128xf32, #tpu.memory_space<hbm>> -> memref<80x128xf32, #tpu.memory_space<hbm>>
          %dma_wait3A_319 = arith.constant 0 : i32
          %dma_wait3A_320 = tpu.memref_slice %arg7[%add3A_304, %dma_wait3A_319] : memref<266240x128xf32, #tpu.memory_space<hbm>> -> memref<80x128xf32, #tpu.memory_space<hbm>>
          %dma_wait3A_321 = arith.constant 0 : i32
          %dma_wait3A_322 = arith.constant 0 : i32
          %dma_wait3A_323 = tpu.memref_slice %arg15[%dma_wait3A_321, %dma_wait3A_322] : memref<80x128xf32, #tpu.memory_space<vmem>> -> memref<80x128xf32, #tpu.memory_space<vmem>>
          tpu.wait_dma2 semaphore(%run_scoped3A : memref<!tpu.dma_semaphore, #tpu.memory_space<semaphore_mem>>) src(%dma_wait3A_323 : memref<80x128xf32, #tpu.memory_space<vmem>>) dst(%dma_wait3A_320 : memref<80x128xf32, #tpu.memory_space<hbm>>)
          tpu.yield
        }) : () -> ()
      }
      %scan3A_82 = arith.constant 12 : i32
      %mul3A_83 = arith.constant 176 : i32
      %mul3A_84 = arith.muli %arg1, %mul3A_83 : i32
      "tpu.region"() ({
        %run_scoped3A = tpu.sem_alloc : memref<!tpu.dma_semaphore, #tpu.memory_space<semaphore_mem>>
        %dma_start3A = arith.constant 0 : i32
        %dma_start3A_111 = tpu.memref_slice %arg17[%mul3A_84, %dma_start3A] : memref<2816x128xf32, #tpu.memory_space<vmem_shared>> -> memref<176x128xf32, #tpu.memory_space<vmem_shared>>
        %dma_start3A_112 = arith.constant 0 : i32
        %dma_start3A_113 = tpu.memref_slice %arg17[%mul3A_84, %dma_start3A_112] : memref<2816x128xf32, #tpu.memory_space<vmem_shared>> -> memref<176x128xf32, #tpu.memory_space<vmem_shared>>
        tpu.enqueue_dma source(%arg12 : memref<176x128xf32, #tpu.memory_space<vmem>>) target(%dma_start3A_113 : memref<176x128xf32, #tpu.memory_space<vmem_shared>>) target_semaphore(%run_scoped3A : memref<!tpu.dma_semaphore, #tpu.memory_space<semaphore_mem>>)
        %dma_wait3A = arith.constant 0 : i32
        %dma_wait3A_114 = tpu.memref_slice %arg17[%mul3A_84, %dma_wait3A] : memref<2816x128xf32, #tpu.memory_space<vmem_shared>> -> memref<176x128xf32, #tpu.memory_space<vmem_shared>>
        %dma_wait3A_115 = arith.constant 0 : i32
        %dma_wait3A_116 = tpu.memref_slice %arg17[%mul3A_84, %dma_wait3A_115] : memref<2816x128xf32, #tpu.memory_space<vmem_shared>> -> memref<176x128xf32, #tpu.memory_space<vmem_shared>>
        tpu.wait_dma2 semaphore(%run_scoped3A : memref<!tpu.dma_semaphore, #tpu.memory_space<semaphore_mem>>) src(%arg12 : memref<176x128xf32, #tpu.memory_space<vmem>>) dst(%dma_wait3A_116 : memref<176x128xf32, #tpu.memory_space<vmem_shared>>)
        tpu.yield
      }) : () -> ()
      %barrier3A = arith.constant 0 : index
      tpu.barrier barrier_id(%barrier3A)
      %scan3A_85 = arith.constant 0 : i32
      %scan3A_86 = arith.constant 128 : i32
      %scan3A_87 = arith.addi %scan3A_85, %scan3A_86 : i32
      %scan3A_88 = arith.constant 1 : i32
      scf.for %scan3A_111 = %scan3A_85 to %scan3A_87 step %scan3A_88  : i32 {
        %mul3A_112 = arith.constant 1 : i32
        %mul3A_113 = arith.muli %scan3A_111, %mul3A_112 : i32
        %add3A_114 = arith.constant 0 : i32
        %add3A_115 = arith.addi %add3A_114, %mul3A_113 : i32
        %swap3A_116 = arith.constant 0 : i32
        %swap3A_117 = arith.index_cast %swap3A_116 : i32 to index
        %swap3A_118 = arith.index_cast %add3A_115 : i32 to index
        %swap3A_119 = arith.constant 0 : index
        %swap3A_120 = tpu.vector_load %arg14[%swap3A_117, %swap3A_118, %swap3A_119] {strides = array<i32>} : memref<2x128x128xf32, #tpu.memory_space<vmem>>, vector<1x1x16xf32>,
        %swap3A_121 = vector.shape_cast %swap3A_120 : vector<1x1x16xf32> to vector<16xf32>
        %swap3A_122 = vector.shape_cast %broadcast_in_dim3A_10 : vector<16xf32> to vector<1x1x16xf32>
        tpu.vector_store %arg14[%swap3A_117, %swap3A_118, %swap3A_119], %swap3A_122 {strides = array<i32>} : memref<2x128x128xf32, #tpu.memory_space<vmem>>, vector<1x1x16xf32>,
        %swap3A_123 = arith.constant 0 : i32
        %swap3A_124 = arith.index_cast %swap3A_123 : i32 to index
        %swap3A_125 = arith.index_cast %add3A_115 : i32 to index
        %swap3A_126 = arith.constant 16 : index
        %swap3A_127 = tpu.vector_load %arg14[%swap3A_124, %swap3A_125, %swap3A_126] {strides = array<i32>} : memref<2x128x128xf32, #tpu.memory_space<vmem>>, vector<1x1x16xf32>,
        %swap3A_128 = vector.shape_cast %swap3A_127 : vector<1x1x16xf32> to vector<16xf32>
        %swap3A_129 = vector.shape_cast %broadcast_in_dim3A_10 : vector<16xf32> to vector<1x1x16xf32>
        tpu.vector_store %arg14[%swap3A_124, %swap3A_125, %swap3A_126], %swap3A_129 {strides = array<i32>} : memref<2x128x128xf32, #tpu.memory_space<vmem>>, vector<1x1x16xf32>,
        %swap3A_130 = arith.constant 0 : i32
        %swap3A_131 = arith.index_cast %swap3A_130 : i32 to index
        %swap3A_132 = arith.index_cast %add3A_115 : i32 to index
        %swap3A_133 = arith.constant 32 : index
        %swap3A_134 = tpu.vector_load %arg14[%swap3A_131, %swap3A_132, %swap3A_133] {strides = array<i32>} : memref<2x128x128xf32, #tpu.memory_space<vmem>>, vector<1x1x16xf32>,
        %swap3A_135 = vector.shape_cast %swap3A_134 : vector<1x1x16xf32> to vector<16xf32>
        %swap3A_136 = vector.shape_cast %broadcast_in_dim3A_10 : vector<16xf32> to vector<1x1x16xf32>
        tpu.vector_store %arg14[%swap3A_131, %swap3A_132, %swap3A_133], %swap3A_136 {strides = array<i32>} : memref<2x128x128xf32, #tpu.memory_space<vmem>>, vector<1x1x16xf32>,
        %swap3A_137 = arith.constant 0 : i32
        %swap3A_138 = arith.index_cast %swap3A_137 : i32 to index
        %swap3A_139 = arith.index_cast %add3A_115 : i32 to index
        %swap3A_140 = arith.constant 48 : index
        %swap3A_141 = tpu.vector_load %arg14[%swap3A_138, %swap3A_139, %swap3A_140] {strides = array<i32>} : memref<2x128x128xf32, #tpu.memory_space<vmem>>, vector<1x1x16xf32>,
        %swap3A_142 = vector.shape_cast %swap3A_141 : vector<1x1x16xf32> to vector<16xf32>
        %swap3A_143 = vector.shape_cast %broadcast_in_dim3A_10 : vector<16xf32> to vector<1x1x16xf32>
        tpu.vector_store %arg14[%swap3A_138, %swap3A_139, %swap3A_140], %swap3A_143 {strides = array<i32>} : memref<2x128x128xf32, #tpu.memory_space<vmem>>, vector<1x1x16xf32>,
        %swap3A_144 = arith.constant 0 : i32
        %swap3A_145 = arith.index_cast %swap3A_144 : i32 to index
        %swap3A_146 = arith.index_cast %add3A_115 : i32 to index
        %swap3A_147 = arith.constant 64 : index
        %swap3A_148 = tpu.vector_load %arg14[%swap3A_145, %swap3A_146, %swap3A_147] {strides = array<i32>} : memref<2x128x128xf32, #tpu.memory_space<vmem>>, vector<1x1x16xf32>,
        %swap3A_149 = vector.shape_cast %swap3A_148 : vector<1x1x16xf32> to vector<16xf32>
        %swap3A_150 = vector.shape_cast %broadcast_in_dim3A_10 : vector<16xf32> to vector<1x1x16xf32>
        tpu.vector_store %arg14[%swap3A_145, %swap3A_146, %swap3A_147], %swap3A_150 {strides = array<i32>} : memref<2x128x128xf32, #tpu.memory_space<vmem>>, vector<1x1x16xf32>,
        %swap3A_151 = arith.constant 0 : i32
        %swap3A_152 = arith.index_cast %swap3A_151 : i32 to index
        %swap3A_153 = arith.index_cast %add3A_115 : i32 to index
        %swap3A_154 = arith.constant 80 : index
        %swap3A_155 = tpu.vector_load %arg14[%swap3A_152, %swap3A_153, %swap3A_154] {strides = array<i32>} : memref<2x128x128xf32, #tpu.memory_space<vmem>>, vector<1x1x16xf32>,
        %swap3A_156 = vector.shape_cast %swap3A_155 : vector<1x1x16xf32> to vector<16xf32>
        %swap3A_157 = vector.shape_cast %broadcast_in_dim3A_10 : vector<16xf32> to vector<1x1x16xf32>
        tpu.vector_store %arg14[%swap3A_152, %swap3A_153, %swap3A_154], %swap3A_157 {strides = array<i32>} : memref<2x128x128xf32, #tpu.memory_space<vmem>>, vector<1x1x16xf32>,
        %swap3A_158 = arith.constant 0 : i32
        %swap3A_159 = arith.index_cast %swap3A_158 : i32 to index
        %swap3A_160 = arith.index_cast %add3A_115 : i32 to index
        %swap3A_161 = arith.constant 96 : index
        %swap3A_162 = tpu.vector_load %arg14[%swap3A_159, %swap3A_160, %swap3A_161] {strides = array<i32>} : memref<2x128x128xf32, #tpu.memory_space<vmem>>, vector<1x1x16xf32>,
        %swap3A_163 = vector.shape_cast %swap3A_162 : vector<1x1x16xf32> to vector<16xf32>
        %swap3A_164 = vector.shape_cast %broadcast_in_dim3A_10 : vector<16xf32> to vector<1x1x16xf32>
        tpu.vector_store %arg14[%swap3A_159, %swap3A_160, %swap3A_161], %swap3A_164 {strides = array<i32>} : memref<2x128x128xf32, #tpu.memory_space<vmem>>, vector<1x1x16xf32>,
        %swap3A_165 = arith.constant 0 : i32
        %swap3A_166 = arith.index_cast %swap3A_165 : i32 to index
        %swap3A_167 = arith.index_cast %add3A_115 : i32 to index
        %swap3A_168 = arith.constant 112 : index
        %swap3A_169 = tpu.vector_load %arg14[%swap3A_166, %swap3A_167, %swap3A_168] {strides = array<i32>} : memref<2x128x128xf32, #tpu.memory_space<vmem>>, vector<1x1x16xf32>,
        %swap3A_170 = vector.shape_cast %swap3A_169 : vector<1x1x16xf32> to vector<16xf32>
        %swap3A_171 = vector.shape_cast %broadcast_in_dim3A_10 : vector<16xf32> to vector<1x1x16xf32>
        tpu.vector_store %arg14[%swap3A_166, %swap3A_167, %swap3A_168], %swap3A_171 {strides = array<i32>} : memref<2x128x128xf32, #tpu.memory_space<vmem>>, vector<1x1x16xf32>,
      }
      %scan3A_89 = arith.constant 128 : i32
      %scan3A_90 = arith.constant 0 : i32
      %scan3A_91 = arith.constant 37 : i32
      %scan3A_92 = arith.addi %scan3A_90, %scan3A_91 : i32
      %scan3A_93 = arith.constant 1 : i32
      scf.for %scan3A_111 = %scan3A_90 to %scan3A_92 step %scan3A_93  : i32 {
        %mul3A_112 = arith.constant 1 : i32
        %mul3A_113 = arith.muli %scan3A_111, %mul3A_112 : i32
        %add3A_114 = arith.constant 0 : i32
        %add3A_115 = arith.addi %add3A_114, %mul3A_113 : i32
        %run_scoped3A = arith.constant 0 : i32
        "tpu.region"() ({
          %run_scoped3A_116 = tpu.sem_alloc : memref<!tpu.dma_semaphore, #tpu.memory_space<semaphore_mem>>
          %dma_start3A = arith.constant 0 : i32
          %dma_start3A_117 = arith.constant 0 : i32
          %dma_start3A_118 = tpu.memref_slice %arg14[%run_scoped3A, %dma_start3A, %dma_start3A_117] : memref<2x128x128xf32, #tpu.memory_space<vmem>> -> memref<1x128x128xf32, #tpu.memory_space<vmem>>
          %dma_start3A_119 = tpu.memref_squeeze %dma_start3A_118 : memref<1x128x128xf32, #tpu.memory_space<vmem>> -> memref<128x128xf32, #tpu.memory_space<vmem>>
          %dma_start3A_120 = arith.constant 0 : i32
          %dma_start3A_121 = tpu.memref_slice %arg11[%add3A_115, %dma_start3A_120] : memref<37x128xi32, #tpu.memory_space<vmem>> -> memref<1x128xi32, #tpu.memory_space<vmem>>
          %dma_start3A_122 = tpu.memref_squeeze %dma_start3A_121 : memref<1x128xi32, #tpu.memory_space<vmem>> -> memref<128xi32, #tpu.memory_space<vmem>>
          %dma_start3A_123 = arith.constant 0 : i32
          %dma_start3A_124 = arith.constant 0 : i32
          %dma_start3A_125 = tpu.memref_slice %arg17[%dma_start3A_123, %dma_start3A_124] : memref<2816x128xf32, #tpu.memory_space<vmem_shared>> -> memref<2816x128xf32, #tpu.memory_space<vmem_shared>>
          tpu.enqueue_indirect_dma source(%dma_start3A_119 : memref<128x128xf32, #tpu.memory_space<vmem>>) target(%dma_start3A_125 : memref<2816x128xf32, #tpu.memory_space<vmem_shared>>) offsets(%dma_start3A_122 : memref<128xi32, #tpu.memory_space<vmem>>) semaphore(%run_scoped3A_116 : memref<!tpu.dma_semaphore, #tpu.memory_space<semaphore_mem>>) {add = true}
          %dma_wait3A = arith.constant 0 : i32
          %dma_wait3A_126 = arith.constant 0 : i32
          %dma_wait3A_127 = tpu.memref_slice %arg14[%run_scoped3A, %dma_wait3A, %dma_wait3A_126] : memref<2x128x128xf32, #tpu.memory_space<vmem>> -> memref<1x128x128xf32, #tpu.memory_space<vmem>>
          %dma_wait3A_128 = tpu.memref_squeeze %dma_wait3A_127 : memref<1x128x128xf32, #tpu.memory_space<vmem>> -> memref<128x128xf32, #tpu.memory_space<vmem>>
          %dma_wait3A_129 = arith.constant 0 : i32
          %dma_wait3A_130 = tpu.memref_slice %arg11[%add3A_115, %dma_wait3A_129] : memref<37x128xi32, #tpu.memory_space<vmem>> -> memref<1x128xi32, #tpu.memory_space<vmem>>
          %dma_wait3A_131 = tpu.memref_squeeze %dma_wait3A_130 : memref<1x128xi32, #tpu.memory_space<vmem>> -> memref<128xi32, #tpu.memory_space<vmem>>
          %dma_wait3A_132 = arith.constant 0 : i32
          %dma_wait3A_133 = arith.constant 0 : i32
          %dma_wait3A_134 = tpu.memref_slice %arg17[%dma_wait3A_132, %dma_wait3A_133] : memref<2816x128xf32, #tpu.memory_space<vmem_shared>> -> memref<2816x128xf32, #tpu.memory_space<vmem_shared>>
          tpu.wait_indirect_dma semaphore(%run_scoped3A_116 : memref<!tpu.dma_semaphore, #tpu.memory_space<semaphore_mem>>) src(%dma_wait3A_128 : memref<128x128xf32, #tpu.memory_space<vmem>>) dst(%dma_wait3A_134 : memref<2816x128xf32, #tpu.memory_space<vmem_shared>>)
          tpu.yield
        }) : () -> ()
      }
      %scan3A_94 = arith.constant 37 : i32
      %barrier3A_95 = arith.constant 0 : index
      tpu.barrier barrier_id(%barrier3A_95)
      %add3A_96 = arith.constant 24 : i32
      %add3A_97 = arith.addi %add3A_96, %arg0 : i32
      %mul3A_98 = arith.constant 10240 : i32
      %mul3A_99 = arith.muli %add3A_97, %mul3A_98 : i32
      %add3A_100 = arith.addi %mul3A_99, %mul3A_72 : i32
      %mul3A_101 = arith.constant 160 : i32
      %mul3A_102 = arith.muli %arg1, %mul3A_101 : i32
      %add3A_103 = arith.constant 0 : i32
      %add3A_104 = arith.addi %mul3A_102, %add3A_103 : i32
      "tpu.region"() ({
        %run_scoped3A = tpu.sem_alloc : memref<!tpu.dma_semaphore, #tpu.memory_space<semaphore_mem>>
        %dma_start3A = arith.constant 0 : i32
        %dma_start3A_111 = arith.constant 0 : i32
        %dma_start3A_112 = tpu.memref_slice %arg15[%dma_start3A, %dma_start3A_111] : memref<80x128xf32, #tpu.memory_space<vmem>> -> memref<80x128xf32, #tpu.memory_space<vmem>>
        %dma_start3A_113 = arith.constant 0 : i32
        %dma_start3A_114 = tpu.memref_slice %arg17[%add3A_104, %dma_start3A_113] : memref<2816x128xf32, #tpu.memory_space<vmem_shared>> -> memref<80x128xf32, #tpu.memory_space<vmem_shared>>
        %dma_start3A_115 = arith.constant 0 : i32
        %dma_start3A_116 = arith.constant 0 : i32
        %dma_start3A_117 = tpu.memref_slice %arg15[%dma_start3A_115, %dma_start3A_116] : memref<80x128xf32, #tpu.memory_space<vmem>> -> memref<80x128xf32, #tpu.memory_space<vmem>>
        %dma_start3A_118 = arith.constant 0 : i32
        %dma_start3A_119 = tpu.memref_slice %arg17[%add3A_104, %dma_start3A_118] : memref<2816x128xf32, #tpu.memory_space<vmem_shared>> -> memref<80x128xf32, #tpu.memory_space<vmem_shared>>
        tpu.enqueue_dma source(%dma_start3A_119 : memref<80x128xf32, #tpu.memory_space<vmem_shared>>) target(%dma_start3A_117 : memref<80x128xf32, #tpu.memory_space<vmem>>) target_semaphore(%run_scoped3A : memref<!tpu.dma_semaphore, #tpu.memory_space<semaphore_mem>>)
        %dma_wait3A = arith.constant 0 : i32
        %dma_wait3A_120 = arith.constant 0 : i32
        %dma_wait3A_121 = tpu.memref_slice %arg15[%dma_wait3A, %dma_wait3A_120] : memref<80x128xf32, #tpu.memory_space<vmem>> -> memref<80x128xf32, #tpu.memory_space<vmem>>
        %dma_wait3A_122 = arith.constant 0 : i32
        %dma_wait3A_123 = tpu.memref_slice %arg17[%add3A_104, %dma_wait3A_122] : memref<2816x128xf32, #tpu.memory_space<vmem_shared>> -> memref<80x128xf32, #tpu.memory_space<vmem_shared>>
        %dma_wait3A_124 = arith.constant 0 : i32
        %dma_wait3A_125 = arith.constant 0 : i32
        %dma_wait3A_126 = tpu.memref_slice %arg15[%dma_wait3A_124, %dma_wait3A_125] : memref<80x128xf32, #tpu.memory_space<vmem>> -> memref<80x128xf32, #tpu.memory_space<vmem>>
        %dma_wait3A_127 = arith.constant 0 : i32
        %dma_wait3A_128 = tpu.memref_slice %arg17[%add3A_104, %dma_wait3A_127] : memref<2816x128xf32, #tpu.memory_space<vmem_shared>> -> memref<80x128xf32, #tpu.memory_space<vmem_shared>>
        tpu.wait_dma2 semaphore(%run_scoped3A : memref<!tpu.dma_semaphore, #tpu.memory_space<semaphore_mem>>) src(%dma_wait3A_128 : memref<80x128xf32, #tpu.memory_space<vmem_shared>>) dst(%dma_wait3A_126 : memref<80x128xf32, #tpu.memory_space<vmem>>)
        tpu.yield
      }) : () -> ()
      %add3A_105 = arith.addi %add3A_100, %add3A_104 : i32
      "tpu.region"() ({
        %run_scoped3A = tpu.sem_alloc : memref<!tpu.dma_semaphore, #tpu.memory_space<semaphore_mem>>
        %dma_start3A = arith.constant 0 : i32
        %dma_start3A_111 = arith.constant 0 : i32
        %dma_start3A_112 = tpu.memref_slice %arg15[%dma_start3A, %dma_start3A_111] : memref<80x128xf32, #tpu.memory_space<vmem>> -> memref<80x128xf32, #tpu.memory_space<vmem>>
        %dma_start3A_113 = arith.constant 0 : i32
        %dma_start3A_114 = tpu.memref_slice %arg7[%add3A_105, %dma_start3A_113] : memref<266240x128xf32, #tpu.memory_space<hbm>> -> memref<80x128xf32, #tpu.memory_space<hbm>>
        %dma_start3A_115 = arith.constant 0 : i32
        %dma_start3A_116 = tpu.memref_slice %arg7[%add3A_105, %dma_start3A_115] : memref<266240x128xf32, #tpu.memory_space<hbm>> -> memref<80x128xf32, #tpu.memory_space<hbm>>
        %dma_start3A_117 = arith.constant 0 : i32
        %dma_start3A_118 = arith.constant 0 : i32
        %dma_start3A_119 = tpu.memref_slice %arg15[%dma_start3A_117, %dma_start3A_118] : memref<80x128xf32, #tpu.memory_space<vmem>> -> memref<80x128xf32, #tpu.memory_space<vmem>>
        tpu.enqueue_dma source(%dma_start3A_119 : memref<80x128xf32, #tpu.memory_space<vmem>>) target(%dma_start3A_116 : memref<80x128xf32, #tpu.memory_space<hbm>>) target_semaphore(%run_scoped3A : memref<!tpu.dma_semaphore, #tpu.memory_space<semaphore_mem>>)
        %dma_wait3A = arith.constant 0 : i32
        %dma_wait3A_120 = arith.constant 0 : i32
        %dma_wait3A_121 = tpu.memref_slice %arg15[%dma_wait3A, %dma_wait3A_120] : memref<80x128xf32, #tpu.memory_space<vmem>> -> memref<80x128xf32, #tpu.memory_space<vmem>>
        %dma_wait3A_122 = arith.constant 0 : i32
        %dma_wait3A_123 = tpu.memref_slice %arg7[%add3A_105, %dma_wait3A_122] : memref<266240x128xf32, #tpu.memory_space<hbm>> -> memref<80x128xf32, #tpu.memory_space<hbm>>
        %dma_wait3A_124 = arith.constant 0 : i32
        %dma_wait3A_125 = tpu.memref_slice %arg7[%add3A_105, %dma_wait3A_124] : memref<266240x128xf32, #tpu.memory_space<hbm>> -> memref<80x128xf32, #tpu.memory_space<hbm>>
        %dma_wait3A_126 = arith.constant 0 : i32
        %dma_wait3A_127 = arith.constant 0 : i32
        %dma_wait3A_128 = tpu.memref_slice %arg15[%dma_wait3A_126, %dma_wait3A_127] : memref<80x128xf32, #tpu.memory_space<vmem>> -> memref<80x128xf32, #tpu.memory_space<vmem>>
        tpu.wait_dma2 semaphore(%run_scoped3A : memref<!tpu.dma_semaphore, #tpu.memory_space<semaphore_mem>>) src(%dma_wait3A_128 : memref<80x128xf32, #tpu.memory_space<vmem>>) dst(%dma_wait3A_125 : memref<80x128xf32, #tpu.memory_space<hbm>>)
        tpu.yield
      }) : () -> ()
      %mul3A_106 = arith.constant 160 : i32
      %mul3A_107 = arith.muli %arg1, %mul3A_106 : i32
      %add3A_108 = arith.constant 80 : i32
      %add3A_109 = arith.addi %mul3A_107, %add3A_108 : i32
      "tpu.region"() ({
        %run_scoped3A = tpu.sem_alloc : memref<!tpu.dma_semaphore, #tpu.memory_space<semaphore_mem>>
        %dma_start3A = arith.constant 0 : i32
        %dma_start3A_111 = arith.constant 0 : i32
        %dma_start3A_112 = tpu.memref_slice %arg15[%dma_start3A, %dma_start3A_111] : memref<80x128xf32, #tpu.memory_space<vmem>> -> memref<80x128xf32, #tpu.memory_space<vmem>>
        %dma_start3A_113 = arith.constant 0 : i32
        %dma_start3A_114 = tpu.memref_slice %arg17[%add3A_109, %dma_start3A_113] : memref<2816x128xf32, #tpu.memory_space<vmem_shared>> -> memref<80x128xf32, #tpu.memory_space<vmem_shared>>
        %dma_start3A_115 = arith.constant 0 : i32
        %dma_start3A_116 = arith.constant 0 : i32
        %dma_start3A_117 = tpu.memref_slice %arg15[%dma_start3A_115, %dma_start3A_116] : memref<80x128xf32, #tpu.memory_space<vmem>> -> memref<80x128xf32, #tpu.memory_space<vmem>>
        %dma_start3A_118 = arith.constant 0 : i32
        %dma_start3A_119 = tpu.memref_slice %arg17[%add3A_109, %dma_start3A_118] : memref<2816x128xf32, #tpu.memory_space<vmem_shared>> -> memref<80x128xf32, #tpu.memory_space<vmem_shared>>
        tpu.enqueue_dma source(%dma_start3A_119 : memref<80x128xf32, #tpu.memory_space<vmem_shared>>) target(%dma_start3A_117 : memref<80x128xf32, #tpu.memory_space<vmem>>) target_semaphore(%run_scoped3A : memref<!tpu.dma_semaphore, #tpu.memory_space<semaphore_mem>>)
        %dma_wait3A = arith.constant 0 : i32
        %dma_wait3A_120 = arith.constant 0 : i32
        %dma_wait3A_121 = tpu.memref_slice %arg15[%dma_wait3A, %dma_wait3A_120] : memref<80x128xf32, #tpu.memory_space<vmem>> -> memref<80x128xf32, #tpu.memory_space<vmem>>
        %dma_wait3A_122 = arith.constant 0 : i32
        %dma_wait3A_123 = tpu.memref_slice %arg17[%add3A_109, %dma_wait3A_122] : memref<2816x128xf32, #tpu.memory_space<vmem_shared>> -> memref<80x128xf32, #tpu.memory_space<vmem_shared>>
        %dma_wait3A_124 = arith.constant 0 : i32
        %dma_wait3A_125 = arith.constant 0 : i32
        %dma_wait3A_126 = tpu.memref_slice %arg15[%dma_wait3A_124, %dma_wait3A_125] : memref<80x128xf32, #tpu.memory_space<vmem>> -> memref<80x128xf32, #tpu.memory_space<vmem>>
        %dma_wait3A_127 = arith.constant 0 : i32
        %dma_wait3A_128 = tpu.memref_slice %arg17[%add3A_109, %dma_wait3A_127] : memref<2816x128xf32, #tpu.memory_space<vmem_shared>> -> memref<80x128xf32, #tpu.memory_space<vmem_shared>>
        tpu.wait_dma2 semaphore(%run_scoped3A : memref<!tpu.dma_semaphore, #tpu.memory_space<semaphore_mem>>) src(%dma_wait3A_128 : memref<80x128xf32, #tpu.memory_space<vmem_shared>>) dst(%dma_wait3A_126 : memref<80x128xf32, #tpu.memory_space<vmem>>)
        tpu.yield
      }) : () -> ()
      %add3A_110 = arith.addi %add3A_100, %add3A_109 : i32
      "tpu.region"() ({
        %run_scoped3A = tpu.sem_alloc : memref<!tpu.dma_semaphore, #tpu.memory_space<semaphore_mem>>
        %dma_start3A = arith.constant 0 : i32
        %dma_start3A_111 = arith.constant 0 : i32
        %dma_start3A_112 = tpu.memref_slice %arg15[%dma_start3A, %dma_start3A_111] : memref<80x128xf32, #tpu.memory_space<vmem>> -> memref<80x128xf32, #tpu.memory_space<vmem>>
        %dma_start3A_113 = arith.constant 0 : i32
        %dma_start3A_114 = tpu.memref_slice %arg7[%add3A_110, %dma_start3A_113] : memref<266240x128xf32, #tpu.memory_space<hbm>> -> memref<80x128xf32, #tpu.memory_space<hbm>>
        %dma_start3A_115 = arith.constant 0 : i32
        %dma_start3A_116 = tpu.memref_slice %arg7[%add3A_110, %dma_start3A_115] : memref<266240x128xf32, #tpu.memory_space<hbm>> -> memref<80x128xf32, #tpu.memory_space<hbm>>
        %dma_start3A_117 = arith.constant 0 : i32
        %dma_start3A_118 = arith.constant 0 : i32
        %dma_start3A_119 = tpu.memref_slice %arg15[%dma_start3A_117, %dma_start3A_118] : memref<80x128xf32, #tpu.memory_space<vmem>> -> memref<80x128xf32, #tpu.memory_space<vmem>>
        tpu.enqueue_dma source(%dma_start3A_119 : memref<80x128xf32, #tpu.memory_space<vmem>>) target(%dma_start3A_116 : memref<80x128xf32, #tpu.memory_space<hbm>>) target_semaphore(%run_scoped3A : memref<!tpu.dma_semaphore, #tpu.memory_space<semaphore_mem>>)
        %dma_wait3A = arith.constant 0 : i32
        %dma_wait3A_120 = arith.constant 0 : i32
        %dma_wait3A_121 = tpu.memref_slice %arg15[%dma_wait3A, %dma_wait3A_120] : memref<80x128xf32, #tpu.memory_space<vmem>> -> memref<80x128xf32, #tpu.memory_space<vmem>>
        %dma_wait3A_122 = arith.constant 0 : i32
        %dma_wait3A_123 = tpu.memref_slice %arg7[%add3A_110, %dma_wait3A_122] : memref<266240x128xf32, #tpu.memory_space<hbm>> -> memref<80x128xf32, #tpu.memory_space<hbm>>
        %dma_wait3A_124 = arith.constant 0 : i32
        %dma_wait3A_125 = tpu.memref_slice %arg7[%add3A_110, %dma_wait3A_124] : memref<266240x128xf32, #tpu.memory_space<hbm>> -> memref<80x128xf32, #tpu.memory_space<hbm>>
        %dma_wait3A_126 = arith.constant 0 : i32
        %dma_wait3A_127 = arith.constant 0 : i32
        %dma_wait3A_128 = tpu.memref_slice %arg15[%dma_wait3A_126, %dma_wait3A_127] : memref<80x128xf32, #tpu.memory_space<vmem>> -> memref<80x128xf32, #tpu.memory_space<vmem>>
        tpu.wait_dma2 semaphore(%run_scoped3A : memref<!tpu.dma_semaphore, #tpu.memory_space<semaphore_mem>>) src(%dma_wait3A_128 : memref<80x128xf32, #tpu.memory_space<vmem>>) dst(%dma_wait3A_125 : memref<80x128xf32, #tpu.memory_space<hbm>>)
        tpu.yield
      }) : () -> ()
    }
    %scan3A_66 = arith.constant 4 : i32
    return
  }
}

module attributes {stable_mosaic.version = 14 : i64} {
  func.func @_epi_a_body(%arg0: i32, %arg1: memref<26x256x128xf32, #tpu.memory_space<vmem>>, %arg2: memref<1x256x4x128xf32, #tpu.memory_space<vmem>>, %arg3: memref<1x256x4x128xf32, #tpu.memory_space<vmem>>, %arg4: memref<2xf32, #tpu.memory_space<smem>>, %arg5: memref<256x4x128xf32, #tpu.memory_space<vmem>>, %arg6: memref<256x4x128xf32, #tpu.memory_space<vmem>>) attributes {dimension_semantics = [#tpu.dimension_semantics<arbitrary>], iteration_bounds = array<i64: 40>, scalar_prefetch = 0 : i64, scratch_operands = 0 : i64, tpu.core_type = #tpu.core_type<tc>, window_params = [{transform_indices = @transform_0, window_bounds = array<i64: 26, 256, 128>}, {transform_indices = @transform_1, window_bounds = array<i64: 1, 256, 4, 128>}, {transform_indices = @transform_2, window_bounds = array<i64: 1, 256, 4, 128>}, {transform_indices = @transform_3, window_bounds = array<i64: 2>}, {transform_indices = @transform_4, window_bounds = array<i64: 256, 4, 128>}, {transform_indices = @transform_5, window_bounds = array<i64: 256, 4, 128>}]} {
    %get3A = arith.constant 0 : index
    %get3A_0 = memref.load %arg4[%get3A] : memref<2xf32, #tpu.memory_space<smem>>
    %get3A_1 = arith.constant 1 : index
    %get3A_2 = memref.load %arg4[%get3A_1] : memref<2xf32, #tpu.memory_space<smem>>
    %sub3A = arith.subf %get3A_0, %get3A_2 : f32
    %broadcast_in_dim3A = vector.broadcast %sub3A : f32 to vector<256x1xf32>
    %logistic3A = arith.negf %broadcast_in_dim3A : vector<256x1xf32>
    %logistic3A_3 = math.exp %logistic3A : vector<256x1xf32>
    %logistic3A_4 = arith.constant 1.000000e+00 : f32
    %logistic3A_5 = vector.broadcast %logistic3A_4 : f32 to vector<256x1xf32>
    %logistic3A_6 = arith.addf %logistic3A_5, %logistic3A_3 : vector<256x1xf32>
    %logistic3A_7 = arith.divf %logistic3A_5, %logistic3A_6 : vector<256x1xf32>
    %sub3A_8 = arith.constant 1.000000e+00 : f32
    %sub3A_9 = vector.broadcast %sub3A_8 : f32 to vector<256x1xf32>
    %sub3A_10 = arith.subf %sub3A_9, %logistic3A_7 : vector<256x1xf32>
    %get3A_11 = arith.constant 24 : index
    %get3A_12 = arith.constant 0 : index
    %get3A_13 = arith.constant 0 : index
    %get3A_14 = vector.load %arg1[%get3A_11, %get3A_12, %get3A_13] : memref<26x256x128xf32, #tpu.memory_space<vmem>>, vector<1x256x1xf32>
    %get3A_15 = vector.shape_cast %get3A_14 : vector<1x256x1xf32> to vector<256x1xf32>
    %get3A_16 = arith.constant 25 : index
    %get3A_17 = arith.constant 0 : index
    %get3A_18 = arith.constant 0 : index
    %get3A_19 = vector.load %arg1[%get3A_16, %get3A_17, %get3A_18] : memref<26x256x128xf32, #tpu.memory_space<vmem>>, vector<1x256x1xf32>
    %get3A_20 = vector.shape_cast %get3A_19 : vector<1x256x1xf32> to vector<256x1xf32>
    %max3A = arith.constant 1.000000e+00 : f32
    %max3A_21 = vector.broadcast %max3A : f32 to vector<256x1xf32>
    %max3A_22 = arith.maximumf %get3A_15, %max3A_21 : vector<256x1xf32>
    %div3A = arith.divf %logistic3A_7, %max3A_22 : vector<256x1xf32>
    %max3A_23 = arith.constant 1.000000e+00 : f32
    %max3A_24 = vector.broadcast %max3A_23 : f32 to vector<256x1xf32>
    %max3A_25 = arith.maximumf %get3A_20, %max3A_24 : vector<256x1xf32>
    %div3A_26 = arith.divf %sub3A_10, %max3A_25 : vector<256x1xf32>
    %get3A_27 = arith.constant 0 : index
    %get3A_28 = arith.constant 0 : index
    %get3A_29 = arith.constant 0 : index
    %get3A_30 = vector.load %arg1[%get3A_27, %get3A_28, %get3A_29] : memref<26x256x128xf32, #tpu.memory_space<vmem>>, vector<1x256x128xf32>
    %get3A_31 = vector.shape_cast %get3A_30 : vector<1x256x128xf32> to vector<256x128xf32>
    %mul3A = vector.broadcast %div3A : vector<256x1xf32> to vector<256x128xf32>
    %mul3A_32 = arith.mulf %mul3A, %get3A_31 : vector<256x128xf32>
    %get3A_33 = arith.constant 12 : index
    %get3A_34 = arith.constant 0 : index
    %get3A_35 = arith.constant 0 : index
    %get3A_36 = vector.load %arg1[%get3A_33, %get3A_34, %get3A_35] : memref<26x256x128xf32, #tpu.memory_space<vmem>>, vector<1x256x128xf32>
    %get3A_37 = vector.shape_cast %get3A_36 : vector<1x256x128xf32> to vector<256x128xf32>
    %mul3A_38 = vector.broadcast %div3A_26 : vector<256x1xf32> to vector<256x128xf32>
    %mul3A_39 = arith.mulf %mul3A_38, %get3A_37 : vector<256x128xf32>
    %add3A = arith.addf %mul3A_32, %mul3A_39 : vector<256x128xf32>
    %get3A_40 = arith.constant 1 : index
    %get3A_41 = arith.constant 0 : index
    %get3A_42 = arith.constant 0 : index
    %get3A_43 = vector.load %arg1[%get3A_40, %get3A_41, %get3A_42] : memref<26x256x128xf32, #tpu.memory_space<vmem>>, vector<1x256x128xf32>
    %get3A_44 = vector.shape_cast %get3A_43 : vector<1x256x128xf32> to vector<256x128xf32>
    %mul3A_45 = vector.broadcast %div3A : vector<256x1xf32> to vector<256x128xf32>
    %mul3A_46 = arith.mulf %mul3A_45, %get3A_44 : vector<256x128xf32>
    %get3A_47 = arith.constant 13 : index
    %get3A_48 = arith.constant 0 : index
    %get3A_49 = arith.constant 0 : index
    %get3A_50 = vector.load %arg1[%get3A_47, %get3A_48, %get3A_49] : memref<26x256x128xf32, #tpu.memory_space<vmem>>, vector<1x256x128xf32>
    %get3A_51 = vector.shape_cast %get3A_50 : vector<1x256x128xf32> to vector<256x128xf32>
    %mul3A_52 = vector.broadcast %div3A_26 : vector<256x1xf32> to vector<256x128xf32>
    %mul3A_53 = arith.mulf %mul3A_52, %get3A_51 : vector<256x128xf32>
    %add3A_54 = arith.addf %mul3A_46, %mul3A_53 : vector<256x128xf32>
    %get3A_55 = arith.constant 2 : index
    %get3A_56 = arith.constant 0 : index
    %get3A_57 = arith.constant 0 : index
    %get3A_58 = vector.load %arg1[%get3A_55, %get3A_56, %get3A_57] : memref<26x256x128xf32, #tpu.memory_space<vmem>>, vector<1x256x128xf32>
    %get3A_59 = vector.shape_cast %get3A_58 : vector<1x256x128xf32> to vector<256x128xf32>
    %mul3A_60 = vector.broadcast %div3A : vector<256x1xf32> to vector<256x128xf32>
    %mul3A_61 = arith.mulf %mul3A_60, %get3A_59 : vector<256x128xf32>
    %get3A_62 = arith.constant 14 : index
    %get3A_63 = arith.constant 0 : index
    %get3A_64 = arith.constant 0 : index
    %get3A_65 = vector.load %arg1[%get3A_62, %get3A_63, %get3A_64] : memref<26x256x128xf32, #tpu.memory_space<vmem>>, vector<1x256x128xf32>
    %get3A_66 = vector.shape_cast %get3A_65 : vector<1x256x128xf32> to vector<256x128xf32>
    %mul3A_67 = vector.broadcast %div3A_26 : vector<256x1xf32> to vector<256x128xf32>
    %mul3A_68 = arith.mulf %mul3A_67, %get3A_66 : vector<256x128xf32>
    %add3A_69 = arith.addf %mul3A_61, %mul3A_68 : vector<256x128xf32>
    %get3A_70 = arith.constant 3 : index
    %get3A_71 = arith.constant 0 : index
    %get3A_72 = arith.constant 0 : index
    %get3A_73 = vector.load %arg1[%get3A_70, %get3A_71, %get3A_72] : memref<26x256x128xf32, #tpu.memory_space<vmem>>, vector<1x256x128xf32>
    %get3A_74 = vector.shape_cast %get3A_73 : vector<1x256x128xf32> to vector<256x128xf32>
    %mul3A_75 = vector.broadcast %div3A : vector<256x1xf32> to vector<256x128xf32>
    %mul3A_76 = arith.mulf %mul3A_75, %get3A_74 : vector<256x128xf32>
    %get3A_77 = arith.constant 15 : index
    %get3A_78 = arith.constant 0 : index
    %get3A_79 = arith.constant 0 : index
    %get3A_80 = vector.load %arg1[%get3A_77, %get3A_78, %get3A_79] : memref<26x256x128xf32, #tpu.memory_space<vmem>>, vector<1x256x128xf32>
    %get3A_81 = vector.shape_cast %get3A_80 : vector<1x256x128xf32> to vector<256x128xf32>
    %mul3A_82 = vector.broadcast %div3A_26 : vector<256x1xf32> to vector<256x128xf32>
    %mul3A_83 = arith.mulf %mul3A_82, %get3A_81 : vector<256x128xf32>
    %add3A_84 = arith.addf %mul3A_76, %mul3A_83 : vector<256x128xf32>
    %get3A_85 = arith.constant 4 : index
    %get3A_86 = arith.constant 0 : index
    %get3A_87 = arith.constant 0 : index
    %get3A_88 = vector.load %arg1[%get3A_85, %get3A_86, %get3A_87] : memref<26x256x128xf32, #tpu.memory_space<vmem>>, vector<1x256x128xf32>
    %get3A_89 = vector.shape_cast %get3A_88 : vector<1x256x128xf32> to vector<256x128xf32>
    %mul3A_90 = vector.broadcast %div3A : vector<256x1xf32> to vector<256x128xf32>
    %mul3A_91 = arith.mulf %mul3A_90, %get3A_89 : vector<256x128xf32>
    %get3A_92 = arith.constant 16 : index
    %get3A_93 = arith.constant 0 : index
    %get3A_94 = arith.constant 0 : index
    %get3A_95 = vector.load %arg1[%get3A_92, %get3A_93, %get3A_94] : memref<26x256x128xf32, #tpu.memory_space<vmem>>, vector<1x256x128xf32>
    %get3A_96 = vector.shape_cast %get3A_95 : vector<1x256x128xf32> to vector<256x128xf32>
    %mul3A_97 = vector.broadcast %div3A_26 : vector<256x1xf32> to vector<256x128xf32>
    %mul3A_98 = arith.mulf %mul3A_97, %get3A_96 : vector<256x128xf32>
    %add3A_99 = arith.addf %mul3A_91, %mul3A_98 : vector<256x128xf32>
    %get3A_100 = arith.constant 5 : index
    %get3A_101 = arith.constant 0 : index
    %get3A_102 = arith.constant 0 : index
    %get3A_103 = vector.load %arg1[%get3A_100, %get3A_101, %get3A_102] : memref<26x256x128xf32, #tpu.memory_space<vmem>>, vector<1x256x128xf32>
    %get3A_104 = vector.shape_cast %get3A_103 : vector<1x256x128xf32> to vector<256x128xf32>
    %mul3A_105 = vector.broadcast %div3A : vector<256x1xf32> to vector<256x128xf32>
    %mul3A_106 = arith.mulf %mul3A_105, %get3A_104 : vector<256x128xf32>
    %get3A_107 = arith.constant 17 : index
    %get3A_108 = arith.constant 0 : index
    %get3A_109 = arith.constant 0 : index
    %get3A_110 = vector.load %arg1[%get3A_107, %get3A_108, %get3A_109] : memref<26x256x128xf32, #tpu.memory_space<vmem>>, vector<1x256x128xf32>
    %get3A_111 = vector.shape_cast %get3A_110 : vector<1x256x128xf32> to vector<256x128xf32>
    %mul3A_112 = vector.broadcast %div3A_26 : vector<256x1xf32> to vector<256x128xf32>
    %mul3A_113 = arith.mulf %mul3A_112, %get3A_111 : vector<256x128xf32>
    %add3A_114 = arith.addf %mul3A_106, %mul3A_113 : vector<256x128xf32>
    %get3A_115 = arith.constant 6 : index
    %get3A_116 = arith.constant 0 : index
    %get3A_117 = arith.constant 0 : index
    %get3A_118 = vector.load %arg1[%get3A_115, %get3A_116, %get3A_117] : memref<26x256x128xf32, #tpu.memory_space<vmem>>, vector<1x256x128xf32>
    %get3A_119 = vector.shape_cast %get3A_118 : vector<1x256x128xf32> to vector<256x128xf32>
    %mul3A_120 = vector.broadcast %div3A : vector<256x1xf32> to vector<256x128xf32>
    %mul3A_121 = arith.mulf %mul3A_120, %get3A_119 : vector<256x128xf32>
    %get3A_122 = arith.constant 18 : index
    %get3A_123 = arith.constant 0 : index
    %get3A_124 = arith.constant 0 : index
    %get3A_125 = vector.load %arg1[%get3A_122, %get3A_123, %get3A_124] : memref<26x256x128xf32, #tpu.memory_space<vmem>>, vector<1x256x128xf32>
    %get3A_126 = vector.shape_cast %get3A_125 : vector<1x256x128xf32> to vector<256x128xf32>
    %mul3A_127 = vector.broadcast %div3A_26 : vector<256x1xf32> to vector<256x128xf32>
    %mul3A_128 = arith.mulf %mul3A_127, %get3A_126 : vector<256x128xf32>
    %add3A_129 = arith.addf %mul3A_121, %mul3A_128 : vector<256x128xf32>
    %get3A_130 = arith.constant 7 : index
    %get3A_131 = arith.constant 0 : index
    %get3A_132 = arith.constant 0 : index
    %get3A_133 = vector.load %arg1[%get3A_130, %get3A_131, %get3A_132] : memref<26x256x128xf32, #tpu.memory_space<vmem>>, vector<1x256x128xf32>
    %get3A_134 = vector.shape_cast %get3A_133 : vector<1x256x128xf32> to vector<256x128xf32>
    %mul3A_135 = vector.broadcast %div3A : vector<256x1xf32> to vector<256x128xf32>
    %mul3A_136 = arith.mulf %mul3A_135, %get3A_134 : vector<256x128xf32>
    %get3A_137 = arith.constant 19 : index
    %get3A_138 = arith.constant 0 : index
    %get3A_139 = arith.constant 0 : index
    %get3A_140 = vector.load %arg1[%get3A_137, %get3A_138, %get3A_139] : memref<26x256x128xf32, #tpu.memory_space<vmem>>, vector<1x256x128xf32>
    %get3A_141 = vector.shape_cast %get3A_140 : vector<1x256x128xf32> to vector<256x128xf32>
    %mul3A_142 = vector.broadcast %div3A_26 : vector<256x1xf32> to vector<256x128xf32>
    %mul3A_143 = arith.mulf %mul3A_142, %get3A_141 : vector<256x128xf32>
    %add3A_144 = arith.addf %mul3A_136, %mul3A_143 : vector<256x128xf32>
    %get3A_145 = arith.constant 8 : index
    %get3A_146 = arith.constant 0 : index
    %get3A_147 = arith.constant 0 : index
    %get3A_148 = vector.load %arg1[%get3A_145, %get3A_146, %get3A_147] : memref<26x256x128xf32, #tpu.memory_space<vmem>>, vector<1x256x128xf32>
    %get3A_149 = vector.shape_cast %get3A_148 : vector<1x256x128xf32> to vector<256x128xf32>
    %mul3A_150 = vector.broadcast %div3A : vector<256x1xf32> to vector<256x128xf32>
    %mul3A_151 = arith.mulf %mul3A_150, %get3A_149 : vector<256x128xf32>
    %get3A_152 = arith.constant 20 : index
    %get3A_153 = arith.constant 0 : index
    %get3A_154 = arith.constant 0 : index
    %get3A_155 = vector.load %arg1[%get3A_152, %get3A_153, %get3A_154] : memref<26x256x128xf32, #tpu.memory_space<vmem>>, vector<1x256x128xf32>
    %get3A_156 = vector.shape_cast %get3A_155 : vector<1x256x128xf32> to vector<256x128xf32>
    %mul3A_157 = vector.broadcast %div3A_26 : vector<256x1xf32> to vector<256x128xf32>
    %mul3A_158 = arith.mulf %mul3A_157, %get3A_156 : vector<256x128xf32>
    %add3A_159 = arith.addf %mul3A_151, %mul3A_158 : vector<256x128xf32>
    %get3A_160 = arith.constant 9 : index
    %get3A_161 = arith.constant 0 : index
    %get3A_162 = arith.constant 0 : index
    %get3A_163 = vector.load %arg1[%get3A_160, %get3A_161, %get3A_162] : memref<26x256x128xf32, #tpu.memory_space<vmem>>, vector<1x256x128xf32>
    %get3A_164 = vector.shape_cast %get3A_163 : vector<1x256x128xf32> to vector<256x128xf32>
    %mul3A_165 = vector.broadcast %div3A : vector<256x1xf32> to vector<256x128xf32>
    %mul3A_166 = arith.mulf %mul3A_165, %get3A_164 : vector<256x128xf32>
    %get3A_167 = arith.constant 21 : index
    %get3A_168 = arith.constant 0 : index
    %get3A_169 = arith.constant 0 : index
    %get3A_170 = vector.load %arg1[%get3A_167, %get3A_168, %get3A_169] : memref<26x256x128xf32, #tpu.memory_space<vmem>>, vector<1x256x128xf32>
    %get3A_171 = vector.shape_cast %get3A_170 : vector<1x256x128xf32> to vector<256x128xf32>
    %mul3A_172 = vector.broadcast %div3A_26 : vector<256x1xf32> to vector<256x128xf32>
    %mul3A_173 = arith.mulf %mul3A_172, %get3A_171 : vector<256x128xf32>
    %add3A_174 = arith.addf %mul3A_166, %mul3A_173 : vector<256x128xf32>
    %get3A_175 = arith.constant 10 : index
    %get3A_176 = arith.constant 0 : index
    %get3A_177 = arith.constant 0 : index
    %get3A_178 = vector.load %arg1[%get3A_175, %get3A_176, %get3A_177] : memref<26x256x128xf32, #tpu.memory_space<vmem>>, vector<1x256x128xf32>
    %get3A_179 = vector.shape_cast %get3A_178 : vector<1x256x128xf32> to vector<256x128xf32>
    %mul3A_180 = vector.broadcast %div3A : vector<256x1xf32> to vector<256x128xf32>
    %mul3A_181 = arith.mulf %mul3A_180, %get3A_179 : vector<256x128xf32>
    %get3A_182 = arith.constant 22 : index
    %get3A_183 = arith.constant 0 : index
    %get3A_184 = arith.constant 0 : index
    %get3A_185 = vector.load %arg1[%get3A_182, %get3A_183, %get3A_184] : memref<26x256x128xf32, #tpu.memory_space<vmem>>, vector<1x256x128xf32>
    %get3A_186 = vector.shape_cast %get3A_185 : vector<1x256x128xf32> to vector<256x128xf32>
    %mul3A_187 = vector.broadcast %div3A_26 : vector<256x1xf32> to vector<256x128xf32>
    %mul3A_188 = arith.mulf %mul3A_187, %get3A_186 : vector<256x128xf32>
    %add3A_189 = arith.addf %mul3A_181, %mul3A_188 : vector<256x128xf32>
    %get3A_190 = arith.constant 11 : index
    %get3A_191 = arith.constant 0 : index
    %get3A_192 = arith.constant 0 : index
    %get3A_193 = vector.load %arg1[%get3A_190, %get3A_191, %get3A_192] : memref<26x256x128xf32, #tpu.memory_space<vmem>>, vector<1x256x128xf32>
    %get3A_194 = vector.shape_cast %get3A_193 : vector<1x256x128xf32> to vector<256x128xf32>
    %mul3A_195 = vector.broadcast %div3A : vector<256x1xf32> to vector<256x128xf32>
    %mul3A_196 = arith.mulf %mul3A_195, %get3A_194 : vector<256x128xf32>
    %get3A_197 = arith.constant 23 : index
    %get3A_198 = arith.constant 0 : index
    %get3A_199 = arith.constant 0 : index
    %get3A_200 = vector.load %arg1[%get3A_197, %get3A_198, %get3A_199] : memref<26x256x128xf32, #tpu.memory_space<vmem>>, vector<1x256x128xf32>
    %get3A_201 = vector.shape_cast %get3A_200 : vector<1x256x128xf32> to vector<256x128xf32>
    %mul3A_202 = vector.broadcast %div3A_26 : vector<256x1xf32> to vector<256x128xf32>
    %mul3A_203 = arith.mulf %mul3A_202, %get3A_201 : vector<256x128xf32>
    %add3A_204 = arith.addf %mul3A_196, %mul3A_203 : vector<256x128xf32>
    %broadcast_in_dim3A_205 = arith.constant 0.000000e+00 : f32
    %broadcast_in_dim3A_206 = vector.broadcast %broadcast_in_dim3A_205 : f32 to vector<256x1xf32>
    %get3A_207 = arith.constant 0 : index
    %get3A_208 = arith.constant 0 : index
    %get3A_209 = arith.constant 0 : index
    %get3A_210 = arith.constant 0 : index
    %get3A_211 = vector.load %arg3[%get3A_207, %get3A_208, %get3A_209, %get3A_210] : memref<1x256x4x128xf32, #tpu.memory_space<vmem>>, vector<1x256x1x128xf32>
    %get3A_212 = vector.shape_cast %get3A_211 : vector<1x256x1x128xf32> to vector<256x128xf32>
    %mul3A_213 = arith.mulf %add3A, %get3A_212 : vector<256x128xf32>
    %reduce_sum3A = arith.constant dense<0.000000e+00> : vector<256xf32>
    %reduce_sum3A_214 = vector.multi_reduction <add>, %mul3A_213, %reduce_sum3A [1] : vector<256x128xf32> to vector<256xf32>
    %broadcast_in_dim3A_215 = vector.shape_cast %reduce_sum3A_214 : vector<256xf32> to vector<256x1xf32>
    %add3A_216 = arith.addf %broadcast_in_dim3A_206, %broadcast_in_dim3A_215 : vector<256x1xf32>
    %get3A_217 = arith.constant 0 : index
    %get3A_218 = arith.constant 0 : index
    %get3A_219 = arith.constant 1 : index
    %get3A_220 = arith.constant 0 : index
    %get3A_221 = vector.load %arg3[%get3A_217, %get3A_218, %get3A_219, %get3A_220] : memref<1x256x4x128xf32, #tpu.memory_space<vmem>>, vector<1x256x1x128xf32>
    %get3A_222 = vector.shape_cast %get3A_221 : vector<1x256x1x128xf32> to vector<256x128xf32>
    %mul3A_223 = arith.mulf %add3A_54, %get3A_222 : vector<256x128xf32>
    %reduce_sum3A_224 = arith.constant dense<0.000000e+00> : vector<256xf32>
    %reduce_sum3A_225 = vector.multi_reduction <add>, %mul3A_223, %reduce_sum3A_224 [1] : vector<256x128xf32> to vector<256xf32>
    %broadcast_in_dim3A_226 = vector.shape_cast %reduce_sum3A_225 : vector<256xf32> to vector<256x1xf32>
    %add3A_227 = arith.addf %add3A_216, %broadcast_in_dim3A_226 : vector<256x1xf32>
    %get3A_228 = arith.constant 0 : index
    %get3A_229 = arith.constant 0 : index
    %get3A_230 = arith.constant 2 : index
    %get3A_231 = arith.constant 0 : index
    %get3A_232 = vector.load %arg3[%get3A_228, %get3A_229, %get3A_230, %get3A_231] : memref<1x256x4x128xf32, #tpu.memory_space<vmem>>, vector<1x256x1x128xf32>
    %get3A_233 = vector.shape_cast %get3A_232 : vector<1x256x1x128xf32> to vector<256x128xf32>
    %mul3A_234 = arith.mulf %add3A_69, %get3A_233 : vector<256x128xf32>
    %reduce_sum3A_235 = arith.constant dense<0.000000e+00> : vector<256xf32>
    %reduce_sum3A_236 = vector.multi_reduction <add>, %mul3A_234, %reduce_sum3A_235 [1] : vector<256x128xf32> to vector<256xf32>
    %broadcast_in_dim3A_237 = vector.shape_cast %reduce_sum3A_236 : vector<256xf32> to vector<256x1xf32>
    %add3A_238 = arith.addf %add3A_227, %broadcast_in_dim3A_237 : vector<256x1xf32>
    %get3A_239 = arith.constant 0 : index
    %get3A_240 = arith.constant 0 : index
    %get3A_241 = arith.constant 3 : index
    %get3A_242 = arith.constant 0 : index
    %get3A_243 = vector.load %arg3[%get3A_239, %get3A_240, %get3A_241, %get3A_242] : memref<1x256x4x128xf32, #tpu.memory_space<vmem>>, vector<1x256x1x128xf32>
    %get3A_244 = vector.shape_cast %get3A_243 : vector<1x256x1x128xf32> to vector<256x128xf32>
    %mul3A_245 = arith.mulf %add3A_84, %get3A_244 : vector<256x128xf32>
    %reduce_sum3A_246 = arith.constant dense<0.000000e+00> : vector<256xf32>
    %reduce_sum3A_247 = vector.multi_reduction <add>, %mul3A_245, %reduce_sum3A_246 [1] : vector<256x128xf32> to vector<256xf32>
    %broadcast_in_dim3A_248 = vector.shape_cast %reduce_sum3A_247 : vector<256xf32> to vector<256x1xf32>
    %add3A_249 = arith.addf %add3A_238, %broadcast_in_dim3A_248 : vector<256x1xf32>
    %mul3A_250 = arith.constant 0.0441941731 : f32
    %mul3A_251 = vector.broadcast %mul3A_250 : f32 to vector<256x1xf32>
    %mul3A_252 = arith.mulf %add3A_249, %mul3A_251 : vector<256x1xf32>
    %logistic3A_253 = arith.negf %mul3A_252 : vector<256x1xf32>
    %logistic3A_254 = math.exp %logistic3A_253 : vector<256x1xf32>
    %logistic3A_255 = arith.constant 1.000000e+00 : f32
    %logistic3A_256 = vector.broadcast %logistic3A_255 : f32 to vector<256x1xf32>
    %logistic3A_257 = arith.addf %logistic3A_256, %logistic3A_254 : vector<256x1xf32>
    %logistic3A_258 = arith.divf %logistic3A_256, %logistic3A_257 : vector<256x1xf32>
    %ge3A = arith.constant 0.000000e+00 : f32
    %ge3A_259 = vector.broadcast %ge3A : f32 to vector<256x128xf32>
    %ge3A_260 = arith.cmpf oge, %add3A_99, %ge3A_259 : vector<256x128xf32>
    %mul3A_261 = arith.constant 2.000000e-01 : f32
    %mul3A_262 = vector.broadcast %mul3A_261 : f32 to vector<256x128xf32>
    %mul3A_263 = arith.mulf %mul3A_262, %add3A_99 : vector<256x128xf32>
    %select_n3A = arith.select %ge3A_260, %add3A_99, %mul3A_263 : vector<256x128xi1>, vector<256x128xf32>
    %get3A_264 = arith.constant 0 : index
    %get3A_265 = arith.constant 0 : index
    %get3A_266 = arith.constant 0 : index
    %get3A_267 = arith.constant 0 : index
    %get3A_268 = vector.load %arg2[%get3A_264, %get3A_265, %get3A_266, %get3A_267] : memref<1x256x4x128xf32, #tpu.memory_space<vmem>>, vector<1x256x1x128xf32>
    %get3A_269 = vector.shape_cast %get3A_268 : vector<1x256x1x128xf32> to vector<256x128xf32>
    %sub3A_270 = arith.subf %get3A_269, %add3A_159 : vector<256x128xf32>
    %ge3A_271 = arith.constant 0.000000e+00 : f32
    %ge3A_272 = vector.broadcast %ge3A_271 : f32 to vector<256x128xf32>
    %ge3A_273 = arith.cmpf oge, %sub3A_270, %ge3A_272 : vector<256x128xf32>
    %mul3A_274 = arith.constant 2.000000e-01 : f32
    %mul3A_275 = vector.broadcast %mul3A_274 : f32 to vector<256x128xf32>
    %mul3A_276 = arith.mulf %mul3A_275, %sub3A_270 : vector<256x128xf32>
    %select_n3A_277 = arith.select %ge3A_273, %sub3A_270, %mul3A_276 : vector<256x128xi1>, vector<256x128xf32>
    %sub3A_278 = arith.constant 1.000000e+00 : f32
    %sub3A_279 = vector.broadcast %sub3A_278 : f32 to vector<256x1xf32>
    %sub3A_280 = arith.subf %sub3A_279, %logistic3A_258 : vector<256x1xf32>
    %mul3A_281 = vector.broadcast %sub3A_280 : vector<256x1xf32> to vector<256x128xf32>
    %mul3A_282 = arith.mulf %mul3A_281, %select_n3A_277 : vector<256x128xf32>
    %add3A_283 = arith.addf %select_n3A, %mul3A_282 : vector<256x128xf32>
    %swap3A = arith.constant 0 : index
    %swap3A_284 = arith.constant 0 : index
    %swap3A_285 = arith.constant 0 : index
    %swap3A_286 = vector.load %arg5[%swap3A, %swap3A_284, %swap3A_285] : memref<256x4x128xf32, #tpu.memory_space<vmem>>, vector<256x1x128xf32>
    %swap3A_287 = vector.shape_cast %swap3A_286 : vector<256x1x128xf32> to vector<256x128xf32>
    %swap3A_288 = vector.shape_cast %add3A_283 : vector<256x128xf32> to vector<256x1x128xf32>
    tpu.vector_store %arg5[%swap3A, %swap3A_284, %swap3A_285], %swap3A_288 {strides = array<i32>} : memref<256x4x128xf32, #tpu.memory_space<vmem>>, vector<256x1x128xf32>,
    %mul3A_289 = vector.broadcast %logistic3A_258 : vector<256x1xf32> to vector<256x128xf32>
    %mul3A_290 = arith.mulf %mul3A_289, %select_n3A : vector<256x128xf32>
    %add3A_291 = arith.addf %select_n3A_277, %mul3A_290 : vector<256x128xf32>
    %swap3A_292 = arith.constant 0 : index
    %swap3A_293 = arith.constant 0 : index
    %swap3A_294 = arith.constant 0 : index
    %swap3A_295 = vector.load %arg6[%swap3A_292, %swap3A_293, %swap3A_294] : memref<256x4x128xf32, #tpu.memory_space<vmem>>, vector<256x1x128xf32>
    %swap3A_296 = vector.shape_cast %swap3A_295 : vector<256x1x128xf32> to vector<256x128xf32>
    %swap3A_297 = vector.shape_cast %add3A_291 : vector<256x128xf32> to vector<256x1x128xf32>
    tpu.vector_store %arg6[%swap3A_292, %swap3A_293, %swap3A_294], %swap3A_297 {strides = array<i32>} : memref<256x4x128xf32, #tpu.memory_space<vmem>>, vector<256x1x128xf32>,
    %ge3A_298 = arith.constant 0.000000e+00 : f32
    %ge3A_299 = vector.broadcast %ge3A_298 : f32 to vector<256x128xf32>
    %ge3A_300 = arith.cmpf oge, %add3A_114, %ge3A_299 : vector<256x128xf32>
    %mul3A_301 = arith.constant 2.000000e-01 : f32
    %mul3A_302 = vector.broadcast %mul3A_301 : f32 to vector<256x128xf32>
    %mul3A_303 = arith.mulf %mul3A_302, %add3A_114 : vector<256x128xf32>
    %select_n3A_304 = arith.select %ge3A_300, %add3A_114, %mul3A_303 : vector<256x128xi1>, vector<256x128xf32>
    %get3A_305 = arith.constant 0 : index
    %get3A_306 = arith.constant 0 : index
    %get3A_307 = arith.constant 1 : index
    %get3A_308 = arith.constant 0 : index
    %get3A_309 = vector.load %arg2[%get3A_305, %get3A_306, %get3A_307, %get3A_308] : memref<1x256x4x128xf32, #tpu.memory_space<vmem>>, vector<1x256x1x128xf32>
    %get3A_310 = vector.shape_cast %get3A_309 : vector<1x256x1x128xf32> to vector<256x128xf32>
    %sub3A_311 = arith.subf %get3A_310, %add3A_174 : vector<256x128xf32>
    %ge3A_312 = arith.constant 0.000000e+00 : f32
    %ge3A_313 = vector.broadcast %ge3A_312 : f32 to vector<256x128xf32>
    %ge3A_314 = arith.cmpf oge, %sub3A_311, %ge3A_313 : vector<256x128xf32>
    %mul3A_315 = arith.constant 2.000000e-01 : f32
    %mul3A_316 = vector.broadcast %mul3A_315 : f32 to vector<256x128xf32>
    %mul3A_317 = arith.mulf %mul3A_316, %sub3A_311 : vector<256x128xf32>
    %select_n3A_318 = arith.select %ge3A_314, %sub3A_311, %mul3A_317 : vector<256x128xi1>, vector<256x128xf32>
    %sub3A_319 = arith.constant 1.000000e+00 : f32
    %sub3A_320 = vector.broadcast %sub3A_319 : f32 to vector<256x1xf32>
    %sub3A_321 = arith.subf %sub3A_320, %logistic3A_258 : vector<256x1xf32>
    %mul3A_322 = vector.broadcast %sub3A_321 : vector<256x1xf32> to vector<256x128xf32>
    %mul3A_323 = arith.mulf %mul3A_322, %select_n3A_318 : vector<256x128xf32>
    %add3A_324 = arith.addf %select_n3A_304, %mul3A_323 : vector<256x128xf32>
    %swap3A_325 = arith.constant 0 : index
    %swap3A_326 = arith.constant 1 : index
    %swap3A_327 = arith.constant 0 : index
    %swap3A_328 = vector.load %arg5[%swap3A_325, %swap3A_326, %swap3A_327] : memref<256x4x128xf32, #tpu.memory_space<vmem>>, vector<256x1x128xf32>
    %swap3A_329 = vector.shape_cast %swap3A_328 : vector<256x1x128xf32> to vector<256x128xf32>
    %swap3A_330 = vector.shape_cast %add3A_324 : vector<256x128xf32> to vector<256x1x128xf32>
    tpu.vector_store %arg5[%swap3A_325, %swap3A_326, %swap3A_327], %swap3A_330 {strides = array<i32>} : memref<256x4x128xf32, #tpu.memory_space<vmem>>, vector<256x1x128xf32>,
    %mul3A_331 = vector.broadcast %logistic3A_258 : vector<256x1xf32> to vector<256x128xf32>
    %mul3A_332 = arith.mulf %mul3A_331, %select_n3A_304 : vector<256x128xf32>
    %add3A_333 = arith.addf %select_n3A_318, %mul3A_332 : vector<256x128xf32>
    %swap3A_334 = arith.constant 0 : index
    %swap3A_335 = arith.constant 1 : index
    %swap3A_336 = arith.constant 0 : index
    %swap3A_337 = vector.load %arg6[%swap3A_334, %swap3A_335, %swap3A_336] : memref<256x4x128xf32, #tpu.memory_space<vmem>>, vector<256x1x128xf32>
    %swap3A_338 = vector.shape_cast %swap3A_337 : vector<256x1x128xf32> to vector<256x128xf32>
    %swap3A_339 = vector.shape_cast %add3A_333 : vector<256x128xf32> to vector<256x1x128xf32>
    tpu.vector_store %arg6[%swap3A_334, %swap3A_335, %swap3A_336], %swap3A_339 {strides = array<i32>} : memref<256x4x128xf32, #tpu.memory_space<vmem>>, vector<256x1x128xf32>,
    %ge3A_340 = arith.constant 0.000000e+00 : f32
    %ge3A_341 = vector.broadcast %ge3A_340 : f32 to vector<256x128xf32>
    %ge3A_342 = arith.cmpf oge, %add3A_129, %ge3A_341 : vector<256x128xf32>
    %mul3A_343 = arith.constant 2.000000e-01 : f32
    %mul3A_344 = vector.broadcast %mul3A_343 : f32 to vector<256x128xf32>
    %mul3A_345 = arith.mulf %mul3A_344, %add3A_129 : vector<256x128xf32>
    %select_n3A_346 = arith.select %ge3A_342, %add3A_129, %mul3A_345 : vector<256x128xi1>, vector<256x128xf32>
    %get3A_347 = arith.constant 0 : index
    %get3A_348 = arith.constant 0 : index
    %get3A_349 = arith.constant 2 : index
    %get3A_350 = arith.constant 0 : index
    %get3A_351 = vector.load %arg2[%get3A_347, %get3A_348, %get3A_349, %get3A_350] : memref<1x256x4x128xf32, #tpu.memory_space<vmem>>, vector<1x256x1x128xf32>
    %get3A_352 = vector.shape_cast %get3A_351 : vector<1x256x1x128xf32> to vector<256x128xf32>
    %sub3A_353 = arith.subf %get3A_352, %add3A_189 : vector<256x128xf32>
    %ge3A_354 = arith.constant 0.000000e+00 : f32
    %ge3A_355 = vector.broadcast %ge3A_354 : f32 to vector<256x128xf32>
    %ge3A_356 = arith.cmpf oge, %sub3A_353, %ge3A_355 : vector<256x128xf32>
    %mul3A_357 = arith.constant 2.000000e-01 : f32
    %mul3A_358 = vector.broadcast %mul3A_357 : f32 to vector<256x128xf32>
    %mul3A_359 = arith.mulf %mul3A_358, %sub3A_353 : vector<256x128xf32>
    %select_n3A_360 = arith.select %ge3A_356, %sub3A_353, %mul3A_359 : vector<256x128xi1>, vector<256x128xf32>
    %sub3A_361 = arith.constant 1.000000e+00 : f32
    %sub3A_362 = vector.broadcast %sub3A_361 : f32 to vector<256x1xf32>
    %sub3A_363 = arith.subf %sub3A_362, %logistic3A_258 : vector<256x1xf32>
    %mul3A_364 = vector.broadcast %sub3A_363 : vector<256x1xf32> to vector<256x128xf32>
    %mul3A_365 = arith.mulf %mul3A_364, %select_n3A_360 : vector<256x128xf32>
    %add3A_366 = arith.addf %select_n3A_346, %mul3A_365 : vector<256x128xf32>
    %swap3A_367 = arith.constant 0 : index
    %swap3A_368 = arith.constant 2 : index
    %swap3A_369 = arith.constant 0 : index
    %swap3A_370 = vector.load %arg5[%swap3A_367, %swap3A_368, %swap3A_369] : memref<256x4x128xf32, #tpu.memory_space<vmem>>, vector<256x1x128xf32>
    %swap3A_371 = vector.shape_cast %swap3A_370 : vector<256x1x128xf32> to vector<256x128xf32>
    %swap3A_372 = vector.shape_cast %add3A_366 : vector<256x128xf32> to vector<256x1x128xf32>
    tpu.vector_store %arg5[%swap3A_367, %swap3A_368, %swap3A_369], %swap3A_372 {strides = array<i32>} : memref<256x4x128xf32, #tpu.memory_space<vmem>>, vector<256x1x128xf32>,
    %mul3A_373 = vector.broadcast %logistic3A_258 : vector<256x1xf32> to vector<256x128xf32>
    %mul3A_374 = arith.mulf %mul3A_373, %select_n3A_346 : vector<256x128xf32>
    %add3A_375 = arith.addf %select_n3A_360, %mul3A_374 : vector<256x128xf32>
    %swap3A_376 = arith.constant 0 : index
    %swap3A_377 = arith.constant 2 : index
    %swap3A_378 = arith.constant 0 : index
    %swap3A_379 = vector.load %arg6[%swap3A_376, %swap3A_377, %swap3A_378] : memref<256x4x128xf32, #tpu.memory_space<vmem>>, vector<256x1x128xf32>
    %swap3A_380 = vector.shape_cast %swap3A_379 : vector<256x1x128xf32> to vector<256x128xf32>
    %swap3A_381 = vector.shape_cast %add3A_375 : vector<256x128xf32> to vector<256x1x128xf32>
    tpu.vector_store %arg6[%swap3A_376, %swap3A_377, %swap3A_378], %swap3A_381 {strides = array<i32>} : memref<256x4x128xf32, #tpu.memory_space<vmem>>, vector<256x1x128xf32>,
    %ge3A_382 = arith.constant 0.000000e+00 : f32
    %ge3A_383 = vector.broadcast %ge3A_382 : f32 to vector<256x128xf32>
    %ge3A_384 = arith.cmpf oge, %add3A_144, %ge3A_383 : vector<256x128xf32>
    %mul3A_385 = arith.constant 2.000000e-01 : f32
    %mul3A_386 = vector.broadcast %mul3A_385 : f32 to vector<256x128xf32>
    %mul3A_387 = arith.mulf %mul3A_386, %add3A_144 : vector<256x128xf32>
    %select_n3A_388 = arith.select %ge3A_384, %add3A_144, %mul3A_387 : vector<256x128xi1>, vector<256x128xf32>
    %get3A_389 = arith.constant 0 : index
    %get3A_390 = arith.constant 0 : index
    %get3A_391 = arith.constant 3 : index
    %get3A_392 = arith.constant 0 : index
    %get3A_393 = vector.load %arg2[%get3A_389, %get3A_390, %get3A_391, %get3A_392] : memref<1x256x4x128xf32, #tpu.memory_space<vmem>>, vector<1x256x1x128xf32>
    %get3A_394 = vector.shape_cast %get3A_393 : vector<1x256x1x128xf32> to vector<256x128xf32>
    %sub3A_395 = arith.subf %get3A_394, %add3A_204 : vector<256x128xf32>
    %ge3A_396 = arith.constant 0.000000e+00 : f32
    %ge3A_397 = vector.broadcast %ge3A_396 : f32 to vector<256x128xf32>
    %ge3A_398 = arith.cmpf oge, %sub3A_395, %ge3A_397 : vector<256x128xf32>
    %mul3A_399 = arith.constant 2.000000e-01 : f32
    %mul3A_400 = vector.broadcast %mul3A_399 : f32 to vector<256x128xf32>
    %mul3A_401 = arith.mulf %mul3A_400, %sub3A_395 : vector<256x128xf32>
    %select_n3A_402 = arith.select %ge3A_398, %sub3A_395, %mul3A_401 : vector<256x128xi1>, vector<256x128xf32>
    %sub3A_403 = arith.constant 1.000000e+00 : f32
    %sub3A_404 = vector.broadcast %sub3A_403 : f32 to vector<256x1xf32>
    %sub3A_405 = arith.subf %sub3A_404, %logistic3A_258 : vector<256x1xf32>
    %mul3A_406 = vector.broadcast %sub3A_405 : vector<256x1xf32> to vector<256x128xf32>
    %mul3A_407 = arith.mulf %mul3A_406, %select_n3A_402 : vector<256x128xf32>
    %add3A_408 = arith.addf %select_n3A_388, %mul3A_407 : vector<256x128xf32>
    %swap3A_409 = arith.constant 0 : index
    %swap3A_410 = arith.constant 3 : index
    %swap3A_411 = arith.constant 0 : index
    %swap3A_412 = vector.load %arg5[%swap3A_409, %swap3A_410, %swap3A_411] : memref<256x4x128xf32, #tpu.memory_space<vmem>>, vector<256x1x128xf32>
    %swap3A_413 = vector.shape_cast %swap3A_412 : vector<256x1x128xf32> to vector<256x128xf32>
    %swap3A_414 = vector.shape_cast %add3A_408 : vector<256x128xf32> to vector<256x1x128xf32>
    tpu.vector_store %arg5[%swap3A_409, %swap3A_410, %swap3A_411], %swap3A_414 {strides = array<i32>} : memref<256x4x128xf32, #tpu.memory_space<vmem>>, vector<256x1x128xf32>,
    %mul3A_415 = vector.broadcast %logistic3A_258 : vector<256x1xf32> to vector<256x128xf32>
    %mul3A_416 = arith.mulf %mul3A_415, %select_n3A_388 : vector<256x128xf32>
    %add3A_417 = arith.addf %select_n3A_402, %mul3A_416 : vector<256x128xf32>
    %swap3A_418 = arith.constant 0 : index
    %swap3A_419 = arith.constant 3 : index
    %swap3A_420 = arith.constant 0 : index
    %swap3A_421 = vector.load %arg6[%swap3A_418, %swap3A_419, %swap3A_420] : memref<256x4x128xf32, #tpu.memory_space<vmem>>, vector<256x1x128xf32>
    %swap3A_422 = vector.shape_cast %swap3A_421 : vector<256x1x128xf32> to vector<256x128xf32>
    %swap3A_423 = vector.shape_cast %add3A_417 : vector<256x128xf32> to vector<256x1x128xf32>
    tpu.vector_store %arg6[%swap3A_418, %swap3A_419, %swap3A_420], %swap3A_423 {strides = array<i32>} : memref<256x4x128xf32, #tpu.memory_space<vmem>>, vector<256x1x128xf32>,
    return
  }
  func.func @transform_0(%arg0: i32) -> (i32, i32, i32) {
    %c0_i32 = arith.constant 0 : i32
    %c0_i32_0 = arith.constant 0 : i32
    %c0_i32_1 = arith.constant 0 : i32
    return %c0_i32, %arg0, %c0_i32_0 : i32, i32, i32
  }
  func.func @transform_1(%arg0: i32) -> (i32, i32, i32, i32) {
    %c2_i32 = arith.constant 2 : i32
    %c0_i32 = arith.constant 0 : i32
    %c0_i32_0 = arith.constant 0 : i32
    %c0_i32_1 = arith.constant 0 : i32
    return %c2_i32, %arg0, %c0_i32, %c0_i32_0 : i32, i32, i32, i32
  }
  func.func @transform_2(%arg0: i32) -> (i32, i32, i32, i32) {
    %c3_i32 = arith.constant 3 : i32
    %c0_i32 = arith.constant 0 : i32
    %c0_i32_0 = arith.constant 0 : i32
    %c0_i32_1 = arith.constant 0 : i32
    return %c3_i32, %arg0, %c0_i32, %c0_i32_0 : i32, i32, i32, i32
  }
  func.func @transform_3(%arg0: i32) -> i32 {
    %c0_i32 = arith.constant 0 : i32
    %c0_i32_0 = arith.constant 0 : i32
    return %c0_i32 : i32
  }
  func.func @transform_4(%arg0: i32) -> (i32, i32, i32) {
    %c0_i32 = arith.constant 0 : i32
    %c0_i32_0 = arith.constant 0 : i32
    %c0_i32_1 = arith.constant 0 : i32
    return %arg0, %c0_i32, %c0_i32_0 : i32, i32, i32
  }
  func.func @transform_5(%arg0: i32) -> (i32, i32, i32) {
    %c0_i32 = arith.constant 0 : i32
    %c0_i32_0 = arith.constant 0 : i32
    %c0_i32_1 = arith.constant 0 : i32
    return %arg0, %c0_i32, %c0_i32_0 : i32, i32, i32
  }
}

module attributes {stable_mosaic.version = 14 : i64} {
  func.func @_prep_a_body(%arg0: i32, %arg1: i32, %arg2: memref<256x512xf32, #tpu.memory_space<vmem>>, %arg3: memref<512x512xf32, #tpu.memory_space<vmem>>, %arg4: memref<512x512xf32, #tpu.memory_space<vmem>>, %arg5: memref<512x512xf32, #tpu.memory_space<vmem>>, %arg6: memref<1x512xf32, #tpu.memory_space<vmem>>, %arg7: memref<1x512xf32, #tpu.memory_space<vmem>>, %arg8: memref<256x4x128xf32, #tpu.memory_space<vmem>>) attributes {dimension_semantics = [#tpu.dimension_semantics<arbitrary>, #tpu.dimension_semantics<arbitrary>], iteration_bounds = array<i64: 40, 4>, scalar_prefetch = 0 : i64, scratch_operands = 0 : i64, tpu.core_type = #tpu.core_type<tc>, window_params = [{transform_indices = @transform_0, window_bounds = array<i64: 256, 512>}, {pipeline_mode = #tpu.pipeline_mode<synchronous>, transform_indices = @transform_1, window_bounds = array<i64: 512, 512>}, {pipeline_mode = #tpu.pipeline_mode<synchronous>, transform_indices = @transform_2, window_bounds = array<i64: 512, 512>}, {pipeline_mode = #tpu.pipeline_mode<synchronous>, transform_indices = @transform_3, window_bounds = array<i64: 512, 512>}, {pipeline_mode = #tpu.pipeline_mode<synchronous>, transform_indices = @transform_4, window_bounds = array<i64: 1, 512>}, {pipeline_mode = #tpu.pipeline_mode<synchronous>, transform_indices = @transform_5, window_bounds = array<i64: 1, 512>}, {transform_indices = @transform_6, window_bounds = array<i64: 256, 4, 128>}]} {
    %eq3A = arith.constant 0 : i32
    %eq3A_0 = arith.cmpi eq, %arg1, %eq3A : i32
    %convert_element_type3A = arith.extui %eq3A_0 : i1 to i32
    %cond3A = arith.constant 0 : i32
    %cond3A_1 = arith.cmpi ne, %convert_element_type3A, %cond3A : i32
    scf.if %cond3A_1 {
      %get3A = arith.constant 0 : index
      %get3A_17 = arith.constant 0 : index
      %get3A_18 = vector.load %arg2[%get3A, %get3A_17] : memref<256x512xf32, #tpu.memory_space<vmem>>, vector<256x512xf32>
      %slice3A = vector.extract_strided_slice %get3A_18 {offsets = [0, 0], sizes = [256, 128], strides = [1, 1]} : vector<256x512xf32> to vector<256x128xf32>
      %swap3A = arith.constant 0 : index
      %swap3A_19 = arith.constant 0 : index
      %swap3A_20 = arith.constant 0 : index
      %swap3A_21 = vector.load %arg8[%swap3A, %swap3A_19, %swap3A_20] : memref<256x4x128xf32, #tpu.memory_space<vmem>>, vector<256x1x128xf32>
      %swap3A_22 = vector.shape_cast %swap3A_21 : vector<256x1x128xf32> to vector<256x128xf32>
      %swap3A_23 = vector.shape_cast %slice3A : vector<256x128xf32> to vector<256x1x128xf32>
      tpu.vector_store %arg8[%swap3A, %swap3A_19, %swap3A_20], %swap3A_23 {strides = array<i32>} : memref<256x4x128xf32, #tpu.memory_space<vmem>>, vector<256x1x128xf32>,
      %slice3A_24 = vector.extract_strided_slice %get3A_18 {offsets = [0, 128], sizes = [256, 128], strides = [1, 1]} : vector<256x512xf32> to vector<256x128xf32>
      %swap3A_25 = arith.constant 0 : index
      %swap3A_26 = arith.constant 1 : index
      %swap3A_27 = arith.constant 0 : index
      %swap3A_28 = vector.load %arg8[%swap3A_25, %swap3A_26, %swap3A_27] : memref<256x4x128xf32, #tpu.memory_space<vmem>>, vector<256x1x128xf32>
      %swap3A_29 = vector.shape_cast %swap3A_28 : vector<256x1x128xf32> to vector<256x128xf32>
      %swap3A_30 = vector.shape_cast %slice3A_24 : vector<256x128xf32> to vector<256x1x128xf32>
      tpu.vector_store %arg8[%swap3A_25, %swap3A_26, %swap3A_27], %swap3A_30 {strides = array<i32>} : memref<256x4x128xf32, #tpu.memory_space<vmem>>, vector<256x1x128xf32>,
      %slice3A_31 = vector.extract_strided_slice %get3A_18 {offsets = [0, 256], sizes = [256, 128], strides = [1, 1]} : vector<256x512xf32> to vector<256x128xf32>
      %swap3A_32 = arith.constant 0 : index
      %swap3A_33 = arith.constant 2 : index
      %swap3A_34 = arith.constant 0 : index
      %swap3A_35 = vector.load %arg8[%swap3A_32, %swap3A_33, %swap3A_34] : memref<256x4x128xf32, #tpu.memory_space<vmem>>, vector<256x1x128xf32>
      %swap3A_36 = vector.shape_cast %swap3A_35 : vector<256x1x128xf32> to vector<256x128xf32>
      %swap3A_37 = vector.shape_cast %slice3A_31 : vector<256x128xf32> to vector<256x1x128xf32>
      tpu.vector_store %arg8[%swap3A_32, %swap3A_33, %swap3A_34], %swap3A_37 {strides = array<i32>} : memref<256x4x128xf32, #tpu.memory_space<vmem>>, vector<256x1x128xf32>,
      %slice3A_38 = vector.extract_strided_slice %get3A_18 {offsets = [0, 384], sizes = [256, 128], strides = [1, 1]} : vector<256x512xf32> to vector<256x128xf32>
      %swap3A_39 = arith.constant 0 : index
      %swap3A_40 = arith.constant 3 : index
      %swap3A_41 = arith.constant 0 : index
      %swap3A_42 = vector.load %arg8[%swap3A_39, %swap3A_40, %swap3A_41] : memref<256x4x128xf32, #tpu.memory_space<vmem>>, vector<256x1x128xf32>
      %swap3A_43 = vector.shape_cast %swap3A_42 : vector<256x1x128xf32> to vector<256x128xf32>
      %swap3A_44 = vector.shape_cast %slice3A_38 : vector<256x128xf32> to vector<256x1x128xf32>
      tpu.vector_store %arg8[%swap3A_39, %swap3A_40, %swap3A_41], %swap3A_44 {strides = array<i32>} : memref<256x4x128xf32, #tpu.memory_space<vmem>>, vector<256x1x128xf32>,
    } else {
    }
    %eq3A_2 = arith.constant 1 : i32
    %eq3A_3 = arith.cmpi eq, %arg1, %eq3A_2 : i32
    %convert_element_type3A_4 = arith.extui %eq3A_3 : i1 to i32
    %cond3A_5 = arith.constant 0 : i32
    %cond3A_6 = arith.cmpi ne, %convert_element_type3A_4, %cond3A_5 : i32
    scf.if %cond3A_6 {
      %get3A = arith.constant 0 : index
      %get3A_17 = arith.constant 0 : index
      %get3A_18 = vector.load %arg2[%get3A, %get3A_17] : memref<256x512xf32, #tpu.memory_space<vmem>>, vector<256x512xf32>
      %get3A_19 = arith.constant 0 : index
      %get3A_20 = arith.constant 0 : index
      %get3A_21 = vector.load %arg3[%get3A_19, %get3A_20] : memref<512x512xf32, #tpu.memory_space<vmem>>, vector<512x512xf32>
      %dot_general3A = arith.constant dense<0.000000e+00> : vector<256x512xf32>
      %dot_general3A_22 = tpu.matmul %get3A_18, %get3A_21, %dot_general3A {dimension_numbers = #tpu.dot_dimension_numbers<[1], [0], [0], [1], [0, 0, 1, 1], [], []>, transpose_lhs_hint = false} : vector<256x512xf32>, vector<512x512xf32>, vector<256x512xf32> -> vector<256x512xf32>
      %get3A_23 = arith.constant 0 : index
      %get3A_24 = arith.constant 0 : index
      %get3A_25 = vector.load %arg6[%get3A_23, %get3A_24] : memref<1x512xf32, #tpu.memory_space<vmem>>, vector<1x512xf32>
      %add3A = vector.broadcast %get3A_25 : vector<1x512xf32> to vector<256x512xf32>
      %add3A_26 = arith.addf %dot_general3A_22, %add3A : vector<256x512xf32>
      %slice3A = vector.extract_strided_slice %add3A_26 {offsets = [0, 0], sizes = [256, 128], strides = [1, 1]} : vector<256x512xf32> to vector<256x128xf32>
      %swap3A = arith.constant 0 : index
      %swap3A_27 = arith.constant 0 : index
      %swap3A_28 = arith.constant 0 : index
      %swap3A_29 = vector.load %arg8[%swap3A, %swap3A_27, %swap3A_28] : memref<256x4x128xf32, #tpu.memory_space<vmem>>, vector<256x1x128xf32>
      %swap3A_30 = vector.shape_cast %swap3A_29 : vector<256x1x128xf32> to vector<256x128xf32>
      %swap3A_31 = vector.shape_cast %slice3A : vector<256x128xf32> to vector<256x1x128xf32>
      tpu.vector_store %arg8[%swap3A, %swap3A_27, %swap3A_28], %swap3A_31 {strides = array<i32>} : memref<256x4x128xf32, #tpu.memory_space<vmem>>, vector<256x1x128xf32>,
      %slice3A_32 = vector.extract_strided_slice %add3A_26 {offsets = [0, 128], sizes = [256, 128], strides = [1, 1]} : vector<256x512xf32> to vector<256x128xf32>
      %swap3A_33 = arith.constant 0 : index
      %swap3A_34 = arith.constant 1 : index
      %swap3A_35 = arith.constant 0 : index
      %swap3A_36 = vector.load %arg8[%swap3A_33, %swap3A_34, %swap3A_35] : memref<256x4x128xf32, #tpu.memory_space<vmem>>, vector<256x1x128xf32>
      %swap3A_37 = vector.shape_cast %swap3A_36 : vector<256x1x128xf32> to vector<256x128xf32>
      %swap3A_38 = vector.shape_cast %slice3A_32 : vector<256x128xf32> to vector<256x1x128xf32>
      tpu.vector_store %arg8[%swap3A_33, %swap3A_34, %swap3A_35], %swap3A_38 {strides = array<i32>} : memref<256x4x128xf32, #tpu.memory_space<vmem>>, vector<256x1x128xf32>,
      %slice3A_39 = vector.extract_strided_slice %add3A_26 {offsets = [0, 256], sizes = [256, 128], strides = [1, 1]} : vector<256x512xf32> to vector<256x128xf32>
      %swap3A_40 = arith.constant 0 : index
      %swap3A_41 = arith.constant 2 : index
      %swap3A_42 = arith.constant 0 : index
      %swap3A_43 = vector.load %arg8[%swap3A_40, %swap3A_41, %swap3A_42] : memref<256x4x128xf32, #tpu.memory_space<vmem>>, vector<256x1x128xf32>
      %swap3A_44 = vector.shape_cast %swap3A_43 : vector<256x1x128xf32> to vector<256x128xf32>
      %swap3A_45 = vector.shape_cast %slice3A_39 : vector<256x128xf32> to vector<256x1x128xf32>
      tpu.vector_store %arg8[%swap3A_40, %swap3A_41, %swap3A_42], %swap3A_45 {strides = array<i32>} : memref<256x4x128xf32, #tpu.memory_space<vmem>>, vector<256x1x128xf32>,
      %slice3A_46 = vector.extract_strided_slice %add3A_26 {offsets = [0, 384], sizes = [256, 128], strides = [1, 1]} : vector<256x512xf32> to vector<256x128xf32>
      %swap3A_47 = arith.constant 0 : index
      %swap3A_48 = arith.constant 3 : index
      %swap3A_49 = arith.constant 0 : index
      %swap3A_50 = vector.load %arg8[%swap3A_47, %swap3A_48, %swap3A_49] : memref<256x4x128xf32, #tpu.memory_space<vmem>>, vector<256x1x128xf32>
      %swap3A_51 = vector.shape_cast %swap3A_50 : vector<256x1x128xf32> to vector<256x128xf32>
      %swap3A_52 = vector.shape_cast %slice3A_46 : vector<256x128xf32> to vector<256x1x128xf32>
      tpu.vector_store %arg8[%swap3A_47, %swap3A_48, %swap3A_49], %swap3A_52 {strides = array<i32>} : memref<256x4x128xf32, #tpu.memory_space<vmem>>, vector<256x1x128xf32>,
    } else {
    }
    %eq3A_7 = arith.constant 2 : i32
    %eq3A_8 = arith.cmpi eq, %arg1, %eq3A_7 : i32
    %convert_element_type3A_9 = arith.extui %eq3A_8 : i1 to i32
    %cond3A_10 = arith.constant 0 : i32
    %cond3A_11 = arith.cmpi ne, %convert_element_type3A_9, %cond3A_10 : i32
    scf.if %cond3A_11 {
      %get3A = arith.constant 0 : index
      %get3A_17 = arith.constant 0 : index
      %get3A_18 = vector.load %arg2[%get3A, %get3A_17] : memref<256x512xf32, #tpu.memory_space<vmem>>, vector<256x512xf32>
      %get3A_19 = arith.constant 0 : index
      %get3A_20 = arith.constant 0 : index
      %get3A_21 = vector.load %arg4[%get3A_19, %get3A_20] : memref<512x512xf32, #tpu.memory_space<vmem>>, vector<512x512xf32>
      %dot_general3A = arith.constant dense<0.000000e+00> : vector<256x512xf32>
      %dot_general3A_22 = tpu.matmul %get3A_18, %get3A_21, %dot_general3A {dimension_numbers = #tpu.dot_dimension_numbers<[1], [0], [0], [1], [0, 0, 1, 1], [], []>, transpose_lhs_hint = false} : vector<256x512xf32>, vector<512x512xf32>, vector<256x512xf32> -> vector<256x512xf32>
      %get3A_23 = arith.constant 0 : index
      %get3A_24 = arith.constant 0 : index
      %get3A_25 = vector.load %arg7[%get3A_23, %get3A_24] : memref<1x512xf32, #tpu.memory_space<vmem>>, vector<1x512xf32>
      %add3A = vector.broadcast %get3A_25 : vector<1x512xf32> to vector<256x512xf32>
      %add3A_26 = arith.addf %dot_general3A_22, %add3A : vector<256x512xf32>
      %slice3A = vector.extract_strided_slice %add3A_26 {offsets = [0, 0], sizes = [256, 128], strides = [1, 1]} : vector<256x512xf32> to vector<256x128xf32>
      %swap3A = arith.constant 0 : index
      %swap3A_27 = arith.constant 0 : index
      %swap3A_28 = arith.constant 0 : index
      %swap3A_29 = vector.load %arg8[%swap3A, %swap3A_27, %swap3A_28] : memref<256x4x128xf32, #tpu.memory_space<vmem>>, vector<256x1x128xf32>
      %swap3A_30 = vector.shape_cast %swap3A_29 : vector<256x1x128xf32> to vector<256x128xf32>
      %swap3A_31 = vector.shape_cast %slice3A : vector<256x128xf32> to vector<256x1x128xf32>
      tpu.vector_store %arg8[%swap3A, %swap3A_27, %swap3A_28], %swap3A_31 {strides = array<i32>} : memref<256x4x128xf32, #tpu.memory_space<vmem>>, vector<256x1x128xf32>,
      %slice3A_32 = vector.extract_strided_slice %add3A_26 {offsets = [0, 128], sizes = [256, 128], strides = [1, 1]} : vector<256x512xf32> to vector<256x128xf32>
      %swap3A_33 = arith.constant 0 : index
      %swap3A_34 = arith.constant 1 : index
      %swap3A_35 = arith.constant 0 : index
      %swap3A_36 = vector.load %arg8[%swap3A_33, %swap3A_34, %swap3A_35] : memref<256x4x128xf32, #tpu.memory_space<vmem>>, vector<256x1x128xf32>
      %swap3A_37 = vector.shape_cast %swap3A_36 : vector<256x1x128xf32> to vector<256x128xf32>
      %swap3A_38 = vector.shape_cast %slice3A_32 : vector<256x128xf32> to vector<256x1x128xf32>
      tpu.vector_store %arg8[%swap3A_33, %swap3A_34, %swap3A_35], %swap3A_38 {strides = array<i32>} : memref<256x4x128xf32, #tpu.memory_space<vmem>>, vector<256x1x128xf32>,
      %slice3A_39 = vector.extract_strided_slice %add3A_26 {offsets = [0, 256], sizes = [256, 128], strides = [1, 1]} : vector<256x512xf32> to vector<256x128xf32>
      %swap3A_40 = arith.constant 0 : index
      %swap3A_41 = arith.constant 2 : index
      %swap3A_42 = arith.constant 0 : index
      %swap3A_43 = vector.load %arg8[%swap3A_40, %swap3A_41, %swap3A_42] : memref<256x4x128xf32, #tpu.memory_space<vmem>>, vector<256x1x128xf32>
      %swap3A_44 = vector.shape_cast %swap3A_43 : vector<256x1x128xf32> to vector<256x128xf32>
      %swap3A_45 = vector.shape_cast %slice3A_39 : vector<256x128xf32> to vector<256x1x128xf32>
      tpu.vector_store %arg8[%swap3A_40, %swap3A_41, %swap3A_42], %swap3A_45 {strides = array<i32>} : memref<256x4x128xf32, #tpu.memory_space<vmem>>, vector<256x1x128xf32>,
      %slice3A_46 = vector.extract_strided_slice %add3A_26 {offsets = [0, 384], sizes = [256, 128], strides = [1, 1]} : vector<256x512xf32> to vector<256x128xf32>
      %swap3A_47 = arith.constant 0 : index
      %swap3A_48 = arith.constant 3 : index
      %swap3A_49 = arith.constant 0 : index
      %swap3A_50 = vector.load %arg8[%swap3A_47, %swap3A_48, %swap3A_49] : memref<256x4x128xf32, #tpu.memory_space<vmem>>, vector<256x1x128xf32>
      %swap3A_51 = vector.shape_cast %swap3A_50 : vector<256x1x128xf32> to vector<256x128xf32>
      %swap3A_52 = vector.shape_cast %slice3A_46 : vector<256x128xf32> to vector<256x1x128xf32>
      tpu.vector_store %arg8[%swap3A_47, %swap3A_48, %swap3A_49], %swap3A_52 {strides = array<i32>} : memref<256x4x128xf32, #tpu.memory_space<vmem>>, vector<256x1x128xf32>,
    } else {
    }
    %eq3A_12 = arith.constant 3 : i32
    %eq3A_13 = arith.cmpi eq, %arg1, %eq3A_12 : i32
    %convert_element_type3A_14 = arith.extui %eq3A_13 : i1 to i32
    %cond3A_15 = arith.constant 0 : i32
    %cond3A_16 = arith.cmpi ne, %convert_element_type3A_14, %cond3A_15 : i32
    scf.if %cond3A_16 {
      %get3A = arith.constant 0 : index
      %get3A_17 = arith.constant 0 : index
      %get3A_18 = vector.load %arg2[%get3A, %get3A_17] : memref<256x512xf32, #tpu.memory_space<vmem>>, vector<256x512xf32>
      %get3A_19 = arith.constant 0 : index
      %get3A_20 = arith.constant 0 : index
      %get3A_21 = vector.load %arg5[%get3A_19, %get3A_20] : memref<512x512xf32, #tpu.memory_space<vmem>>, vector<512x512xf32>
      %dot_general3A = arith.constant dense<0.000000e+00> : vector<256x512xf32>
      %dot_general3A_22 = tpu.matmul %get3A_18, %get3A_21, %dot_general3A {dimension_numbers = #tpu.dot_dimension_numbers<[1], [0], [0], [1], [0, 0, 1, 1], [], []>, transpose_lhs_hint = false} : vector<256x512xf32>, vector<512x512xf32>, vector<256x512xf32> -> vector<256x512xf32>
      %slice3A = vector.extract_strided_slice %dot_general3A_22 {offsets = [0, 0], sizes = [256, 128], strides = [1, 1]} : vector<256x512xf32> to vector<256x128xf32>
      %swap3A = arith.constant 0 : index
      %swap3A_23 = arith.constant 0 : index
      %swap3A_24 = arith.constant 0 : index
      %swap3A_25 = vector.load %arg8[%swap3A, %swap3A_23, %swap3A_24] : memref<256x4x128xf32, #tpu.memory_space<vmem>>, vector<256x1x128xf32>
      %swap3A_26 = vector.shape_cast %swap3A_25 : vector<256x1x128xf32> to vector<256x128xf32>
      %swap3A_27 = vector.shape_cast %slice3A : vector<256x128xf32> to vector<256x1x128xf32>
      tpu.vector_store %arg8[%swap3A, %swap3A_23, %swap3A_24], %swap3A_27 {strides = array<i32>} : memref<256x4x128xf32, #tpu.memory_space<vmem>>, vector<256x1x128xf32>,
      %slice3A_28 = vector.extract_strided_slice %dot_general3A_22 {offsets = [0, 128], sizes = [256, 128], strides = [1, 1]} : vector<256x512xf32> to vector<256x128xf32>
      %swap3A_29 = arith.constant 0 : index
      %swap3A_30 = arith.constant 1 : index
      %swap3A_31 = arith.constant 0 : index
      %swap3A_32 = vector.load %arg8[%swap3A_29, %swap3A_30, %swap3A_31] : memref<256x4x128xf32, #tpu.memory_space<vmem>>, vector<256x1x128xf32>
      %swap3A_33 = vector.shape_cast %swap3A_32 : vector<256x1x128xf32> to vector<256x128xf32>
      %swap3A_34 = vector.shape_cast %slice3A_28 : vector<256x128xf32> to vector<256x1x128xf32>
      tpu.vector_store %arg8[%swap3A_29, %swap3A_30, %swap3A_31], %swap3A_34 {strides = array<i32>} : memref<256x4x128xf32, #tpu.memory_space<vmem>>, vector<256x1x128xf32>,
      %slice3A_35 = vector.extract_strided_slice %dot_general3A_22 {offsets = [0, 256], sizes = [256, 128], strides = [1, 1]} : vector<256x512xf32> to vector<256x128xf32>
      %swap3A_36 = arith.constant 0 : index
      %swap3A_37 = arith.constant 2 : index
      %swap3A_38 = arith.constant 0 : index
      %swap3A_39 = vector.load %arg8[%swap3A_36, %swap3A_37, %swap3A_38] : memref<256x4x128xf32, #tpu.memory_space<vmem>>, vector<256x1x128xf32>
      %swap3A_40 = vector.shape_cast %swap3A_39 : vector<256x1x128xf32> to vector<256x128xf32>
      %swap3A_41 = vector.shape_cast %slice3A_35 : vector<256x128xf32> to vector<256x1x128xf32>
      tpu.vector_store %arg8[%swap3A_36, %swap3A_37, %swap3A_38], %swap3A_41 {strides = array<i32>} : memref<256x4x128xf32, #tpu.memory_space<vmem>>, vector<256x1x128xf32>,
      %slice3A_42 = vector.extract_strided_slice %dot_general3A_22 {offsets = [0, 384], sizes = [256, 128], strides = [1, 1]} : vector<256x512xf32> to vector<256x128xf32>
      %swap3A_43 = arith.constant 0 : index
      %swap3A_44 = arith.constant 3 : index
      %swap3A_45 = arith.constant 0 : index
      %swap3A_46 = vector.load %arg8[%swap3A_43, %swap3A_44, %swap3A_45] : memref<256x4x128xf32, #tpu.memory_space<vmem>>, vector<256x1x128xf32>
      %swap3A_47 = vector.shape_cast %swap3A_46 : vector<256x1x128xf32> to vector<256x128xf32>
      %swap3A_48 = vector.shape_cast %slice3A_42 : vector<256x128xf32> to vector<256x1x128xf32>
      tpu.vector_store %arg8[%swap3A_43, %swap3A_44, %swap3A_45], %swap3A_48 {strides = array<i32>} : memref<256x4x128xf32, #tpu.memory_space<vmem>>, vector<256x1x128xf32>,
    } else {
    }
    return
  }
  func.func @transform_0(%arg0: i32, %arg1: i32) -> (i32, i32) {
    %c0_i32 = arith.constant 0 : i32
    %c0_i32_0 = arith.constant 0 : i32
    return %arg0, %c0_i32 : i32, i32
  }
  func.func @transform_1(%arg0: i32, %arg1: i32) -> (i32, i32) {
    %c0_i32 = arith.constant 0 : i32
    %c0_i32_0 = arith.constant 0 : i32
    %c0_i32_1 = arith.constant 0 : i32
    return %c0_i32, %c0_i32_0 : i32, i32
  }
  func.func @transform_2(%arg0: i32, %arg1: i32) -> (i32, i32) {
    %c0_i32 = arith.constant 0 : i32
    %c0_i32_0 = arith.constant 0 : i32
    %c0_i32_1 = arith.constant 0 : i32
    return %c0_i32, %c0_i32_0 : i32, i32
  }
  func.func @transform_3(%arg0: i32, %arg1: i32) -> (i32, i32) {
    %c0_i32 = arith.constant 0 : i32
    %c0_i32_0 = arith.constant 0 : i32
    %c0_i32_1 = arith.constant 0 : i32
    return %c0_i32, %c0_i32_0 : i32, i32
  }
  func.func @transform_4(%arg0: i32, %arg1: i32) -> (i32, i32) {
    %c0_i32 = arith.constant 0 : i32
    %c0_i32_0 = arith.constant 0 : i32
    %c0_i32_1 = arith.constant 0 : i32
    return %c0_i32, %c0_i32_0 : i32, i32
  }
  func.func @transform_5(%arg0: i32, %arg1: i32) -> (i32, i32) {
    %c0_i32 = arith.constant 0 : i32
    %c0_i32_0 = arith.constant 0 : i32
    %c0_i32_1 = arith.constant 0 : i32
    return %c0_i32, %c0_i32_0 : i32, i32
  }
  func.func @transform_6(%arg0: i32, %arg1: i32) -> (i32, i32, i32) {
    %mul3A = arith.constant 40 : i32
    %mul3A_0 = arith.muli %arg1, %mul3A : i32
    %add3A = arith.addi %mul3A_0, %arg0 : i32
    %c0_i32 = arith.constant 0 : i32
    %c0_i32_1 = arith.constant 0 : i32
    %c0_i32_2 = arith.constant 0 : i32
    return %add3A, %c0_i32, %c0_i32_1 : i32, i32, i32
  }
}

module attributes {stable_mosaic.version = 14 : i64} {
  func.func @_prep_r_body(%arg0: i32, %arg1: i32, %arg2: memref<256x4x128xf32, #tpu.memory_space<vmem>>, %arg3: memref<256x4x128xf32, #tpu.memory_space<vmem>>, %arg4: memref<4x128x512xf32, #tpu.memory_space<vmem>>, %arg5: memref<4x128x512xf32, #tpu.memory_space<vmem>>, %arg6: memref<4x128x512xf32, #tpu.memory_space<vmem>>, %arg7: memref<1x512xf32, #tpu.memory_space<vmem>>, %arg8: memref<1x512xf32, #tpu.memory_space<vmem>>, %arg9: memref<256x4x128xf32, #tpu.memory_space<vmem>>) attributes {dimension_semantics = [#tpu.dimension_semantics<arbitrary>, #tpu.dimension_semantics<arbitrary>], iteration_bounds = array<i64: 40, 4>, scalar_prefetch = 0 : i64, scratch_operands = 0 : i64, tpu.core_type = #tpu.core_type<tc>, window_params = [{transform_indices = @transform_0, window_bounds = array<i64: 256, 4, 128>}, {transform_indices = @transform_1, window_bounds = array<i64: 256, 4, 128>}, {pipeline_mode = #tpu.pipeline_mode<synchronous>, transform_indices = @transform_2, window_bounds = array<i64: 4, 128, 512>}, {pipeline_mode = #tpu.pipeline_mode<synchronous>, transform_indices = @transform_3, window_bounds = array<i64: 4, 128, 512>}, {pipeline_mode = #tpu.pipeline_mode<synchronous>, transform_indices = @transform_4, window_bounds = array<i64: 4, 128, 512>}, {pipeline_mode = #tpu.pipeline_mode<synchronous>, transform_indices = @transform_5, window_bounds = array<i64: 1, 512>}, {pipeline_mode = #tpu.pipeline_mode<synchronous>, transform_indices = @transform_6, window_bounds = array<i64: 1, 512>}, {transform_indices = @transform_7, window_bounds = array<i64: 256, 4, 128>}]} {
    %eq3A = arith.constant 0 : i32
    %eq3A_0 = arith.cmpi eq, %arg1, %eq3A : i32
    %convert_element_type3A = arith.extui %eq3A_0 : i1 to i32
    %cond3A = arith.constant 0 : i32
    %cond3A_1 = arith.cmpi ne, %convert_element_type3A, %cond3A : i32
    scf.if %cond3A_1 {
      %get3A = arith.constant 0 : index
      %get3A_17 = arith.constant 0 : index
      %get3A_18 = arith.constant 0 : index
      %get3A_19 = vector.load %arg2[%get3A, %get3A_17, %get3A_18] : memref<256x4x128xf32, #tpu.memory_space<vmem>>, vector<256x1x128xf32>
      %get3A_20 = vector.shape_cast %get3A_19 : vector<256x1x128xf32> to vector<256x128xf32>
      %swap3A = arith.constant 0 : index
      %swap3A_21 = arith.constant 0 : index
      %swap3A_22 = arith.constant 0 : index
      %swap3A_23 = vector.load %arg9[%swap3A, %swap3A_21, %swap3A_22] : memref<256x4x128xf32, #tpu.memory_space<vmem>>, vector<256x1x128xf32>
      %swap3A_24 = vector.shape_cast %swap3A_23 : vector<256x1x128xf32> to vector<256x128xf32>
      %swap3A_25 = vector.shape_cast %get3A_20 : vector<256x128xf32> to vector<256x1x128xf32>
      tpu.vector_store %arg9[%swap3A, %swap3A_21, %swap3A_22], %swap3A_25 {strides = array<i32>} : memref<256x4x128xf32, #tpu.memory_space<vmem>>, vector<256x1x128xf32>,
      %get3A_26 = arith.constant 0 : index
      %get3A_27 = arith.constant 1 : index
      %get3A_28 = arith.constant 0 : index
      %get3A_29 = vector.load %arg2[%get3A_26, %get3A_27, %get3A_28] : memref<256x4x128xf32, #tpu.memory_space<vmem>>, vector<256x1x128xf32>
      %get3A_30 = vector.shape_cast %get3A_29 : vector<256x1x128xf32> to vector<256x128xf32>
      %swap3A_31 = arith.constant 0 : index
      %swap3A_32 = arith.constant 1 : index
      %swap3A_33 = arith.constant 0 : index
      %swap3A_34 = vector.load %arg9[%swap3A_31, %swap3A_32, %swap3A_33] : memref<256x4x128xf32, #tpu.memory_space<vmem>>, vector<256x1x128xf32>
      %swap3A_35 = vector.shape_cast %swap3A_34 : vector<256x1x128xf32> to vector<256x128xf32>
      %swap3A_36 = vector.shape_cast %get3A_30 : vector<256x128xf32> to vector<256x1x128xf32>
      tpu.vector_store %arg9[%swap3A_31, %swap3A_32, %swap3A_33], %swap3A_36 {strides = array<i32>} : memref<256x4x128xf32, #tpu.memory_space<vmem>>, vector<256x1x128xf32>,
      %get3A_37 = arith.constant 0 : index
      %get3A_38 = arith.constant 2 : index
      %get3A_39 = arith.constant 0 : index
      %get3A_40 = vector.load %arg2[%get3A_37, %get3A_38, %get3A_39] : memref<256x4x128xf32, #tpu.memory_space<vmem>>, vector<256x1x128xf32>
      %get3A_41 = vector.shape_cast %get3A_40 : vector<256x1x128xf32> to vector<256x128xf32>
      %swap3A_42 = arith.constant 0 : index
      %swap3A_43 = arith.constant 2 : index
      %swap3A_44 = arith.constant 0 : index
      %swap3A_45 = vector.load %arg9[%swap3A_42, %swap3A_43, %swap3A_44] : memref<256x4x128xf32, #tpu.memory_space<vmem>>, vector<256x1x128xf32>
      %swap3A_46 = vector.shape_cast %swap3A_45 : vector<256x1x128xf32> to vector<256x128xf32>
      %swap3A_47 = vector.shape_cast %get3A_41 : vector<256x128xf32> to vector<256x1x128xf32>
      tpu.vector_store %arg9[%swap3A_42, %swap3A_43, %swap3A_44], %swap3A_47 {strides = array<i32>} : memref<256x4x128xf32, #tpu.memory_space<vmem>>, vector<256x1x128xf32>,
      %get3A_48 = arith.constant 0 : index
      %get3A_49 = arith.constant 3 : index
      %get3A_50 = arith.constant 0 : index
      %get3A_51 = vector.load %arg2[%get3A_48, %get3A_49, %get3A_50] : memref<256x4x128xf32, #tpu.memory_space<vmem>>, vector<256x1x128xf32>
      %get3A_52 = vector.shape_cast %get3A_51 : vector<256x1x128xf32> to vector<256x128xf32>
      %swap3A_53 = arith.constant 0 : index
      %swap3A_54 = arith.constant 3 : index
      %swap3A_55 = arith.constant 0 : index
      %swap3A_56 = vector.load %arg9[%swap3A_53, %swap3A_54, %swap3A_55] : memref<256x4x128xf32, #tpu.memory_space<vmem>>, vector<256x1x128xf32>
      %swap3A_57 = vector.shape_cast %swap3A_56 : vector<256x1x128xf32> to vector<256x128xf32>
      %swap3A_58 = vector.shape_cast %get3A_52 : vector<256x128xf32> to vector<256x1x128xf32>
      tpu.vector_store %arg9[%swap3A_53, %swap3A_54, %swap3A_55], %swap3A_58 {strides = array<i32>} : memref<256x4x128xf32, #tpu.memory_space<vmem>>, vector<256x1x128xf32>,
    } else {
    }
    %eq3A_2 = arith.constant 1 : i32
    %eq3A_3 = arith.cmpi eq, %arg1, %eq3A_2 : i32
    %convert_element_type3A_4 = arith.extui %eq3A_3 : i1 to i32
    %cond3A_5 = arith.constant 0 : i32
    %cond3A_6 = arith.cmpi ne, %convert_element_type3A_4, %cond3A_5 : i32
    scf.if %cond3A_6 {
      %broadcast_in_dim3A = arith.constant 0.000000e+00 : f32
      %broadcast_in_dim3A_17 = vector.broadcast %broadcast_in_dim3A : f32 to vector<256x512xf32>
      %get3A = arith.constant 0 : index
      %get3A_18 = arith.constant 0 : index
      %get3A_19 = arith.constant 0 : index
      %get3A_20 = vector.load %arg2[%get3A, %get3A_18, %get3A_19] : memref<256x4x128xf32, #tpu.memory_space<vmem>>, vector<256x1x128xf32>
      %get3A_21 = vector.shape_cast %get3A_20 : vector<256x1x128xf32> to vector<256x128xf32>
      %get3A_22 = arith.constant 0 : index
      %get3A_23 = arith.constant 0 : index
      %get3A_24 = arith.constant 0 : index
      %get3A_25 = vector.load %arg4[%get3A_22, %get3A_23, %get3A_24] : memref<4x128x512xf32, #tpu.memory_space<vmem>>, vector<1x128x512xf32>
      %get3A_26 = vector.shape_cast %get3A_25 : vector<1x128x512xf32> to vector<128x512xf32>
      %dot_general3A = arith.constant dense<0.000000e+00> : vector<256x512xf32>
      %dot_general3A_27 = tpu.matmul %get3A_21, %get3A_26, %dot_general3A {dimension_numbers = #tpu.dot_dimension_numbers<[1], [0], [0], [1], [0, 0, 1, 1], [], []>, transpose_lhs_hint = false} : vector<256x128xf32>, vector<128x512xf32>, vector<256x512xf32> -> vector<256x512xf32>
      %add3A = arith.addf %broadcast_in_dim3A_17, %dot_general3A_27 : vector<256x512xf32>
      %get3A_28 = arith.constant 0 : index
      %get3A_29 = arith.constant 1 : index
      %get3A_30 = arith.constant 0 : index
      %get3A_31 = vector.load %arg2[%get3A_28, %get3A_29, %get3A_30] : memref<256x4x128xf32, #tpu.memory_space<vmem>>, vector<256x1x128xf32>
      %get3A_32 = vector.shape_cast %get3A_31 : vector<256x1x128xf32> to vector<256x128xf32>
      %get3A_33 = arith.constant 1 : index
      %get3A_34 = arith.constant 0 : index
      %get3A_35 = arith.constant 0 : index
      %get3A_36 = vector.load %arg4[%get3A_33, %get3A_34, %get3A_35] : memref<4x128x512xf32, #tpu.memory_space<vmem>>, vector<1x128x512xf32>
      %get3A_37 = vector.shape_cast %get3A_36 : vector<1x128x512xf32> to vector<128x512xf32>
      %dot_general3A_38 = arith.constant dense<0.000000e+00> : vector<256x512xf32>
      %dot_general3A_39 = tpu.matmul %get3A_32, %get3A_37, %dot_general3A_38 {dimension_numbers = #tpu.dot_dimension_numbers<[1], [0], [0], [1], [0, 0, 1, 1], [], []>, transpose_lhs_hint = false} : vector<256x128xf32>, vector<128x512xf32>, vector<256x512xf32> -> vector<256x512xf32>
      %add3A_40 = arith.addf %add3A, %dot_general3A_39 : vector<256x512xf32>
      %get3A_41 = arith.constant 0 : index
      %get3A_42 = arith.constant 2 : index
      %get3A_43 = arith.constant 0 : index
      %get3A_44 = vector.load %arg2[%get3A_41, %get3A_42, %get3A_43] : memref<256x4x128xf32, #tpu.memory_space<vmem>>, vector<256x1x128xf32>
      %get3A_45 = vector.shape_cast %get3A_44 : vector<256x1x128xf32> to vector<256x128xf32>
      %get3A_46 = arith.constant 2 : index
      %get3A_47 = arith.constant 0 : index
      %get3A_48 = arith.constant 0 : index
      %get3A_49 = vector.load %arg4[%get3A_46, %get3A_47, %get3A_48] : memref<4x128x512xf32, #tpu.memory_space<vmem>>, vector<1x128x512xf32>
      %get3A_50 = vector.shape_cast %get3A_49 : vector<1x128x512xf32> to vector<128x512xf32>
      %dot_general3A_51 = arith.constant dense<0.000000e+00> : vector<256x512xf32>
      %dot_general3A_52 = tpu.matmul %get3A_45, %get3A_50, %dot_general3A_51 {dimension_numbers = #tpu.dot_dimension_numbers<[1], [0], [0], [1], [0, 0, 1, 1], [], []>, transpose_lhs_hint = false} : vector<256x128xf32>, vector<128x512xf32>, vector<256x512xf32> -> vector<256x512xf32>
      %add3A_53 = arith.addf %add3A_40, %dot_general3A_52 : vector<256x512xf32>
      %get3A_54 = arith.constant 0 : index
      %get3A_55 = arith.constant 3 : index
      %get3A_56 = arith.constant 0 : index
      %get3A_57 = vector.load %arg2[%get3A_54, %get3A_55, %get3A_56] : memref<256x4x128xf32, #tpu.memory_space<vmem>>, vector<256x1x128xf32>
      %get3A_58 = vector.shape_cast %get3A_57 : vector<256x1x128xf32> to vector<256x128xf32>
      %get3A_59 = arith.constant 3 : index
      %get3A_60 = arith.constant 0 : index
      %get3A_61 = arith.constant 0 : index
      %get3A_62 = vector.load %arg4[%get3A_59, %get3A_60, %get3A_61] : memref<4x128x512xf32, #tpu.memory_space<vmem>>, vector<1x128x512xf32>
      %get3A_63 = vector.shape_cast %get3A_62 : vector<1x128x512xf32> to vector<128x512xf32>
      %dot_general3A_64 = arith.constant dense<0.000000e+00> : vector<256x512xf32>
      %dot_general3A_65 = tpu.matmul %get3A_58, %get3A_63, %dot_general3A_64 {dimension_numbers = #tpu.dot_dimension_numbers<[1], [0], [0], [1], [0, 0, 1, 1], [], []>, transpose_lhs_hint = false} : vector<256x128xf32>, vector<128x512xf32>, vector<256x512xf32> -> vector<256x512xf32>
      %add3A_66 = arith.addf %add3A_53, %dot_general3A_65 : vector<256x512xf32>
      %get3A_67 = arith.constant 0 : index
      %get3A_68 = arith.constant 0 : index
      %get3A_69 = vector.load %arg7[%get3A_67, %get3A_68] : memref<1x512xf32, #tpu.memory_space<vmem>>, vector<1x512xf32>
      %add3A_70 = vector.broadcast %get3A_69 : vector<1x512xf32> to vector<256x512xf32>
      %add3A_71 = arith.addf %add3A_66, %add3A_70 : vector<256x512xf32>
      %slice3A = vector.extract_strided_slice %add3A_71 {offsets = [0, 0], sizes = [256, 128], strides = [1, 1]} : vector<256x512xf32> to vector<256x128xf32>
      %swap3A = arith.constant 0 : index
      %swap3A_72 = arith.constant 0 : index
      %swap3A_73 = arith.constant 0 : index
      %swap3A_74 = vector.load %arg9[%swap3A, %swap3A_72, %swap3A_73] : memref<256x4x128xf32, #tpu.memory_space<vmem>>, vector<256x1x128xf32>
      %swap3A_75 = vector.shape_cast %swap3A_74 : vector<256x1x128xf32> to vector<256x128xf32>
      %swap3A_76 = vector.shape_cast %slice3A : vector<256x128xf32> to vector<256x1x128xf32>
      tpu.vector_store %arg9[%swap3A, %swap3A_72, %swap3A_73], %swap3A_76 {strides = array<i32>} : memref<256x4x128xf32, #tpu.memory_space<vmem>>, vector<256x1x128xf32>,
      %slice3A_77 = vector.extract_strided_slice %add3A_71 {offsets = [0, 128], sizes = [256, 128], strides = [1, 1]} : vector<256x512xf32> to vector<256x128xf32>
      %swap3A_78 = arith.constant 0 : index
      %swap3A_79 = arith.constant 1 : index
      %swap3A_80 = arith.constant 0 : index
      %swap3A_81 = vector.load %arg9[%swap3A_78, %swap3A_79, %swap3A_80] : memref<256x4x128xf32, #tpu.memory_space<vmem>>, vector<256x1x128xf32>
      %swap3A_82 = vector.shape_cast %swap3A_81 : vector<256x1x128xf32> to vector<256x128xf32>
      %swap3A_83 = vector.shape_cast %slice3A_77 : vector<256x128xf32> to vector<256x1x128xf32>
      tpu.vector_store %arg9[%swap3A_78, %swap3A_79, %swap3A_80], %swap3A_83 {strides = array<i32>} : memref<256x4x128xf32, #tpu.memory_space<vmem>>, vector<256x1x128xf32>,
      %slice3A_84 = vector.extract_strided_slice %add3A_71 {offsets = [0, 256], sizes = [256, 128], strides = [1, 1]} : vector<256x512xf32> to vector<256x128xf32>
      %swap3A_85 = arith.constant 0 : index
      %swap3A_86 = arith.constant 2 : index
      %swap3A_87 = arith.constant 0 : index
      %swap3A_88 = vector.load %arg9[%swap3A_85, %swap3A_86, %swap3A_87] : memref<256x4x128xf32, #tpu.memory_space<vmem>>, vector<256x1x128xf32>
      %swap3A_89 = vector.shape_cast %swap3A_88 : vector<256x1x128xf32> to vector<256x128xf32>
      %swap3A_90 = vector.shape_cast %slice3A_84 : vector<256x128xf32> to vector<256x1x128xf32>
      tpu.vector_store %arg9[%swap3A_85, %swap3A_86, %swap3A_87], %swap3A_90 {strides = array<i32>} : memref<256x4x128xf32, #tpu.memory_space<vmem>>, vector<256x1x128xf32>,
      %slice3A_91 = vector.extract_strided_slice %add3A_71 {offsets = [0, 384], sizes = [256, 128], strides = [1, 1]} : vector<256x512xf32> to vector<256x128xf32>
      %swap3A_92 = arith.constant 0 : index
      %swap3A_93 = arith.constant 3 : index
      %swap3A_94 = arith.constant 0 : index
      %swap3A_95 = vector.load %arg9[%swap3A_92, %swap3A_93, %swap3A_94] : memref<256x4x128xf32, #tpu.memory_space<vmem>>, vector<256x1x128xf32>
      %swap3A_96 = vector.shape_cast %swap3A_95 : vector<256x1x128xf32> to vector<256x128xf32>
      %swap3A_97 = vector.shape_cast %slice3A_91 : vector<256x128xf32> to vector<256x1x128xf32>
      tpu.vector_store %arg9[%swap3A_92, %swap3A_93, %swap3A_94], %swap3A_97 {strides = array<i32>} : memref<256x4x128xf32, #tpu.memory_space<vmem>>, vector<256x1x128xf32>,
    } else {
    }
    %eq3A_7 = arith.constant 2 : i32
    %eq3A_8 = arith.cmpi eq, %arg1, %eq3A_7 : i32
    %convert_element_type3A_9 = arith.extui %eq3A_8 : i1 to i32
    %cond3A_10 = arith.constant 0 : i32
    %cond3A_11 = arith.cmpi ne, %convert_element_type3A_9, %cond3A_10 : i32
    scf.if %cond3A_11 {
      %broadcast_in_dim3A = arith.constant 0.000000e+00 : f32
      %broadcast_in_dim3A_17 = vector.broadcast %broadcast_in_dim3A : f32 to vector<256x512xf32>
      %get3A = arith.constant 0 : index
      %get3A_18 = arith.constant 0 : index
      %get3A_19 = arith.constant 0 : index
      %get3A_20 = vector.load %arg3[%get3A, %get3A_18, %get3A_19] : memref<256x4x128xf32, #tpu.memory_space<vmem>>, vector<256x1x128xf32>
      %get3A_21 = vector.shape_cast %get3A_20 : vector<256x1x128xf32> to vector<256x128xf32>
      %get3A_22 = arith.constant 0 : index
      %get3A_23 = arith.constant 0 : index
      %get3A_24 = arith.constant 0 : index
      %get3A_25 = vector.load %arg5[%get3A_22, %get3A_23, %get3A_24] : memref<4x128x512xf32, #tpu.memory_space<vmem>>, vector<1x128x512xf32>
      %get3A_26 = vector.shape_cast %get3A_25 : vector<1x128x512xf32> to vector<128x512xf32>
      %dot_general3A = arith.constant dense<0.000000e+00> : vector<256x512xf32>
      %dot_general3A_27 = tpu.matmul %get3A_21, %get3A_26, %dot_general3A {dimension_numbers = #tpu.dot_dimension_numbers<[1], [0], [0], [1], [0, 0, 1, 1], [], []>, transpose_lhs_hint = false} : vector<256x128xf32>, vector<128x512xf32>, vector<256x512xf32> -> vector<256x512xf32>
      %add3A = arith.addf %broadcast_in_dim3A_17, %dot_general3A_27 : vector<256x512xf32>
      %get3A_28 = arith.constant 0 : index
      %get3A_29 = arith.constant 1 : index
      %get3A_30 = arith.constant 0 : index
      %get3A_31 = vector.load %arg3[%get3A_28, %get3A_29, %get3A_30] : memref<256x4x128xf32, #tpu.memory_space<vmem>>, vector<256x1x128xf32>
      %get3A_32 = vector.shape_cast %get3A_31 : vector<256x1x128xf32> to vector<256x128xf32>
      %get3A_33 = arith.constant 1 : index
      %get3A_34 = arith.constant 0 : index
      %get3A_35 = arith.constant 0 : index
      %get3A_36 = vector.load %arg5[%get3A_33, %get3A_34, %get3A_35] : memref<4x128x512xf32, #tpu.memory_space<vmem>>, vector<1x128x512xf32>
      %get3A_37 = vector.shape_cast %get3A_36 : vector<1x128x512xf32> to vector<128x512xf32>
      %dot_general3A_38 = arith.constant dense<0.000000e+00> : vector<256x512xf32>
      %dot_general3A_39 = tpu.matmul %get3A_32, %get3A_37, %dot_general3A_38 {dimension_numbers = #tpu.dot_dimension_numbers<[1], [0], [0], [1], [0, 0, 1, 1], [], []>, transpose_lhs_hint = false} : vector<256x128xf32>, vector<128x512xf32>, vector<256x512xf32> -> vector<256x512xf32>
      %add3A_40 = arith.addf %add3A, %dot_general3A_39 : vector<256x512xf32>
      %get3A_41 = arith.constant 0 : index
      %get3A_42 = arith.constant 2 : index
      %get3A_43 = arith.constant 0 : index
      %get3A_44 = vector.load %arg3[%get3A_41, %get3A_42, %get3A_43] : memref<256x4x128xf32, #tpu.memory_space<vmem>>, vector<256x1x128xf32>
      %get3A_45 = vector.shape_cast %get3A_44 : vector<256x1x128xf32> to vector<256x128xf32>
      %get3A_46 = arith.constant 2 : index
      %get3A_47 = arith.constant 0 : index
      %get3A_48 = arith.constant 0 : index
      %get3A_49 = vector.load %arg5[%get3A_46, %get3A_47, %get3A_48] : memref<4x128x512xf32, #tpu.memory_space<vmem>>, vector<1x128x512xf32>
      %get3A_50 = vector.shape_cast %get3A_49 : vector<1x128x512xf32> to vector<128x512xf32>
      %dot_general3A_51 = arith.constant dense<0.000000e+00> : vector<256x512xf32>
      %dot_general3A_52 = tpu.matmul %get3A_45, %get3A_50, %dot_general3A_51 {dimension_numbers = #tpu.dot_dimension_numbers<[1], [0], [0], [1], [0, 0, 1, 1], [], []>, transpose_lhs_hint = false} : vector<256x128xf32>, vector<128x512xf32>, vector<256x512xf32> -> vector<256x512xf32>
      %add3A_53 = arith.addf %add3A_40, %dot_general3A_52 : vector<256x512xf32>
      %get3A_54 = arith.constant 0 : index
      %get3A_55 = arith.constant 3 : index
      %get3A_56 = arith.constant 0 : index
      %get3A_57 = vector.load %arg3[%get3A_54, %get3A_55, %get3A_56] : memref<256x4x128xf32, #tpu.memory_space<vmem>>, vector<256x1x128xf32>
      %get3A_58 = vector.shape_cast %get3A_57 : vector<256x1x128xf32> to vector<256x128xf32>
      %get3A_59 = arith.constant 3 : index
      %get3A_60 = arith.constant 0 : index
      %get3A_61 = arith.constant 0 : index
      %get3A_62 = vector.load %arg5[%get3A_59, %get3A_60, %get3A_61] : memref<4x128x512xf32, #tpu.memory_space<vmem>>, vector<1x128x512xf32>
      %get3A_63 = vector.shape_cast %get3A_62 : vector<1x128x512xf32> to vector<128x512xf32>
      %dot_general3A_64 = arith.constant dense<0.000000e+00> : vector<256x512xf32>
      %dot_general3A_65 = tpu.matmul %get3A_58, %get3A_63, %dot_general3A_64 {dimension_numbers = #tpu.dot_dimension_numbers<[1], [0], [0], [1], [0, 0, 1, 1], [], []>, transpose_lhs_hint = false} : vector<256x128xf32>, vector<128x512xf32>, vector<256x512xf32> -> vector<256x512xf32>
      %add3A_66 = arith.addf %add3A_53, %dot_general3A_65 : vector<256x512xf32>
      %get3A_67 = arith.constant 0 : index
      %get3A_68 = arith.constant 0 : index
      %get3A_69 = vector.load %arg8[%get3A_67, %get3A_68] : memref<1x512xf32, #tpu.memory_space<vmem>>, vector<1x512xf32>
      %add3A_70 = vector.broadcast %get3A_69 : vector<1x512xf32> to vector<256x512xf32>
      %add3A_71 = arith.addf %add3A_66, %add3A_70 : vector<256x512xf32>
      %slice3A = vector.extract_strided_slice %add3A_71 {offsets = [0, 0], sizes = [256, 128], strides = [1, 1]} : vector<256x512xf32> to vector<256x128xf32>
      %swap3A = arith.constant 0 : index
      %swap3A_72 = arith.constant 0 : index
      %swap3A_73 = arith.constant 0 : index
      %swap3A_74 = vector.load %arg9[%swap3A, %swap3A_72, %swap3A_73] : memref<256x4x128xf32, #tpu.memory_space<vmem>>, vector<256x1x128xf32>
      %swap3A_75 = vector.shape_cast %swap3A_74 : vector<256x1x128xf32> to vector<256x128xf32>
      %swap3A_76 = vector.shape_cast %slice3A : vector<256x128xf32> to vector<256x1x128xf32>
      tpu.vector_store %arg9[%swap3A, %swap3A_72, %swap3A_73], %swap3A_76 {strides = array<i32>} : memref<256x4x128xf32, #tpu.memory_space<vmem>>, vector<256x1x128xf32>,
      %slice3A_77 = vector.extract_strided_slice %add3A_71 {offsets = [0, 128], sizes = [256, 128], strides = [1, 1]} : vector<256x512xf32> to vector<256x128xf32>
      %swap3A_78 = arith.constant 0 : index
      %swap3A_79 = arith.constant 1 : index
      %swap3A_80 = arith.constant 0 : index
      %swap3A_81 = vector.load %arg9[%swap3A_78, %swap3A_79, %swap3A_80] : memref<256x4x128xf32, #tpu.memory_space<vmem>>, vector<256x1x128xf32>
      %swap3A_82 = vector.shape_cast %swap3A_81 : vector<256x1x128xf32> to vector<256x128xf32>
      %swap3A_83 = vector.shape_cast %slice3A_77 : vector<256x128xf32> to vector<256x1x128xf32>
      tpu.vector_store %arg9[%swap3A_78, %swap3A_79, %swap3A_80], %swap3A_83 {strides = array<i32>} : memref<256x4x128xf32, #tpu.memory_space<vmem>>, vector<256x1x128xf32>,
      %slice3A_84 = vector.extract_strided_slice %add3A_71 {offsets = [0, 256], sizes = [256, 128], strides = [1, 1]} : vector<256x512xf32> to vector<256x128xf32>
      %swap3A_85 = arith.constant 0 : index
      %swap3A_86 = arith.constant 2 : index
      %swap3A_87 = arith.constant 0 : index
      %swap3A_88 = vector.load %arg9[%swap3A_85, %swap3A_86, %swap3A_87] : memref<256x4x128xf32, #tpu.memory_space<vmem>>, vector<256x1x128xf32>
      %swap3A_89 = vector.shape_cast %swap3A_88 : vector<256x1x128xf32> to vector<256x128xf32>
      %swap3A_90 = vector.shape_cast %slice3A_84 : vector<256x128xf32> to vector<256x1x128xf32>
      tpu.vector_store %arg9[%swap3A_85, %swap3A_86, %swap3A_87], %swap3A_90 {strides = array<i32>} : memref<256x4x128xf32, #tpu.memory_space<vmem>>, vector<256x1x128xf32>,
      %slice3A_91 = vector.extract_strided_slice %add3A_71 {offsets = [0, 384], sizes = [256, 128], strides = [1, 1]} : vector<256x512xf32> to vector<256x128xf32>
      %swap3A_92 = arith.constant 0 : index
      %swap3A_93 = arith.constant 3 : index
      %swap3A_94 = arith.constant 0 : index
      %swap3A_95 = vector.load %arg9[%swap3A_92, %swap3A_93, %swap3A_94] : memref<256x4x128xf32, #tpu.memory_space<vmem>>, vector<256x1x128xf32>
      %swap3A_96 = vector.shape_cast %swap3A_95 : vector<256x1x128xf32> to vector<256x128xf32>
      %swap3A_97 = vector.shape_cast %slice3A_91 : vector<256x128xf32> to vector<256x1x128xf32>
      tpu.vector_store %arg9[%swap3A_92, %swap3A_93, %swap3A_94], %swap3A_97 {strides = array<i32>} : memref<256x4x128xf32, #tpu.memory_space<vmem>>, vector<256x1x128xf32>,
    } else {
    }
    %eq3A_12 = arith.constant 3 : i32
    %eq3A_13 = arith.cmpi eq, %arg1, %eq3A_12 : i32
    %convert_element_type3A_14 = arith.extui %eq3A_13 : i1 to i32
    %cond3A_15 = arith.constant 0 : i32
    %cond3A_16 = arith.cmpi ne, %convert_element_type3A_14, %cond3A_15 : i32
    scf.if %cond3A_16 {
      %broadcast_in_dim3A = arith.constant 0.000000e+00 : f32
      %broadcast_in_dim3A_17 = vector.broadcast %broadcast_in_dim3A : f32 to vector<256x512xf32>
      %get3A = arith.constant 0 : index
      %get3A_18 = arith.constant 0 : index
      %get3A_19 = arith.constant 0 : index
      %get3A_20 = vector.load %arg2[%get3A, %get3A_18, %get3A_19] : memref<256x4x128xf32, #tpu.memory_space<vmem>>, vector<256x1x128xf32>
      %get3A_21 = vector.shape_cast %get3A_20 : vector<256x1x128xf32> to vector<256x128xf32>
      %get3A_22 = arith.constant 0 : index
      %get3A_23 = arith.constant 0 : index
      %get3A_24 = arith.constant 0 : index
      %get3A_25 = vector.load %arg6[%get3A_22, %get3A_23, %get3A_24] : memref<4x128x512xf32, #tpu.memory_space<vmem>>, vector<1x128x512xf32>
      %get3A_26 = vector.shape_cast %get3A_25 : vector<1x128x512xf32> to vector<128x512xf32>
      %dot_general3A = arith.constant dense<0.000000e+00> : vector<256x512xf32>
      %dot_general3A_27 = tpu.matmul %get3A_21, %get3A_26, %dot_general3A {dimension_numbers = #tpu.dot_dimension_numbers<[1], [0], [0], [1], [0, 0, 1, 1], [], []>, transpose_lhs_hint = false} : vector<256x128xf32>, vector<128x512xf32>, vector<256x512xf32> -> vector<256x512xf32>
      %add3A = arith.addf %broadcast_in_dim3A_17, %dot_general3A_27 : vector<256x512xf32>
      %get3A_28 = arith.constant 0 : index
      %get3A_29 = arith.constant 1 : index
      %get3A_30 = arith.constant 0 : index
      %get3A_31 = vector.load %arg2[%get3A_28, %get3A_29, %get3A_30] : memref<256x4x128xf32, #tpu.memory_space<vmem>>, vector<256x1x128xf32>
      %get3A_32 = vector.shape_cast %get3A_31 : vector<256x1x128xf32> to vector<256x128xf32>
      %get3A_33 = arith.constant 1 : index
      %get3A_34 = arith.constant 0 : index
      %get3A_35 = arith.constant 0 : index
      %get3A_36 = vector.load %arg6[%get3A_33, %get3A_34, %get3A_35] : memref<4x128x512xf32, #tpu.memory_space<vmem>>, vector<1x128x512xf32>
      %get3A_37 = vector.shape_cast %get3A_36 : vector<1x128x512xf32> to vector<128x512xf32>
      %dot_general3A_38 = arith.constant dense<0.000000e+00> : vector<256x512xf32>
      %dot_general3A_39 = tpu.matmul %get3A_32, %get3A_37, %dot_general3A_38 {dimension_numbers = #tpu.dot_dimension_numbers<[1], [0], [0], [1], [0, 0, 1, 1], [], []>, transpose_lhs_hint = false} : vector<256x128xf32>, vector<128x512xf32>, vector<256x512xf32> -> vector<256x512xf32>
      %add3A_40 = arith.addf %add3A, %dot_general3A_39 : vector<256x512xf32>
      %get3A_41 = arith.constant 0 : index
      %get3A_42 = arith.constant 2 : index
      %get3A_43 = arith.constant 0 : index
      %get3A_44 = vector.load %arg2[%get3A_41, %get3A_42, %get3A_43] : memref<256x4x128xf32, #tpu.memory_space<vmem>>, vector<256x1x128xf32>
      %get3A_45 = vector.shape_cast %get3A_44 : vector<256x1x128xf32> to vector<256x128xf32>
      %get3A_46 = arith.constant 2 : index
      %get3A_47 = arith.constant 0 : index
      %get3A_48 = arith.constant 0 : index
      %get3A_49 = vector.load %arg6[%get3A_46, %get3A_47, %get3A_48] : memref<4x128x512xf32, #tpu.memory_space<vmem>>, vector<1x128x512xf32>
      %get3A_50 = vector.shape_cast %get3A_49 : vector<1x128x512xf32> to vector<128x512xf32>
      %dot_general3A_51 = arith.constant dense<0.000000e+00> : vector<256x512xf32>
      %dot_general3A_52 = tpu.matmul %get3A_45, %get3A_50, %dot_general3A_51 {dimension_numbers = #tpu.dot_dimension_numbers<[1], [0], [0], [1], [0, 0, 1, 1], [], []>, transpose_lhs_hint = false} : vector<256x128xf32>, vector<128x512xf32>, vector<256x512xf32> -> vector<256x512xf32>
      %add3A_53 = arith.addf %add3A_40, %dot_general3A_52 : vector<256x512xf32>
      %get3A_54 = arith.constant 0 : index
      %get3A_55 = arith.constant 3 : index
      %get3A_56 = arith.constant 0 : index
      %get3A_57 = vector.load %arg2[%get3A_54, %get3A_55, %get3A_56] : memref<256x4x128xf32, #tpu.memory_space<vmem>>, vector<256x1x128xf32>
      %get3A_58 = vector.shape_cast %get3A_57 : vector<256x1x128xf32> to vector<256x128xf32>
      %get3A_59 = arith.constant 3 : index
      %get3A_60 = arith.constant 0 : index
      %get3A_61 = arith.constant 0 : index
      %get3A_62 = vector.load %arg6[%get3A_59, %get3A_60, %get3A_61] : memref<4x128x512xf32, #tpu.memory_space<vmem>>, vector<1x128x512xf32>
      %get3A_63 = vector.shape_cast %get3A_62 : vector<1x128x512xf32> to vector<128x512xf32>
      %dot_general3A_64 = arith.constant dense<0.000000e+00> : vector<256x512xf32>
      %dot_general3A_65 = tpu.matmul %get3A_58, %get3A_63, %dot_general3A_64 {dimension_numbers = #tpu.dot_dimension_numbers<[1], [0], [0], [1], [0, 0, 1, 1], [], []>, transpose_lhs_hint = false} : vector<256x128xf32>, vector<128x512xf32>, vector<256x512xf32> -> vector<256x512xf32>
      %add3A_66 = arith.addf %add3A_53, %dot_general3A_65 : vector<256x512xf32>
      %slice3A = vector.extract_strided_slice %add3A_66 {offsets = [0, 0], sizes = [256, 128], strides = [1, 1]} : vector<256x512xf32> to vector<256x128xf32>
      %swap3A = arith.constant 0 : index
      %swap3A_67 = arith.constant 0 : index
      %swap3A_68 = arith.constant 0 : index
      %swap3A_69 = vector.load %arg9[%swap3A, %swap3A_67, %swap3A_68] : memref<256x4x128xf32, #tpu.memory_space<vmem>>, vector<256x1x128xf32>
      %swap3A_70 = vector.shape_cast %swap3A_69 : vector<256x1x128xf32> to vector<256x128xf32>
      %swap3A_71 = vector.shape_cast %slice3A : vector<256x128xf32> to vector<256x1x128xf32>
      tpu.vector_store %arg9[%swap3A, %swap3A_67, %swap3A_68], %swap3A_71 {strides = array<i32>} : memref<256x4x128xf32, #tpu.memory_space<vmem>>, vector<256x1x128xf32>,
      %slice3A_72 = vector.extract_strided_slice %add3A_66 {offsets = [0, 128], sizes = [256, 128], strides = [1, 1]} : vector<256x512xf32> to vector<256x128xf32>
      %swap3A_73 = arith.constant 0 : index
      %swap3A_74 = arith.constant 1 : index
      %swap3A_75 = arith.constant 0 : index
      %swap3A_76 = vector.load %arg9[%swap3A_73, %swap3A_74, %swap3A_75] : memref<256x4x128xf32, #tpu.memory_space<vmem>>, vector<256x1x128xf32>
      %swap3A_77 = vector.shape_cast %swap3A_76 : vector<256x1x128xf32> to vector<256x128xf32>
      %swap3A_78 = vector.shape_cast %slice3A_72 : vector<256x128xf32> to vector<256x1x128xf32>
      tpu.vector_store %arg9[%swap3A_73, %swap3A_74, %swap3A_75], %swap3A_78 {strides = array<i32>} : memref<256x4x128xf32, #tpu.memory_space<vmem>>, vector<256x1x128xf32>,
      %slice3A_79 = vector.extract_strided_slice %add3A_66 {offsets = [0, 256], sizes = [256, 128], strides = [1, 1]} : vector<256x512xf32> to vector<256x128xf32>
      %swap3A_80 = arith.constant 0 : index
      %swap3A_81 = arith.constant 2 : index
      %swap3A_82 = arith.constant 0 : index
      %swap3A_83 = vector.load %arg9[%swap3A_80, %swap3A_81, %swap3A_82] : memref<256x4x128xf32, #tpu.memory_space<vmem>>, vector<256x1x128xf32>
      %swap3A_84 = vector.shape_cast %swap3A_83 : vector<256x1x128xf32> to vector<256x128xf32>
      %swap3A_85 = vector.shape_cast %slice3A_79 : vector<256x128xf32> to vector<256x1x128xf32>
      tpu.vector_store %arg9[%swap3A_80, %swap3A_81, %swap3A_82], %swap3A_85 {strides = array<i32>} : memref<256x4x128xf32, #tpu.memory_space<vmem>>, vector<256x1x128xf32>,
      %slice3A_86 = vector.extract_strided_slice %add3A_66 {offsets = [0, 384], sizes = [256, 128], strides = [1, 1]} : vector<256x512xf32> to vector<256x128xf32>
      %swap3A_87 = arith.constant 0 : index
      %swap3A_88 = arith.constant 3 : index
      %swap3A_89 = arith.constant 0 : index
      %swap3A_90 = vector.load %arg9[%swap3A_87, %swap3A_88, %swap3A_89] : memref<256x4x128xf32, #tpu.memory_space<vmem>>, vector<256x1x128xf32>
      %swap3A_91 = vector.shape_cast %swap3A_90 : vector<256x1x128xf32> to vector<256x128xf32>
      %swap3A_92 = vector.shape_cast %slice3A_86 : vector<256x128xf32> to vector<256x1x128xf32>
      tpu.vector_store %arg9[%swap3A_87, %swap3A_88, %swap3A_89], %swap3A_92 {strides = array<i32>} : memref<256x4x128xf32, #tpu.memory_space<vmem>>, vector<256x1x128xf32>,
    } else {
    }
    return
  }
  func.func @transform_0(%arg0: i32, %arg1: i32) -> (i32, i32, i32) {
    %c0_i32 = arith.constant 0 : i32
    %c0_i32_0 = arith.constant 0 : i32
    %c0_i32_1 = arith.constant 0 : i32
    return %arg0, %c0_i32, %c0_i32_0 : i32, i32, i32
  }
  func.func @transform_1(%arg0: i32, %arg1: i32) -> (i32, i32, i32) {
    %c0_i32 = arith.constant 0 : i32
    %c0_i32_0 = arith.constant 0 : i32
    %c0_i32_1 = arith.constant 0 : i32
    return %arg0, %c0_i32, %c0_i32_0 : i32, i32, i32
  }
  func.func @transform_2(%arg0: i32, %arg1: i32) -> (i32, i32, i32) {
    %c0_i32 = arith.constant 0 : i32
    %c0_i32_0 = arith.constant 0 : i32
    %c0_i32_1 = arith.constant 0 : i32
    %c0_i32_2 = arith.constant 0 : i32
    return %c0_i32, %c0_i32_0, %c0_i32_1 : i32, i32, i32
  }
  func.func @transform_3(%arg0: i32, %arg1: i32) -> (i32, i32, i32) {
    %c0_i32 = arith.constant 0 : i32
    %c0_i32_0 = arith.constant 0 : i32
    %c0_i32_1 = arith.constant 0 : i32
    %c0_i32_2 = arith.constant 0 : i32
    return %c0_i32, %c0_i32_0, %c0_i32_1 : i32, i32, i32
  }
  func.func @transform_4(%arg0: i32, %arg1: i32) -> (i32, i32, i32) {
    %c0_i32 = arith.constant 0 : i32
    %c0_i32_0 = arith.constant 0 : i32
    %c0_i32_1 = arith.constant 0 : i32
    %c0_i32_2 = arith.constant 0 : i32
    return %c0_i32, %c0_i32_0, %c0_i32_1 : i32, i32, i32
  }
  func.func @transform_5(%arg0: i32, %arg1: i32) -> (i32, i32) {
    %c0_i32 = arith.constant 0 : i32
    %c0_i32_0 = arith.constant 0 : i32
    %c0_i32_1 = arith.constant 0 : i32
    return %c0_i32, %c0_i32_0 : i32, i32
  }
  func.func @transform_6(%arg0: i32, %arg1: i32) -> (i32, i32) {
    %c0_i32 = arith.constant 0 : i32
    %c0_i32_0 = arith.constant 0 : i32
    %c0_i32_1 = arith.constant 0 : i32
    return %c0_i32, %c0_i32_0 : i32, i32
  }
  func.func @transform_7(%arg0: i32, %arg1: i32) -> (i32, i32, i32) {
    %mul3A = arith.constant 40 : i32
    %mul3A_0 = arith.muli %arg1, %mul3A : i32
    %add3A = arith.addi %mul3A_0, %arg0 : i32
    %c0_i32 = arith.constant 0 : i32
    %c0_i32_1 = arith.constant 0 : i32
    %c0_i32_2 = arith.constant 0 : i32
    return %add3A, %c0_i32, %c0_i32_1 : i32, i32, i32
  }
}

module attributes {stable_mosaic.version = 14 : i64} {
  func.func @_epi_r_body(%arg0: i32, %arg1: memref<26x256x128xf32, #tpu.memory_space<vmem>>, %arg2: memref<1x256x4x128xf32, #tpu.memory_space<vmem>>, %arg3: memref<1x256x4x128xf32, #tpu.memory_space<vmem>>, %arg4: memref<2xf32, #tpu.memory_space<smem>>, %arg5: memref<256x512xf32, #tpu.memory_space<vmem>>) attributes {dimension_semantics = [#tpu.dimension_semantics<arbitrary>], iteration_bounds = array<i64: 40>, scalar_prefetch = 0 : i64, scratch_operands = 0 : i64, tpu.core_type = #tpu.core_type<tc>, window_params = [{transform_indices = @transform_0, window_bounds = array<i64: 26, 256, 128>}, {transform_indices = @transform_1, window_bounds = array<i64: 1, 256, 4, 128>}, {transform_indices = @transform_2, window_bounds = array<i64: 1, 256, 4, 128>}, {transform_indices = @transform_3, window_bounds = array<i64: 2>}, {transform_indices = @transform_4, window_bounds = array<i64: 256, 512>}]} {
    %get3A = arith.constant 0 : index
    %get3A_0 = memref.load %arg4[%get3A] : memref<2xf32, #tpu.memory_space<smem>>
    %get3A_1 = arith.constant 1 : index
    %get3A_2 = memref.load %arg4[%get3A_1] : memref<2xf32, #tpu.memory_space<smem>>
    %sub3A = arith.subf %get3A_0, %get3A_2 : f32
    %broadcast_in_dim3A = vector.broadcast %sub3A : f32 to vector<256x1xf32>
    %logistic3A = arith.negf %broadcast_in_dim3A : vector<256x1xf32>
    %logistic3A_3 = math.exp %logistic3A : vector<256x1xf32>
    %logistic3A_4 = arith.constant 1.000000e+00 : f32
    %logistic3A_5 = vector.broadcast %logistic3A_4 : f32 to vector<256x1xf32>
    %logistic3A_6 = arith.addf %logistic3A_5, %logistic3A_3 : vector<256x1xf32>
    %logistic3A_7 = arith.divf %logistic3A_5, %logistic3A_6 : vector<256x1xf32>
    %sub3A_8 = arith.constant 1.000000e+00 : f32
    %sub3A_9 = vector.broadcast %sub3A_8 : f32 to vector<256x1xf32>
    %sub3A_10 = arith.subf %sub3A_9, %logistic3A_7 : vector<256x1xf32>
    %get3A_11 = arith.constant 24 : index
    %get3A_12 = arith.constant 0 : index
    %get3A_13 = arith.constant 0 : index
    %get3A_14 = vector.load %arg1[%get3A_11, %get3A_12, %get3A_13] : memref<26x256x128xf32, #tpu.memory_space<vmem>>, vector<1x256x1xf32>
    %get3A_15 = vector.shape_cast %get3A_14 : vector<1x256x1xf32> to vector<256x1xf32>
    %get3A_16 = arith.constant 25 : index
    %get3A_17 = arith.constant 0 : index
    %get3A_18 = arith.constant 0 : index
    %get3A_19 = vector.load %arg1[%get3A_16, %get3A_17, %get3A_18] : memref<26x256x128xf32, #tpu.memory_space<vmem>>, vector<1x256x1xf32>
    %get3A_20 = vector.shape_cast %get3A_19 : vector<1x256x1xf32> to vector<256x1xf32>
    %max3A = arith.constant 1.000000e+00 : f32
    %max3A_21 = vector.broadcast %max3A : f32 to vector<256x1xf32>
    %max3A_22 = arith.maximumf %get3A_15, %max3A_21 : vector<256x1xf32>
    %div3A = arith.divf %logistic3A_7, %max3A_22 : vector<256x1xf32>
    %max3A_23 = arith.constant 1.000000e+00 : f32
    %max3A_24 = vector.broadcast %max3A_23 : f32 to vector<256x1xf32>
    %max3A_25 = arith.maximumf %get3A_20, %max3A_24 : vector<256x1xf32>
    %div3A_26 = arith.divf %sub3A_10, %max3A_25 : vector<256x1xf32>
    %get3A_27 = arith.constant 0 : index
    %get3A_28 = arith.constant 0 : index
    %get3A_29 = arith.constant 0 : index
    %get3A_30 = vector.load %arg1[%get3A_27, %get3A_28, %get3A_29] : memref<26x256x128xf32, #tpu.memory_space<vmem>>, vector<1x256x128xf32>
    %get3A_31 = vector.shape_cast %get3A_30 : vector<1x256x128xf32> to vector<256x128xf32>
    %mul3A = vector.broadcast %div3A : vector<256x1xf32> to vector<256x128xf32>
    %mul3A_32 = arith.mulf %mul3A, %get3A_31 : vector<256x128xf32>
    %get3A_33 = arith.constant 12 : index
    %get3A_34 = arith.constant 0 : index
    %get3A_35 = arith.constant 0 : index
    %get3A_36 = vector.load %arg1[%get3A_33, %get3A_34, %get3A_35] : memref<26x256x128xf32, #tpu.memory_space<vmem>>, vector<1x256x128xf32>
    %get3A_37 = vector.shape_cast %get3A_36 : vector<1x256x128xf32> to vector<256x128xf32>
    %mul3A_38 = vector.broadcast %div3A_26 : vector<256x1xf32> to vector<256x128xf32>
    %mul3A_39 = arith.mulf %mul3A_38, %get3A_37 : vector<256x128xf32>
    %add3A = arith.addf %mul3A_32, %mul3A_39 : vector<256x128xf32>
    %get3A_40 = arith.constant 1 : index
    %get3A_41 = arith.constant 0 : index
    %get3A_42 = arith.constant 0 : index
    %get3A_43 = vector.load %arg1[%get3A_40, %get3A_41, %get3A_42] : memref<26x256x128xf32, #tpu.memory_space<vmem>>, vector<1x256x128xf32>
    %get3A_44 = vector.shape_cast %get3A_43 : vector<1x256x128xf32> to vector<256x128xf32>
    %mul3A_45 = vector.broadcast %div3A : vector<256x1xf32> to vector<256x128xf32>
    %mul3A_46 = arith.mulf %mul3A_45, %get3A_44 : vector<256x128xf32>
    %get3A_47 = arith.constant 13 : index
    %get3A_48 = arith.constant 0 : index
    %get3A_49 = arith.constant 0 : index
    %get3A_50 = vector.load %arg1[%get3A_47, %get3A_48, %get3A_49] : memref<26x256x128xf32, #tpu.memory_space<vmem>>, vector<1x256x128xf32>
    %get3A_51 = vector.shape_cast %get3A_50 : vector<1x256x128xf32> to vector<256x128xf32>
    %mul3A_52 = vector.broadcast %div3A_26 : vector<256x1xf32> to vector<256x128xf32>
    %mul3A_53 = arith.mulf %mul3A_52, %get3A_51 : vector<256x128xf32>
    %add3A_54 = arith.addf %mul3A_46, %mul3A_53 : vector<256x128xf32>
    %get3A_55 = arith.constant 2 : index
    %get3A_56 = arith.constant 0 : index
    %get3A_57 = arith.constant 0 : index
    %get3A_58 = vector.load %arg1[%get3A_55, %get3A_56, %get3A_57] : memref<26x256x128xf32, #tpu.memory_space<vmem>>, vector<1x256x128xf32>
    %get3A_59 = vector.shape_cast %get3A_58 : vector<1x256x128xf32> to vector<256x128xf32>
    %mul3A_60 = vector.broadcast %div3A : vector<256x1xf32> to vector<256x128xf32>
    %mul3A_61 = arith.mulf %mul3A_60, %get3A_59 : vector<256x128xf32>
    %get3A_62 = arith.constant 14 : index
    %get3A_63 = arith.constant 0 : index
    %get3A_64 = arith.constant 0 : index
    %get3A_65 = vector.load %arg1[%get3A_62, %get3A_63, %get3A_64] : memref<26x256x128xf32, #tpu.memory_space<vmem>>, vector<1x256x128xf32>
    %get3A_66 = vector.shape_cast %get3A_65 : vector<1x256x128xf32> to vector<256x128xf32>
    %mul3A_67 = vector.broadcast %div3A_26 : vector<256x1xf32> to vector<256x128xf32>
    %mul3A_68 = arith.mulf %mul3A_67, %get3A_66 : vector<256x128xf32>
    %add3A_69 = arith.addf %mul3A_61, %mul3A_68 : vector<256x128xf32>
    %get3A_70 = arith.constant 3 : index
    %get3A_71 = arith.constant 0 : index
    %get3A_72 = arith.constant 0 : index
    %get3A_73 = vector.load %arg1[%get3A_70, %get3A_71, %get3A_72] : memref<26x256x128xf32, #tpu.memory_space<vmem>>, vector<1x256x128xf32>
    %get3A_74 = vector.shape_cast %get3A_73 : vector<1x256x128xf32> to vector<256x128xf32>
    %mul3A_75 = vector.broadcast %div3A : vector<256x1xf32> to vector<256x128xf32>
    %mul3A_76 = arith.mulf %mul3A_75, %get3A_74 : vector<256x128xf32>
    %get3A_77 = arith.constant 15 : index
    %get3A_78 = arith.constant 0 : index
    %get3A_79 = arith.constant 0 : index
    %get3A_80 = vector.load %arg1[%get3A_77, %get3A_78, %get3A_79] : memref<26x256x128xf32, #tpu.memory_space<vmem>>, vector<1x256x128xf32>
    %get3A_81 = vector.shape_cast %get3A_80 : vector<1x256x128xf32> to vector<256x128xf32>
    %mul3A_82 = vector.broadcast %div3A_26 : vector<256x1xf32> to vector<256x128xf32>
    %mul3A_83 = arith.mulf %mul3A_82, %get3A_81 : vector<256x128xf32>
    %add3A_84 = arith.addf %mul3A_76, %mul3A_83 : vector<256x128xf32>
    %get3A_85 = arith.constant 4 : index
    %get3A_86 = arith.constant 0 : index
    %get3A_87 = arith.constant 0 : index
    %get3A_88 = vector.load %arg1[%get3A_85, %get3A_86, %get3A_87] : memref<26x256x128xf32, #tpu.memory_space<vmem>>, vector<1x256x128xf32>
    %get3A_89 = vector.shape_cast %get3A_88 : vector<1x256x128xf32> to vector<256x128xf32>
    %mul3A_90 = vector.broadcast %div3A : vector<256x1xf32> to vector<256x128xf32>
    %mul3A_91 = arith.mulf %mul3A_90, %get3A_89 : vector<256x128xf32>
    %get3A_92 = arith.constant 16 : index
    %get3A_93 = arith.constant 0 : index
    %get3A_94 = arith.constant 0 : index
    %get3A_95 = vector.load %arg1[%get3A_92, %get3A_93, %get3A_94] : memref<26x256x128xf32, #tpu.memory_space<vmem>>, vector<1x256x128xf32>
    %get3A_96 = vector.shape_cast %get3A_95 : vector<1x256x128xf32> to vector<256x128xf32>
    %mul3A_97 = vector.broadcast %div3A_26 : vector<256x1xf32> to vector<256x128xf32>
    %mul3A_98 = arith.mulf %mul3A_97, %get3A_96 : vector<256x128xf32>
    %add3A_99 = arith.addf %mul3A_91, %mul3A_98 : vector<256x128xf32>
    %get3A_100 = arith.constant 5 : index
    %get3A_101 = arith.constant 0 : index
    %get3A_102 = arith.constant 0 : index
    %get3A_103 = vector.load %arg1[%get3A_100, %get3A_101, %get3A_102] : memref<26x256x128xf32, #tpu.memory_space<vmem>>, vector<1x256x128xf32>
    %get3A_104 = vector.shape_cast %get3A_103 : vector<1x256x128xf32> to vector<256x128xf32>
    %mul3A_105 = vector.broadcast %div3A : vector<256x1xf32> to vector<256x128xf32>
    %mul3A_106 = arith.mulf %mul3A_105, %get3A_104 : vector<256x128xf32>
    %get3A_107 = arith.constant 17 : index
    %get3A_108 = arith.constant 0 : index
    %get3A_109 = arith.constant 0 : index
    %get3A_110 = vector.load %arg1[%get3A_107, %get3A_108, %get3A_109] : memref<26x256x128xf32, #tpu.memory_space<vmem>>, vector<1x256x128xf32>
    %get3A_111 = vector.shape_cast %get3A_110 : vector<1x256x128xf32> to vector<256x128xf32>
    %mul3A_112 = vector.broadcast %div3A_26 : vector<256x1xf32> to vector<256x128xf32>
    %mul3A_113 = arith.mulf %mul3A_112, %get3A_111 : vector<256x128xf32>
    %add3A_114 = arith.addf %mul3A_106, %mul3A_113 : vector<256x128xf32>
    %get3A_115 = arith.constant 6 : index
    %get3A_116 = arith.constant 0 : index
    %get3A_117 = arith.constant 0 : index
    %get3A_118 = vector.load %arg1[%get3A_115, %get3A_116, %get3A_117] : memref<26x256x128xf32, #tpu.memory_space<vmem>>, vector<1x256x128xf32>
    %get3A_119 = vector.shape_cast %get3A_118 : vector<1x256x128xf32> to vector<256x128xf32>
    %mul3A_120 = vector.broadcast %div3A : vector<256x1xf32> to vector<256x128xf32>
    %mul3A_121 = arith.mulf %mul3A_120, %get3A_119 : vector<256x128xf32>
    %get3A_122 = arith.constant 18 : index
    %get3A_123 = arith.constant 0 : index
    %get3A_124 = arith.constant 0 : index
    %get3A_125 = vector.load %arg1[%get3A_122, %get3A_123, %get3A_124] : memref<26x256x128xf32, #tpu.memory_space<vmem>>, vector<1x256x128xf32>
    %get3A_126 = vector.shape_cast %get3A_125 : vector<1x256x128xf32> to vector<256x128xf32>
    %mul3A_127 = vector.broadcast %div3A_26 : vector<256x1xf32> to vector<256x128xf32>
    %mul3A_128 = arith.mulf %mul3A_127, %get3A_126 : vector<256x128xf32>
    %add3A_129 = arith.addf %mul3A_121, %mul3A_128 : vector<256x128xf32>
    %get3A_130 = arith.constant 7 : index
    %get3A_131 = arith.constant 0 : index
    %get3A_132 = arith.constant 0 : index
    %get3A_133 = vector.load %arg1[%get3A_130, %get3A_131, %get3A_132] : memref<26x256x128xf32, #tpu.memory_space<vmem>>, vector<1x256x128xf32>
    %get3A_134 = vector.shape_cast %get3A_133 : vector<1x256x128xf32> to vector<256x128xf32>
    %mul3A_135 = vector.broadcast %div3A : vector<256x1xf32> to vector<256x128xf32>
    %mul3A_136 = arith.mulf %mul3A_135, %get3A_134 : vector<256x128xf32>
    %get3A_137 = arith.constant 19 : index
    %get3A_138 = arith.constant 0 : index
    %get3A_139 = arith.constant 0 : index
    %get3A_140 = vector.load %arg1[%get3A_137, %get3A_138, %get3A_139] : memref<26x256x128xf32, #tpu.memory_space<vmem>>, vector<1x256x128xf32>
    %get3A_141 = vector.shape_cast %get3A_140 : vector<1x256x128xf32> to vector<256x128xf32>
    %mul3A_142 = vector.broadcast %div3A_26 : vector<256x1xf32> to vector<256x128xf32>
    %mul3A_143 = arith.mulf %mul3A_142, %get3A_141 : vector<256x128xf32>
    %add3A_144 = arith.addf %mul3A_136, %mul3A_143 : vector<256x128xf32>
    %get3A_145 = arith.constant 8 : index
    %get3A_146 = arith.constant 0 : index
    %get3A_147 = arith.constant 0 : index
    %get3A_148 = vector.load %arg1[%get3A_145, %get3A_146, %get3A_147] : memref<26x256x128xf32, #tpu.memory_space<vmem>>, vector<1x256x128xf32>
    %get3A_149 = vector.shape_cast %get3A_148 : vector<1x256x128xf32> to vector<256x128xf32>
    %mul3A_150 = vector.broadcast %div3A : vector<256x1xf32> to vector<256x128xf32>
    %mul3A_151 = arith.mulf %mul3A_150, %get3A_149 : vector<256x128xf32>
    %get3A_152 = arith.constant 20 : index
    %get3A_153 = arith.constant 0 : index
    %get3A_154 = arith.constant 0 : index
    %get3A_155 = vector.load %arg1[%get3A_152, %get3A_153, %get3A_154] : memref<26x256x128xf32, #tpu.memory_space<vmem>>, vector<1x256x128xf32>
    %get3A_156 = vector.shape_cast %get3A_155 : vector<1x256x128xf32> to vector<256x128xf32>
    %mul3A_157 = vector.broadcast %div3A_26 : vector<256x1xf32> to vector<256x128xf32>
    %mul3A_158 = arith.mulf %mul3A_157, %get3A_156 : vector<256x128xf32>
    %add3A_159 = arith.addf %mul3A_151, %mul3A_158 : vector<256x128xf32>
    %get3A_160 = arith.constant 9 : index
    %get3A_161 = arith.constant 0 : index
    %get3A_162 = arith.constant 0 : index
    %get3A_163 = vector.load %arg1[%get3A_160, %get3A_161, %get3A_162] : memref<26x256x128xf32, #tpu.memory_space<vmem>>, vector<1x256x128xf32>
    %get3A_164 = vector.shape_cast %get3A_163 : vector<1x256x128xf32> to vector<256x128xf32>
    %mul3A_165 = vector.broadcast %div3A : vector<256x1xf32> to vector<256x128xf32>
    %mul3A_166 = arith.mulf %mul3A_165, %get3A_164 : vector<256x128xf32>
    %get3A_167 = arith.constant 21 : index
    %get3A_168 = arith.constant 0 : index
    %get3A_169 = arith.constant 0 : index
    %get3A_170 = vector.load %arg1[%get3A_167, %get3A_168, %get3A_169] : memref<26x256x128xf32, #tpu.memory_space<vmem>>, vector<1x256x128xf32>
    %get3A_171 = vector.shape_cast %get3A_170 : vector<1x256x128xf32> to vector<256x128xf32>
    %mul3A_172 = vector.broadcast %div3A_26 : vector<256x1xf32> to vector<256x128xf32>
    %mul3A_173 = arith.mulf %mul3A_172, %get3A_171 : vector<256x128xf32>
    %add3A_174 = arith.addf %mul3A_166, %mul3A_173 : vector<256x128xf32>
    %get3A_175 = arith.constant 10 : index
    %get3A_176 = arith.constant 0 : index
    %get3A_177 = arith.constant 0 : index
    %get3A_178 = vector.load %arg1[%get3A_175, %get3A_176, %get3A_177] : memref<26x256x128xf32, #tpu.memory_space<vmem>>, vector<1x256x128xf32>
    %get3A_179 = vector.shape_cast %get3A_178 : vector<1x256x128xf32> to vector<256x128xf32>
    %mul3A_180 = vector.broadcast %div3A : vector<256x1xf32> to vector<256x128xf32>
    %mul3A_181 = arith.mulf %mul3A_180, %get3A_179 : vector<256x128xf32>
    %get3A_182 = arith.constant 22 : index
    %get3A_183 = arith.constant 0 : index
    %get3A_184 = arith.constant 0 : index
    %get3A_185 = vector.load %arg1[%get3A_182, %get3A_183, %get3A_184] : memref<26x256x128xf32, #tpu.memory_space<vmem>>, vector<1x256x128xf32>
    %get3A_186 = vector.shape_cast %get3A_185 : vector<1x256x128xf32> to vector<256x128xf32>
    %mul3A_187 = vector.broadcast %div3A_26 : vector<256x1xf32> to vector<256x128xf32>
    %mul3A_188 = arith.mulf %mul3A_187, %get3A_186 : vector<256x128xf32>
    %add3A_189 = arith.addf %mul3A_181, %mul3A_188 : vector<256x128xf32>
    %get3A_190 = arith.constant 11 : index
    %get3A_191 = arith.constant 0 : index
    %get3A_192 = arith.constant 0 : index
    %get3A_193 = vector.load %arg1[%get3A_190, %get3A_191, %get3A_192] : memref<26x256x128xf32, #tpu.memory_space<vmem>>, vector<1x256x128xf32>
    %get3A_194 = vector.shape_cast %get3A_193 : vector<1x256x128xf32> to vector<256x128xf32>
    %mul3A_195 = vector.broadcast %div3A : vector<256x1xf32> to vector<256x128xf32>
    %mul3A_196 = arith.mulf %mul3A_195, %get3A_194 : vector<256x128xf32>
    %get3A_197 = arith.constant 23 : index
    %get3A_198 = arith.constant 0 : index
    %get3A_199 = arith.constant 0 : index
    %get3A_200 = vector.load %arg1[%get3A_197, %get3A_198, %get3A_199] : memref<26x256x128xf32, #tpu.memory_space<vmem>>, vector<1x256x128xf32>
    %get3A_201 = vector.shape_cast %get3A_200 : vector<1x256x128xf32> to vector<256x128xf32>
    %mul3A_202 = vector.broadcast %div3A_26 : vector<256x1xf32> to vector<256x128xf32>
    %mul3A_203 = arith.mulf %mul3A_202, %get3A_201 : vector<256x128xf32>
    %add3A_204 = arith.addf %mul3A_196, %mul3A_203 : vector<256x128xf32>
    %broadcast_in_dim3A_205 = arith.constant 0.000000e+00 : f32
    %broadcast_in_dim3A_206 = vector.broadcast %broadcast_in_dim3A_205 : f32 to vector<256x1xf32>
    %get3A_207 = arith.constant 0 : index
    %get3A_208 = arith.constant 0 : index
    %get3A_209 = arith.constant 0 : index
    %get3A_210 = arith.constant 0 : index
    %get3A_211 = vector.load %arg3[%get3A_207, %get3A_208, %get3A_209, %get3A_210] : memref<1x256x4x128xf32, #tpu.memory_space<vmem>>, vector<1x256x1x128xf32>
    %get3A_212 = vector.shape_cast %get3A_211 : vector<1x256x1x128xf32> to vector<256x128xf32>
    %mul3A_213 = arith.mulf %add3A, %get3A_212 : vector<256x128xf32>
    %reduce_sum3A = arith.constant dense<0.000000e+00> : vector<256xf32>
    %reduce_sum3A_214 = vector.multi_reduction <add>, %mul3A_213, %reduce_sum3A [1] : vector<256x128xf32> to vector<256xf32>
    %broadcast_in_dim3A_215 = vector.shape_cast %reduce_sum3A_214 : vector<256xf32> to vector<256x1xf32>
    %add3A_216 = arith.addf %broadcast_in_dim3A_206, %broadcast_in_dim3A_215 : vector<256x1xf32>
    %get3A_217 = arith.constant 0 : index
    %get3A_218 = arith.constant 0 : index
    %get3A_219 = arith.constant 1 : index
    %get3A_220 = arith.constant 0 : index
    %get3A_221 = vector.load %arg3[%get3A_217, %get3A_218, %get3A_219, %get3A_220] : memref<1x256x4x128xf32, #tpu.memory_space<vmem>>, vector<1x256x1x128xf32>
    %get3A_222 = vector.shape_cast %get3A_221 : vector<1x256x1x128xf32> to vector<256x128xf32>
    %mul3A_223 = arith.mulf %add3A_54, %get3A_222 : vector<256x128xf32>
    %reduce_sum3A_224 = arith.constant dense<0.000000e+00> : vector<256xf32>
    %reduce_sum3A_225 = vector.multi_reduction <add>, %mul3A_223, %reduce_sum3A_224 [1] : vector<256x128xf32> to vector<256xf32>
    %broadcast_in_dim3A_226 = vector.shape_cast %reduce_sum3A_225 : vector<256xf32> to vector<256x1xf32>
    %add3A_227 = arith.addf %add3A_216, %broadcast_in_dim3A_226 : vector<256x1xf32>
    %get3A_228 = arith.constant 0 : index
    %get3A_229 = arith.constant 0 : index
    %get3A_230 = arith.constant 2 : index
    %get3A_231 = arith.constant 0 : index
    %get3A_232 = vector.load %arg3[%get3A_228, %get3A_229, %get3A_230, %get3A_231] : memref<1x256x4x128xf32, #tpu.memory_space<vmem>>, vector<1x256x1x128xf32>
    %get3A_233 = vector.shape_cast %get3A_232 : vector<1x256x1x128xf32> to vector<256x128xf32>
    %mul3A_234 = arith.mulf %add3A_69, %get3A_233 : vector<256x128xf32>
    %reduce_sum3A_235 = arith.constant dense<0.000000e+00> : vector<256xf32>
    %reduce_sum3A_236 = vector.multi_reduction <add>, %mul3A_234, %reduce_sum3A_235 [1] : vector<256x128xf32> to vector<256xf32>
    %broadcast_in_dim3A_237 = vector.shape_cast %reduce_sum3A_236 : vector<256xf32> to vector<256x1xf32>
    %add3A_238 = arith.addf %add3A_227, %broadcast_in_dim3A_237 : vector<256x1xf32>
    %get3A_239 = arith.constant 0 : index
    %get3A_240 = arith.constant 0 : index
    %get3A_241 = arith.constant 3 : index
    %get3A_242 = arith.constant 0 : index
    %get3A_243 = vector.load %arg3[%get3A_239, %get3A_240, %get3A_241, %get3A_242] : memref<1x256x4x128xf32, #tpu.memory_space<vmem>>, vector<1x256x1x128xf32>
    %get3A_244 = vector.shape_cast %get3A_243 : vector<1x256x1x128xf32> to vector<256x128xf32>
    %mul3A_245 = arith.mulf %add3A_84, %get3A_244 : vector<256x128xf32>
    %reduce_sum3A_246 = arith.constant dense<0.000000e+00> : vector<256xf32>
    %reduce_sum3A_247 = vector.multi_reduction <add>, %mul3A_245, %reduce_sum3A_246 [1] : vector<256x128xf32> to vector<256xf32>
    %broadcast_in_dim3A_248 = vector.shape_cast %reduce_sum3A_247 : vector<256xf32> to vector<256x1xf32>
    %add3A_249 = arith.addf %add3A_238, %broadcast_in_dim3A_248 : vector<256x1xf32>
    %mul3A_250 = arith.constant 0.0441941731 : f32
    %mul3A_251 = vector.broadcast %mul3A_250 : f32 to vector<256x1xf32>
    %mul3A_252 = arith.mulf %add3A_249, %mul3A_251 : vector<256x1xf32>
    %logistic3A_253 = arith.negf %mul3A_252 : vector<256x1xf32>
    %logistic3A_254 = math.exp %logistic3A_253 : vector<256x1xf32>
    %logistic3A_255 = arith.constant 1.000000e+00 : f32
    %logistic3A_256 = vector.broadcast %logistic3A_255 : f32 to vector<256x1xf32>
    %logistic3A_257 = arith.addf %logistic3A_256, %logistic3A_254 : vector<256x1xf32>
    %logistic3A_258 = arith.divf %logistic3A_256, %logistic3A_257 : vector<256x1xf32>
    %broadcast_in_dim3A_259 = arith.constant 0.000000e+00 : f32
    %broadcast_in_dim3A_260 = vector.broadcast %broadcast_in_dim3A_259 : f32 to vector<256x1xf32>
    %sub3A_261 = arith.constant 1.000000e+00 : f32
    %sub3A_262 = vector.broadcast %sub3A_261 : f32 to vector<256x1xf32>
    %sub3A_263 = arith.subf %sub3A_262, %logistic3A_258 : vector<256x1xf32>
    %get3A_264 = arith.constant 0 : index
    %get3A_265 = arith.constant 0 : index
    %get3A_266 = arith.constant 0 : index
    %get3A_267 = arith.constant 0 : index
    %get3A_268 = vector.load %arg2[%get3A_264, %get3A_265, %get3A_266, %get3A_267] : memref<1x256x4x128xf32, #tpu.memory_space<vmem>>, vector<1x256x1x128xf32>
    %get3A_269 = vector.shape_cast %get3A_268 : vector<1x256x1x128xf32> to vector<256x128xf32>
    %sub3A_270 = arith.subf %get3A_269, %add3A_159 : vector<256x128xf32>
    %mul3A_271 = vector.broadcast %sub3A_263 : vector<256x1xf32> to vector<256x128xf32>
    %mul3A_272 = arith.mulf %mul3A_271, %sub3A_270 : vector<256x128xf32>
    %add3A_273 = arith.addf %add3A_99, %mul3A_272 : vector<256x128xf32>
    %mul3A_274 = arith.mulf %add3A_273, %add3A_273 : vector<256x128xf32>
    %reduce_sum3A_275 = arith.constant dense<0.000000e+00> : vector<256xf32>
    %reduce_sum3A_276 = vector.multi_reduction <add>, %mul3A_274, %reduce_sum3A_275 [1] : vector<256x128xf32> to vector<256xf32>
    %broadcast_in_dim3A_277 = vector.shape_cast %reduce_sum3A_276 : vector<256xf32> to vector<256x1xf32>
    %add3A_278 = arith.addf %broadcast_in_dim3A_260, %broadcast_in_dim3A_277 : vector<256x1xf32>
    %sub3A_279 = arith.constant 1.000000e+00 : f32
    %sub3A_280 = vector.broadcast %sub3A_279 : f32 to vector<256x1xf32>
    %sub3A_281 = arith.subf %sub3A_280, %logistic3A_258 : vector<256x1xf32>
    %get3A_282 = arith.constant 0 : index
    %get3A_283 = arith.constant 0 : index
    %get3A_284 = arith.constant 1 : index
    %get3A_285 = arith.constant 0 : index
    %get3A_286 = vector.load %arg2[%get3A_282, %get3A_283, %get3A_284, %get3A_285] : memref<1x256x4x128xf32, #tpu.memory_space<vmem>>, vector<1x256x1x128xf32>
    %get3A_287 = vector.shape_cast %get3A_286 : vector<1x256x1x128xf32> to vector<256x128xf32>
    %sub3A_288 = arith.subf %get3A_287, %add3A_174 : vector<256x128xf32>
    %mul3A_289 = vector.broadcast %sub3A_281 : vector<256x1xf32> to vector<256x128xf32>
    %mul3A_290 = arith.mulf %mul3A_289, %sub3A_288 : vector<256x128xf32>
    %add3A_291 = arith.addf %add3A_114, %mul3A_290 : vector<256x128xf32>
    %mul3A_292 = arith.mulf %add3A_291, %add3A_291 : vector<256x128xf32>
    %reduce_sum3A_293 = arith.constant dense<0.000000e+00> : vector<256xf32>
    %reduce_sum3A_294 = vector.multi_reduction <add>, %mul3A_292, %reduce_sum3A_293 [1] : vector<256x128xf32> to vector<256xf32>
    %broadcast_in_dim3A_295 = vector.shape_cast %reduce_sum3A_294 : vector<256xf32> to vector<256x1xf32>
    %add3A_296 = arith.addf %add3A_278, %broadcast_in_dim3A_295 : vector<256x1xf32>
    %sub3A_297 = arith.constant 1.000000e+00 : f32
    %sub3A_298 = vector.broadcast %sub3A_297 : f32 to vector<256x1xf32>
    %sub3A_299 = arith.subf %sub3A_298, %logistic3A_258 : vector<256x1xf32>
    %get3A_300 = arith.constant 0 : index
    %get3A_301 = arith.constant 0 : index
    %get3A_302 = arith.constant 2 : index
    %get3A_303 = arith.constant 0 : index
    %get3A_304 = vector.load %arg2[%get3A_300, %get3A_301, %get3A_302, %get3A_303] : memref<1x256x4x128xf32, #tpu.memory_space<vmem>>, vector<1x256x1x128xf32>
    %get3A_305 = vector.shape_cast %get3A_304 : vector<1x256x1x128xf32> to vector<256x128xf32>
    %sub3A_306 = arith.subf %get3A_305, %add3A_189 : vector<256x128xf32>
    %mul3A_307 = vector.broadcast %sub3A_299 : vector<256x1xf32> to vector<256x128xf32>
    %mul3A_308 = arith.mulf %mul3A_307, %sub3A_306 : vector<256x128xf32>
    %add3A_309 = arith.addf %add3A_129, %mul3A_308 : vector<256x128xf32>
    %mul3A_310 = arith.mulf %add3A_309, %add3A_309 : vector<256x128xf32>
    %reduce_sum3A_311 = arith.constant dense<0.000000e+00> : vector<256xf32>
    %reduce_sum3A_312 = vector.multi_reduction <add>, %mul3A_310, %reduce_sum3A_311 [1] : vector<256x128xf32> to vector<256xf32>
    %broadcast_in_dim3A_313 = vector.shape_cast %reduce_sum3A_312 : vector<256xf32> to vector<256x1xf32>
    %add3A_314 = arith.addf %add3A_296, %broadcast_in_dim3A_313 : vector<256x1xf32>
    %sub3A_315 = arith.constant 1.000000e+00 : f32
    %sub3A_316 = vector.broadcast %sub3A_315 : f32 to vector<256x1xf32>
    %sub3A_317 = arith.subf %sub3A_316, %logistic3A_258 : vector<256x1xf32>
    %get3A_318 = arith.constant 0 : index
    %get3A_319 = arith.constant 0 : index
    %get3A_320 = arith.constant 3 : index
    %get3A_321 = arith.constant 0 : index
    %get3A_322 = vector.load %arg2[%get3A_318, %get3A_319, %get3A_320, %get3A_321] : memref<1x256x4x128xf32, #tpu.memory_space<vmem>>, vector<1x256x1x128xf32>
    %get3A_323 = vector.shape_cast %get3A_322 : vector<1x256x1x128xf32> to vector<256x128xf32>
    %sub3A_324 = arith.subf %get3A_323, %add3A_204 : vector<256x128xf32>
    %mul3A_325 = vector.broadcast %sub3A_317 : vector<256x1xf32> to vector<256x128xf32>
    %mul3A_326 = arith.mulf %mul3A_325, %sub3A_324 : vector<256x128xf32>
    %add3A_327 = arith.addf %add3A_144, %mul3A_326 : vector<256x128xf32>
    %mul3A_328 = arith.mulf %add3A_327, %add3A_327 : vector<256x128xf32>
    %reduce_sum3A_329 = arith.constant dense<0.000000e+00> : vector<256xf32>
    %reduce_sum3A_330 = vector.multi_reduction <add>, %mul3A_328, %reduce_sum3A_329 [1] : vector<256x128xf32> to vector<256xf32>
    %broadcast_in_dim3A_331 = vector.shape_cast %reduce_sum3A_330 : vector<256xf32> to vector<256x1xf32>
    %add3A_332 = arith.addf %add3A_314, %broadcast_in_dim3A_331 : vector<256x1xf32>
    %sqrt3A = math.sqrt %add3A_332 : vector<256x1xf32>
    %max3A_333 = arith.constant 9.99999996E-13 : f32
    %max3A_334 = vector.broadcast %max3A_333 : f32 to vector<256x1xf32>
    %max3A_335 = arith.maximumf %sqrt3A, %max3A_334 : vector<256x1xf32>
    %div3A_336 = arith.constant 1.000000e+00 : f32
    %div3A_337 = vector.broadcast %div3A_336 : f32 to vector<256x1xf32>
    %div3A_338 = arith.divf %div3A_337, %max3A_335 : vector<256x1xf32>
    %mul3A_339 = vector.broadcast %div3A_338 : vector<256x1xf32> to vector<256x128xf32>
    %mul3A_340 = arith.mulf %add3A_273, %mul3A_339 : vector<256x128xf32>
    %swap3A = arith.constant 0 : index
    %swap3A_341 = arith.constant 0 : index
    %swap3A_342 = vector.load %arg5[%swap3A, %swap3A_341] : memref<256x512xf32, #tpu.memory_space<vmem>>, vector<256x128xf32>
    tpu.vector_store %arg5[%swap3A, %swap3A_341], %mul3A_340 {strides = array<i32>} : memref<256x512xf32, #tpu.memory_space<vmem>>, vector<256x128xf32>,
    %mul3A_343 = vector.broadcast %div3A_338 : vector<256x1xf32> to vector<256x128xf32>
    %mul3A_344 = arith.mulf %add3A_291, %mul3A_343 : vector<256x128xf32>
    %swap3A_345 = arith.constant 0 : index
    %swap3A_346 = arith.constant 128 : index
    %swap3A_347 = vector.load %arg5[%swap3A_345, %swap3A_346] : memref<256x512xf32, #tpu.memory_space<vmem>>, vector<256x128xf32>
    tpu.vector_store %arg5[%swap3A_345, %swap3A_346], %mul3A_344 {strides = array<i32>} : memref<256x512xf32, #tpu.memory_space<vmem>>, vector<256x128xf32>,
    %mul3A_348 = vector.broadcast %div3A_338 : vector<256x1xf32> to vector<256x128xf32>
    %mul3A_349 = arith.mulf %add3A_309, %mul3A_348 : vector<256x128xf32>
    %swap3A_350 = arith.constant 0 : index
    %swap3A_351 = arith.constant 256 : index
    %swap3A_352 = vector.load %arg5[%swap3A_350, %swap3A_351] : memref<256x512xf32, #tpu.memory_space<vmem>>, vector<256x128xf32>
    tpu.vector_store %arg5[%swap3A_350, %swap3A_351], %mul3A_349 {strides = array<i32>} : memref<256x512xf32, #tpu.memory_space<vmem>>, vector<256x128xf32>,
    %mul3A_353 = vector.broadcast %div3A_338 : vector<256x1xf32> to vector<256x128xf32>
    %mul3A_354 = arith.mulf %add3A_327, %mul3A_353 : vector<256x128xf32>
    %swap3A_355 = arith.constant 0 : index
    %swap3A_356 = arith.constant 384 : index
    %swap3A_357 = vector.load %arg5[%swap3A_355, %swap3A_356] : memref<256x512xf32, #tpu.memory_space<vmem>>, vector<256x128xf32>
    tpu.vector_store %arg5[%swap3A_355, %swap3A_356], %mul3A_354 {strides = array<i32>} : memref<256x512xf32, #tpu.memory_space<vmem>>, vector<256x128xf32>,
    return
  }
  func.func @transform_0(%arg0: i32) -> (i32, i32, i32) {
    %c0_i32 = arith.constant 0 : i32
    %c0_i32_0 = arith.constant 0 : i32
    %c0_i32_1 = arith.constant 0 : i32
    return %c0_i32, %arg0, %c0_i32_0 : i32, i32, i32
  }
  func.func @transform_1(%arg0: i32) -> (i32, i32, i32, i32) {
    %c2_i32 = arith.constant 2 : i32
    %c0_i32 = arith.constant 0 : i32
    %c0_i32_0 = arith.constant 0 : i32
    %c0_i32_1 = arith.constant 0 : i32
    return %c2_i32, %arg0, %c0_i32, %c0_i32_0 : i32, i32, i32, i32
  }
  func.func @transform_2(%arg0: i32) -> (i32, i32, i32, i32) {
    %c3_i32 = arith.constant 3 : i32
    %c0_i32 = arith.constant 0 : i32
    %c0_i32_0 = arith.constant 0 : i32
    %c0_i32_1 = arith.constant 0 : i32
    return %c3_i32, %arg0, %c0_i32, %c0_i32_0 : i32, i32, i32, i32
  }
  func.func @transform_3(%arg0: i32) -> i32 {
    %c0_i32 = arith.constant 0 : i32
    %c0_i32_0 = arith.constant 0 : i32
    return %c0_i32 : i32
  }
  func.func @transform_4(%arg0: i32) -> (i32, i32) {
    %c0_i32 = arith.constant 0 : i32
    %c0_i32_0 = arith.constant 0 : i32
    return %arg0, %c0_i32 : i32, i32
  }
}

</mosaic_0001>

<sc_bundles>
// kernel: kernel.11.cloned.1.call-start
scs
__scs_entry_jumppad:
0x0: {  	(pc) =	sbr.rel $0x88, $3  }
0x1: {  	(tag) =	ssettag $0x0;
	lr =	simm.s32 $0x1  }
0x2: {  	[smem:$0x3F92] =	sst lr;
	_ =	strace $0xD0000000  }
0x3: {  	_ = 	snop  }
0x4: {  	_ = 	snop  }
0x5: {  	_ = 	snop  }
0x6: {  	_ = 	snop  }
0x7: {  	_ = 	snop  }
__scs_overlays_trampoline_lowered:
0x8: {  	[smem:$0x3FA1] =	sst s0  }
0x9: {  	[smem:$0x3FA2] =	sst s1  }
0xa: {  	[smem:$0x3FA3] =	sst s2  }
0xb: {  	[smem:$0x3FA4] =	sst s3  }
0xc: {  	[smem:$0x3FA5] =	sst s4  }
0xd: {  	[smem:$0x3FA6] =	sst s5  }
0xe: {  	[smem:$0x3FA7] =	sst s6  }
0xf: {  	[smem:$0x3FA8] =	sst s7  }
0x10: {  	[smem:$0x3FA9] =	sst s8  }
0x11: {  	[smem:$0x3FAA] =	sst s9;
	s0 =	simm.s32 @!p0 $0x0  }
0x12: {  	s1 =	sld [smem:$0x3F90];
	s0 =	simm.s32 @p0 $0x1  }
0x13: {  	[smem:$0x3FAB] =	sst s0;
	s0 =	simm.s32 @!p1 $0x0  }
0x14: {  	s2 =	sld [smem:$0x3F8F];
	s0 =	simm.s32 @p1 $0x1  }
0x15: {  	[smem:$0x3FAC] =	sst s0;
	s0 =	simm.s32 @!p2 $0x0  }
0x16: {  	s3 =	sld [smem:$0x3FDB];
	s0 =	simm.s32 @p2 $0x1  }
0x17: {  	s4 =	simm.s32 $0x1BF5;
	[smem:$0x3FAE] =	sst s0  }
0x18: {  	s0 =	sld [smem:$0x3F91];
	_ =	swait.ge [sflag:s4], $0x0  }
0x19: {  	s7 =	sld [smem:$0x3F92]  }
0x1a: {  	s8 =	sadd.s32 $0xFFFFE003, lr  }
0x1b: {  	s9 =	sadd.s32 $0xFFFFFEF7, lr;
	s5 =	simm.s32 $0xFFFFFFFF;
	p2 =	slt.u32 s8, $0xFFFFF086  }
0x1c: {  	p1 =	slt.u32 s9, $0xF7A;
	s5 =	simm.s32 @!p2 $0x0  }
0x1d: {  	s5 =	simm.s32 @p1 $0x1;
	p0 =	seq.s32 s7, s2  }
0x1e: {  	s7 =	smul.u32 @!p0 $0xF7A, s2;
	p2 =	seq.s32 @!p0 s5, $0x0  }
0x1f: {  	s9 =	smul.u32 $0xF7A, s1;
	s8 =	simm.s32 @!p0 $0x1BF5;
	p2 =	por !p2, p0  }
0x20: {  	[sflag:s8] =	ssyncset.s32 @!p0 $0xFFFFF086;
	s6 =	sadd.s32 @!p0 s3, s7;
	s7 =	simm.s32 @!p0 $0x108  }
0x21: {  	s3 =	sadd.s32 s3, s9;
	s6 =	sadd.s32 @!p0 $0x88, s6;
	s7 =	simm.s32 @p2 $0x1082  }
0x22: {  	[simem:s7], [sflag:s8] =	dma.local @!p0 [hbm:s6], $0xF7A  }
0x23: {  	s9 =	sor.u32 $0xD0000000, s2;
	s6 =	simm.s32 $0x108;
	_ =	swait.ge @!p0 [sflag:s8], $0x0  }
0x24: {  	s3 =	sadd.s32 $0x88, s3;
	s6 =	simm.s32 @!p1 $0x1082;
	[sflag:s4] =	ssyncset.s32 $0xFFFFF086  }
0x25: {  	[simem:s6], [sflag:s4] =	dma.local [hbm:s3], $0xF7A  }
0x26: {  	[smem:$0x3F92] =	sst s1;
	(tag) =	ssettag s2;
	_ =	strace s9  }
0x27: {  	s1 =	sld [smem:$0x3FA2]  }
0x28: {  	s2 =	sld [smem:$0x3FA3]  }
0x29: {  	s4 =	sld [smem:$0x3FA5]  }
0x2a: {  	p0 =	seq.s32 s5, $0x0;
	s5 =	sld [smem:$0x3FA6]  }
0x2b: {  	s6 =	sld [smem:$0x3FA7]  }
0x2c: {  	s7 =	sld [smem:$0x3FA8]  }
0x2d: {  	s3 =	simm.s32 $0x108;
	s8 =	sld [smem:$0x3FA9]  }
0x2e: {  	s3 =	simm.s32 @!p0 $0x1082;
	s9 =	sld [smem:$0x3FAA]  }
0x2f: {  	lr =	sadd.s32 s0, s3;
	s0 =	sld [smem:$0x3FA1]  }
0x30: {  	s3 =	sld [smem:$0x3FA4]  }
0x31: {  	[smem:$0x3FAD] =	sst s10  }
0x32: {  	s10 =	sld [smem:$0x3FAB];
	_ =	sdelay $0x3  }
0x33: {  	p0 =	seq.s32 s10, $0x1;
	s10 =	sld [smem:$0x3FAD];
	_ =	sdelay $0x3  }
0x34: {  	[smem:$0x3FAD] =	sst s10  }
0x35: {  	s10 =	sld [smem:$0x3FAC];
	_ =	sdelay $0x3  }
0x36: {  	p1 =	seq.s32 s10, $0x1;
	s10 =	sld [smem:$0x3FAD];
	_ =	sdelay $0x3  }
0x37: {  	[smem:$0x3FAD] =	sst s10  }
0x38: {  	s10 =	sld [smem:$0x3FAE]  }
0x39: {  	_ = 	snop;
	(pc) =	sbr.ind lr, $3  }
0x3a: {  	_ = 	snop  }
0x3b: {  	_ = 	snop  }
0x3c: {  	p2 =	seq.s32 s10, $0x1;
	s10 =	sld [smem:$0x3FAD]  }
0x3d: {  	_ =	shalt  }
0x3e: {  	_ =	shalt  }
0x3f: {  	_ =	shalt  }
0x40: {  	_ =	shalt  }
0x41: {  	_ =	shalt  }
0x42: {  	_ =	shalt  }
0x43: {  	_ =	shalt  }
0x44: {  	_ =	shalt  }
0x45: {  	_ =	shalt  }
0x46: {  	_ =	shalt  }
0x47: {  	_ =	shalt  }
0x48: {  	_ =	shalt  }
0x49: {  	_ =	shalt  }
0x4a: {  	_ =	shalt  }
0x4b: {  	_ =	shalt  }
0x4c: {  	_ =	shalt  }
0x4d: {  	_ =	shalt  }
0x4e: {  	_ =	shalt  }
0x4f: {  	_ =	shalt  }
0x50: {  	_ =	shalt  }
0x51: {  	_ =	shalt  }
0x52: {  	_ =	shalt  }
0x53: {  	_ =	shalt  }
0x54: {  	_ =	shalt  }
0x55: {  	_ =	shalt  }
0x56: {  	_ =	shalt  }
0x57: {  	_ =	shalt  }
0x58: {  	_ =	shalt  }
0x59: {  	_ =	shalt  }
0x5a: {  	_ =	shalt  }
0x5b: {  	_ =	shalt  }
0x5c: {  	_ =	shalt  }
0x5d: {  	_ =	shalt  }
0x5e: {  	_ =	shalt  }
0x5f: {  	_ =	shalt  }
0x60: {  	_ =	shalt  }
0x61: {  	_ =	shalt  }
0x62: {  	_ =	shalt  }
0x63: {  	_ =	shalt  }
0x64: {  	_ =	shalt  }
0x65: {  	_ =	shalt  }
0x66: {  	_ =	shalt  }
0x67: {  	_ =	shalt  }
0x68: {  	_ =	shalt  }
0x69: {  	_ =	shalt  }
0x6a: {  	_ =	shalt  }
0x6b: {  	_ =	shalt  }
0x6c: {  	_ =	shalt  }
0x6d: {  	_ =	shalt  }
0x6e: {  	_ =	shalt  }
0x6f: {  	_ =	shalt  }
0x70: {  	_ =	shalt  }
0x71: {  	_ =	shalt  }
0x72: {  	_ =	shalt  }
0x73: {  	_ =	shalt  }
0x74: {  	_ =	shalt  }
0x75: {  	_ =	shalt  }
0x76: {  	_ =	shalt  }
0x77: {  	_ =	shalt  }
0x78: {  	_ =	shalt  }
0x79: {  	_ =	shalt  }
0x7a: {  	_ =	shalt  }
0x7b: {  	_ =	shalt  }
0x7c: {  	_ =	shalt  }
0x7d: {  	_ =	shalt  }
0x7e: {  	_ =	shalt  }
0x7f: {  	_ =	shalt  }
0x80: {  	_ =	shalt  }
0x81: {  	_ =	shalt  }
0x82: {  	_ =	shalt  }
0x83: {  	_ =	shalt  }
0x84: {  	_ =	shalt  }
0x85: {  	_ =	shalt  }
0x86: {  	_ =	shalt  }
0x87: {  	_ =	shalt  }
.Lfunc_end0:
.L_simem_size_0:
called_computation.1_lowered:
.L_overlay_start_0:
0x88: {  	s2 =	sld [smem:$0x3FD9]  }
0x89: {  	s3 =	sld [smem:$0x3FFE];
	_ =	sdelay $0x1  }
0x8a: {  	s1 =	srdreg.scid  }
0x8b: {  	s0 =	sand.u32 $0x1, s1  }
0x8c: {  	s17 =	sshll.u32 s0, $0xA;
	s2 =	sadd.s32 s3, s2  }
0x8d: {  	s2 =	sadd.s32 s2, s17  }
0x8e: {  	[smem:$0x3FB9] =	sst s2  }
0x8f: {  	_ = 	snop  }
0x90: {  	s2 =	sld [smem:$0x3FD0];
	(tm) =	ssettm $0x1  }
0x91: {  	s18 =	sld [smem:$0x3FFB];
	_ =	sdelay $0x3  }
0x92: {  	_ =	strace s18  }
0x93: {  	s3 =	sld [smem:$0x3FFC];
	_ =	sdelay $0x3  }
0x94: {  	_ =	strace s3  }
0x95: {  	s3 =	sld [smem:$0x3FFD];
	_ =	sdelay $0x3  }
0x96: {  	_ =	strace s3  }
0x97: {  	_ =	strace $0x8FFFFFFF  }
0x98: {  	s19 =	sld [smem:$0x3FDB];
	_ =	sdelay $0x1  }
0x99: {  	s4 =	simm.s32 $_scs_section_size  }
0x9a: {  	s5 =	simm.s32 $_size__tile_overlayer_lowered;
	s6 =	simm.s32 $_tile_overlayer_lowered  }
0x9b: {  	s22 =	simm.s32 $0x1BFF;
	s21 =	sshll.u32 s6, $0x1;
	s3 =	sadd.s32 s4, s19  }
0x9c: {  	s7 =	simm.s32 $0x0;
	s20 =	sshll.u32 s5, $0x1;
	s5 =	sadd.s32 s21, s3  }
0x9d: {  	[timem:s7], [sflag:s22] =	dma.local [hbm:s5], s20  }
0x9e: {  	_ =	swait.ge [sflag:s22], s20  }
0x9f: {  	s4 =	ssub.s32 $0x0, s20;
	[sflag:s22] =	ssyncset.done $0x0  }
0xa0: {  	[sflag:s22] =	ssyncadd.s32 s4;
	_ =	sdelay $0x1  }
0xa1: {  	s23 =	simm.s32 $0x1B8B  }
0xa2: {  	_ =	swait.ge [sflag:s23], $0x1  }
0xa3: {  	[sflag:s23] =	ssyncset.done $0x0  }
0xa4: {  	s25 =	simm.s32 $0x1B8E;
	s24 =	sld [smem:$0x3FFE];
	[sflag:s23] =	ssyncadd.s32 $0xFFFFFFFF  }
0xa5: {  	s26 =	simm.s32 $execute0_lowered;
	[smem:$0x3FD2] =	sst s25  }
0xa6: {  	s5 =	sshll.u32 s26, $0x1;
	_ =	strace $0x80000049;
	[dreg:$0x1] =	wrdreg $0xFFFFFFFF  }
0xa7: {  	s28 =	simm.s32 $_size_execute0_lowered;
	s3 =	sadd.s32 s3, s5;
	[dreg:$0x0] =	wrdreg $0x0  }
0xa8: {  	s5 =	sshll.u32 s28, $0x1;
	[dreg:$0x2] =	wrdreg s3  }
0xa9: {  	[dreg:$0x3] =	wrdreg s5  }
0xaa: {  	[dreg:$0x4] =	wrdreg $0xC0  }
0xab: {  	_ =	task [dreg:s7], $0x5FFFF  }
0xac: {  	[dreg:$0x1] =	wrdreg $0xFFFFFFFF  }
0xad: {  	[dreg:$0x0] =	wrdreg $0x60  }
0xae: {  	[dreg:$0x2] =	wrdreg s24  }
0xaf: {  	[dreg:$0x3] =	wrdreg s2  }
0xb0: {  	[dreg:$0x4] =	wrdreg $0x14E000  }
0xb1: {  	[dreg:$0x5] =	wrdreg $0x9  }
0xb2: {  	_ =	task.clear_ibuf [dreg:s7], $0x6FFFF;
	_ =	strace $0x90000049  }
0xb3: {  	s29 =	simm.s32 $0x9;
	_ =	strace $0x8000004B  }
0xb4: {  	_ =	swait.ge [sflag:s29], $0x1  }
0xb5: {  	[sflag:s29] =	ssyncadd.s32 $0xFFFFFFFF  }
0xb6: {  	_ =	strace $0x9000004B  }
0xb7: {  	_ =	sfence  }
0xb8: {  	s30 =	sld [smem:$0x0];
	_ =	sdelay $0x2  }
0xb9: {  	s31 =	sshll.u32 s1, $0xD;
	s1 =	sshrl.u32 s1, $0x2  }
0xba: {  	s3 =	sand.u32 $0x4000, s31;
	s1 =	sadd.s32 s1, s30  }
0xbb: {  	s0 =	sor.u32 s3, s0;
	s1 =	sshll.u32 s1, $0x11  }
0xbc: {  	s0 =	sor.u32 s1, s0  }
0xbd: {  	s0 =	sadd.s32 $0x8F2B, s0  }
0xbe: {  	[sflag:s0] =	ssyncadd.remote.s32 $0x1  }
0xbf: {  	_ =	sfence.sel $0xFFFF  }
0xc0: {  	[dreg:$0x0] =	wrdreg $0xFFFFFFFF;
	(pc) =	sbr.abs _section_cstart, $3  }
0xc1: {  	[dreg:$0x1] =	wrdreg $0xFFFFFFFF  }
0xc2: {  	_ =	task.clear_ibuf [dreg:s7], $0x2FFFF;
	_ =	strace $0x9FFFFFFF  }
0xc3: {  	(tm) =	ssettm $0x7FFFFFFF  }
tec
execute0_lowered:
.L_overlay_start_1:
0x0: {  	(tag) =	ssettag $0x1  }
0x1: {  	s0 =	rddreg [dreg:$0x0]  }
0x2: {  	s3 =	rddreg [dreg:$0x1]  }
0x3: {  	s1 =	rddreg [dreg:$0x2]  }
0x4: {  	s2 =	simm.s32 $0x0;
	s5 =	srdreg.scid;
	s16 =	stileid.u32  }
0x5: {  	s18 =	simm.s32 $0x4D00;
	s19 =	simm.s32 $0x80;
	s20 =	simm.s32 $0xA500  }
0x6: {  	s21 =	simm.s32 $0xA600;
	s22 =	simm.s32 $0x1;
	s30 =	simm.s32 $0x0  }
0x7: {  	[smem:$0x7FF] =	sst s2;
	s4 =	sadd.s32 $0xA8200, s0;
	s6 =	smul.u32 $0x1250, s16  }
0x8: {  	s12 =	sadd.s32 $0x5C00, s0;
	s13 =	sadd.s32 $0x3600, s0;
	s7 =	smul.u32 $0x16000, s16  }
0x9: {  	s10 =	sand.u32 $0x1, s5;
	s5 =	sadd.s32 $0x328200, s0;
	s11 =	smul.u32 $0x14000, s16  }
0xa: {  	s14 =	sadd.s32 $0x1000, s0;
	_ =	strace $0x8000004A;
	s17 =	smul.u32 $0x2800, s10  }
0xb: {  	s23 =	ssub.s32 $0x2, s10;
	p0 =	seq.s32 s10, $0x1;
	s10 =	smul.u32 $0x3, s10  }
0xc: {  	s8 =	sshrl.u32 s23, $0x1;
	s9 =	smin.u32 s6, $0x112A8;
	s25 =	sshrl.u32 s7, $0x2  }
0xd: {  	s26 =	sshrl.u32 s11, $0x2;
	s12 =	smov.u32 @p0 s3;
	s13 =	smov.u32 @p0 s14  }
0xe: {  	s3 =	simm.s32 $0x0;
	s0 =	ssub.s32 s23, s8;
	s15 =	ssub.s32 s6, s9  }
0xf: {  	s6 =	smul.u32 $0xA0, s16;
	s24 =	sshrl.u32 s9, $0x3;
	s8 =	sadd.s32 s25, s1  }
0x10: {  	s9 =	sadd.s32 s26, s1;
	s17 =	sor.u32 $0x3C000, s17;
	s16 =	simm.s32 $0x2  }
0x11: {  	s23 =	simm.s32 $0x4B00;
	[dreg:$0x4] =	wrdreg s17;
	s0 =	smax.u32 s0, $0x1  }
0x12: {  	s29 =	sadd.s32 s12, s24;
	s7 =	sadd.s32 $0x50, s6;
	[dreg:$0x5] =	wrdreg s0  }
0x13: {  	v1 =	vimm.f32 $0.0e+00;
	v2 =	vimm.s32 $0x0;
	v3 =	vimm.s32 $0xA00;
	s31 =	sadd.s32 s13, s24;
	[dreg:$0x6] =	wrdreg s29;
	s28 =	sshll.u32 s7, $0x7  }
0x14: {  	v4 =	vlaneseq.u32;
	v5 =	vimm.f32 $1.000000000e+00;
	v0 =	vmov s15;
	s24 =	simm.s32 $0x12600;
	[dreg:$0x7] =	wrdreg s31;
	s11 =	sadd.s32 s28, s1  }
.LBB2_1:
0x15: {  	[dreg:$0x8] =	wrdreg s3  }
0x16: {  	s0 =	rddreg [dreg:$0x6]  }
0x17: {  	[tilespmem:s2], [sflag:$0x2] =	stream.linear.gather [hbm4b:s0+s2], $0x1250, $0x38;
	[tilespmem:$0x1A600] =	vst v63  }
0x18: {  	_ =	swait.ge [sflag:s16], $0x1250  }
0x19: {  	[sflag:s16] =	ssyncset.done $0x0  }
0x1a: {  	s31 =	simm.s32 $0x1280;
	s29 =	rddreg [dreg:$0x7];
	[sflag:s16] =	ssyncadd.s32 $0xFFFFEDB0  }
0x1b: {  	[tilespmem:s31], [sflag:$0x2] =	stream.linear.gather [hbm4b:s29+s2], $0x1250, $0x38;
	[tilespmem:$0x1A600] =	vst v63  }
0x1c: {  	_ =	swait.ge [sflag:s16], $0x1250  }
0x1d: {  	[sflag:s16] =	ssyncset.done $0x0  }
0x1e: {  	s3 =	simm.s32 $0x200;
	s0 =	simm.s32 $0x0;
	[sflag:s16] =	ssyncadd.s32 $0xFFFFEDB0  }
.LBB2_2:
0x1f: {  	p0 =	sne.s32 s3, $0x15E00;
	[tilespmem:s0+$0x4D70] =	vst v1  }
0x20: {  	[tilespmem:s0+$0x4D00] =	vst v1  }
0x21: {  	[tilespmem:s0+$0x4D10] =	vst v1  }
.Ltmp0:
0x22: {  	[tilespmem:s0+$0x4D20] =	vst v1;
	(pc) =	sbr.rel @p0 .LBB2_2-.Ltmp0, $4  }
0x23: {  	[tilespmem:s0+$0x4D30] =	vst v1  }
0x24: {  	[tilespmem:s0+$0x4D40] =	vst v1  }
0x25: {  	[tilespmem:s0+$0x4D50] =	vst v1  }
0x26: {  	[tilespmem:s0+$0x4D60] =	vst v1;
	s0 =	sshra.s32 s3, $0x2;
	s3 =	sadd.s32 $0x200, s3  }
0x27: {  	[tilespmem:s0+$0x4D70] =	vst v1  }
0x28: {  	[tilespmem:s0+$0x4D00] =	vst v1  }
0x29: {  	[tilespmem:s0+$0x4D10] =	vst v1  }
0x2a: {  	[tilespmem:s0+$0x4D20] =	vst v1  }
0x2b: {  	[tilespmem:s0+$0x4D30] =	vst v1  }
0x2c: {  	s12 =	simm.s32 $0x0;
	[tilespmem:s0+$0x4D40] =	vst v1  }
0x2d: {  	[tilespmem:s0+$0x4D50] =	vst v1;
	s3 =	sand.u32 $0xFFFFFF80, s12  }
0x2e: {  	[tilespmem:s0+$0x4D60] =	vst v1;
	s13 =	ssub.s32 $0x0, s3;
	s3 =	simm.s32 $0x0  }
0x2f: {  	v6 =	vld [tilespmem:s3+$0x0];
	_ =	sdelay $0x1  }
0x30: {  	s12 =	sand.u32 $0x3FFFFF80, s12;
	s13 =	sand.u32 $0xFFFFFF80, s13  }
0x31: {  	s14 =	sand.u32 $0x70, s3;
	s12 =	sadd.s32 s13, s12  }
0x32: {  	s0 =	simm.s32 $0x1;
	s13 =	sor.u32 s14, s12;
	s12 =	simm.s32 $0x10  }
.LBB2_4:
0x33: {  	s14 =	sshll.u32 s0, $0x4;
	p0 =	sne.s32 s0, $0x124;
	s0 =	sadd.s32 $0x1, s0;
	[tilespmem:s13+$0x2500] =	vst v6  }
.Ltmp1:
0x34: {  	s3 =	sadd.s32 $0x10, s3;
	s13 =	sand.u32 $0xFFFFFF80, s14;
	v6 =	vld [tilespmem:s12+$0x0];
	(pc) =	sbr.rel @p0 .LBB2_4-.Ltmp1, $4  }
0x35: {  	s13 =	ssub.s32 s3, s13  }
0x36: {  	s14 =	sand.u32 $0x3FFFFF80, s14;
	s13 =	sand.u32 $0xFFFFFF80, s13  }
0x37: {  	s15 =	sand.u32 $0x70, s3;
	s13 =	sadd.s32 s13, s14  }
0x38: {  	s12 =	sadd.s32 $0x10, s12;
	s13 =	sor.u32 s15, s13  }
0x39: {  	[tilespmem:s13+$0x2500] =	vst v6  }
0x3a: {  	[tilespmem:$0x3750] =	vst v2  }
0x3b: {  	[tilespmem:$0x4B50] =	vst v3  }
0x3c: {  	[tilespmem:$0x3760] =	vst v2  }
0x3d: {  	[tilespmem:$0x4B60] =	vst v3  }
0x3e: {  	[tilespmem:$0x3770] =	vst v2  }
0x3f: {  	s3 =	simm.s32 $0x0;
	[tilespmem:$0x4B70] =	vst v3  }
.LBB2_6:
0x40: {  	s0 =	simm.s32 $0x1280  }
0x41: {  	v8 =	vld [tilespmem:s0+$0x0];
	_ =	sdelay $0x1  }
0x42: {  	s29 =	smul.u32 $0xA00, s3  }
0x43: {  	s26 =	simm.s32 $0x0;
	s13 =	simm.s32 $0x0  }
0x44: {  	[dreg:$0x9] =	wrdreg s3;
	s12 =	sand.u32 $0xFFFFFF80, s26;
	v9 =	vor.u32 s13, v4;
	v6 =	vmov s29;
	s3 =	sadd.s32 $0xA00, s29  }
0x45: {  	s28 =	ssub.s32 $0x0, s12;
	vm0 =	vge.u32 v9, v0;
	v7 =	vmov s3;
	vm1 =	vge.s32 v8, v6  }
0x46: {  	s0 =	sand.u32 $0x3FFFFF80, s26;
	s3 =	sand.u32 $0xFFFFFF80, s28;
	vm15 =	vlt.s32 v8, v7;
	vm0 =	vmand vm0, vm1  }
0x47: {  	s31 =	sand.u32 $0x70, s13;
	s0 =	sadd.s32 s3, s0;
	v8 =	vsub.s32 v8, v6;
	vm0 =	vmand vm15, vm0  }
0x48: {  	s0 =	sor.u32 s31, s0;
	v8 =	vnsel vm0, $0xA00, v8  }
0x49: {  	[tilespmem:s0+$0x3900] =	vst v8;
	s0 =	simm.s32 $0x1290  }
0x4a: {  	s13 =	simm.s32 $0x2;
	s12 =	simm.s32 $0x0;
	s3 =	simm.s32 $0x1;
	v8 =	vld [tilespmem:s0+$0x0]  }
.LBB2_7:
0x4b: {  	p0 =	sne.s32 s13, $0x124;
	_ =	sdelay $0x1  }
0x4c: {  	s14 =	sshll.u32 s3, $0x4;
	s12 =	sadd.s32 $0x10, s12;
	s3 =	smov.u32 s13  }
0x4d: {  	s15 =	sand.u32 $0xFFFFFF80, s14;
	v9 =	vor.u32 s12, v4  }
0x4e: {  	s15 =	ssub.s32 s12, s15;
	vm0 =	vge.u32 v9, v0;
	vm1 =	vge.s32 v8, v6  }
.Ltmp2:
0x4f: {  	s14 =	sand.u32 $0x3FFFFF80, s14;
	s15 =	sand.u32 $0xFFFFFF80, s15;
	vm0 =	vmand vm0, vm1;
	vm1 =	vlt.s32 v8, v7;
	(pc) =	sbr.rel @p0 .LBB2_7-.Ltmp2, $4  }
0x50: {  	s17 =	sand.u32 $0x70, s12;
	s14 =	sadd.s32 s15, s14;
	v8 =	vsub.s32 v8, v6;
	vm0 =	vmand vm1, vm0  }
0x51: {  	s14 =	sor.u32 s17, s14;
	v8 =	vnsel vm0, $0xA00, v8  }
0x52: {  	s0 =	sadd.s32 $0x10, s0;
	[tilespmem:s14+$0x3900] =	vst v8  }
0x53: {  	s13 =	sadd.s32 $0x1, s13;
	v8 =	vld [tilespmem:s0+$0x0]  }
0x54: {  	_ =	sdelay $0x1  }
0x55: {  	s0 =	sshll.u32 s3, $0x4;
	s26 =	sadd.s32 $0x10, s12  }
0x56: {  	s28 =	sand.u32 $0xFFFFFF80, s0;
	v9 =	vor.u32 s26, v4  }
0x57: {  	s12 =	ssub.s32 s26, s28;
	vm0 =	vge.u32 v9, v0;
	vm1 =	vge.s32 v8, v6  }
0x58: {  	s0 =	sand.u32 $0x3FFFFF80, s0;
	s12 =	sand.u32 $0xFFFFFF80, s12;
	vm15 =	vlt.s32 v8, v7;
	vm0 =	vmand vm0, vm1  }
0x59: {  	s3 =	sand.u32 $0x70, s26;
	v6 =	vsub.s32 v8, v6;
	s0 =	sadd.s32 s12, s0;
	vm0 =	vmand vm15, vm0  }
0x5a: {  	s0 =	sor.u32 s3, s0;
	v6 =	vnsel vm0, $0xA00, v6  }
0x5b: {  	s31 =	simm.s32 $0x0;
	[tilespmem:s0+$0x3900] =	vst v6  }
.LBB2_9:
0x5c: {  	[spmem:s8] =	stream.linear.scatter [tilespmem:s18], [sflag:$0x2], $0x5800, $0x38;
	[tilespmem:$0x1A600] =	vst v63  }
0x5d: {  	_ =	swait.ge [sflag:s16], $0x5800  }
0x5e: {  	[sflag:s16] =	ssyncset.done $0x0  }
0x5f: {  	[sflag:s16] =	ssyncadd.s32 $0xFFFFA800  }
0x60: {  	[bflag:$0x0] =	sbarrier.arrive $0xFFFF  }
0x61: {  	v6 =	vld [tilespmem:$0x2500]  }
0x62: {  	v7 =	vld [tilespmem:$0x2510]  }
0x63: {  	s0 =	sshrl.u32 s31, $0x2;
	v8 =	vld [tilespmem:$0x2520]  }
0x64: {  	s12 =	smul.u32 $0xA000, s0;
	v9 =	vld [tilespmem:$0x2530]  }
0x65: {  	s3 =	sand.u32 $0x3, s31;
	v10 =	vld [tilespmem:$0x2540]  }
0x66: {  	s12 =	sor.u32 s3, s12;
	v11 =	vld [tilespmem:$0x2550];
	v6 =	vshll.u32 v6, $0x2  }
0x67: {  	v12 =	vld [tilespmem:$0x2560];
	v7 =	vshll.u32 v7, $0x2;
	v6 =	vadd.s32 s12, v6  }
0x68: {  	[tilespmem:$0xA500] =	vst v6;
	v6 =	vadd.s32 s12, v7;
	v7 =	vshll.u32 v8, $0x2;
	v8 =	vld [tilespmem:$0x2570]  }
0x69: {  	[tilespmem:$0xA510] =	vst v6;
	v6 =	vadd.s32 s12, v7;
	v7 =	vshll.u32 v9, $0x2  }
0x6a: {  	[tilespmem:$0xA520] =	vst v6;
	v6 =	vadd.s32 s12, v7;
	v7 =	vshll.u32 v10, $0x2  }
0x6b: {  	[tilespmem:$0xA530] =	vst v6;
	v6 =	vadd.s32 s12, v7;
	v7 =	vshll.u32 v11, $0x2  }
0x6c: {  	[tilespmem:$0xA540] =	vst v6;
	v6 =	vadd.s32 s12, v7;
	v7 =	vshll.u32 v12, $0x2  }
0x6d: {  	[tilespmem:$0xA550] =	vst v6;
	v6 =	vadd.s32 s12, v7;
	v7 =	vshll.u32 v8, $0x2  }
0x6e: {  	[tilespmem:$0xA560] =	vst v6;
	v6 =	vadd.s32 s12, v7  }
0x6f: {  	s13 =	simm.s32 $0x25F0;
	[tilespmem:$0xA570] =	vst v6  }
0x70: {  	[tilespmem:s21], [sflag:$0x1] =	stream.indirect.gather [hbm4b:s4+s19], $0x80, s20, s19, $0xb8;
	[tilespmem:$0x1A600] =	vst v63  }
0x71: {  	v7 =	vld [tilespmem:s13+$0xFFFFFF90];
	_ =	sdelay $0x3  }
0x72: {  	s17 =	simm.s32 $0x1  }
0x73: {  	s25 =	sand.u32 $0x1, s17;
	v6 =	vmov s12;
	v7 =	vshll.u32 v7, $0x2  }
0x74: {  	s14 =	sshll.u32 s25, $0x7;
	v7 =	vadd.s32 v6, v7  }
0x75: {  	[tilespmem:s14+$0xA500] =	vst v7  }
0x76: {  	v7 =	vld [tilespmem:s13+$0xFFFFFFA0];
	_ =	sdelay $0x4  }
0x77: {  	v7 =	vshll.u32 v7, $0x2  }
0x78: {  	v7 =	vadd.s32 v6, v7  }
0x79: {  	[tilespmem:s14+$0xA510] =	vst v7  }
0x7a: {  	v7 =	vld [tilespmem:s13+$0xFFFFFFB0];
	_ =	sdelay $0x4  }
0x7b: {  	v7 =	vshll.u32 v7, $0x2  }
0x7c: {  	v7 =	vadd.s32 v6, v7  }
0x7d: {  	[tilespmem:s14+$0xA520] =	vst v7  }
0x7e: {  	v7 =	vld [tilespmem:s13+$0xFFFFFFC0];
	_ =	sdelay $0x4  }
0x7f: {  	v7 =	vshll.u32 v7, $0x2  }
0x80: {  	v7 =	vadd.s32 v6, v7  }
0x81: {  	[tilespmem:s14+$0xA530] =	vst v7  }
0x82: {  	v7 =	vld [tilespmem:s13+$0xFFFFFFD0];
	_ =	sdelay $0x4  }
0x83: {  	v7 =	vshll.u32 v7, $0x2  }
0x84: {  	v7 =	vadd.s32 v6, v7  }
0x85: {  	[tilespmem:s14+$0xA540] =	vst v7  }
0x86: {  	v7 =	vld [tilespmem:s13+$0xFFFFFFE0];
	_ =	sdelay $0x4  }
0x87: {  	v7 =	vshll.u32 v7, $0x2  }
0x88: {  	v7 =	vadd.s32 v6, v7  }
0x89: {  	[tilespmem:s14+$0xA550] =	vst v7  }
0x8a: {  	v7 =	vld [tilespmem:s13+$0xFFFFFFF0];
	_ =	sdelay $0x4  }
0x8b: {  	v7 =	vshll.u32 v7, $0x2  }
0x8c: {  	v7 =	vadd.s32 v6, v7  }
0x8d: {  	[tilespmem:s14+$0xA560] =	vst v7  }
0x8e: {  	v7 =	vld [tilespmem:s13+$0x0];
	_ =	sdelay $0x4  }
0x8f: {  	v7 =	vshll.u32 v7, $0x2  }
0x90: {  	s12 =	sshll.u32 s25, $0xE;
	v7 =	vadd.s32 v6, v7  }
0x91: {  	s26 =	sor.u32 $0xA500, s14;
	s12 =	sor.u32 $0xA600, s12;
	[tilespmem:s14+$0xA570] =	vst v7  }
0x92: {  	[tilespmem:s12], [sflag:$0x1] =	stream.indirect.gather [hbm4b:s4+s19], $0x80, s26, s19, $0xb8;
	[tilespmem:$0x1A600] =	vst v63  }
0x93: {  	p0 =	por $0x1, $0x1;
	_ =	swait.ge [sflag:s22], $0x4000  }
.Ltmp3:
0x94: {  	s28 =	sand.u32 $0x4000, s30;
	[sflag:s22] =	ssyncset.done $0x0;
	(pc) =	sbr.rel @!p0 .LBB2_11-.Ltmp3, $4  }
0x95: {  	s13 =	simm.s32 $0x3900;
	s12 =	sor.u32 $0xA600, s28;
	[sflag:s22] =	ssyncadd.s32 $0xFFFFC000  }
0x96: {  	[spmem:s1] =	stream.indirect.scatter.add.f32 [tilespmem:s12], [sflag:$0x2], $0x80, s13, s19, $0xb8;
	[tilespmem:$0x1A600] =	vst v63  }
0x97: {  	_ =	swait.ge [sflag:s16], $0x4000  }
0x98: {  	s15 =	simm.s32 $0x2670;
	s14 =	simm.s32 $0x4000;
	[sflag:s16] =	ssyncset.done $0x0  }
.LBB2_10:
0x99: {  	[sflag:s16] =	ssyncadd.s32 $0xFFFFC000;
	s13 =	sadd.s32 $0x80, s13;
	s17 =	sadd.s32 $0x1, s17  }
0x9a: {  	p0 =	sne.s32 s14, $0x8C000;
	s25 =	smov.u32 s14;
	s14 =	sadd.s32 $0x4000, s14;
	v7 =	vld [tilespmem:s15+$0xFFFFFF90]  }
0x9b: {  	_ =	sdelay $0x3  }
0x9c: {  	s26 =	sand.u32 $0x1, s17;
	v7 =	vshll.u32 v7, $0x2  }
0x9d: {  	s12 =	sshll.u32 s26, $0x7;
	s26 =	sshll.u32 s26, $0xE;
	v7 =	vadd.s32 v6, v7  }
0x9e: {  	[tilespmem:s12+$0xA500] =	vst v7  }
0x9f: {  	v7 =	vld [tilespmem:s15+$0xFFFFFFA0];
	_ =	sdelay $0x4  }
0xa0: {  	v7 =	vshll.u32 v7, $0x2  }
0xa1: {  	v7 =	vadd.s32 v6, v7  }
0xa2: {  	[tilespmem:s12+$0xA510] =	vst v7  }
0xa3: {  	v7 =	vld [tilespmem:s15+$0xFFFFFFB0];
	_ =	sdelay $0x4  }
0xa4: {  	v7 =	vshll.u32 v7, $0x2  }
0xa5: {  	v7 =	vadd.s32 v6, v7  }
0xa6: {  	[tilespmem:s12+$0xA520] =	vst v7  }
0xa7: {  	v7 =	vld [tilespmem:s15+$0xFFFFFFC0];
	_ =	sdelay $0x4  }
0xa8: {  	v7 =	vshll.u32 v7, $0x2  }
0xa9: {  	v7 =	vadd.s32 v6, v7  }
0xaa: {  	[tilespmem:s12+$0xA530] =	vst v7  }
0xab: {  	v7 =	vld [tilespmem:s15+$0xFFFFFFD0];
	_ =	sdelay $0x4  }
0xac: {  	v7 =	vshll.u32 v7, $0x2  }
0xad: {  	v7 =	vadd.s32 v6, v7  }
0xae: {  	[tilespmem:s12+$0xA540] =	vst v7  }
0xaf: {  	v7 =	vld [tilespmem:s15+$0xFFFFFFE0];
	_ =	sdelay $0x4  }
0xb0: {  	v7 =	vshll.u32 v7, $0x2  }
0xb1: {  	v7 =	vadd.s32 v6, v7  }
0xb2: {  	[tilespmem:s12+$0xA550] =	vst v7  }
0xb3: {  	v7 =	vld [tilespmem:s15+$0xFFFFFFF0];
	_ =	sdelay $0x4  }
0xb4: {  	v7 =	vshll.u32 v7, $0x2  }
0xb5: {  	v7 =	vadd.s32 v6, v7  }
0xb6: {  	[tilespmem:s12+$0xA560] =	vst v7  }
0xb7: {  	v7 =	vld [tilespmem:s15+$0x0];
	_ =	sdelay $0x4  }
0xb8: {  	v7 =	vshll.u32 v7, $0x2  }
0xb9: {  	v7 =	vadd.s32 v6, v7  }
0xba: {  	s28 =	sor.u32 $0xA500, s12;
	[tilespmem:s12+$0xA570] =	vst v7;
	s12 =	sor.u32 $0xA600, s26  }
0xbb: {  	[tilespmem:s12], [sflag:$0x1] =	stream.indirect.gather [hbm4b:s4+s19], $0x80, s28, s19, $0xb8;
	[tilespmem:$0x1A600] =	vst v63  }
0xbc: {  	_ =	swait.ge [sflag:s22], $0x4000  }
.Ltmp4:
0xbd: {  	s12 =	sand.u32 $0x4000, s25;
	[sflag:s22] =	ssyncset.done $0x0;
	(pc) =	sbr.rel @p0 .LBB2_10-.Ltmp4, $4  }
0xbe: {  	s12 =	sor.u32 $0xA600, s12;
	[sflag:s22] =	ssyncadd.s32 $0xFFFFC000  }
0xbf: {  	[spmem:s1] =	stream.indirect.scatter.add.f32 [tilespmem:s12], [sflag:$0x2], $0x80, s13, s19, $0xb8;
	[tilespmem:$0x1A600] =	vst v63  }
0xc0: {  	_ =	swait.ge [sflag:s16], $0x4000  }
0xc1: {  	s15 =	sadd.s32 $0x80, s15;
	[sflag:s16] =	ssyncset.done $0x0  }
.LBB2_11:
0xc2: {  	[sflag:s16] =	ssyncadd.s32 $0xFFFFC000  }
0xc3: {  	_ =	swait.ge [sflag:s22], $0x4000  }
0xc4: {  	s0 =	sadd.s32 s10, s0;
	[sflag:s22] =	ssyncset.done $0x0  }
0xc5: {  	s0 =	sshll.u32 s0, $0x2;
	[sflag:s22] =	ssyncadd.s32 $0xFFFFC000  }
0xc6: {  	[spmem:s1] =	stream.indirect.scatter.add.f32 [tilespmem:s21], [sflag:$0x2], $0x80, s23, s19, $0xb8;
	[tilespmem:$0x1A600] =	vst v63  }
0xc7: {  	s0 =	sor.u32 s3, s0;
	_ =	swait.ge [sflag:s16], $0x4000  }
0xc8: {  	s0 =	smul.u32 $0x2800, s0;
	[sflag:s16] =	ssyncset.done $0x0  }
0xc9: {  	[sflag:s16] =	ssyncadd.s32 $0xFFFFC000  }
0xca: {  	s0 =	sadd.s32 s29, s0;
	[bflag:$0x0] =	sbarrier.arrive $0xFFFF  }
0xcb: {  	[tilespmem:s24], [sflag:$0x2] =	stream.linear.gather [spmem:s9], $0x2800, $0x38;
	[tilespmem:$0x1A600] =	vst v63  }
0xcc: {  	s28 =	sadd.s32 s6, s0;
	_ =	swait.ge [sflag:s16], $0x2800  }
0xcd: {  	s3 =	sshll.u32 s28, $0x4;
	[sflag:s16] =	ssyncset.done $0x0  }
0xce: {  	s3 =	sadd.s32 s5, s3;
	[sflag:s16] =	ssyncadd.s32 $0xFFFFD800  }
0xcf: {  	[hbm4b:s3+s2] =	stream.linear.scatter [tilespmem:s24], [sflag:$0x2], $0x2800, $0x38;
	[tilespmem:$0x1A600] =	vst v63  }
0xd0: {  	_ =	swait.ge [sflag:s16], $0x2800  }
0xd1: {  	[sflag:s16] =	ssyncset.done $0x0  }
0xd2: {  	[sflag:s16] =	ssyncadd.s32 $0xFFFFD800  }
0xd3: {  	[tilespmem:s24], [sflag:$0x2] =	stream.linear.gather [spmem:s11], $0x2800, $0x38;
	[tilespmem:$0x1A600] =	vst v63  }
0xd4: {  	s31 =	sadd.s32 $0x1, s31;
	s0 =	sadd.s32 s7, s0;
	_ =	swait.ge [sflag:s16], $0x2800  }
0xd5: {  	p0 =	sne.s32 s31, $0xC;
	s0 =	sshll.u32 s0, $0x4;
	[sflag:s16] =	ssyncset.done $0x0  }
.Ltmp5:
0xd6: {  	s0 =	sadd.s32 s5, s0;
	[sflag:s16] =	ssyncadd.s32 $0xFFFFD800;
	(pc) =	sbr.rel @p0 .LBB2_9-.Ltmp5, $4  }
0xd7: {  	[hbm4b:s0+s2] =	stream.linear.scatter [tilespmem:s24], [sflag:$0x2], $0x2800, $0x38;
	[tilespmem:$0x1A600] =	vst v63  }
0xd8: {  	_ =	swait.ge [sflag:s16], $0x2800  }
0xd9: {  	[sflag:s16] =	ssyncset.done $0x0  }
0xda: {  	[sflag:s16] =	ssyncadd.s32 $0xFFFFD800  }
0xdb: {  	[spmem:s8] =	stream.linear.scatter [tilespmem:s18], [sflag:$0x2], $0x5800, $0x38;
	[tilespmem:$0x1A600] =	vst v63  }
0xdc: {  	_ =	swait.ge [sflag:s16], $0x5800  }
0xdd: {  	[sflag:s16] =	ssyncset.done $0x0  }
0xde: {  	[sflag:s16] =	ssyncadd.s32 $0xFFFFA800  }
0xdf: {  	s0 =	simm.s32 $0x0;
	s3 =	simm.s32 $0x200;
	[bflag:$0x0] =	sbarrier.arrive $0xFFFF  }
.LBB2_13:
0xe0: {  	p0 =	sne.s32 s3, $0xFE00;
	[tilespmem:s0+$0xA670] =	vst v5  }
0xe1: {  	[tilespmem:s0+$0xA600] =	vst v5  }
0xe2: {  	[tilespmem:s0+$0xA610] =	vst v5  }
.Ltmp6:
0xe3: {  	[tilespmem:s0+$0xA620] =	vst v5;
	(pc) =	sbr.rel @p0 .LBB2_13-.Ltmp6, $4  }
0xe4: {  	[tilespmem:s0+$0xA630] =	vst v5  }
0xe5: {  	[tilespmem:s0+$0xA640] =	vst v5  }
0xe6: {  	[tilespmem:s0+$0xA650] =	vst v5  }
0xe7: {  	[tilespmem:s0+$0xA660] =	vst v5;
	s0 =	sshra.s32 s3, $0x2;
	s3 =	sadd.s32 $0x200, s3  }
0xe8: {  	[tilespmem:s0+$0xA670] =	vst v5  }
0xe9: {  	[tilespmem:s0+$0xA600] =	vst v5  }
0xea: {  	[tilespmem:s0+$0xA610] =	vst v5  }
0xeb: {  	[tilespmem:s0+$0xA620] =	vst v5  }
0xec: {  	[tilespmem:s0+$0xA630] =	vst v5  }
0xed: {  	[tilespmem:s0+$0xA640] =	vst v5  }
0xee: {  	[tilespmem:s0+$0xA650] =	vst v5  }
0xef: {  	[tilespmem:s0+$0xA660] =	vst v5;
	s31 =	simm.s32 $0x3900  }
0xf0: {  	[spmem:s1] =	stream.indirect.scatter.add.f32 [tilespmem:s21], [sflag:$0x2], $0x80, s31, s19, $0xb8;
	[tilespmem:$0x1A600] =	vst v63  }
0xf1: {  	s0 =	simm.s32 $0x200;
	_ =	swait.ge [sflag:s16], $0x4000  }
.LBB2_15:
0xf2: {  	s3 =	sshra.s32 s0, $0x2;
	[sflag:s16] =	ssyncset.done $0x0;
	p0 =	sne.s32 s0, $0x4800  }
.Ltmp7:
0xf3: {  	s3 =	sadd.s32 $0x3900, s3;
	[sflag:s16] =	ssyncadd.s32 $0xFFFFC000;
	(pc) =	sbr.rel @p0 .LBB2_15-.Ltmp7, $3  }
0xf4: {  	[spmem:s1] =	stream.indirect.scatter.add.f32 [tilespmem:s21], [sflag:$0x2], $0x80, s3, s19, $0xb8;
	[tilespmem:$0x1A600] =	vst v63  }
0xf5: {  	s0 =	sadd.s32 $0x200, s0;
	_ =	sdelay $0x1  }
0xf6: {  	_ =	swait.ge [sflag:s16], $0x4000  }
0xf7: {  	[sflag:s16] =	ssyncset.done $0x0  }
0xf8: {  	[sflag:s16] =	ssyncadd.s32 $0xFFFFC000  }
0xf9: {  	[bflag:$0x0] =	sbarrier.arrive $0xFFFF  }
0xfa: {  	[tilespmem:s24], [sflag:$0x2] =	stream.linear.gather [spmem:s9], $0x2800, $0x38;
	[tilespmem:$0x1A600] =	vst v63  }
0xfb: {  	s0 =	rddreg [dreg:$0x4]  }
0xfc: {  	s0 =	sadd.s32 s29, s0  }
0xfd: {  	_ =	swait.ge [sflag:s16], $0x2800;
	s3 =	sadd.s32 s6, s0  }
0xfe: {  	[sflag:s16] =	ssyncset.done $0x0;
	s3 =	sshll.u32 s3, $0x4  }
0xff: {  	[sflag:s16] =	ssyncadd.s32 $0xFFFFD800;
	s3 =	sadd.s32 s5, s3  }
0x100: {  	[hbm4b:s3+s2] =	stream.linear.scatter [tilespmem:s24], [sflag:$0x2], $0x2800, $0x38;
	[tilespmem:$0x1A600] =	vst v63  }
0x101: {  	_ =	swait.ge [sflag:s16], $0x2800  }
0x102: {  	[sflag:s16] =	ssyncset.done $0x0  }
0x103: {  	[sflag:s16] =	ssyncadd.s32 $0xFFFFD800  }
0x104: {  	[tilespmem:s24], [sflag:$0x2] =	stream.linear.gather [spmem:s11], $0x2800, $0x38;
	[tilespmem:$0x1A600] =	vst v63  }
0x105: {  	s0 =	sadd.s32 s7, s0;
	_ =	swait.ge [sflag:s16], $0x2800  }
0x106: {  	s0 =	sshll.u32 s0, $0x4;
	[sflag:s16] =	ssyncset.done $0x0  }
0x107: {  	s0 =	sadd.s32 s5, s0;
	[sflag:s16] =	ssyncadd.s32 $0xFFFFD800  }
0x108: {  	[hbm4b:s0+s2] =	stream.linear.scatter [tilespmem:s24], [sflag:$0x2], $0x2800, $0x38;
	[tilespmem:$0x1A600] =	vst v63  }
0x109: {  	_ =	swait.ge [sflag:s16], $0x2800  }
0x10a: {  	s31 =	rddreg [dreg:$0x9]  }
0x10b: {  	s3 =	sadd.s32 $0x1, s31  }
0x10c: {  	p0 =	sne.s32 s3, $0x4  }
.Ltmp8:
0x10d: {  	_ = 	snop;
	(pc) =	sbr.rel @p0 .LBB2_6-.Ltmp8, $3  }
0x10e: {  	_ =	sdelay $0x1  }
0x10f: {  	[sflag:s16] =	ssyncset.done $0x0  }
0x110: {  	[sflag:s16] =	ssyncadd.s32 $0xFFFFD800  }
0x111: {  	s3 =	rddreg [dreg:$0x8]  }
0x112: {  	s0 =	rddreg [dreg:$0x5];
	s3 =	sadd.s32 $0x1, s3  }
0x113: {  	p0 =	sne.s32 s3, s0  }
.Ltmp9:
0x114: {  	_ = 	snop;
	(pc) =	sbr.rel @p0 .LBB2_1-.Ltmp9, $1  }
0x115: {  	_ =	sdelay $0x3  }
0x116: {  	_ =	sfence.sel $0x180000  }
0x117: {  	[bflag:$0x0] =	sbarrier.arrive $0xFFFF  }
0x118: {  	_ =	strace $0x9000004A  }
0x119: {  	s0 =	stileid.u32;
	[bflag:$0x2] =	sbarrier.arrive $0xFFFF  }
0x11a: {  	p0 =	sne.s32 s0, $0x0;
	s0 =	rddreg [dreg:$0x3]  }
0x11b: {  	s0 =	sadd.s32 @!p0 $0x100000, s0  }
0x11c: {  	[sflag:s0] =	ssyncadd.tile.s32 @!p0 $0x1;
	_ =	shalt  }
.Lfunc_end2:
_tile_overlayer_lowered:
.L_overlay_start_2:
0x11d: {  	(tag) =	ssettag $0x2  }
0x11e: {  	s0 =	rddreg [dreg:$0x0];
	s2 =	stileid.u32  }
0x11f: {  	s1 =	rddreg [dreg:$0x1];
	p0 =	sne.s32 s2, $0x0  }
0x120: {  	s3 =	rddreg [dreg:$0x2];
	[bflag:$0x3] =	sbarrier.arrive $0xFFFF;
	s2 =	simm.s32 @!p0 $0x1C02  }
0x121: {  	[timem:s3], [sflag:s2] =	dma.local @!p0 [hbm:s0], s1  }
0x122: {  	s0 =	simm.s32 @!p0 $0x2  }
0x123: {  	_ =	swait.ge @!p0 [sflag:s0], s1  }
0x124: {  	s1 =	ssub.s32 @!p0 $0x0, s1;
	[sflag:s0] =	ssyncset.done @!p0 $0x0  }
0x125: {  	[sflag:s0] =	ssyncadd.s32 @!p0 s1  }
0x126: {  	[bflag:$0x3] =	sbarrier.arrive $0xFFFF  }
0x127: {  	_ =	shalt  }

// kernel: kernel.8.cloned.1.call-start
scs
__scs_entry_jumppad:
0x0: {  	(pc) =	sbr.rel $0x88, $3  }
0x1: {  	(tag) =	ssettag $0x0;
	lr =	simm.s32 $0x1  }
0x2: {  	[smem:$0x3F92] =	sst lr;
	_ =	strace $0xD0000000  }
0x3: {  	_ = 	snop  }
0x4: {  	_ = 	snop  }
0x5: {  	_ = 	snop  }
0x6: {  	_ = 	snop  }
0x7: {  	_ = 	snop  }
__scs_overlays_trampoline_lowered:
0x8: {  	[smem:$0x3FA1] =	sst s0  }
0x9: {  	[smem:$0x3FA2] =	sst s1  }
0xa: {  	[smem:$0x3FA3] =	sst s2  }
0xb: {  	[smem:$0x3FA4] =	sst s3  }
0xc: {  	[smem:$0x3FA5] =	sst s4  }
0xd: {  	[smem:$0x3FA6] =	sst s5  }
0xe: {  	[smem:$0x3FA7] =	sst s6  }
0xf: {  	[smem:$0x3FA8] =	sst s7  }
0x10: {  	[smem:$0x3FA9] =	sst s8  }
0x11: {  	[smem:$0x3FAA] =	sst s9;
	s0 =	simm.s32 @!p0 $0x0  }
0x12: {  	s1 =	sld [smem:$0x3F90];
	s0 =	simm.s32 @p0 $0x1  }
0x13: {  	[smem:$0x3FAB] =	sst s0;
	s0 =	simm.s32 @!p1 $0x0  }
0x14: {  	s2 =	sld [smem:$0x3F8F];
	s0 =	simm.s32 @p1 $0x1  }
0x15: {  	[smem:$0x3FAC] =	sst s0;
	s0 =	simm.s32 @!p2 $0x0  }
0x16: {  	s3 =	sld [smem:$0x3FDB];
	s0 =	simm.s32 @p2 $0x1  }
0x17: {  	s4 =	simm.s32 $0x1BF5;
	[smem:$0x3FAE] =	sst s0  }
0x18: {  	s0 =	sld [smem:$0x3F91];
	_ =	swait.ge [sflag:s4], $0x0  }
0x19: {  	s7 =	sld [smem:$0x3F92]  }
0x1a: {  	s8 =	sadd.s32 $0xFFFFE003, lr  }
0x1b: {  	s9 =	sadd.s32 $0xFFFFFEF7, lr;
	s5 =	simm.s32 $0xFFFFFFFF;
	p2 =	slt.u32 s8, $0xFFFFF086  }
0x1c: {  	p1 =	slt.u32 s9, $0xF7A;
	s5 =	simm.s32 @!p2 $0x0  }
0x1d: {  	s5 =	simm.s32 @p1 $0x1;
	p0 =	seq.s32 s7, s2  }
0x1e: {  	s7 =	smul.u32 @!p0 $0xF7A, s2;
	p2 =	seq.s32 @!p0 s5, $0x0  }
0x1f: {  	s9 =	smul.u32 $0xF7A, s1;
	s8 =	simm.s32 @!p0 $0x1BF5;
	p2 =	por !p2, p0  }
0x20: {  	[sflag:s8] =	ssyncset.s32 @!p0 $0xFFFFF086;
	s6 =	sadd.s32 @!p0 s3, s7;
	s7 =	simm.s32 @!p0 $0x108  }
0x21: {  	s3 =	sadd.s32 s3, s9;
	s6 =	sadd.s32 @!p0 $0x88, s6;
	s7 =	simm.s32 @p2 $0x1082  }
0x22: {  	[simem:s7], [sflag:s8] =	dma.local @!p0 [hbm:s6], $0xF7A  }
0x23: {  	s9 =	sor.u32 $0xD0000000, s2;
	s6 =	simm.s32 $0x108;
	_ =	swait.ge @!p0 [sflag:s8], $0x0  }
0x24: {  	s3 =	sadd.s32 $0x88, s3;
	s6 =	simm.s32 @!p1 $0x1082;
	[sflag:s4] =	ssyncset.s32 $0xFFFFF086  }
0x25: {  	[simem:s6], [sflag:s4] =	dma.local [hbm:s3], $0xF7A  }
0x26: {  	[smem:$0x3F92] =	sst s1;
	(tag) =	ssettag s2;
	_ =	strace s9  }
0x27: {  	s1 =	sld [smem:$0x3FA2]  }
0x28: {  	s2 =	sld [smem:$0x3FA3]  }
0x29: {  	s4 =	sld [smem:$0x3FA5]  }
0x2a: {  	p0 =	seq.s32 s5, $0x0;
	s5 =	sld [smem:$0x3FA6]  }
0x2b: {  	s6 =	sld [smem:$0x3FA7]  }
0x2c: {  	s7 =	sld [smem:$0x3FA8]  }
0x2d: {  	s3 =	simm.s32 $0x108;
	s8 =	sld [smem:$0x3FA9]  }
0x2e: {  	s3 =	simm.s32 @!p0 $0x1082;
	s9 =	sld [smem:$0x3FAA]  }
0x2f: {  	lr =	sadd.s32 s0, s3;
	s0 =	sld [smem:$0x3FA1]  }
0x30: {  	s3 =	sld [smem:$0x3FA4]  }
0x31: {  	[smem:$0x3FAD] =	sst s10  }
0x32: {  	s10 =	sld [smem:$0x3FAB];
	_ =	sdelay $0x3  }
0x33: {  	p0 =	seq.s32 s10, $0x1;
	s10 =	sld [smem:$0x3FAD];
	_ =	sdelay $0x3  }
0x34: {  	[smem:$0x3FAD] =	sst s10  }
0x35: {  	s10 =	sld [smem:$0x3FAC];
	_ =	sdelay $0x3  }
0x36: {  	p1 =	seq.s32 s10, $0x1;
	s10 =	sld [smem:$0x3FAD];
	_ =	sdelay $0x3  }
0x37: {  	[smem:$0x3FAD] =	sst s10  }
0x38: {  	s10 =	sld [smem:$0x3FAE]  }
0x39: {  	_ = 	snop;
	(pc) =	sbr.ind lr, $3  }
0x3a: {  	_ = 	snop  }
0x3b: {  	_ = 	snop  }
0x3c: {  	p2 =	seq.s32 s10, $0x1;
	s10 =	sld [smem:$0x3FAD]  }
0x3d: {  	_ =	shalt  }
0x3e: {  	_ =	shalt  }
0x3f: {  	_ =	shalt  }
0x40: {  	_ =	shalt  }
0x41: {  	_ =	shalt  }
0x42: {  	_ =	shalt  }
0x43: {  	_ =	shalt  }
0x44: {  	_ =	shalt  }
0x45: {  	_ =	shalt  }
0x46: {  	_ =	shalt  }
0x47: {  	_ =	shalt  }
0x48: {  	_ =	shalt  }
0x49: {  	_ =	shalt  }
0x4a: {  	_ =	shalt  }
0x4b: {  	_ =	shalt  }
0x4c: {  	_ =	shalt  }
0x4d: {  	_ =	shalt  }
0x4e: {  	_ =	shalt  }
0x4f: {  	_ =	shalt  }
0x50: {  	_ =	shalt  }
0x51: {  	_ =	shalt  }
0x52: {  	_ =	shalt  }
0x53: {  	_ =	shalt  }
0x54: {  	_ =	shalt  }
0x55: {  	_ =	shalt  }
0x56: {  	_ =	shalt  }
0x57: {  	_ =	shalt  }
0x58: {  	_ =	shalt  }
0x59: {  	_ =	shalt  }
0x5a: {  	_ =	shalt  }
0x5b: {  	_ =	shalt  }
0x5c: {  	_ =	shalt  }
0x5d: {  	_ =	shalt  }
0x5e: {  	_ =	shalt  }
0x5f: {  	_ =	shalt  }
0x60: {  	_ =	shalt  }
0x61: {  	_ =	shalt  }
0x62: {  	_ =	shalt  }
0x63: {  	_ =	shalt  }
0x64: {  	_ =	shalt  }
0x65: {  	_ =	shalt  }
0x66: {  	_ =	shalt  }
0x67: {  	_ =	shalt  }
0x68: {  	_ =	shalt  }
0x69: {  	_ =	shalt  }
0x6a: {  	_ =	shalt  }
0x6b: {  	_ =	shalt  }
0x6c: {  	_ =	shalt  }
0x6d: {  	_ =	shalt  }
0x6e: {  	_ =	shalt  }
0x6f: {  	_ =	shalt  }
0x70: {  	_ =	shalt  }
0x71: {  	_ =	shalt  }
0x72: {  	_ =	shalt  }
0x73: {  	_ =	shalt  }
0x74: {  	_ =	shalt  }
0x75: {  	_ =	shalt  }
0x76: {  	_ =	shalt  }
0x77: {  	_ =	shalt  }
0x78: {  	_ =	shalt  }
0x79: {  	_ =	shalt  }
0x7a: {  	_ =	shalt  }
0x7b: {  	_ =	shalt  }
0x7c: {  	_ =	shalt  }
0x7d: {  	_ =	shalt  }
0x7e: {  	_ =	shalt  }
0x7f: {  	_ =	shalt  }
0x80: {  	_ =	shalt  }
0x81: {  	_ =	shalt  }
0x82: {  	_ =	shalt  }
0x83: {  	_ =	shalt  }
0x84: {  	_ =	shalt  }
0x85: {  	_ =	shalt  }
0x86: {  	_ =	shalt  }
0x87: {  	_ =	shalt  }
.Lfunc_end0:
.L_simem_size_0:
called_computation_lowered:
.L_overlay_start_0:
0x88: {  	s2 =	sld [smem:$0x3FD9]  }
0x89: {  	s3 =	sld [smem:$0x3FFE];
	_ =	sdelay $0x1  }
0x8a: {  	s1 =	srdreg.scid  }
0x8b: {  	s0 =	sand.u32 $0x1, s1  }
0x8c: {  	s17 =	sshll.u32 s0, $0xA;
	s2 =	sadd.s32 s3, s2  }
0x8d: {  	s2 =	sadd.s32 s2, s17  }
0x8e: {  	[smem:$0x3FB9] =	sst s2  }
0x8f: {  	_ = 	snop  }
0x90: {  	s2 =	sld [smem:$0x3FD0];
	(tm) =	ssettm $0x1  }
0x91: {  	s18 =	sld [smem:$0x3FFB];
	_ =	sdelay $0x3  }
0x92: {  	_ =	strace s18  }
0x93: {  	s3 =	sld [smem:$0x3FFC];
	_ =	sdelay $0x3  }
0x94: {  	_ =	strace s3  }
0x95: {  	s3 =	sld [smem:$0x3FFD];
	_ =	sdelay $0x3  }
0x96: {  	_ =	strace s3  }
0x97: {  	_ =	strace $0x8FFFFFFF  }
0x98: {  	s19 =	sld [smem:$0x3FDB];
	_ =	sdelay $0x1  }
0x99: {  	s4 =	simm.s32 $_scs_section_size  }
0x9a: {  	s5 =	simm.s32 $_size__tile_overlayer_lowered;
	s6 =	simm.s32 $_tile_overlayer_lowered  }
0x9b: {  	s22 =	simm.s32 $0x1BFF;
	s21 =	sshll.u32 s6, $0x1;
	s3 =	sadd.s32 s4, s19  }
0x9c: {  	s7 =	simm.s32 $0x0;
	s20 =	sshll.u32 s5, $0x1;
	s5 =	sadd.s32 s21, s3  }
0x9d: {  	[timem:s7], [sflag:s22] =	dma.local [hbm:s5], s20  }
0x9e: {  	_ =	swait.ge [sflag:s22], s20  }
0x9f: {  	s4 =	ssub.s32 $0x0, s20;
	[sflag:s22] =	ssyncset.done $0x0  }
0xa0: {  	[sflag:s22] =	ssyncadd.s32 s4;
	_ =	sdelay $0x1  }
0xa1: {  	s23 =	simm.s32 $0x1B8B  }
0xa2: {  	_ =	swait.ge [sflag:s23], $0x1  }
0xa3: {  	[sflag:s23] =	ssyncset.done $0x0  }
0xa4: {  	s25 =	simm.s32 $0x1B8E;
	s24 =	sld [smem:$0x3FFE];
	[sflag:s23] =	ssyncadd.s32 $0xFFFFFFFF  }
0xa5: {  	s26 =	simm.s32 $execute0_lowered;
	[smem:$0x3FD2] =	sst s25  }
0xa6: {  	s5 =	sshll.u32 s26, $0x1;
	_ =	strace $0x80000046;
	[dreg:$0x1] =	wrdreg $0xFFFFFFFF  }
0xa7: {  	s28 =	simm.s32 $_size_execute0_lowered;
	s3 =	sadd.s32 s3, s5;
	[dreg:$0x0] =	wrdreg $0x0  }
0xa8: {  	s5 =	sshll.u32 s28, $0x1;
	[dreg:$0x2] =	wrdreg s3  }
0xa9: {  	[dreg:$0x3] =	wrdreg s5  }
0xaa: {  	[dreg:$0x4] =	wrdreg $0xC0  }
0xab: {  	_ =	task [dreg:s7], $0x5FFFF  }
0xac: {  	[dreg:$0x1] =	wrdreg $0xFFFFFFFF  }
0xad: {  	[dreg:$0x0] =	wrdreg $0x60  }
0xae: {  	[dreg:$0x2] =	wrdreg s24  }
0xaf: {  	[dreg:$0x3] =	wrdreg s2  }
0xb0: {  	[dreg:$0x4] =	wrdreg $0x14E000  }
0xb1: {  	[dreg:$0x5] =	wrdreg $0x9  }
0xb2: {  	_ =	task.clear_ibuf [dreg:s7], $0x6FFFF;
	_ =	strace $0x90000046  }
0xb3: {  	s29 =	simm.s32 $0x9;
	_ =	strace $0x80000048  }
0xb4: {  	_ =	swait.ge [sflag:s29], $0x1  }
0xb5: {  	[sflag:s29] =	ssyncadd.s32 $0xFFFFFFFF  }
0xb6: {  	_ =	strace $0x90000048  }
0xb7: {  	_ =	sfence  }
0xb8: {  	s30 =	sld [smem:$0x0];
	_ =	sdelay $0x2  }
0xb9: {  	s31 =	sshll.u32 s1, $0xD;
	s1 =	sshrl.u32 s1, $0x2  }
0xba: {  	s3 =	sand.u32 $0x4000, s31;
	s1 =	sadd.s32 s1, s30  }
0xbb: {  	s0 =	sor.u32 s3, s0;
	s1 =	sshll.u32 s1, $0x11  }
0xbc: {  	s0 =	sor.u32 s1, s0  }
0xbd: {  	s0 =	sadd.s32 $0x8F2B, s0  }
0xbe: {  	[sflag:s0] =	ssyncadd.remote.s32 $0x1  }
0xbf: {  	_ =	sfence.sel $0xFFFF  }
0xc0: {  	[dreg:$0x0] =	wrdreg $0xFFFFFFFF;
	(pc) =	sbr.abs _section_cstart, $3  }
0xc1: {  	[dreg:$0x1] =	wrdreg $0xFFFFFFFF  }
0xc2: {  	_ =	task.clear_ibuf [dreg:s7], $0x2FFFF;
	_ =	strace $0x9FFFFFFF  }
0xc3: {  	(tm) =	ssettm $0x7FFFFFFF  }
tec
execute0_lowered:
.L_overlay_start_1:
0x0: {  	(tag) =	ssettag $0x1  }
0x1: {  	s0 =	rddreg [dreg:$0x0]  }
0x2: {  	s3 =	rddreg [dreg:$0x1]  }
0x3: {  	s1 =	rddreg [dreg:$0x2]  }
0x4: {  	s2 =	simm.s32 $0x0;
	s5 =	srdreg.scid;
	s16 =	stileid.u32  }
0x5: {  	s18 =	simm.s32 $0x4D00;
	s19 =	simm.s32 $0x80;
	s20 =	simm.s32 $0xA500  }
0x6: {  	s21 =	simm.s32 $0xA600;
	s22 =	simm.s32 $0x1;
	s30 =	simm.s32 $0x0  }
0x7: {  	[smem:$0x7FF] =	sst s2;
	s4 =	sadd.s32 $0x8200, s0;
	s6 =	smul.u32 $0x1250, s16  }
0x8: {  	s12 =	sadd.s32 $0x3600, s0;
	s13 =	sadd.s32 $0x5C00, s0;
	s7 =	smul.u32 $0x16000, s16  }
0x9: {  	s10 =	sand.u32 $0x1, s5;
	s5 =	sadd.s32 $0x288200, s0;
	s11 =	smul.u32 $0x14000, s16  }
0xa: {  	s14 =	sadd.s32 $0x1000, s0;
	_ =	strace $0x80000047;
	s17 =	smul.u32 $0x2800, s10  }
0xb: {  	s23 =	ssub.s32 $0x2, s10;
	p0 =	seq.s32 s10, $0x1;
	s10 =	smul.u32 $0x3, s10  }
0xc: {  	s8 =	sshrl.u32 s23, $0x1;
	s9 =	smin.u32 s6, $0x112A8;
	s25 =	sshrl.u32 s7, $0x2  }
0xd: {  	s26 =	sshrl.u32 s11, $0x2;
	s12 =	smov.u32 @p0 s14;
	s13 =	smov.u32 @p0 s3  }
0xe: {  	s3 =	simm.s32 $0x0;
	s0 =	ssub.s32 s23, s8;
	s15 =	ssub.s32 s6, s9  }
0xf: {  	s6 =	smul.u32 $0xA0, s16;
	s24 =	sshrl.u32 s9, $0x3;
	s8 =	sadd.s32 s25, s1  }
0x10: {  	s9 =	sadd.s32 s26, s1;
	s17 =	sor.u32 $0x3C000, s17;
	s16 =	simm.s32 $0x2  }
0x11: {  	s23 =	simm.s32 $0x4B00;
	[dreg:$0x4] =	wrdreg s17;
	s0 =	smax.u32 s0, $0x1  }
0x12: {  	s29 =	sadd.s32 s12, s24;
	s7 =	sadd.s32 $0x50, s6;
	[dreg:$0x5] =	wrdreg s0  }
0x13: {  	v1 =	vimm.f32 $0.0e+00;
	v2 =	vimm.s32 $0x0;
	v3 =	vimm.s32 $0xA00;
	s31 =	sadd.s32 s13, s24;
	[dreg:$0x6] =	wrdreg s29;
	s28 =	sshll.u32 s7, $0x7  }
0x14: {  	v4 =	vlaneseq.u32;
	v5 =	vimm.f32 $1.000000000e+00;
	v0 =	vmov s15;
	s24 =	simm.s32 $0x12600;
	[dreg:$0x7] =	wrdreg s31;
	s11 =	sadd.s32 s28, s1  }
.LBB2_1:
0x15: {  	[dreg:$0x8] =	wrdreg s3  }
0x16: {  	s0 =	rddreg [dreg:$0x6]  }
0x17: {  	[tilespmem:s2], [sflag:$0x2] =	stream.linear.gather [hbm4b:s0+s2], $0x1250, $0x38;
	[tilespmem:$0x1A600] =	vst v63  }
0x18: {  	_ =	swait.ge [sflag:s16], $0x1250  }
0x19: {  	[sflag:s16] =	ssyncset.done $0x0  }
0x1a: {  	s31 =	simm.s32 $0x1280;
	s29 =	rddreg [dreg:$0x7];
	[sflag:s16] =	ssyncadd.s32 $0xFFFFEDB0  }
0x1b: {  	[tilespmem:s31], [sflag:$0x2] =	stream.linear.gather [hbm4b:s29+s2], $0x1250, $0x38;
	[tilespmem:$0x1A600] =	vst v63  }
0x1c: {  	_ =	swait.ge [sflag:s16], $0x1250  }
0x1d: {  	[sflag:s16] =	ssyncset.done $0x0  }
0x1e: {  	s3 =	simm.s32 $0x200;
	s0 =	simm.s32 $0x0;
	[sflag:s16] =	ssyncadd.s32 $0xFFFFEDB0  }
.LBB2_2:
0x1f: {  	p0 =	sne.s32 s3, $0x15E00;
	[tilespmem:s0+$0x4D70] =	vst v1  }
0x20: {  	[tilespmem:s0+$0x4D00] =	vst v1  }
0x21: {  	[tilespmem:s0+$0x4D10] =	vst v1  }
.Ltmp0:
0x22: {  	[tilespmem:s0+$0x4D20] =	vst v1;
	(pc) =	sbr.rel @p0 .LBB2_2-.Ltmp0, $4  }
0x23: {  	[tilespmem:s0+$0x4D30] =	vst v1  }
0x24: {  	[tilespmem:s0+$0x4D40] =	vst v1  }
0x25: {  	[tilespmem:s0+$0x4D50] =	vst v1  }
0x26: {  	[tilespmem:s0+$0x4D60] =	vst v1;
	s0 =	sshra.s32 s3, $0x2;
	s3 =	sadd.s32 $0x200, s3  }
0x27: {  	[tilespmem:s0+$0x4D70] =	vst v1  }
0x28: {  	[tilespmem:s0+$0x4D00] =	vst v1  }
0x29: {  	[tilespmem:s0+$0x4D10] =	vst v1  }
0x2a: {  	[tilespmem:s0+$0x4D20] =	vst v1  }
0x2b: {  	[tilespmem:s0+$0x4D30] =	vst v1  }
0x2c: {  	s12 =	simm.s32 $0x0;
	[tilespmem:s0+$0x4D40] =	vst v1  }
0x2d: {  	[tilespmem:s0+$0x4D50] =	vst v1;
	s3 =	sand.u32 $0xFFFFFF80, s12  }
0x2e: {  	[tilespmem:s0+$0x4D60] =	vst v1;
	s13 =	ssub.s32 $0x0, s3;
	s3 =	simm.s32 $0x0  }
0x2f: {  	v6 =	vld [tilespmem:s3+$0x0];
	_ =	sdelay $0x1  }
0x30: {  	s12 =	sand.u32 $0x3FFFFF80, s12;
	s13 =	sand.u32 $0xFFFFFF80, s13  }
0x31: {  	s14 =	sand.u32 $0x70, s3;
	s12 =	sadd.s32 s13, s12  }
0x32: {  	s0 =	simm.s32 $0x1;
	s13 =	sor.u32 s14, s12;
	s12 =	simm.s32 $0x10  }
.LBB2_4:
0x33: {  	s14 =	sshll.u32 s0, $0x4;
	p0 =	sne.s32 s0, $0x124;
	s0 =	sadd.s32 $0x1, s0;
	[tilespmem:s13+$0x2500] =	vst v6  }
.Ltmp1:
0x34: {  	s3 =	sadd.s32 $0x10, s3;
	s13 =	sand.u32 $0xFFFFFF80, s14;
	v6 =	vld [tilespmem:s12+$0x0];
	(pc) =	sbr.rel @p0 .LBB2_4-.Ltmp1, $4  }
0x35: {  	s13 =	ssub.s32 s3, s13  }
0x36: {  	s14 =	sand.u32 $0x3FFFFF80, s14;
	s13 =	sand.u32 $0xFFFFFF80, s13  }
0x37: {  	s15 =	sand.u32 $0x70, s3;
	s13 =	sadd.s32 s13, s14  }
0x38: {  	s12 =	sadd.s32 $0x10, s12;
	s13 =	sor.u32 s15, s13  }
0x39: {  	[tilespmem:s13+$0x2500] =	vst v6  }
0x3a: {  	[tilespmem:$0x3750] =	vst v2  }
0x3b: {  	[tilespmem:$0x4B50] =	vst v3  }
0x3c: {  	[tilespmem:$0x3760] =	vst v2  }
0x3d: {  	[tilespmem:$0x4B60] =	vst v3  }
0x3e: {  	[tilespmem:$0x3770] =	vst v2  }
0x3f: {  	s3 =	simm.s32 $0x0;
	[tilespmem:$0x4B70] =	vst v3  }
.LBB2_6:
0x40: {  	s0 =	simm.s32 $0x1280  }
0x41: {  	v8 =	vld [tilespmem:s0+$0x0];
	_ =	sdelay $0x1  }
0x42: {  	s29 =	smul.u32 $0xA00, s3  }
0x43: {  	s26 =	simm.s32 $0x0;
	s13 =	simm.s32 $0x0  }
0x44: {  	[dreg:$0x9] =	wrdreg s3;
	s12 =	sand.u32 $0xFFFFFF80, s26;
	v9 =	vor.u32 s13, v4;
	v6 =	vmov s29;
	s3 =	sadd.s32 $0xA00, s29  }
0x45: {  	s28 =	ssub.s32 $0x0, s12;
	vm0 =	vge.u32 v9, v0;
	v7 =	vmov s3;
	vm1 =	vge.s32 v8, v6  }
0x46: {  	s0 =	sand.u32 $0x3FFFFF80, s26;
	s3 =	sand.u32 $0xFFFFFF80, s28;
	vm15 =	vlt.s32 v8, v7;
	vm0 =	vmand vm0, vm1  }
0x47: {  	s31 =	sand.u32 $0x70, s13;
	s0 =	sadd.s32 s3, s0;
	v8 =	vsub.s32 v8, v6;
	vm0 =	vmand vm15, vm0  }
0x48: {  	s0 =	sor.u32 s31, s0;
	v8 =	vnsel vm0, $0xA00, v8  }
0x49: {  	[tilespmem:s0+$0x3900] =	vst v8;
	s0 =	simm.s32 $0x1290  }
0x4a: {  	s13 =	simm.s32 $0x2;
	s12 =	simm.s32 $0x0;
	s3 =	simm.s32 $0x1;
	v8 =	vld [tilespmem:s0+$0x0]  }
.LBB2_7:
0x4b: {  	p0 =	sne.s32 s13, $0x124;
	_ =	sdelay $0x1  }
0x4c: {  	s14 =	sshll.u32 s3, $0x4;
	s12 =	sadd.s32 $0x10, s12;
	s3 =	smov.u32 s13  }
0x4d: {  	s15 =	sand.u32 $0xFFFFFF80, s14;
	v9 =	vor.u32 s12, v4  }
0x4e: {  	s15 =	ssub.s32 s12, s15;
	vm0 =	vge.u32 v9, v0;
	vm1 =	vge.s32 v8, v6  }
.Ltmp2:
0x4f: {  	s14 =	sand.u32 $0x3FFFFF80, s14;
	s15 =	sand.u32 $0xFFFFFF80, s15;
	vm0 =	vmand vm0, vm1;
	vm1 =	vlt.s32 v8, v7;
	(pc) =	sbr.rel @p0 .LBB2_7-.Ltmp2, $4  }
0x50: {  	s17 =	sand.u32 $0x70, s12;
	s14 =	sadd.s32 s15, s14;
	v8 =	vsub.s32 v8, v6;
	vm0 =	vmand vm1, vm0  }
0x51: {  	s14 =	sor.u32 s17, s14;
	v8 =	vnsel vm0, $0xA00, v8  }
0x52: {  	s0 =	sadd.s32 $0x10, s0;
	[tilespmem:s14+$0x3900] =	vst v8  }
0x53: {  	s13 =	sadd.s32 $0x1, s13;
	v8 =	vld [tilespmem:s0+$0x0]  }
0x54: {  	_ =	sdelay $0x1  }
0x55: {  	s0 =	sshll.u32 s3, $0x4;
	s26 =	sadd.s32 $0x10, s12  }
0x56: {  	s28 =	sand.u32 $0xFFFFFF80, s0;
	v9 =	vor.u32 s26, v4  }
0x57: {  	s12 =	ssub.s32 s26, s28;
	vm0 =	vge.u32 v9, v0;
	vm1 =	vge.s32 v8, v6  }
0x58: {  	s0 =	sand.u32 $0x3FFFFF80, s0;
	s12 =	sand.u32 $0xFFFFFF80, s12;
	vm15 =	vlt.s32 v8, v7;
	vm0 =	vmand vm0, vm1  }
0x59: {  	s3 =	sand.u32 $0x70, s26;
	v6 =	vsub.s32 v8, v6;
	s0 =	sadd.s32 s12, s0;
	vm0 =	vmand vm15, vm0  }
0x5a: {  	s0 =	sor.u32 s3, s0;
	v6 =	vnsel vm0, $0xA00, v6  }
0x5b: {  	s31 =	simm.s32 $0x0;
	[tilespmem:s0+$0x3900] =	vst v6  }
.LBB2_9:
0x5c: {  	[spmem:s8] =	stream.linear.scatter [tilespmem:s18], [sflag:$0x2], $0x5800, $0x38;
	[tilespmem:$0x1A600] =	vst v63  }
0x5d: {  	_ =	swait.ge [sflag:s16], $0x5800  }
0x5e: {  	[sflag:s16] =	ssyncset.done $0x0  }
0x5f: {  	[sflag:s16] =	ssyncadd.s32 $0xFFFFA800  }
0x60: {  	[bflag:$0x0] =	sbarrier.arrive $0xFFFF  }
0x61: {  	v6 =	vld [tilespmem:$0x2500]  }
0x62: {  	v7 =	vld [tilespmem:$0x2510]  }
0x63: {  	s0 =	sshrl.u32 s31, $0x2;
	v8 =	vld [tilespmem:$0x2520]  }
0x64: {  	s12 =	smul.u32 $0xA000, s0;
	v9 =	vld [tilespmem:$0x2530]  }
0x65: {  	s3 =	sand.u32 $0x3, s31;
	v10 =	vld [tilespmem:$0x2540]  }
0x66: {  	s12 =	sor.u32 s3, s12;
	v11 =	vld [tilespmem:$0x2550];
	v6 =	vshll.u32 v6, $0x2  }
0x67: {  	v12 =	vld [tilespmem:$0x2560];
	v7 =	vshll.u32 v7, $0x2;
	v6 =	vadd.s32 s12, v6  }
0x68: {  	[tilespmem:$0xA500] =	vst v6;
	v6 =	vadd.s32 s12, v7;
	v7 =	vshll.u32 v8, $0x2;
	v8 =	vld [tilespmem:$0x2570]  }
0x69: {  	[tilespmem:$0xA510] =	vst v6;
	v6 =	vadd.s32 s12, v7;
	v7 =	vshll.u32 v9, $0x2  }
0x6a: {  	[tilespmem:$0xA520] =	vst v6;
	v6 =	vadd.s32 s12, v7;
	v7 =	vshll.u32 v10, $0x2  }
0x6b: {  	[tilespmem:$0xA530] =	vst v6;
	v6 =	vadd.s32 s12, v7;
	v7 =	vshll.u32 v11, $0x2  }
0x6c: {  	[tilespmem:$0xA540] =	vst v6;
	v6 =	vadd.s32 s12, v7;
	v7 =	vshll.u32 v12, $0x2  }
0x6d: {  	[tilespmem:$0xA550] =	vst v6;
	v6 =	vadd.s32 s12, v7;
	v7 =	vshll.u32 v8, $0x2  }
0x6e: {  	[tilespmem:$0xA560] =	vst v6;
	v6 =	vadd.s32 s12, v7  }
0x6f: {  	s13 =	simm.s32 $0x25F0;
	[tilespmem:$0xA570] =	vst v6  }
0x70: {  	[tilespmem:s21], [sflag:$0x1] =	stream.indirect.gather [hbm4b:s4+s19], $0x80, s20, s19, $0xb8;
	[tilespmem:$0x1A600] =	vst v63  }
0x71: {  	v7 =	vld [tilespmem:s13+$0xFFFFFF90];
	_ =	sdelay $0x3  }
0x72: {  	s17 =	simm.s32 $0x1  }
0x73: {  	s25 =	sand.u32 $0x1, s17;
	v6 =	vmov s12;
	v7 =	vshll.u32 v7, $0x2  }
0x74: {  	s14 =	sshll.u32 s25, $0x7;
	v7 =	vadd.s32 v6, v7  }
0x75: {  	[tilespmem:s14+$0xA500] =	vst v7  }
0x76: {  	v7 =	vld [tilespmem:s13+$0xFFFFFFA0];
	_ =	sdelay $0x4  }
0x77: {  	v7 =	vshll.u32 v7, $0x2  }
0x78: {  	v7 =	vadd.s32 v6, v7  }
0x79: {  	[tilespmem:s14+$0xA510] =	vst v7  }
0x7a: {  	v7 =	vld [tilespmem:s13+$0xFFFFFFB0];
	_ =	sdelay $0x4  }
0x7b: {  	v7 =	vshll.u32 v7, $0x2  }
0x7c: {  	v7 =	vadd.s32 v6, v7  }
0x7d: {  	[tilespmem:s14+$0xA520] =	vst v7  }
0x7e: {  	v7 =	vld [tilespmem:s13+$0xFFFFFFC0];
	_ =	sdelay $0x4  }
0x7f: {  	v7 =	vshll.u32 v7, $0x2  }
0x80: {  	v7 =	vadd.s32 v6, v7  }
0x81: {  	[tilespmem:s14+$0xA530] =	vst v7  }
0x82: {  	v7 =	vld [tilespmem:s13+$0xFFFFFFD0];
	_ =	sdelay $0x4  }
0x83: {  	v7 =	vshll.u32 v7, $0x2  }
0x84: {  	v7 =	vadd.s32 v6, v7  }
0x85: {  	[tilespmem:s14+$0xA540] =	vst v7  }
0x86: {  	v7 =	vld [tilespmem:s13+$0xFFFFFFE0];
	_ =	sdelay $0x4  }
0x87: {  	v7 =	vshll.u32 v7, $0x2  }
0x88: {  	v7 =	vadd.s32 v6, v7  }
0x89: {  	[tilespmem:s14+$0xA550] =	vst v7  }
0x8a: {  	v7 =	vld [tilespmem:s13+$0xFFFFFFF0];
	_ =	sdelay $0x4  }
0x8b: {  	v7 =	vshll.u32 v7, $0x2  }
0x8c: {  	v7 =	vadd.s32 v6, v7  }
0x8d: {  	[tilespmem:s14+$0xA560] =	vst v7  }
0x8e: {  	v7 =	vld [tilespmem:s13+$0x0];
	_ =	sdelay $0x4  }
0x8f: {  	v7 =	vshll.u32 v7, $0x2  }
0x90: {  	s12 =	sshll.u32 s25, $0xE;
	v7 =	vadd.s32 v6, v7  }
0x91: {  	s26 =	sor.u32 $0xA500, s14;
	s12 =	sor.u32 $0xA600, s12;
	[tilespmem:s14+$0xA570] =	vst v7  }
0x92: {  	[tilespmem:s12], [sflag:$0x1] =	stream.indirect.gather [hbm4b:s4+s19], $0x80, s26, s19, $0xb8;
	[tilespmem:$0x1A600] =	vst v63  }
0x93: {  	p0 =	por $0x1, $0x1;
	_ =	swait.ge [sflag:s22], $0x4000  }
.Ltmp3:
0x94: {  	s28 =	sand.u32 $0x4000, s30;
	[sflag:s22] =	ssyncset.done $0x0;
	(pc) =	sbr.rel @!p0 .LBB2_11-.Ltmp3, $4  }
0x95: {  	s13 =	simm.s32 $0x3900;
	s12 =	sor.u32 $0xA600, s28;
	[sflag:s22] =	ssyncadd.s32 $0xFFFFC000  }
0x96: {  	[spmem:s1] =	stream.indirect.scatter.add.f32 [tilespmem:s12], [sflag:$0x2], $0x80, s13, s19, $0xb8;
	[tilespmem:$0x1A600] =	vst v63  }
0x97: {  	_ =	swait.ge [sflag:s16], $0x4000  }
0x98: {  	s15 =	simm.s32 $0x2670;
	s14 =	simm.s32 $0x4000;
	[sflag:s16] =	ssyncset.done $0x0  }
.LBB2_10:
0x99: {  	[sflag:s16] =	ssyncadd.s32 $0xFFFFC000;
	s13 =	sadd.s32 $0x80, s13;
	s17 =	sadd.s32 $0x1, s17  }
0x9a: {  	p0 =	sne.s32 s14, $0x8C000;
	s25 =	smov.u32 s14;
	s14 =	sadd.s32 $0x4000, s14;
	v7 =	vld [tilespmem:s15+$0xFFFFFF90]  }
0x9b: {  	_ =	sdelay $0x3  }
0x9c: {  	s26 =	sand.u32 $0x1, s17;
	v7 =	vshll.u32 v7, $0x2  }
0x9d: {  	s12 =	sshll.u32 s26, $0x7;
	s26 =	sshll.u32 s26, $0xE;
	v7 =	vadd.s32 v6, v7  }
0x9e: {  	[tilespmem:s12+$0xA500] =	vst v7  }
0x9f: {  	v7 =	vld [tilespmem:s15+$0xFFFFFFA0];
	_ =	sdelay $0x4  }
0xa0: {  	v7 =	vshll.u32 v7, $0x2  }
0xa1: {  	v7 =	vadd.s32 v6, v7  }
0xa2: {  	[tilespmem:s12+$0xA510] =	vst v7  }
0xa3: {  	v7 =	vld [tilespmem:s15+$0xFFFFFFB0];
	_ =	sdelay $0x4  }
0xa4: {  	v7 =	vshll.u32 v7, $0x2  }
0xa5: {  	v7 =	vadd.s32 v6, v7  }
0xa6: {  	[tilespmem:s12+$0xA520] =	vst v7  }
0xa7: {  	v7 =	vld [tilespmem:s15+$0xFFFFFFC0];
	_ =	sdelay $0x4  }
0xa8: {  	v7 =	vshll.u32 v7, $0x2  }
0xa9: {  	v7 =	vadd.s32 v6, v7  }
0xaa: {  	[tilespmem:s12+$0xA530] =	vst v7  }
0xab: {  	v7 =	vld [tilespmem:s15+$0xFFFFFFD0];
	_ =	sdelay $0x4  }
0xac: {  	v7 =	vshll.u32 v7, $0x2  }
0xad: {  	v7 =	vadd.s32 v6, v7  }
0xae: {  	[tilespmem:s12+$0xA540] =	vst v7  }
0xaf: {  	v7 =	vld [tilespmem:s15+$0xFFFFFFE0];
	_ =	sdelay $0x4  }
0xb0: {  	v7 =	vshll.u32 v7, $0x2  }
0xb1: {  	v7 =	vadd.s32 v6, v7  }
0xb2: {  	[tilespmem:s12+$0xA550] =	vst v7  }
0xb3: {  	v7 =	vld [tilespmem:s15+$0xFFFFFFF0];
	_ =	sdelay $0x4  }
0xb4: {  	v7 =	vshll.u32 v7, $0x2  }
0xb5: {  	v7 =	vadd.s32 v6, v7  }
0xb6: {  	[tilespmem:s12+$0xA560] =	vst v7  }
0xb7: {  	v7 =	vld [tilespmem:s15+$0x0];
	_ =	sdelay $0x4  }
0xb8: {  	v7 =	vshll.u32 v7, $0x2  }
0xb9: {  	v7 =	vadd.s32 v6, v7  }
0xba: {  	s28 =	sor.u32 $0xA500, s12;
	[tilespmem:s12+$0xA570] =	vst v7;
	s12 =	sor.u32 $0xA600, s26  }
0xbb: {  	[tilespmem:s12], [sflag:$0x1] =	stream.indirect.gather [hbm4b:s4+s19], $0x80, s28, s19, $0xb8;
	[tilespmem:$0x1A600] =	vst v63  }
0xbc: {  	_ =	swait.ge [sflag:s22], $0x4000  }
.Ltmp4:
0xbd: {  	s12 =	sand.u32 $0x4000, s25;
	[sflag:s22] =	ssyncset.done $0x0;
	(pc) =	sbr.rel @p0 .LBB2_10-.Ltmp4, $4  }
0xbe: {  	s12 =	sor.u32 $0xA600, s12;
	[sflag:s22] =	ssyncadd.s32 $0xFFFFC000  }
0xbf: {  	[spmem:s1] =	stream.indirect.scatter.add.f32 [tilespmem:s12], [sflag:$0x2], $0x80, s13, s19, $0xb8;
	[tilespmem:$0x1A600] =	vst v63  }
0xc0: {  	_ =	swait.ge [sflag:s16], $0x4000  }
0xc1: {  	s15 =	sadd.s32 $0x80, s15;
	[sflag:s16] =	ssyncset.done $0x0  }
.LBB2_11:
0xc2: {  	[sflag:s16] =	ssyncadd.s32 $0xFFFFC000  }
0xc3: {  	_ =	swait.ge [sflag:s22], $0x4000  }
0xc4: {  	s0 =	sadd.s32 s10, s0;
	[sflag:s22] =	ssyncset.done $0x0  }
0xc5: {  	s0 =	sshll.u32 s0, $0x2;
	[sflag:s22] =	ssyncadd.s32 $0xFFFFC000  }
0xc6: {  	[spmem:s1] =	stream.indirect.scatter.add.f32 [tilespmem:s21], [sflag:$0x2], $0x80, s23, s19, $0xb8;
	[tilespmem:$0x1A600] =	vst v63  }
0xc7: {  	s0 =	sor.u32 s3, s0;
	_ =	swait.ge [sflag:s16], $0x4000  }
0xc8: {  	s0 =	smul.u32 $0x2800, s0;
	[sflag:s16] =	ssyncset.done $0x0  }
0xc9: {  	[sflag:s16] =	ssyncadd.s32 $0xFFFFC000  }
0xca: {  	s0 =	sadd.s32 s29, s0;
	[bflag:$0x0] =	sbarrier.arrive $0xFFFF  }
0xcb: {  	[tilespmem:s24], [sflag:$0x2] =	stream.linear.gather [spmem:s9], $0x2800, $0x38;
	[tilespmem:$0x1A600] =	vst v63  }
0xcc: {  	s28 =	sadd.s32 s6, s0;
	_ =	swait.ge [sflag:s16], $0x2800  }
0xcd: {  	s3 =	sshll.u32 s28, $0x4;
	[sflag:s16] =	ssyncset.done $0x0  }
0xce: {  	s3 =	sadd.s32 s5, s3;
	[sflag:s16] =	ssyncadd.s32 $0xFFFFD800  }
0xcf: {  	[hbm4b:s3+s2] =	stream.linear.scatter [tilespmem:s24], [sflag:$0x2], $0x2800, $0x38;
	[tilespmem:$0x1A600] =	vst v63  }
0xd0: {  	_ =	swait.ge [sflag:s16], $0x2800  }
0xd1: {  	[sflag:s16] =	ssyncset.done $0x0  }
0xd2: {  	[sflag:s16] =	ssyncadd.s32 $0xFFFFD800  }
0xd3: {  	[tilespmem:s24], [sflag:$0x2] =	stream.linear.gather [spmem:s11], $0x2800, $0x38;
	[tilespmem:$0x1A600] =	vst v63  }
0xd4: {  	s31 =	sadd.s32 $0x1, s31;
	s0 =	sadd.s32 s7, s0;
	_ =	swait.ge [sflag:s16], $0x2800  }
0xd5: {  	p0 =	sne.s32 s31, $0xC;
	s0 =	sshll.u32 s0, $0x4;
	[sflag:s16] =	ssyncset.done $0x0  }
.Ltmp5:
0xd6: {  	s0 =	sadd.s32 s5, s0;
	[sflag:s16] =	ssyncadd.s32 $0xFFFFD800;
	(pc) =	sbr.rel @p0 .LBB2_9-.Ltmp5, $4  }
0xd7: {  	[hbm4b:s0+s2] =	stream.linear.scatter [tilespmem:s24], [sflag:$0x2], $0x2800, $0x38;
	[tilespmem:$0x1A600] =	vst v63  }
0xd8: {  	_ =	swait.ge [sflag:s16], $0x2800  }
0xd9: {  	[sflag:s16] =	ssyncset.done $0x0  }
0xda: {  	[sflag:s16] =	ssyncadd.s32 $0xFFFFD800  }
0xdb: {  	[spmem:s8] =	stream.linear.scatter [tilespmem:s18], [sflag:$0x2], $0x5800, $0x38;
	[tilespmem:$0x1A600] =	vst v63  }
0xdc: {  	_ =	swait.ge [sflag:s16], $0x5800  }
0xdd: {  	[sflag:s16] =	ssyncset.done $0x0  }
0xde: {  	[sflag:s16] =	ssyncadd.s32 $0xFFFFA800  }
0xdf: {  	s0 =	simm.s32 $0x0;
	s3 =	simm.s32 $0x200;
	[bflag:$0x0] =	sbarrier.arrive $0xFFFF  }
.LBB2_13:
0xe0: {  	p0 =	sne.s32 s3, $0xFE00;
	[tilespmem:s0+$0xA670] =	vst v5  }
0xe1: {  	[tilespmem:s0+$0xA600] =	vst v5  }
0xe2: {  	[tilespmem:s0+$0xA610] =	vst v5  }
.Ltmp6:
0xe3: {  	[tilespmem:s0+$0xA620] =	vst v5;
	(pc) =	sbr.rel @p0 .LBB2_13-.Ltmp6, $4  }
0xe4: {  	[tilespmem:s0+$0xA630] =	vst v5  }
0xe5: {  	[tilespmem:s0+$0xA640] =	vst v5  }
0xe6: {  	[tilespmem:s0+$0xA650] =	vst v5  }
0xe7: {  	[tilespmem:s0+$0xA660] =	vst v5;
	s0 =	sshra.s32 s3, $0x2;
	s3 =	sadd.s32 $0x200, s3  }
0xe8: {  	[tilespmem:s0+$0xA670] =	vst v5  }
0xe9: {  	[tilespmem:s0+$0xA600] =	vst v5  }
0xea: {  	[tilespmem:s0+$0xA610] =	vst v5  }
0xeb: {  	[tilespmem:s0+$0xA620] =	vst v5  }
0xec: {  	[tilespmem:s0+$0xA630] =	vst v5  }
0xed: {  	[tilespmem:s0+$0xA640] =	vst v5  }
0xee: {  	[tilespmem:s0+$0xA650] =	vst v5  }
0xef: {  	[tilespmem:s0+$0xA660] =	vst v5;
	s31 =	simm.s32 $0x3900  }
0xf0: {  	[spmem:s1] =	stream.indirect.scatter.add.f32 [tilespmem:s21], [sflag:$0x2], $0x80, s31, s19, $0xb8;
	[tilespmem:$0x1A600] =	vst v63  }
0xf1: {  	s0 =	simm.s32 $0x200;
	_ =	swait.ge [sflag:s16], $0x4000  }
.LBB2_15:
0xf2: {  	s3 =	sshra.s32 s0, $0x2;
	[sflag:s16] =	ssyncset.done $0x0;
	p0 =	sne.s32 s0, $0x4800  }
.Ltmp7:
0xf3: {  	s3 =	sadd.s32 $0x3900, s3;
	[sflag:s16] =	ssyncadd.s32 $0xFFFFC000;
	(pc) =	sbr.rel @p0 .LBB2_15-.Ltmp7, $3  }
0xf4: {  	[spmem:s1] =	stream.indirect.scatter.add.f32 [tilespmem:s21], [sflag:$0x2], $0x80, s3, s19, $0xb8;
	[tilespmem:$0x1A600] =	vst v63  }
0xf5: {  	s0 =	sadd.s32 $0x200, s0;
	_ =	sdelay $0x1  }
0xf6: {  	_ =	swait.ge [sflag:s16], $0x4000  }
0xf7: {  	[sflag:s16] =	ssyncset.done $0x0  }
0xf8: {  	[sflag:s16] =	ssyncadd.s32 $0xFFFFC000  }
0xf9: {  	[bflag:$0x0] =	sbarrier.arrive $0xFFFF  }
0xfa: {  	[tilespmem:s24], [sflag:$0x2] =	stream.linear.gather [spmem:s9], $0x2800, $0x38;
	[tilespmem:$0x1A600] =	vst v63  }
0xfb: {  	s0 =	rddreg [dreg:$0x4]  }
0xfc: {  	s0 =	sadd.s32 s29, s0  }
0xfd: {  	_ =	swait.ge [sflag:s16], $0x2800;
	s3 =	sadd.s32 s6, s0  }
0xfe: {  	[sflag:s16] =	ssyncset.done $0x0;
	s3 =	sshll.u32 s3, $0x4  }
0xff: {  	[sflag:s16] =	ssyncadd.s32 $0xFFFFD800;
	s3 =	sadd.s32 s5, s3  }
0x100: {  	[hbm4b:s3+s2] =	stream.linear.scatter [tilespmem:s24], [sflag:$0x2], $0x2800, $0x38;
	[tilespmem:$0x1A600] =	vst v63  }
0x101: {  	_ =	swait.ge [sflag:s16], $0x2800  }
0x102: {  	[sflag:s16] =	ssyncset.done $0x0  }
0x103: {  	[sflag:s16] =	ssyncadd.s32 $0xFFFFD800  }
0x104: {  	[tilespmem:s24], [sflag:$0x2] =	stream.linear.gather [spmem:s11], $0x2800, $0x38;
	[tilespmem:$0x1A600] =	vst v63  }
0x105: {  	s0 =	sadd.s32 s7, s0;
	_ =	swait.ge [sflag:s16], $0x2800  }
0x106: {  	s0 =	sshll.u32 s0, $0x4;
	[sflag:s16] =	ssyncset.done $0x0  }
0x107: {  	s0 =	sadd.s32 s5, s0;
	[sflag:s16] =	ssyncadd.s32 $0xFFFFD800  }
0x108: {  	[hbm4b:s0+s2] =	stream.linear.scatter [tilespmem:s24], [sflag:$0x2], $0x2800, $0x38;
	[tilespmem:$0x1A600] =	vst v63  }
0x109: {  	_ =	swait.ge [sflag:s16], $0x2800  }
0x10a: {  	s31 =	rddreg [dreg:$0x9]  }
0x10b: {  	s3 =	sadd.s32 $0x1, s31  }
0x10c: {  	p0 =	sne.s32 s3, $0x4  }
.Ltmp8:
0x10d: {  	_ = 	snop;
	(pc) =	sbr.rel @p0 .LBB2_6-.Ltmp8, $3  }
0x10e: {  	_ =	sdelay $0x1  }
0x10f: {  	[sflag:s16] =	ssyncset.done $0x0  }
0x110: {  	[sflag:s16] =	ssyncadd.s32 $0xFFFFD800  }
0x111: {  	s3 =	rddreg [dreg:$0x8]  }
0x112: {  	s0 =	rddreg [dreg:$0x5];
	s3 =	sadd.s32 $0x1, s3  }
0x113: {  	p0 =	sne.s32 s3, s0  }
.Ltmp9:
0x114: {  	_ = 	snop;
	(pc) =	sbr.rel @p0 .LBB2_1-.Ltmp9, $1  }
0x115: {  	_ =	sdelay $0x3  }
0x116: {  	_ =	sfence.sel $0x180000  }
0x117: {  	[bflag:$0x0] =	sbarrier.arrive $0xFFFF  }
0x118: {  	_ =	strace $0x90000047  }
0x119: {  	s0 =	stileid.u32;
	[bflag:$0x2] =	sbarrier.arrive $0xFFFF  }
0x11a: {  	p0 =	sne.s32 s0, $0x0;
	s0 =	rddreg [dreg:$0x3]  }
0x11b: {  	s0 =	sadd.s32 @!p0 $0x100000, s0  }
0x11c: {  	[sflag:s0] =	ssyncadd.tile.s32 @!p0 $0x1;
	_ =	shalt  }
.Lfunc_end2:
_tile_overlayer_lowered:
.L_overlay_start_2:
0x11d: {  	(tag) =	ssettag $0x2  }
0x11e: {  	s0 =	rddreg [dreg:$0x0];
	s2 =	stileid.u32  }
0x11f: {  	s1 =	rddreg [dreg:$0x1];
	p0 =	sne.s32 s2, $0x0  }
0x120: {  	s3 =	rddreg [dreg:$0x2];
	[bflag:$0x3] =	sbarrier.arrive $0xFFFF;
	s2 =	simm.s32 @!p0 $0x1C02  }
0x121: {  	[timem:s3], [sflag:s2] =	dma.local @!p0 [hbm:s0], s1  }
0x122: {  	s0 =	simm.s32 @!p0 $0x2  }
0x123: {  	_ =	swait.ge @!p0 [sflag:s0], s1  }
0x124: {  	s1 =	ssub.s32 @!p0 $0x0, s1;
	[sflag:s0] =	ssyncset.done @!p0 $0x0  }
0x125: {  	[sflag:s0] =	ssyncadd.s32 @!p0 s1  }
0x126: {  	[bflag:$0x3] =	sbarrier.arrive $0xFFFF  }
0x127: {  	_ =	shalt  }

</sc_bundles>
